<compile_context>
chip_gen: v7x
topology: tpu7x:2x2x1
jax: 0.10.2.dev20260603
libtpu: 0.0.44.dev20260713+nightly
codegen_flags: <defaults>
</compile_context>

<pallas_src>
import functools
import jax
import jax.numpy as jnp
from jax import lax
from jax.experimental import pallas as pl
from jax.experimental.pallas import tpu as pltpu
from jax.experimental.pallas import tpu_sc as plsc

_N = 10000
_D = 128
_E = 320000

_NC = 2
_NS = 16
_NW = _NC * _NS
_K = 128
_C = 80
_G = 8
_NG = _C // _G
_NBUF = 2
_EP = _NW * _C * _K
_NPAD = 10240
_RPT = _NPAD // _NS

_RB = 1280
_NB = _NPAD // _RB


def _sc_segment_sum():
    mesh = plsc.VectorSubcoreMesh(core_axis_name="c", subcore_axis_name="s")

    @functools.partial(
        pl.kernel,
        out_type=(
            jax.ShapeDtypeStruct((_NC, _NPAD, _D), jnp.float32),
            jax.ShapeDtypeStruct((_NC, _NPAD), jnp.float32),
        ),
        mesh=mesh,
        scratch_types=[
            pltpu.VMEM_SHARED((_NPAD, _D), jnp.float32),
            pltpu.VMEM_SHARED((_NPAD,), jnp.float32),
            pltpu.VMEM((2, _G, _K), jnp.int32),
            pltpu.VMEM((2, _G, _K), jnp.int32),
            [pltpu.VMEM((_K, _D), jnp.float32)] * _NBUF,
            pltpu.VMEM((_K,), jnp.float32),
            [pltpu.SemaphoreType.DMA] * _NBUF,
            pltpu.SemaphoreType.DMA,
            pltpu.SemaphoreType.DMA,
            pltpu.SemaphoreType.DMA,
        ],
    )
    def k(table, srcm, dstm, z2, z1, agg_out, cnt_out,
          agg_sh, cnt_sh, src_r, dst_r, rows_l, ones_v,
          gsem_l, isem, csem, zsem):
        c = lax.axis_index("c")
        s = lax.axis_index("s")
        wid = c * _NS + s

        pltpu.async_copy(z2.at[pl.ds(s * _RPT, _RPT)],
                         agg_sh.at[pl.ds(s * _RPT, _RPT)], zsem)

        @pl.when(s == 0)
        def _():
            pltpu.async_copy(z1, cnt_sh, zsem)

        for i in range(_K // 16):
            ones_v[pl.ds(i * 16, 16)] = jnp.full((16,), 1.0, jnp.float32)

        base = wid * _C
        bufs = tuple(zip(rows_l, gsem_l))

        def wait_gather(half, row, b):
            pltpu.make_async_copy(table.at[src_r.at[half, row]], bufs[b][0],
                                  bufs[b][1]).wait()

        def issue_gather(half, row, b):
            pltpu.async_copy(table.at[src_r.at[half, row]], bufs[b][0],
                             bufs[b][1])

        def issue_scatter(half, row, b):
            rows = bufs[b][0]
            pltpu.sync_copy(rows, agg_sh.at[dst_r.at[half, row]], add=True)
            pltpu.async_copy(ones_v, cnt_sh.at[dst_r.at[half, row]], csem,
                             add=True)

        def wait_refill(q):
            pltpu.make_async_copy(srcm.at[pl.ds(base, _G)], src_r.at[q],
                                  isem).wait()
            pltpu.make_async_copy(dstm.at[pl.ds(base, _G)], dst_r.at[q],
                                  isem).wait()

        def issue_refill(g, half):
            nbase = base + g * _G
            pltpu.async_copy(srcm.at[pl.ds(nbase, _G)], src_r.at[half], isem)
            pltpu.async_copy(dstm.at[pl.ds(nbase, _G)], dst_r.at[half], isem)

        pltpu.sync_copy(srcm.at[pl.ds(base, _G)], src_r.at[0])
        pltpu.sync_copy(dstm.at[pl.ds(base, _G)], dst_r.at[0])

        for b in range(2):
            issue_gather(0, b, b)
        issue_refill(1, 1)

        pltpu.make_async_copy(z2.at[pl.ds(s * _RPT, _RPT)],
                              agg_sh.at[pl.ds(s * _RPT, _RPT)], zsem).wait()

        @pl.when(s == 0)
        def _():
            pltpu.make_async_copy(z1, cnt_sh, zsem).wait()

        plsc.subcore_barrier()

        def drain_cnt():
            for _ in range(_G):
                pltpu.make_async_copy(ones_v, cnt_sh.at[dst_r.at[0, 0]],
                                      csem).wait()

        for jg in range(_G):
            b = jg % _NBUF
            wait_gather(0, jg, b)
            issue_scatter(0, jg, b)
            if jg == _G - 2:
                wait_refill(1)
            if jg < _G - 2:
                issue_gather(0, jg + 2, b)
            else:
                issue_gather(1, jg + 2 - _G, b)
        drain_cnt()

        def group(g, _):
            p = lax.rem(g, 2)
            q = 1 - p
            for jg in range(_G):
                b = jg % _NBUF
                wait_gather(p, jg, b)
                issue_scatter(p, jg, b)
                if jg == 2:
                    issue_refill(g + 1, q)
                if jg == _G - 2:
                    wait_refill(q)
                if jg < _G - 2:
                    issue_gather(p, jg + 2, b)
                else:
                    issue_gather(q, jg + 2 - _G, b)
            drain_cnt()
            return ()

        lax.fori_loop(1, _NG - 1, group, ())

        p = (_NG - 1) % 2
        for jg in range(_G):
            b = jg % _NBUF
            wait_gather(p, jg, b)
            issue_scatter(p, jg, b)
            if jg < _G - 2:
                issue_gather(p, jg + 2, b)
        drain_cnt()

        plsc.subcore_barrier()

        pltpu.sync_copy(agg_sh.at[pl.ds(s * _RPT, _RPT)],
                        agg_out.at[c, pl.ds(s * _RPT, _RPT)])

        @pl.when(s == 0)
        def _():
            pltpu.sync_copy(cnt_sh, cnt_out.at[c])

    return k


def _tc_dense(relu):

    def body(agg_ref, cnt_ref, x_ref, wl_ref, wr_ref, b_ref, out_ref):
        cnt = cnt_ref[0] + cnt_ref[1]
        mean = (agg_ref[0] + agg_ref[1]) / jnp.clip(cnt, 1.0, None)
        out = (jnp.dot(mean, wl_ref[...], preferred_element_type=jnp.float32)
               + jnp.dot(x_ref[...], wr_ref[...],
                         preferred_element_type=jnp.float32)
               + b_ref[...])
        if relu:
            out = jnp.maximum(out, 0.0)
        out_ref[...] = out

    return pl.pallas_call(
        body,
        grid=(_NB,),
        in_specs=[
            pl.BlockSpec((_NC, _RB, _D), lambda i: (0, i, 0)),
            pl.BlockSpec((_NC, _RB, 1), lambda i: (0, i, 0)),
            pl.BlockSpec((_RB, _D), lambda i: (i, 0)),
            pl.BlockSpec((_D, _D), lambda i: (0, 0)),
            pl.BlockSpec((_D, _D), lambda i: (0, 0)),
            pl.BlockSpec((1, _D), lambda i: (0, 0)),
        ],
        out_specs=pl.BlockSpec((_RB, _D), lambda i: (i, 0)),
        out_shape=jax.ShapeDtypeStruct((_NPAD, _D), jnp.float32),
    )


_seg_cnt = _sc_segment_sum()
_dense_relu = _tc_dense(True)
_dense_lin = _tc_dense(False)


def kernel(x, edge_index, W1l, W1r, b1, W2l, W2r, b2):
    x_pad = jnp.zeros((_NPAD, _D), jnp.float32).at[:_N].set(x)
    pad = _N + (jnp.arange(_EP - _E, dtype=jnp.int32) % (_NPAD - _N))
    srcm = jnp.concatenate([edge_index[0], pad]).reshape(_NW * _C, _K)
    dstm = jnp.concatenate([edge_index[1], pad]).reshape(_NW * _C, _K)
    z2 = jnp.zeros((_NPAD, _D), jnp.float32)
    z1 = jnp.zeros((_NPAD,), jnp.float32)

    agg1, cnt = _seg_cnt(x_pad, srcm, dstm, z2, z1)
    cnt3 = cnt.reshape(_NC, _NPAD, 1)
    h = _dense_relu(agg1, cnt3, x_pad, W1l.T, W1r.T, b1.reshape(1, _D))

    agg2, _ = _seg_cnt(h, srcm, dstm, z2, z1)
    out = _dense_lin(agg2, cnt3, h, W2l.T, W2r.T, b2.reshape(1, _D))
    return out[:_N]

# --- scband reference (transcript-rebuilt; emitter-appended) ---
"""Pipeline reference for scband-gsworker-34892314312746 (READ-ONLY COPY).

The authoritative reference and input builder live on the scoring server;
editing this copy changes nothing except your own understanding.
"""

import jax, jax.numpy as jnp
import numpy as np

N = 10000
E = 320000
D_IN = 128
D_HID = 128
D_OUT = 128


def sage_conv(x, edge_index, W_l, W_r, b):
    # PyG SAGEConv with mean aggregation:
    # out = lin_l(mean_{j in N(i)} x_j) + lin_r(x_i)
    src = edge_index[0]
    dst = edge_index[1]
    n = x.shape[0]
    msg = jnp.take(x, src, axis=0)
    agg = jax.ops.segment_sum(msg, dst, num_segments=n)
    cnt = jax.ops.segment_sum(jnp.ones((edge_index.shape[1],), dtype=x.dtype), dst, num_segments=n)
    mean = agg / jnp.clip(cnt, 1.0, None)[:, None]
    return mean @ W_l.T + x @ W_r.T + b


def setup_inputs(seed: int = 0):
    key = jax.random.key(seed)
    ks = jax.random.split(key, 9)
    x = jax.random.normal(ks[0], (N, D_IN), dtype=jnp.float32)
    edge_index = jax.random.randint(ks[1], (2, E), 0, N, dtype=jnp.int32)
    s1 = 1.0 / np.sqrt(D_IN)
    s2 = 1.0 / np.sqrt(D_HID)
    W1l = jax.random.uniform(ks[2], (D_HID, D_IN), minval=-s1, maxval=s1, dtype=jnp.float32)
    W1r = jax.random.uniform(ks[3], (D_HID, D_IN), minval=-s1, maxval=s1, dtype=jnp.float32)
    b1 = jax.random.uniform(ks[4], (D_HID,), minval=-s1, maxval=s1, dtype=jnp.float32)
    W2l = jax.random.uniform(ks[5], (D_OUT, D_HID), minval=-s2, maxval=s2, dtype=jnp.float32)
    W2r = jax.random.uniform(ks[6], (D_OUT, D_HID), minval=-s2, maxval=s2, dtype=jnp.float32)
    b2 = jax.random.uniform(ks[7], (D_OUT,), minval=-s2, maxval=s2, dtype=jnp.float32)
    return {"x": x, "edge_index": edge_index, "W1l": W1l, "W1r": W1r, "b1": b1, "W2l": W2l, "W2r": W2r, "b2": b2}


def reference(x, edge_index, W1l, W1r, b1, W2l, W2r, b2):
    h = sage_conv(x, edge_index, W1l, W1r, b1)
    h = jax.nn.relu(h)
    return sage_conv(h, edge_index, W2l, W2r, b2)

if __name__ == "__main__":
    import jax
    _d = setup_inputs()
    print(jax.jit(kernel)(*tuple(_d.values())))

</pallas_src>

<mosaic_0001>
#map = affine_map<(d0, d1) -> (0, 0)>
#map1 = affine_map<(d0, d1) -> (0)>
#map2 = affine_map<(d0, d1) -> (0, 0, 0)>
module attributes {stable_mosaic.version = 14 : i64} {
  func.func @k(%arg0: i32, %arg1: i32, %arg2: memref<10240x128xf32, #tpu.memory_space<hbm>>, %arg3: memref<2560x128xi32, #tpu.memory_space<hbm>>, %arg4: memref<2560x128xi32, #tpu.memory_space<hbm>>, %arg5: memref<10240x128xf32, #tpu.memory_space<hbm>>, %arg6: memref<10240xf32, #tpu.memory_space<hbm>>, %arg7: memref<2x10240x128xf32, #tpu.memory_space<hbm>>, %arg8: memref<2x10240xf32, #tpu.memory_space<hbm>>, %arg9: memref<10240x128xf32, #tpu.memory_space<vmem_shared>>, %arg10: memref<10240xf32, #tpu.memory_space<vmem_shared>>, %arg11: memref<2x8x128xi32, #tpu.memory_space<vmem>>, %arg12: memref<2x8x128xi32, #tpu.memory_space<vmem>>, %arg13: memref<128x128xf32, #tpu.memory_space<vmem>>, %arg14: memref<128x128xf32, #tpu.memory_space<vmem>>, %arg15: memref<128xf32, #tpu.memory_space<vmem>>, %arg16: memref<!tpu.dma_semaphore, #tpu.memory_space<semaphore_mem>>, %arg17: memref<!tpu.dma_semaphore, #tpu.memory_space<semaphore_mem>>, %arg18: memref<!tpu.dma_semaphore, #tpu.memory_space<semaphore_mem>>, %arg19: memref<!tpu.dma_semaphore, #tpu.memory_space<semaphore_mem>>, %arg20: memref<!tpu.dma_semaphore, #tpu.memory_space<semaphore_mem>>) attributes {dimension_semantics = [#tpu.dimension_semantics<core_parallel>, #tpu.dimension_semantics<subcore_parallel>], iteration_bounds = array<i64: 2, 16>, scalar_prefetch = 0 : i64, scratch_operands = 12 : i64, tpu.core_type = #tpu.core_type<sc_vector_subcore>, window_params = [{transform_indices = #map}, {transform_indices = #map}, {transform_indices = #map}, {transform_indices = #map}, {transform_indices = #map1}, {transform_indices = #map2}, {transform_indices = #map}]} {
    %mul3A = arith.constant 16 : i32
    %mul3A_0 = arith.muli %arg0, %mul3A : i32
    %add3A = arith.addi %mul3A_0, %arg1 : i32
    %mul3A_1 = arith.constant 640 : i32
    %mul3A_2 = arith.muli %arg1, %mul3A_1 : i32
    %mul3A_3 = arith.constant 640 : i32
    %mul3A_4 = arith.muli %arg1, %mul3A_3 : i32
    %dma_start3A = arith.constant 0 : i32
    %dma_start3A_5 = tpu.memref_slice %arg9[%mul3A_4, %dma_start3A] : memref<10240x128xf32, #tpu.memory_space<vmem_shared>> -> memref<640x128xf32, #tpu.memory_space<vmem_shared>>
    %dma_start3A_6 = arith.constant 0 : i32
    %dma_start3A_7 = tpu.memref_slice %arg5[%mul3A_2, %dma_start3A_6] : memref<10240x128xf32, #tpu.memory_space<hbm>> -> memref<640x128xf32, #tpu.memory_space<hbm>>
    tpu.enqueue_dma source(%dma_start3A_7 : memref<640x128xf32, #tpu.memory_space<hbm>>) target(%dma_start3A_5 : memref<640x128xf32, #tpu.memory_space<vmem_shared>>) target_semaphore(%arg20 : memref<!tpu.dma_semaphore, #tpu.memory_space<semaphore_mem>>)
    %eq3A = arith.constant 0 : i32
    %eq3A_8 = arith.cmpi eq, %arg1, %eq3A : i32
    %convert_element_type3A = arith.extui %eq3A_8 : i1 to i32
    %cond3A = arith.constant 0 : i32
    %cond3A_9 = arith.cmpi ne, %convert_element_type3A, %cond3A : i32
    scf.if %cond3A_9 {
      tpu.enqueue_dma source(%arg6 : memref<10240xf32, #tpu.memory_space<hbm>>) target(%arg10 : memref<10240xf32, #tpu.memory_space<vmem_shared>>) target_semaphore(%arg20 : memref<!tpu.dma_semaphore, #tpu.memory_space<semaphore_mem>>)
    } else {
    }
    %broadcast_in_dim3A = arith.constant 1.000000e+00 : f32
    %broadcast_in_dim3A_10 = vector.broadcast %broadcast_in_dim3A : f32 to vector<16xf32>
    %swap3A = arith.constant 0 : index
    %swap3A_11 = tpu.vector_load %arg15[%swap3A] {strides = array<i32>} : memref<128xf32, #tpu.memory_space<vmem>>, vector<16xf32>,
    %swap3A_12 = vector.shape_cast %swap3A_11 : vector<16xf32> to vector<16xf32>
    %swap3A_13 = vector.shape_cast %broadcast_in_dim3A_10 : vector<16xf32> to vector<16xf32>
    tpu.vector_store %arg15[%swap3A], %swap3A_13 {strides = array<i32>} : memref<128xf32, #tpu.memory_space<vmem>>, vector<16xf32>,
    %broadcast_in_dim3A_14 = arith.constant 1.000000e+00 : f32
    %broadcast_in_dim3A_15 = vector.broadcast %broadcast_in_dim3A_14 : f32 to vector<16xf32>
    %swap3A_16 = arith.constant 16 : index
    %swap3A_17 = tpu.vector_load %arg15[%swap3A_16] {strides = array<i32>} : memref<128xf32, #tpu.memory_space<vmem>>, vector<16xf32>,
    %swap3A_18 = vector.shape_cast %swap3A_17 : vector<16xf32> to vector<16xf32>
    %swap3A_19 = vector.shape_cast %broadcast_in_dim3A_15 : vector<16xf32> to vector<16xf32>
    tpu.vector_store %arg15[%swap3A_16], %swap3A_19 {strides = array<i32>} : memref<128xf32, #tpu.memory_space<vmem>>, vector<16xf32>,
    %broadcast_in_dim3A_20 = arith.constant 1.000000e+00 : f32
    %broadcast_in_dim3A_21 = vector.broadcast %broadcast_in_dim3A_20 : f32 to vector<16xf32>
    %swap3A_22 = arith.constant 32 : index
    %swap3A_23 = tpu.vector_load %arg15[%swap3A_22] {strides = array<i32>} : memref<128xf32, #tpu.memory_space<vmem>>, vector<16xf32>,
    %swap3A_24 = vector.shape_cast %swap3A_23 : vector<16xf32> to vector<16xf32>
    %swap3A_25 = vector.shape_cast %broadcast_in_dim3A_21 : vector<16xf32> to vector<16xf32>
    tpu.vector_store %arg15[%swap3A_22], %swap3A_25 {strides = array<i32>} : memref<128xf32, #tpu.memory_space<vmem>>, vector<16xf32>,
    %broadcast_in_dim3A_26 = arith.constant 1.000000e+00 : f32
    %broadcast_in_dim3A_27 = vector.broadcast %broadcast_in_dim3A_26 : f32 to vector<16xf32>
    %swap3A_28 = arith.constant 48 : index
    %swap3A_29 = tpu.vector_load %arg15[%swap3A_28] {strides = array<i32>} : memref<128xf32, #tpu.memory_space<vmem>>, vector<16xf32>,
    %swap3A_30 = vector.shape_cast %swap3A_29 : vector<16xf32> to vector<16xf32>
    %swap3A_31 = vector.shape_cast %broadcast_in_dim3A_27 : vector<16xf32> to vector<16xf32>
    tpu.vector_store %arg15[%swap3A_28], %swap3A_31 {strides = array<i32>} : memref<128xf32, #tpu.memory_space<vmem>>, vector<16xf32>,
    %broadcast_in_dim3A_32 = arith.constant 1.000000e+00 : f32
    %broadcast_in_dim3A_33 = vector.broadcast %broadcast_in_dim3A_32 : f32 to vector<16xf32>
    %swap3A_34 = arith.constant 64 : index
    %swap3A_35 = tpu.vector_load %arg15[%swap3A_34] {strides = array<i32>} : memref<128xf32, #tpu.memory_space<vmem>>, vector<16xf32>,
    %swap3A_36 = vector.shape_cast %swap3A_35 : vector<16xf32> to vector<16xf32>
    %swap3A_37 = vector.shape_cast %broadcast_in_dim3A_33 : vector<16xf32> to vector<16xf32>
    tpu.vector_store %arg15[%swap3A_34], %swap3A_37 {strides = array<i32>} : memref<128xf32, #tpu.memory_space<vmem>>, vector<16xf32>,
    %broadcast_in_dim3A_38 = arith.constant 1.000000e+00 : f32
    %broadcast_in_dim3A_39 = vector.broadcast %broadcast_in_dim3A_38 : f32 to vector<16xf32>
    %swap3A_40 = arith.constant 80 : index
    %swap3A_41 = tpu.vector_load %arg15[%swap3A_40] {strides = array<i32>} : memref<128xf32, #tpu.memory_space<vmem>>, vector<16xf32>,
    %swap3A_42 = vector.shape_cast %swap3A_41 : vector<16xf32> to vector<16xf32>
    %swap3A_43 = vector.shape_cast %broadcast_in_dim3A_39 : vector<16xf32> to vector<16xf32>
    tpu.vector_store %arg15[%swap3A_40], %swap3A_43 {strides = array<i32>} : memref<128xf32, #tpu.memory_space<vmem>>, vector<16xf32>,
    %broadcast_in_dim3A_44 = arith.constant 1.000000e+00 : f32
    %broadcast_in_dim3A_45 = vector.broadcast %broadcast_in_dim3A_44 : f32 to vector<16xf32>
    %swap3A_46 = arith.constant 96 : index
    %swap3A_47 = tpu.vector_load %arg15[%swap3A_46] {strides = array<i32>} : memref<128xf32, #tpu.memory_space<vmem>>, vector<16xf32>,
    %swap3A_48 = vector.shape_cast %swap3A_47 : vector<16xf32> to vector<16xf32>
    %swap3A_49 = vector.shape_cast %broadcast_in_dim3A_45 : vector<16xf32> to vector<16xf32>
    tpu.vector_store %arg15[%swap3A_46], %swap3A_49 {strides = array<i32>} : memref<128xf32, #tpu.memory_space<vmem>>, vector<16xf32>,
    %broadcast_in_dim3A_50 = arith.constant 1.000000e+00 : f32
    %broadcast_in_dim3A_51 = vector.broadcast %broadcast_in_dim3A_50 : f32 to vector<16xf32>
    %swap3A_52 = arith.constant 112 : index
    %swap3A_53 = tpu.vector_load %arg15[%swap3A_52] {strides = array<i32>} : memref<128xf32, #tpu.memory_space<vmem>>, vector<16xf32>,
    %swap3A_54 = vector.shape_cast %swap3A_53 : vector<16xf32> to vector<16xf32>
    %swap3A_55 = vector.shape_cast %broadcast_in_dim3A_51 : vector<16xf32> to vector<16xf32>
    tpu.vector_store %arg15[%swap3A_52], %swap3A_55 {strides = array<i32>} : memref<128xf32, #tpu.memory_space<vmem>>, vector<16xf32>,
    %mul3A_56 = arith.constant 80 : i32
    %mul3A_57 = arith.muli %add3A, %mul3A_56 : i32
    %run_scoped3A = arith.constant 0 : i32
    "tpu.region"() ({
      %run_scoped3A_651 = tpu.sem_alloc : memref<!tpu.dma_semaphore, #tpu.memory_space<semaphore_mem>>
      %dma_start3A_652 = arith.constant 0 : i32
      %dma_start3A_653 = arith.constant 0 : i32
      %dma_start3A_654 = tpu.memref_slice %arg11[%run_scoped3A, %dma_start3A_652, %dma_start3A_653] : memref<2x8x128xi32, #tpu.memory_space<vmem>> -> memref<1x8x128xi32, #tpu.memory_space<vmem>>
      %dma_start3A_655 = tpu.memref_squeeze %dma_start3A_654 : memref<1x8x128xi32, #tpu.memory_space<vmem>> -> memref<8x128xi32, #tpu.memory_space<vmem>>
      %dma_start3A_656 = arith.constant 0 : i32
      %dma_start3A_657 = tpu.memref_slice %arg3[%mul3A_57, %dma_start3A_656] : memref<2560x128xi32, #tpu.memory_space<hbm>> -> memref<8x128xi32, #tpu.memory_space<hbm>>
      %dma_start3A_658 = arith.constant 0 : i32
      %dma_start3A_659 = arith.constant 0 : i32
      %dma_start3A_660 = tpu.memref_slice %arg11[%run_scoped3A, %dma_start3A_658, %dma_start3A_659] : memref<2x8x128xi32, #tpu.memory_space<vmem>> -> memref<1x8x128xi32, #tpu.memory_space<vmem>>
      %dma_start3A_661 = tpu.memref_squeeze %dma_start3A_660 : memref<1x8x128xi32, #tpu.memory_space<vmem>> -> memref<8x128xi32, #tpu.memory_space<vmem>>
      %dma_start3A_662 = arith.constant 0 : i32
      %dma_start3A_663 = tpu.memref_slice %arg3[%mul3A_57, %dma_start3A_662] : memref<2560x128xi32, #tpu.memory_space<hbm>> -> memref<8x128xi32, #tpu.memory_space<hbm>>
      tpu.enqueue_dma source(%dma_start3A_663 : memref<8x128xi32, #tpu.memory_space<hbm>>) target(%dma_start3A_661 : memref<8x128xi32, #tpu.memory_space<vmem>>) target_semaphore(%run_scoped3A_651 : memref<!tpu.dma_semaphore, #tpu.memory_space<semaphore_mem>>)
      %dma_wait3A_664 = arith.constant 0 : i32
      %dma_wait3A_665 = arith.constant 0 : i32
      %dma_wait3A_666 = tpu.memref_slice %arg11[%run_scoped3A, %dma_wait3A_664, %dma_wait3A_665] : memref<2x8x128xi32, #tpu.memory_space<vmem>> -> memref<1x8x128xi32, #tpu.memory_space<vmem>>
      %dma_wait3A_667 = tpu.memref_squeeze %dma_wait3A_666 : memref<1x8x128xi32, #tpu.memory_space<vmem>> -> memref<8x128xi32, #tpu.memory_space<vmem>>
      %dma_wait3A_668 = arith.constant 0 : i32
      %dma_wait3A_669 = tpu.memref_slice %arg3[%mul3A_57, %dma_wait3A_668] : memref<2560x128xi32, #tpu.memory_space<hbm>> -> memref<8x128xi32, #tpu.memory_space<hbm>>
      %dma_wait3A_670 = arith.constant 0 : i32
      %dma_wait3A_671 = arith.constant 0 : i32
      %dma_wait3A_672 = tpu.memref_slice %arg11[%run_scoped3A, %dma_wait3A_670, %dma_wait3A_671] : memref<2x8x128xi32, #tpu.memory_space<vmem>> -> memref<1x8x128xi32, #tpu.memory_space<vmem>>
      %dma_wait3A_673 = tpu.memref_squeeze %dma_wait3A_672 : memref<1x8x128xi32, #tpu.memory_space<vmem>> -> memref<8x128xi32, #tpu.memory_space<vmem>>
      %dma_wait3A_674 = arith.constant 0 : i32
      %dma_wait3A_675 = tpu.memref_slice %arg3[%mul3A_57, %dma_wait3A_674] : memref<2560x128xi32, #tpu.memory_space<hbm>> -> memref<8x128xi32, #tpu.memory_space<hbm>>
      tpu.wait_dma2 semaphore(%run_scoped3A_651 : memref<!tpu.dma_semaphore, #tpu.memory_space<semaphore_mem>>) src(%dma_wait3A_675 : memref<8x128xi32, #tpu.memory_space<hbm>>) dst(%dma_wait3A_673 : memref<8x128xi32, #tpu.memory_space<vmem>>)
      tpu.yield
    }) : () -> ()
    %run_scoped3A_58 = arith.constant 0 : i32
    "tpu.region"() ({
      %run_scoped3A_651 = tpu.sem_alloc : memref<!tpu.dma_semaphore, #tpu.memory_space<semaphore_mem>>
      %dma_start3A_652 = arith.constant 0 : i32
      %dma_start3A_653 = arith.constant 0 : i32
      %dma_start3A_654 = tpu.memref_slice %arg12[%run_scoped3A_58, %dma_start3A_652, %dma_start3A_653] : memref<2x8x128xi32, #tpu.memory_space<vmem>> -> memref<1x8x128xi32, #tpu.memory_space<vmem>>
      %dma_start3A_655 = tpu.memref_squeeze %dma_start3A_654 : memref<1x8x128xi32, #tpu.memory_space<vmem>> -> memref<8x128xi32, #tpu.memory_space<vmem>>
      %dma_start3A_656 = arith.constant 0 : i32
      %dma_start3A_657 = tpu.memref_slice %arg4[%mul3A_57, %dma_start3A_656] : memref<2560x128xi32, #tpu.memory_space<hbm>> -> memref<8x128xi32, #tpu.memory_space<hbm>>
      %dma_start3A_658 = arith.constant 0 : i32
      %dma_start3A_659 = arith.constant 0 : i32
      %dma_start3A_660 = tpu.memref_slice %arg12[%run_scoped3A_58, %dma_start3A_658, %dma_start3A_659] : memref<2x8x128xi32, #tpu.memory_space<vmem>> -> memref<1x8x128xi32, #tpu.memory_space<vmem>>
      %dma_start3A_661 = tpu.memref_squeeze %dma_start3A_660 : memref<1x8x128xi32, #tpu.memory_space<vmem>> -> memref<8x128xi32, #tpu.memory_space<vmem>>
      %dma_start3A_662 = arith.constant 0 : i32
      %dma_start3A_663 = tpu.memref_slice %arg4[%mul3A_57, %dma_start3A_662] : memref<2560x128xi32, #tpu.memory_space<hbm>> -> memref<8x128xi32, #tpu.memory_space<hbm>>
      tpu.enqueue_dma source(%dma_start3A_663 : memref<8x128xi32, #tpu.memory_space<hbm>>) target(%dma_start3A_661 : memref<8x128xi32, #tpu.memory_space<vmem>>) target_semaphore(%run_scoped3A_651 : memref<!tpu.dma_semaphore, #tpu.memory_space<semaphore_mem>>)
      %dma_wait3A_664 = arith.constant 0 : i32
      %dma_wait3A_665 = arith.constant 0 : i32
      %dma_wait3A_666 = tpu.memref_slice %arg12[%run_scoped3A_58, %dma_wait3A_664, %dma_wait3A_665] : memref<2x8x128xi32, #tpu.memory_space<vmem>> -> memref<1x8x128xi32, #tpu.memory_space<vmem>>
      %dma_wait3A_667 = tpu.memref_squeeze %dma_wait3A_666 : memref<1x8x128xi32, #tpu.memory_space<vmem>> -> memref<8x128xi32, #tpu.memory_space<vmem>>
      %dma_wait3A_668 = arith.constant 0 : i32
      %dma_wait3A_669 = tpu.memref_slice %arg4[%mul3A_57, %dma_wait3A_668] : memref<2560x128xi32, #tpu.memory_space<hbm>> -> memref<8x128xi32, #tpu.memory_space<hbm>>
      %dma_wait3A_670 = arith.constant 0 : i32
      %dma_wait3A_671 = arith.constant 0 : i32
      %dma_wait3A_672 = tpu.memref_slice %arg12[%run_scoped3A_58, %dma_wait3A_670, %dma_wait3A_671] : memref<2x8x128xi32, #tpu.memory_space<vmem>> -> memref<1x8x128xi32, #tpu.memory_space<vmem>>
      %dma_wait3A_673 = tpu.memref_squeeze %dma_wait3A_672 : memref<1x8x128xi32, #tpu.memory_space<vmem>> -> memref<8x128xi32, #tpu.memory_space<vmem>>
      %dma_wait3A_674 = arith.constant 0 : i32
      %dma_wait3A_675 = tpu.memref_slice %arg4[%mul3A_57, %dma_wait3A_674] : memref<2560x128xi32, #tpu.memory_space<hbm>> -> memref<8x128xi32, #tpu.memory_space<hbm>>
      tpu.wait_dma2 semaphore(%run_scoped3A_651 : memref<!tpu.dma_semaphore, #tpu.memory_space<semaphore_mem>>) src(%dma_wait3A_675 : memref<8x128xi32, #tpu.memory_space<hbm>>) dst(%dma_wait3A_673 : memref<8x128xi32, #tpu.memory_space<vmem>>)
      tpu.yield
    }) : () -> ()
    %dma_start3A_59 = arith.constant 0 : i32
    %dma_start3A_60 = arith.constant 0 : i32
    %dma_start3A_61 = arith.constant 0 : i32
    %dma_start3A_62 = tpu.memref_slice %arg11[%dma_start3A_59, %dma_start3A_60, %dma_start3A_61] : memref<2x8x128xi32, #tpu.memory_space<vmem>> -> memref<1x1x128xi32, #tpu.memory_space<vmem>>
    %dma_start3A_63 = tpu.memref_squeeze %dma_start3A_62 : memref<1x1x128xi32, #tpu.memory_space<vmem>> -> memref<128xi32, #tpu.memory_space<vmem>>
    %dma_start3A_64 = arith.constant 0 : i32
    %dma_start3A_65 = arith.constant 0 : i32
    %dma_start3A_66 = tpu.memref_slice %arg2[%dma_start3A_64, %dma_start3A_65] : memref<10240x128xf32, #tpu.memory_space<hbm>> -> memref<10240x128xf32, #tpu.memory_space<hbm>>
    tpu.enqueue_indirect_dma source(%dma_start3A_66 : memref<10240x128xf32, #tpu.memory_space<hbm>>) target(%arg13 : memref<128x128xf32, #tpu.memory_space<vmem>>) offsets(%dma_start3A_63 : memref<128xi32, #tpu.memory_space<vmem>>) semaphore(%arg16 : memref<!tpu.dma_semaphore, #tpu.memory_space<semaphore_mem>>)
    %dma_start3A_67 = arith.constant 0 : i32
    %dma_start3A_68 = arith.constant 1 : i32
    %dma_start3A_69 = arith.constant 0 : i32
    %dma_start3A_70 = tpu.memref_slice %arg11[%dma_start3A_67, %dma_start3A_68, %dma_start3A_69] : memref<2x8x128xi32, #tpu.memory_space<vmem>> -> memref<1x1x128xi32, #tpu.memory_space<vmem>>
    %dma_start3A_71 = tpu.memref_squeeze %dma_start3A_70 : memref<1x1x128xi32, #tpu.memory_space<vmem>> -> memref<128xi32, #tpu.memory_space<vmem>>
    %dma_start3A_72 = arith.constant 0 : i32
    %dma_start3A_73 = arith.constant 0 : i32
    %dma_start3A_74 = tpu.memref_slice %arg2[%dma_start3A_72, %dma_start3A_73] : memref<10240x128xf32, #tpu.memory_space<hbm>> -> memref<10240x128xf32, #tpu.memory_space<hbm>>
    tpu.enqueue_indirect_dma source(%dma_start3A_74 : memref<10240x128xf32, #tpu.memory_space<hbm>>) target(%arg14 : memref<128x128xf32, #tpu.memory_space<vmem>>) offsets(%dma_start3A_71 : memref<128xi32, #tpu.memory_space<vmem>>) semaphore(%arg17 : memref<!tpu.dma_semaphore, #tpu.memory_space<semaphore_mem>>)
    %add3A_75 = arith.constant 8 : i32
    %add3A_76 = arith.addi %mul3A_57, %add3A_75 : i32
    %dma_start3A_77 = arith.constant 1 : i32
    %dma_start3A_78 = arith.constant 0 : i32
    %dma_start3A_79 = arith.constant 0 : i32
    %dma_start3A_80 = tpu.memref_slice %arg11[%dma_start3A_77, %dma_start3A_78, %dma_start3A_79] : memref<2x8x128xi32, #tpu.memory_space<vmem>> -> memref<1x8x128xi32, #tpu.memory_space<vmem>>
    %dma_start3A_81 = tpu.memref_squeeze %dma_start3A_80 : memref<1x8x128xi32, #tpu.memory_space<vmem>> -> memref<8x128xi32, #tpu.memory_space<vmem>>
    %dma_start3A_82 = arith.constant 0 : i32
    %dma_start3A_83 = tpu.memref_slice %arg3[%add3A_76, %dma_start3A_82] : memref<2560x128xi32, #tpu.memory_space<hbm>> -> memref<8x128xi32, #tpu.memory_space<hbm>>
    %dma_start3A_84 = arith.constant 0 : i32
    %dma_start3A_85 = arith.constant 0 : i32
    %dma_start3A_86 = tpu.memref_slice %arg11[%dma_start3A_77, %dma_start3A_84, %dma_start3A_85] : memref<2x8x128xi32, #tpu.memory_space<vmem>> -> memref<1x8x128xi32, #tpu.memory_space<vmem>>
    %dma_start3A_87 = tpu.memref_squeeze %dma_start3A_86 : memref<1x8x128xi32, #tpu.memory_space<vmem>> -> memref<8x128xi32, #tpu.memory_space<vmem>>
    %dma_start3A_88 = arith.constant 0 : i32
    %dma_start3A_89 = tpu.memref_slice %arg3[%add3A_76, %dma_start3A_88] : memref<2560x128xi32, #tpu.memory_space<hbm>> -> memref<8x128xi32, #tpu.memory_space<hbm>>
    tpu.enqueue_dma source(%dma_start3A_89 : memref<8x128xi32, #tpu.memory_space<hbm>>) target(%dma_start3A_87 : memref<8x128xi32, #tpu.memory_space<vmem>>) target_semaphore(%arg18 : memref<!tpu.dma_semaphore, #tpu.memory_space<semaphore_mem>>)
    %dma_start3A_90 = arith.constant 1 : i32
    %dma_start3A_91 = arith.constant 0 : i32
    %dma_start3A_92 = arith.constant 0 : i32
    %dma_start3A_93 = tpu.memref_slice %arg12[%dma_start3A_90, %dma_start3A_91, %dma_start3A_92] : memref<2x8x128xi32, #tpu.memory_space<vmem>> -> memref<1x8x128xi32, #tpu.memory_space<vmem>>
    %dma_start3A_94 = tpu.memref_squeeze %dma_start3A_93 : memref<1x8x128xi32, #tpu.memory_space<vmem>> -> memref<8x128xi32, #tpu.memory_space<vmem>>
    %dma_start3A_95 = arith.constant 0 : i32
    %dma_start3A_96 = tpu.memref_slice %arg4[%add3A_76, %dma_start3A_95] : memref<2560x128xi32, #tpu.memory_space<hbm>> -> memref<8x128xi32, #tpu.memory_space<hbm>>
    %dma_start3A_97 = arith.constant 0 : i32
    %dma_start3A_98 = arith.constant 0 : i32
    %dma_start3A_99 = tpu.memref_slice %arg12[%dma_start3A_90, %dma_start3A_97, %dma_start3A_98] : memref<2x8x128xi32, #tpu.memory_space<vmem>> -> memref<1x8x128xi32, #tpu.memory_space<vmem>>
    %dma_start3A_100 = tpu.memref_squeeze %dma_start3A_99 : memref<1x8x128xi32, #tpu.memory_space<vmem>> -> memref<8x128xi32, #tpu.memory_space<vmem>>
    %dma_start3A_101 = arith.constant 0 : i32
    %dma_start3A_102 = tpu.memref_slice %arg4[%add3A_76, %dma_start3A_101] : memref<2560x128xi32, #tpu.memory_space<hbm>> -> memref<8x128xi32, #tpu.memory_space<hbm>>
    tpu.enqueue_dma source(%dma_start3A_102 : memref<8x128xi32, #tpu.memory_space<hbm>>) target(%dma_start3A_100 : memref<8x128xi32, #tpu.memory_space<vmem>>) target_semaphore(%arg18 : memref<!tpu.dma_semaphore, #tpu.memory_space<semaphore_mem>>)
    %mul3A_103 = arith.constant 640 : i32
    %mul3A_104 = arith.muli %arg1, %mul3A_103 : i32
    %mul3A_105 = arith.constant 640 : i32
    %mul3A_106 = arith.muli %arg1, %mul3A_105 : i32
    %dma_wait3A = arith.constant 0 : i32
    %dma_wait3A_107 = tpu.memref_slice %arg9[%mul3A_106, %dma_wait3A] : memref<10240x128xf32, #tpu.memory_space<vmem_shared>> -> memref<640x128xf32, #tpu.memory_space<vmem_shared>>
    %dma_wait3A_108 = arith.constant 0 : i32
    %dma_wait3A_109 = tpu.memref_slice %arg5[%mul3A_104, %dma_wait3A_108] : memref<10240x128xf32, #tpu.memory_space<hbm>> -> memref<640x128xf32, #tpu.memory_space<hbm>>
    tpu.wait_dma2 semaphore(%arg20 : memref<!tpu.dma_semaphore, #tpu.memory_space<semaphore_mem>>) src(%dma_wait3A_109 : memref<640x128xf32, #tpu.memory_space<hbm>>) dst(%dma_wait3A_107 : memref<640x128xf32, #tpu.memory_space<vmem_shared>>)
    %eq3A_110 = arith.constant 0 : i32
    %eq3A_111 = arith.cmpi eq, %arg1, %eq3A_110 : i32
    %convert_element_type3A_112 = arith.extui %eq3A_111 : i1 to i32
    %cond3A_113 = arith.constant 0 : i32
    %cond3A_114 = arith.cmpi ne, %convert_element_type3A_112, %cond3A_113 : i32
    scf.if %cond3A_114 {
      tpu.wait_dma2 semaphore(%arg20 : memref<!tpu.dma_semaphore, #tpu.memory_space<semaphore_mem>>) src(%arg6 : memref<10240xf32, #tpu.memory_space<hbm>>) dst(%arg10 : memref<10240xf32, #tpu.memory_space<vmem_shared>>)
    } else {
    }
    %barrier3A = arith.constant 0 : index
    tpu.barrier barrier_id(%barrier3A)
    %dma_wait3A_115 = arith.constant 0 : i32
    %dma_wait3A_116 = arith.constant 0 : i32
    %dma_wait3A_117 = arith.constant 0 : i32
    %dma_wait3A_118 = tpu.memref_slice %arg11[%dma_wait3A_115, %dma_wait3A_116, %dma_wait3A_117] : memref<2x8x128xi32, #tpu.memory_space<vmem>> -> memref<1x1x128xi32, #tpu.memory_space<vmem>>
    %dma_wait3A_119 = tpu.memref_squeeze %dma_wait3A_118 : memref<1x1x128xi32, #tpu.memory_space<vmem>> -> memref<128xi32, #tpu.memory_space<vmem>>
    %dma_wait3A_120 = arith.constant 0 : i32
    %dma_wait3A_121 = arith.constant 0 : i32
    %dma_wait3A_122 = tpu.memref_slice %arg2[%dma_wait3A_120, %dma_wait3A_121] : memref<10240x128xf32, #tpu.memory_space<hbm>> -> memref<10240x128xf32, #tpu.memory_space<hbm>>
    tpu.wait_indirect_dma semaphore(%arg16 : memref<!tpu.dma_semaphore, #tpu.memory_space<semaphore_mem>>) src(%dma_wait3A_122 : memref<10240x128xf32, #tpu.memory_space<hbm>>) dst(%arg13 : memref<128x128xf32, #tpu.memory_space<vmem>>)
    %run_scoped3A_123 = arith.constant 0 : i32
    %run_scoped3A_124 = arith.constant 0 : i32
    "tpu.region"() ({
      %run_scoped3A_651 = tpu.sem_alloc : memref<!tpu.dma_semaphore, #tpu.memory_space<semaphore_mem>>
      %dma_start3A_652 = arith.constant 0 : i32
      %dma_start3A_653 = tpu.memref_slice %arg12[%run_scoped3A_123, %run_scoped3A_124, %dma_start3A_652] : memref<2x8x128xi32, #tpu.memory_space<vmem>> -> memref<1x1x128xi32, #tpu.memory_space<vmem>>
      %dma_start3A_654 = tpu.memref_squeeze %dma_start3A_653 : memref<1x1x128xi32, #tpu.memory_space<vmem>> -> memref<128xi32, #tpu.memory_space<vmem>>
      %dma_start3A_655 = arith.constant 0 : i32
      %dma_start3A_656 = arith.constant 0 : i32
      %dma_start3A_657 = tpu.memref_slice %arg9[%dma_start3A_655, %dma_start3A_656] : memref<10240x128xf32, #tpu.memory_space<vmem_shared>> -> memref<10240x128xf32, #tpu.memory_space<vmem_shared>>
      tpu.enqueue_indirect_dma source(%arg13 : memref<128x128xf32, #tpu.memory_space<vmem>>) target(%dma_start3A_657 : memref<10240x128xf32, #tpu.memory_space<vmem_shared>>) offsets(%dma_start3A_654 : memref<128xi32, #tpu.memory_space<vmem>>) semaphore(%run_scoped3A_651 : memref<!tpu.dma_semaphore, #tpu.memory_space<semaphore_mem>>) {add = true}
      %dma_wait3A_658 = arith.constant 0 : i32
      %dma_wait3A_659 = tpu.memref_slice %arg12[%run_scoped3A_123, %run_scoped3A_124, %dma_wait3A_658] : memref<2x8x128xi32, #tpu.memory_space<vmem>> -> memref<1x1x128xi32, #tpu.memory_space<vmem>>
      %dma_wait3A_660 = tpu.memref_squeeze %dma_wait3A_659 : memref<1x1x128xi32, #tpu.memory_space<vmem>> -> memref<128xi32, #tpu.memory_space<vmem>>
      %dma_wait3A_661 = arith.constant 0 : i32
      %dma_wait3A_662 = arith.constant 0 : i32
      %dma_wait3A_663 = tpu.memref_slice %arg9[%dma_wait3A_661, %dma_wait3A_662] : memref<10240x128xf32, #tpu.memory_space<vmem_shared>> -> memref<10240x128xf32, #tpu.memory_space<vmem_shared>>
      tpu.wait_indirect_dma semaphore(%run_scoped3A_651 : memref<!tpu.dma_semaphore, #tpu.memory_space<semaphore_mem>>) src(%arg13 : memref<128x128xf32, #tpu.memory_space<vmem>>) dst(%dma_wait3A_663 : memref<10240x128xf32, #tpu.memory_space<vmem_shared>>)
      tpu.yield
    }) : () -> ()
    %dma_start3A_125 = arith.constant 0 : i32
    %dma_start3A_126 = arith.constant 0 : i32
    %dma_start3A_127 = arith.constant 0 : i32
    %dma_start3A_128 = tpu.memref_slice %arg12[%dma_start3A_125, %dma_start3A_126, %dma_start3A_127] : memref<2x8x128xi32, #tpu.memory_space<vmem>> -> memref<1x1x128xi32, #tpu.memory_space<vmem>>
    %dma_start3A_129 = tpu.memref_squeeze %dma_start3A_128 : memref<1x1x128xi32, #tpu.memory_space<vmem>> -> memref<128xi32, #tpu.memory_space<vmem>>
    %dma_start3A_130 = arith.constant 0 : i32
    %dma_start3A_131 = tpu.memref_slice %arg10[%dma_start3A_130] : memref<10240xf32, #tpu.memory_space<vmem_shared>> -> memref<10240xf32, #tpu.memory_space<vmem_shared>>
    tpu.enqueue_indirect_dma source(%arg15 : memref<128xf32, #tpu.memory_space<vmem>>) target(%dma_start3A_131 : memref<10240xf32, #tpu.memory_space<vmem_shared>>) offsets(%dma_start3A_129 : memref<128xi32, #tpu.memory_space<vmem>>) semaphore(%arg19 : memref<!tpu.dma_semaphore, #tpu.memory_space<semaphore_mem>>) {add = true}
    %dma_start3A_132 = arith.constant 0 : i32
    %dma_start3A_133 = arith.constant 2 : i32
    %dma_start3A_134 = arith.constant 0 : i32
    %dma_start3A_135 = tpu.memref_slice %arg11[%dma_start3A_132, %dma_start3A_133, %dma_start3A_134] : memref<2x8x128xi32, #tpu.memory_space<vmem>> -> memref<1x1x128xi32, #tpu.memory_space<vmem>>
    %dma_start3A_136 = tpu.memref_squeeze %dma_start3A_135 : memref<1x1x128xi32, #tpu.memory_space<vmem>> -> memref<128xi32, #tpu.memory_space<vmem>>
    %dma_start3A_137 = arith.constant 0 : i32
    %dma_start3A_138 = arith.constant 0 : i32
    %dma_start3A_139 = tpu.memref_slice %arg2[%dma_start3A_137, %dma_start3A_138] : memref<10240x128xf32, #tpu.memory_space<hbm>> -> memref<10240x128xf32, #tpu.memory_space<hbm>>
    tpu.enqueue_indirect_dma source(%dma_start3A_139 : memref<10240x128xf32, #tpu.memory_space<hbm>>) target(%arg13 : memref<128x128xf32, #tpu.memory_space<vmem>>) offsets(%dma_start3A_136 : memref<128xi32, #tpu.memory_space<vmem>>) semaphore(%arg16 : memref<!tpu.dma_semaphore, #tpu.memory_space<semaphore_mem>>)
    %dma_wait3A_140 = arith.constant 0 : i32
    %dma_wait3A_141 = arith.constant 1 : i32
    %dma_wait3A_142 = arith.constant 0 : i32
    %dma_wait3A_143 = tpu.memref_slice %arg11[%dma_wait3A_140, %dma_wait3A_141, %dma_wait3A_142] : memref<2x8x128xi32, #tpu.memory_space<vmem>> -> memref<1x1x128xi32, #tpu.memory_space<vmem>>
    %dma_wait3A_144 = tpu.memref_squeeze %dma_wait3A_143 : memref<1x1x128xi32, #tpu.memory_space<vmem>> -> memref<128xi32, #tpu.memory_space<vmem>>
    %dma_wait3A_145 = arith.constant 0 : i32
    %dma_wait3A_146 = arith.constant 0 : i32
    %dma_wait3A_147 = tpu.memref_slice %arg2[%dma_wait3A_145, %dma_wait3A_146] : memref<10240x128xf32, #tpu.memory_space<hbm>> -> memref<10240x128xf32, #tpu.memory_space<hbm>>
    tpu.wait_indirect_dma semaphore(%arg17 : memref<!tpu.dma_semaphore, #tpu.memory_space<semaphore_mem>>) src(%dma_wait3A_147 : memref<10240x128xf32, #tpu.memory_space<hbm>>) dst(%arg14 : memref<128x128xf32, #tpu.memory_space<vmem>>)
    %run_scoped3A_148 = arith.constant 0 : i32
    %run_scoped3A_149 = arith.constant 1 : i32
    "tpu.region"() ({
      %run_scoped3A_651 = tpu.sem_alloc : memref<!tpu.dma_semaphore, #tpu.memory_space<semaphore_mem>>
      %dma_start3A_652 = arith.constant 0 : i32
      %dma_start3A_653 = tpu.memref_slice %arg12[%run_scoped3A_148, %run_scoped3A_149, %dma_start3A_652] : memref<2x8x128xi32, #tpu.memory_space<vmem>> -> memref<1x1x128xi32, #tpu.memory_space<vmem>>
      %dma_start3A_654 = tpu.memref_squeeze %dma_start3A_653 : memref<1x1x128xi32, #tpu.memory_space<vmem>> -> memref<128xi32, #tpu.memory_space<vmem>>
      %dma_start3A_655 = arith.constant 0 : i32
      %dma_start3A_656 = arith.constant 0 : i32
      %dma_start3A_657 = tpu.memref_slice %arg9[%dma_start3A_655, %dma_start3A_656] : memref<10240x128xf32, #tpu.memory_space<vmem_shared>> -> memref<10240x128xf32, #tpu.memory_space<vmem_shared>>
      tpu.enqueue_indirect_dma source(%arg14 : memref<128x128xf32, #tpu.memory_space<vmem>>) target(%dma_start3A_657 : memref<10240x128xf32, #tpu.memory_space<vmem_shared>>) offsets(%dma_start3A_654 : memref<128xi32, #tpu.memory_space<vmem>>) semaphore(%run_scoped3A_651 : memref<!tpu.dma_semaphore, #tpu.memory_space<semaphore_mem>>) {add = true}
      %dma_wait3A_658 = arith.constant 0 : i32
      %dma_wait3A_659 = tpu.memref_slice %arg12[%run_scoped3A_148, %run_scoped3A_149, %dma_wait3A_658] : memref<2x8x128xi32, #tpu.memory_space<vmem>> -> memref<1x1x128xi32, #tpu.memory_space<vmem>>
      %dma_wait3A_660 = tpu.memref_squeeze %dma_wait3A_659 : memref<1x1x128xi32, #tpu.memory_space<vmem>> -> memref<128xi32, #tpu.memory_space<vmem>>
      %dma_wait3A_661 = arith.constant 0 : i32
      %dma_wait3A_662 = arith.constant 0 : i32
      %dma_wait3A_663 = tpu.memref_slice %arg9[%dma_wait3A_661, %dma_wait3A_662] : memref<10240x128xf32, #tpu.memory_space<vmem_shared>> -> memref<10240x128xf32, #tpu.memory_space<vmem_shared>>
      tpu.wait_indirect_dma semaphore(%run_scoped3A_651 : memref<!tpu.dma_semaphore, #tpu.memory_space<semaphore_mem>>) src(%arg14 : memref<128x128xf32, #tpu.memory_space<vmem>>) dst(%dma_wait3A_663 : memref<10240x128xf32, #tpu.memory_space<vmem_shared>>)
      tpu.yield
    }) : () -> ()
    %dma_start3A_150 = arith.constant 0 : i32
    %dma_start3A_151 = arith.constant 1 : i32
    %dma_start3A_152 = arith.constant 0 : i32
    %dma_start3A_153 = tpu.memref_slice %arg12[%dma_start3A_150, %dma_start3A_151, %dma_start3A_152] : memref<2x8x128xi32, #tpu.memory_space<vmem>> -> memref<1x1x128xi32, #tpu.memory_space<vmem>>
    %dma_start3A_154 = tpu.memref_squeeze %dma_start3A_153 : memref<1x1x128xi32, #tpu.memory_space<vmem>> -> memref<128xi32, #tpu.memory_space<vmem>>
    %dma_start3A_155 = arith.constant 0 : i32
    %dma_start3A_156 = tpu.memref_slice %arg10[%dma_start3A_155] : memref<10240xf32, #tpu.memory_space<vmem_shared>> -> memref<10240xf32, #tpu.memory_space<vmem_shared>>
    tpu.enqueue_indirect_dma source(%arg15 : memref<128xf32, #tpu.memory_space<vmem>>) target(%dma_start3A_156 : memref<10240xf32, #tpu.memory_space<vmem_shared>>) offsets(%dma_start3A_154 : memref<128xi32, #tpu.memory_space<vmem>>) semaphore(%arg19 : memref<!tpu.dma_semaphore, #tpu.memory_space<semaphore_mem>>) {add = true}
    %dma_start3A_157 = arith.constant 0 : i32
    %dma_start3A_158 = arith.constant 3 : i32
    %dma_start3A_159 = arith.constant 0 : i32
    %dma_start3A_160 = tpu.memref_slice %arg11[%dma_start3A_157, %dma_start3A_158, %dma_start3A_159] : memref<2x8x128xi32, #tpu.memory_space<vmem>> -> memref<1x1x128xi32, #tpu.memory_space<vmem>>
    %dma_start3A_161 = tpu.memref_squeeze %dma_start3A_160 : memref<1x1x128xi32, #tpu.memory_space<vmem>> -> memref<128xi32, #tpu.memory_space<vmem>>
    %dma_start3A_162 = arith.constant 0 : i32
    %dma_start3A_163 = arith.constant 0 : i32
    %dma_start3A_164 = tpu.memref_slice %arg2[%dma_start3A_162, %dma_start3A_163] : memref<10240x128xf32, #tpu.memory_space<hbm>> -> memref<10240x128xf32, #tpu.memory_space<hbm>>
    tpu.enqueue_indirect_dma source(%dma_start3A_164 : memref<10240x128xf32, #tpu.memory_space<hbm>>) target(%arg14 : memref<128x128xf32, #tpu.memory_space<vmem>>) offsets(%dma_start3A_161 : memref<128xi32, #tpu.memory_space<vmem>>) semaphore(%arg17 : memref<!tpu.dma_semaphore, #tpu.memory_space<semaphore_mem>>)
    %dma_wait3A_165 = arith.constant 0 : i32
    %dma_wait3A_166 = arith.constant 2 : i32
    %dma_wait3A_167 = arith.constant 0 : i32
    %dma_wait3A_168 = tpu.memref_slice %arg11[%dma_wait3A_165, %dma_wait3A_166, %dma_wait3A_167] : memref<2x8x128xi32, #tpu.memory_space<vmem>> -> memref<1x1x128xi32, #tpu.memory_space<vmem>>
    %dma_wait3A_169 = tpu.memref_squeeze %dma_wait3A_168 : memref<1x1x128xi32, #tpu.memory_space<vmem>> -> memref<128xi32, #tpu.memory_space<vmem>>
    %dma_wait3A_170 = arith.constant 0 : i32
    %dma_wait3A_171 = arith.constant 0 : i32
    %dma_wait3A_172 = tpu.memref_slice %arg2[%dma_wait3A_170, %dma_wait3A_171] : memref<10240x128xf32, #tpu.memory_space<hbm>> -> memref<10240x128xf32, #tpu.memory_space<hbm>>
    tpu.wait_indirect_dma semaphore(%arg16 : memref<!tpu.dma_semaphore, #tpu.memory_space<semaphore_mem>>) src(%dma_wait3A_172 : memref<10240x128xf32, #tpu.memory_space<hbm>>) dst(%arg13 : memref<128x128xf32, #tpu.memory_space<vmem>>)
    %run_scoped3A_173 = arith.constant 0 : i32
    %run_scoped3A_174 = arith.constant 2 : i32
    "tpu.region"() ({
      %run_scoped3A_651 = tpu.sem_alloc : memref<!tpu.dma_semaphore, #tpu.memory_space<semaphore_mem>>
      %dma_start3A_652 = arith.constant 0 : i32
      %dma_start3A_653 = tpu.memref_slice %arg12[%run_scoped3A_173, %run_scoped3A_174, %dma_start3A_652] : memref<2x8x128xi32, #tpu.memory_space<vmem>> -> memref<1x1x128xi32, #tpu.memory_space<vmem>>
      %dma_start3A_654 = tpu.memref_squeeze %dma_start3A_653 : memref<1x1x128xi32, #tpu.memory_space<vmem>> -> memref<128xi32, #tpu.memory_space<vmem>>
      %dma_start3A_655 = arith.constant 0 : i32
      %dma_start3A_656 = arith.constant 0 : i32
      %dma_start3A_657 = tpu.memref_slice %arg9[%dma_start3A_655, %dma_start3A_656] : memref<10240x128xf32, #tpu.memory_space<vmem_shared>> -> memref<10240x128xf32, #tpu.memory_space<vmem_shared>>
      tpu.enqueue_indirect_dma source(%arg13 : memref<128x128xf32, #tpu.memory_space<vmem>>) target(%dma_start3A_657 : memref<10240x128xf32, #tpu.memory_space<vmem_shared>>) offsets(%dma_start3A_654 : memref<128xi32, #tpu.memory_space<vmem>>) semaphore(%run_scoped3A_651 : memref<!tpu.dma_semaphore, #tpu.memory_space<semaphore_mem>>) {add = true}
      %dma_wait3A_658 = arith.constant 0 : i32
      %dma_wait3A_659 = tpu.memref_slice %arg12[%run_scoped3A_173, %run_scoped3A_174, %dma_wait3A_658] : memref<2x8x128xi32, #tpu.memory_space<vmem>> -> memref<1x1x128xi32, #tpu.memory_space<vmem>>
      %dma_wait3A_660 = tpu.memref_squeeze %dma_wait3A_659 : memref<1x1x128xi32, #tpu.memory_space<vmem>> -> memref<128xi32, #tpu.memory_space<vmem>>
      %dma_wait3A_661 = arith.constant 0 : i32
      %dma_wait3A_662 = arith.constant 0 : i32
      %dma_wait3A_663 = tpu.memref_slice %arg9[%dma_wait3A_661, %dma_wait3A_662] : memref<10240x128xf32, #tpu.memory_space<vmem_shared>> -> memref<10240x128xf32, #tpu.memory_space<vmem_shared>>
      tpu.wait_indirect_dma semaphore(%run_scoped3A_651 : memref<!tpu.dma_semaphore, #tpu.memory_space<semaphore_mem>>) src(%arg13 : memref<128x128xf32, #tpu.memory_space<vmem>>) dst(%dma_wait3A_663 : memref<10240x128xf32, #tpu.memory_space<vmem_shared>>)
      tpu.yield
    }) : () -> ()
    %dma_start3A_175 = arith.constant 0 : i32
    %dma_start3A_176 = arith.constant 2 : i32
    %dma_start3A_177 = arith.constant 0 : i32
    %dma_start3A_178 = tpu.memref_slice %arg12[%dma_start3A_175, %dma_start3A_176, %dma_start3A_177] : memref<2x8x128xi32, #tpu.memory_space<vmem>> -> memref<1x1x128xi32, #tpu.memory_space<vmem>>
    %dma_start3A_179 = tpu.memref_squeeze %dma_start3A_178 : memref<1x1x128xi32, #tpu.memory_space<vmem>> -> memref<128xi32, #tpu.memory_space<vmem>>
    %dma_start3A_180 = arith.constant 0 : i32
    %dma_start3A_181 = tpu.memref_slice %arg10[%dma_start3A_180] : memref<10240xf32, #tpu.memory_space<vmem_shared>> -> memref<10240xf32, #tpu.memory_space<vmem_shared>>
    tpu.enqueue_indirect_dma source(%arg15 : memref<128xf32, #tpu.memory_space<vmem>>) target(%dma_start3A_181 : memref<10240xf32, #tpu.memory_space<vmem_shared>>) offsets(%dma_start3A_179 : memref<128xi32, #tpu.memory_space<vmem>>) semaphore(%arg19 : memref<!tpu.dma_semaphore, #tpu.memory_space<semaphore_mem>>) {add = true}
    %dma_start3A_182 = arith.constant 0 : i32
    %dma_start3A_183 = arith.constant 4 : i32
    %dma_start3A_184 = arith.constant 0 : i32
    %dma_start3A_185 = tpu.memref_slice %arg11[%dma_start3A_182, %dma_start3A_183, %dma_start3A_184] : memref<2x8x128xi32, #tpu.memory_space<vmem>> -> memref<1x1x128xi32, #tpu.memory_space<vmem>>
    %dma_start3A_186 = tpu.memref_squeeze %dma_start3A_185 : memref<1x1x128xi32, #tpu.memory_space<vmem>> -> memref<128xi32, #tpu.memory_space<vmem>>
    %dma_start3A_187 = arith.constant 0 : i32
    %dma_start3A_188 = arith.constant 0 : i32
    %dma_start3A_189 = tpu.memref_slice %arg2[%dma_start3A_187, %dma_start3A_188] : memref<10240x128xf32, #tpu.memory_space<hbm>> -> memref<10240x128xf32, #tpu.memory_space<hbm>>
    tpu.enqueue_indirect_dma source(%dma_start3A_189 : memref<10240x128xf32, #tpu.memory_space<hbm>>) target(%arg13 : memref<128x128xf32, #tpu.memory_space<vmem>>) offsets(%dma_start3A_186 : memref<128xi32, #tpu.memory_space<vmem>>) semaphore(%arg16 : memref<!tpu.dma_semaphore, #tpu.memory_space<semaphore_mem>>)
    %dma_wait3A_190 = arith.constant 0 : i32
    %dma_wait3A_191 = arith.constant 3 : i32
    %dma_wait3A_192 = arith.constant 0 : i32
    %dma_wait3A_193 = tpu.memref_slice %arg11[%dma_wait3A_190, %dma_wait3A_191, %dma_wait3A_192] : memref<2x8x128xi32, #tpu.memory_space<vmem>> -> memref<1x1x128xi32, #tpu.memory_space<vmem>>
    %dma_wait3A_194 = tpu.memref_squeeze %dma_wait3A_193 : memref<1x1x128xi32, #tpu.memory_space<vmem>> -> memref<128xi32, #tpu.memory_space<vmem>>
    %dma_wait3A_195 = arith.constant 0 : i32
    %dma_wait3A_196 = arith.constant 0 : i32
    %dma_wait3A_197 = tpu.memref_slice %arg2[%dma_wait3A_195, %dma_wait3A_196] : memref<10240x128xf32, #tpu.memory_space<hbm>> -> memref<10240x128xf32, #tpu.memory_space<hbm>>
    tpu.wait_indirect_dma semaphore(%arg17 : memref<!tpu.dma_semaphore, #tpu.memory_space<semaphore_mem>>) src(%dma_wait3A_197 : memref<10240x128xf32, #tpu.memory_space<hbm>>) dst(%arg14 : memref<128x128xf32, #tpu.memory_space<vmem>>)
    %run_scoped3A_198 = arith.constant 0 : i32
    %run_scoped3A_199 = arith.constant 3 : i32
    "tpu.region"() ({
      %run_scoped3A_651 = tpu.sem_alloc : memref<!tpu.dma_semaphore, #tpu.memory_space<semaphore_mem>>
      %dma_start3A_652 = arith.constant 0 : i32
      %dma_start3A_653 = tpu.memref_slice %arg12[%run_scoped3A_198, %run_scoped3A_199, %dma_start3A_652] : memref<2x8x128xi32, #tpu.memory_space<vmem>> -> memref<1x1x128xi32, #tpu.memory_space<vmem>>
      %dma_start3A_654 = tpu.memref_squeeze %dma_start3A_653 : memref<1x1x128xi32, #tpu.memory_space<vmem>> -> memref<128xi32, #tpu.memory_space<vmem>>
      %dma_start3A_655 = arith.constant 0 : i32
      %dma_start3A_656 = arith.constant 0 : i32
      %dma_start3A_657 = tpu.memref_slice %arg9[%dma_start3A_655, %dma_start3A_656] : memref<10240x128xf32, #tpu.memory_space<vmem_shared>> -> memref<10240x128xf32, #tpu.memory_space<vmem_shared>>
      tpu.enqueue_indirect_dma source(%arg14 : memref<128x128xf32, #tpu.memory_space<vmem>>) target(%dma_start3A_657 : memref<10240x128xf32, #tpu.memory_space<vmem_shared>>) offsets(%dma_start3A_654 : memref<128xi32, #tpu.memory_space<vmem>>) semaphore(%run_scoped3A_651 : memref<!tpu.dma_semaphore, #tpu.memory_space<semaphore_mem>>) {add = true}
      %dma_wait3A_658 = arith.constant 0 : i32
      %dma_wait3A_659 = tpu.memref_slice %arg12[%run_scoped3A_198, %run_scoped3A_199, %dma_wait3A_658] : memref<2x8x128xi32, #tpu.memory_space<vmem>> -> memref<1x1x128xi32, #tpu.memory_space<vmem>>
      %dma_wait3A_660 = tpu.memref_squeeze %dma_wait3A_659 : memref<1x1x128xi32, #tpu.memory_space<vmem>> -> memref<128xi32, #tpu.memory_space<vmem>>
      %dma_wait3A_661 = arith.constant 0 : i32
      %dma_wait3A_662 = arith.constant 0 : i32
      %dma_wait3A_663 = tpu.memref_slice %arg9[%dma_wait3A_661, %dma_wait3A_662] : memref<10240x128xf32, #tpu.memory_space<vmem_shared>> -> memref<10240x128xf32, #tpu.memory_space<vmem_shared>>
      tpu.wait_indirect_dma semaphore(%run_scoped3A_651 : memref<!tpu.dma_semaphore, #tpu.memory_space<semaphore_mem>>) src(%arg14 : memref<128x128xf32, #tpu.memory_space<vmem>>) dst(%dma_wait3A_663 : memref<10240x128xf32, #tpu.memory_space<vmem_shared>>)
      tpu.yield
    }) : () -> ()
    %dma_start3A_200 = arith.constant 0 : i32
    %dma_start3A_201 = arith.constant 3 : i32
    %dma_start3A_202 = arith.constant 0 : i32
    %dma_start3A_203 = tpu.memref_slice %arg12[%dma_start3A_200, %dma_start3A_201, %dma_start3A_202] : memref<2x8x128xi32, #tpu.memory_space<vmem>> -> memref<1x1x128xi32, #tpu.memory_space<vmem>>
    %dma_start3A_204 = tpu.memref_squeeze %dma_start3A_203 : memref<1x1x128xi32, #tpu.memory_space<vmem>> -> memref<128xi32, #tpu.memory_space<vmem>>
    %dma_start3A_205 = arith.constant 0 : i32
    %dma_start3A_206 = tpu.memref_slice %arg10[%dma_start3A_205] : memref<10240xf32, #tpu.memory_space<vmem_shared>> -> memref<10240xf32, #tpu.memory_space<vmem_shared>>
    tpu.enqueue_indirect_dma source(%arg15 : memref<128xf32, #tpu.memory_space<vmem>>) target(%dma_start3A_206 : memref<10240xf32, #tpu.memory_space<vmem_shared>>) offsets(%dma_start3A_204 : memref<128xi32, #tpu.memory_space<vmem>>) semaphore(%arg19 : memref<!tpu.dma_semaphore, #tpu.memory_space<semaphore_mem>>) {add = true}
    %dma_start3A_207 = arith.constant 0 : i32
    %dma_start3A_208 = arith.constant 5 : i32
    %dma_start3A_209 = arith.constant 0 : i32
    %dma_start3A_210 = tpu.memref_slice %arg11[%dma_start3A_207, %dma_start3A_208, %dma_start3A_209] : memref<2x8x128xi32, #tpu.memory_space<vmem>> -> memref<1x1x128xi32, #tpu.memory_space<vmem>>
    %dma_start3A_211 = tpu.memref_squeeze %dma_start3A_210 : memref<1x1x128xi32, #tpu.memory_space<vmem>> -> memref<128xi32, #tpu.memory_space<vmem>>
    %dma_start3A_212 = arith.constant 0 : i32
    %dma_start3A_213 = arith.constant 0 : i32
    %dma_start3A_214 = tpu.memref_slice %arg2[%dma_start3A_212, %dma_start3A_213] : memref<10240x128xf32, #tpu.memory_space<hbm>> -> memref<10240x128xf32, #tpu.memory_space<hbm>>
    tpu.enqueue_indirect_dma source(%dma_start3A_214 : memref<10240x128xf32, #tpu.memory_space<hbm>>) target(%arg14 : memref<128x128xf32, #tpu.memory_space<vmem>>) offsets(%dma_start3A_211 : memref<128xi32, #tpu.memory_space<vmem>>) semaphore(%arg17 : memref<!tpu.dma_semaphore, #tpu.memory_space<semaphore_mem>>)
    %dma_wait3A_215 = arith.constant 0 : i32
    %dma_wait3A_216 = arith.constant 4 : i32
    %dma_wait3A_217 = arith.constant 0 : i32
    %dma_wait3A_218 = tpu.memref_slice %arg11[%dma_wait3A_215, %dma_wait3A_216, %dma_wait3A_217] : memref<2x8x128xi32, #tpu.memory_space<vmem>> -> memref<1x1x128xi32, #tpu.memory_space<vmem>>
    %dma_wait3A_219 = tpu.memref_squeeze %dma_wait3A_218 : memref<1x1x128xi32, #tpu.memory_space<vmem>> -> memref<128xi32, #tpu.memory_space<vmem>>
    %dma_wait3A_220 = arith.constant 0 : i32
    %dma_wait3A_221 = arith.constant 0 : i32
    %dma_wait3A_222 = tpu.memref_slice %arg2[%dma_wait3A_220, %dma_wait3A_221] : memref<10240x128xf32, #tpu.memory_space<hbm>> -> memref<10240x128xf32, #tpu.memory_space<hbm>>
    tpu.wait_indirect_dma semaphore(%arg16 : memref<!tpu.dma_semaphore, #tpu.memory_space<semaphore_mem>>) src(%dma_wait3A_222 : memref<10240x128xf32, #tpu.memory_space<hbm>>) dst(%arg13 : memref<128x128xf32, #tpu.memory_space<vmem>>)
    %run_scoped3A_223 = arith.constant 0 : i32
    %run_scoped3A_224 = arith.constant 4 : i32
    "tpu.region"() ({
      %run_scoped3A_651 = tpu.sem_alloc : memref<!tpu.dma_semaphore, #tpu.memory_space<semaphore_mem>>
      %dma_start3A_652 = arith.constant 0 : i32
      %dma_start3A_653 = tpu.memref_slice %arg12[%run_scoped3A_223, %run_scoped3A_224, %dma_start3A_652] : memref<2x8x128xi32, #tpu.memory_space<vmem>> -> memref<1x1x128xi32, #tpu.memory_space<vmem>>
      %dma_start3A_654 = tpu.memref_squeeze %dma_start3A_653 : memref<1x1x128xi32, #tpu.memory_space<vmem>> -> memref<128xi32, #tpu.memory_space<vmem>>
      %dma_start3A_655 = arith.constant 0 : i32
      %dma_start3A_656 = arith.constant 0 : i32
      %dma_start3A_657 = tpu.memref_slice %arg9[%dma_start3A_655, %dma_start3A_656] : memref<10240x128xf32, #tpu.memory_space<vmem_shared>> -> memref<10240x128xf32, #tpu.memory_space<vmem_shared>>
      tpu.enqueue_indirect_dma source(%arg13 : memref<128x128xf32, #tpu.memory_space<vmem>>) target(%dma_start3A_657 : memref<10240x128xf32, #tpu.memory_space<vmem_shared>>) offsets(%dma_start3A_654 : memref<128xi32, #tpu.memory_space<vmem>>) semaphore(%run_scoped3A_651 : memref<!tpu.dma_semaphore, #tpu.memory_space<semaphore_mem>>) {add = true}
      %dma_wait3A_658 = arith.constant 0 : i32
      %dma_wait3A_659 = tpu.memref_slice %arg12[%run_scoped3A_223, %run_scoped3A_224, %dma_wait3A_658] : memref<2x8x128xi32, #tpu.memory_space<vmem>> -> memref<1x1x128xi32, #tpu.memory_space<vmem>>
      %dma_wait3A_660 = tpu.memref_squeeze %dma_wait3A_659 : memref<1x1x128xi32, #tpu.memory_space<vmem>> -> memref<128xi32, #tpu.memory_space<vmem>>
      %dma_wait3A_661 = arith.constant 0 : i32
      %dma_wait3A_662 = arith.constant 0 : i32
      %dma_wait3A_663 = tpu.memref_slice %arg9[%dma_wait3A_661, %dma_wait3A_662] : memref<10240x128xf32, #tpu.memory_space<vmem_shared>> -> memref<10240x128xf32, #tpu.memory_space<vmem_shared>>
      tpu.wait_indirect_dma semaphore(%run_scoped3A_651 : memref<!tpu.dma_semaphore, #tpu.memory_space<semaphore_mem>>) src(%arg13 : memref<128x128xf32, #tpu.memory_space<vmem>>) dst(%dma_wait3A_663 : memref<10240x128xf32, #tpu.memory_space<vmem_shared>>)
      tpu.yield
    }) : () -> ()
    %dma_start3A_225 = arith.constant 0 : i32
    %dma_start3A_226 = arith.constant 4 : i32
    %dma_start3A_227 = arith.constant 0 : i32
    %dma_start3A_228 = tpu.memref_slice %arg12[%dma_start3A_225, %dma_start3A_226, %dma_start3A_227] : memref<2x8x128xi32, #tpu.memory_space<vmem>> -> memref<1x1x128xi32, #tpu.memory_space<vmem>>
    %dma_start3A_229 = tpu.memref_squeeze %dma_start3A_228 : memref<1x1x128xi32, #tpu.memory_space<vmem>> -> memref<128xi32, #tpu.memory_space<vmem>>
    %dma_start3A_230 = arith.constant 0 : i32
    %dma_start3A_231 = tpu.memref_slice %arg10[%dma_start3A_230] : memref<10240xf32, #tpu.memory_space<vmem_shared>> -> memref<10240xf32, #tpu.memory_space<vmem_shared>>
    tpu.enqueue_indirect_dma source(%arg15 : memref<128xf32, #tpu.memory_space<vmem>>) target(%dma_start3A_231 : memref<10240xf32, #tpu.memory_space<vmem_shared>>) offsets(%dma_start3A_229 : memref<128xi32, #tpu.memory_space<vmem>>) semaphore(%arg19 : memref<!tpu.dma_semaphore, #tpu.memory_space<semaphore_mem>>) {add = true}
    %dma_start3A_232 = arith.constant 0 : i32
    %dma_start3A_233 = arith.constant 6 : i32
    %dma_start3A_234 = arith.constant 0 : i32
    %dma_start3A_235 = tpu.memref_slice %arg11[%dma_start3A_232, %dma_start3A_233, %dma_start3A_234] : memref<2x8x128xi32, #tpu.memory_space<vmem>> -> memref<1x1x128xi32, #tpu.memory_space<vmem>>
    %dma_start3A_236 = tpu.memref_squeeze %dma_start3A_235 : memref<1x1x128xi32, #tpu.memory_space<vmem>> -> memref<128xi32, #tpu.memory_space<vmem>>
    %dma_start3A_237 = arith.constant 0 : i32
    %dma_start3A_238 = arith.constant 0 : i32
    %dma_start3A_239 = tpu.memref_slice %arg2[%dma_start3A_237, %dma_start3A_238] : memref<10240x128xf32, #tpu.memory_space<hbm>> -> memref<10240x128xf32, #tpu.memory_space<hbm>>
    tpu.enqueue_indirect_dma source(%dma_start3A_239 : memref<10240x128xf32, #tpu.memory_space<hbm>>) target(%arg13 : memref<128x128xf32, #tpu.memory_space<vmem>>) offsets(%dma_start3A_236 : memref<128xi32, #tpu.memory_space<vmem>>) semaphore(%arg16 : memref<!tpu.dma_semaphore, #tpu.memory_space<semaphore_mem>>)
    %dma_wait3A_240 = arith.constant 0 : i32
    %dma_wait3A_241 = arith.constant 5 : i32
    %dma_wait3A_242 = arith.constant 0 : i32
    %dma_wait3A_243 = tpu.memref_slice %arg11[%dma_wait3A_240, %dma_wait3A_241, %dma_wait3A_242] : memref<2x8x128xi32, #tpu.memory_space<vmem>> -> memref<1x1x128xi32, #tpu.memory_space<vmem>>
    %dma_wait3A_244 = tpu.memref_squeeze %dma_wait3A_243 : memref<1x1x128xi32, #tpu.memory_space<vmem>> -> memref<128xi32, #tpu.memory_space<vmem>>
    %dma_wait3A_245 = arith.constant 0 : i32
    %dma_wait3A_246 = arith.constant 0 : i32
    %dma_wait3A_247 = tpu.memref_slice %arg2[%dma_wait3A_245, %dma_wait3A_246] : memref<10240x128xf32, #tpu.memory_space<hbm>> -> memref<10240x128xf32, #tpu.memory_space<hbm>>
    tpu.wait_indirect_dma semaphore(%arg17 : memref<!tpu.dma_semaphore, #tpu.memory_space<semaphore_mem>>) src(%dma_wait3A_247 : memref<10240x128xf32, #tpu.memory_space<hbm>>) dst(%arg14 : memref<128x128xf32, #tpu.memory_space<vmem>>)
    %run_scoped3A_248 = arith.constant 0 : i32
    %run_scoped3A_249 = arith.constant 5 : i32
    "tpu.region"() ({
      %run_scoped3A_651 = tpu.sem_alloc : memref<!tpu.dma_semaphore, #tpu.memory_space<semaphore_mem>>
      %dma_start3A_652 = arith.constant 0 : i32
      %dma_start3A_653 = tpu.memref_slice %arg12[%run_scoped3A_248, %run_scoped3A_249, %dma_start3A_652] : memref<2x8x128xi32, #tpu.memory_space<vmem>> -> memref<1x1x128xi32, #tpu.memory_space<vmem>>
      %dma_start3A_654 = tpu.memref_squeeze %dma_start3A_653 : memref<1x1x128xi32, #tpu.memory_space<vmem>> -> memref<128xi32, #tpu.memory_space<vmem>>
      %dma_start3A_655 = arith.constant 0 : i32
      %dma_start3A_656 = arith.constant 0 : i32
      %dma_start3A_657 = tpu.memref_slice %arg9[%dma_start3A_655, %dma_start3A_656] : memref<10240x128xf32, #tpu.memory_space<vmem_shared>> -> memref<10240x128xf32, #tpu.memory_space<vmem_shared>>
      tpu.enqueue_indirect_dma source(%arg14 : memref<128x128xf32, #tpu.memory_space<vmem>>) target(%dma_start3A_657 : memref<10240x128xf32, #tpu.memory_space<vmem_shared>>) offsets(%dma_start3A_654 : memref<128xi32, #tpu.memory_space<vmem>>) semaphore(%run_scoped3A_651 : memref<!tpu.dma_semaphore, #tpu.memory_space<semaphore_mem>>) {add = true}
      %dma_wait3A_658 = arith.constant 0 : i32
      %dma_wait3A_659 = tpu.memref_slice %arg12[%run_scoped3A_248, %run_scoped3A_249, %dma_wait3A_658] : memref<2x8x128xi32, #tpu.memory_space<vmem>> -> memref<1x1x128xi32, #tpu.memory_space<vmem>>
      %dma_wait3A_660 = tpu.memref_squeeze %dma_wait3A_659 : memref<1x1x128xi32, #tpu.memory_space<vmem>> -> memref<128xi32, #tpu.memory_space<vmem>>
      %dma_wait3A_661 = arith.constant 0 : i32
      %dma_wait3A_662 = arith.constant 0 : i32
      %dma_wait3A_663 = tpu.memref_slice %arg9[%dma_wait3A_661, %dma_wait3A_662] : memref<10240x128xf32, #tpu.memory_space<vmem_shared>> -> memref<10240x128xf32, #tpu.memory_space<vmem_shared>>
      tpu.wait_indirect_dma semaphore(%run_scoped3A_651 : memref<!tpu.dma_semaphore, #tpu.memory_space<semaphore_mem>>) src(%arg14 : memref<128x128xf32, #tpu.memory_space<vmem>>) dst(%dma_wait3A_663 : memref<10240x128xf32, #tpu.memory_space<vmem_shared>>)
      tpu.yield
    }) : () -> ()
    %dma_start3A_250 = arith.constant 0 : i32
    %dma_start3A_251 = arith.constant 5 : i32
    %dma_start3A_252 = arith.constant 0 : i32
    %dma_start3A_253 = tpu.memref_slice %arg12[%dma_start3A_250, %dma_start3A_251, %dma_start3A_252] : memref<2x8x128xi32, #tpu.memory_space<vmem>> -> memref<1x1x128xi32, #tpu.memory_space<vmem>>
    %dma_start3A_254 = tpu.memref_squeeze %dma_start3A_253 : memref<1x1x128xi32, #tpu.memory_space<vmem>> -> memref<128xi32, #tpu.memory_space<vmem>>
    %dma_start3A_255 = arith.constant 0 : i32
    %dma_start3A_256 = tpu.memref_slice %arg10[%dma_start3A_255] : memref<10240xf32, #tpu.memory_space<vmem_shared>> -> memref<10240xf32, #tpu.memory_space<vmem_shared>>
    tpu.enqueue_indirect_dma source(%arg15 : memref<128xf32, #tpu.memory_space<vmem>>) target(%dma_start3A_256 : memref<10240xf32, #tpu.memory_space<vmem_shared>>) offsets(%dma_start3A_254 : memref<128xi32, #tpu.memory_space<vmem>>) semaphore(%arg19 : memref<!tpu.dma_semaphore, #tpu.memory_space<semaphore_mem>>) {add = true}
    %dma_start3A_257 = arith.constant 0 : i32
    %dma_start3A_258 = arith.constant 7 : i32
    %dma_start3A_259 = arith.constant 0 : i32
    %dma_start3A_260 = tpu.memref_slice %arg11[%dma_start3A_257, %dma_start3A_258, %dma_start3A_259] : memref<2x8x128xi32, #tpu.memory_space<vmem>> -> memref<1x1x128xi32, #tpu.memory_space<vmem>>
    %dma_start3A_261 = tpu.memref_squeeze %dma_start3A_260 : memref<1x1x128xi32, #tpu.memory_space<vmem>> -> memref<128xi32, #tpu.memory_space<vmem>>
    %dma_start3A_262 = arith.constant 0 : i32
    %dma_start3A_263 = arith.constant 0 : i32
    %dma_start3A_264 = tpu.memref_slice %arg2[%dma_start3A_262, %dma_start3A_263] : memref<10240x128xf32, #tpu.memory_space<hbm>> -> memref<10240x128xf32, #tpu.memory_space<hbm>>
    tpu.enqueue_indirect_dma source(%dma_start3A_264 : memref<10240x128xf32, #tpu.memory_space<hbm>>) target(%arg14 : memref<128x128xf32, #tpu.memory_space<vmem>>) offsets(%dma_start3A_261 : memref<128xi32, #tpu.memory_space<vmem>>) semaphore(%arg17 : memref<!tpu.dma_semaphore, #tpu.memory_space<semaphore_mem>>)
    %dma_wait3A_265 = arith.constant 0 : i32
    %dma_wait3A_266 = arith.constant 6 : i32
    %dma_wait3A_267 = arith.constant 0 : i32
    %dma_wait3A_268 = tpu.memref_slice %arg11[%dma_wait3A_265, %dma_wait3A_266, %dma_wait3A_267] : memref<2x8x128xi32, #tpu.memory_space<vmem>> -> memref<1x1x128xi32, #tpu.memory_space<vmem>>
    %dma_wait3A_269 = tpu.memref_squeeze %dma_wait3A_268 : memref<1x1x128xi32, #tpu.memory_space<vmem>> -> memref<128xi32, #tpu.memory_space<vmem>>
    %dma_wait3A_270 = arith.constant 0 : i32
    %dma_wait3A_271 = arith.constant 0 : i32
    %dma_wait3A_272 = tpu.memref_slice %arg2[%dma_wait3A_270, %dma_wait3A_271] : memref<10240x128xf32, #tpu.memory_space<hbm>> -> memref<10240x128xf32, #tpu.memory_space<hbm>>
    tpu.wait_indirect_dma semaphore(%arg16 : memref<!tpu.dma_semaphore, #tpu.memory_space<semaphore_mem>>) src(%dma_wait3A_272 : memref<10240x128xf32, #tpu.memory_space<hbm>>) dst(%arg13 : memref<128x128xf32, #tpu.memory_space<vmem>>)
    %run_scoped3A_273 = arith.constant 0 : i32
    %run_scoped3A_274 = arith.constant 6 : i32
    "tpu.region"() ({
      %run_scoped3A_651 = tpu.sem_alloc : memref<!tpu.dma_semaphore, #tpu.memory_space<semaphore_mem>>
      %dma_start3A_652 = arith.constant 0 : i32
      %dma_start3A_653 = tpu.memref_slice %arg12[%run_scoped3A_273, %run_scoped3A_274, %dma_start3A_652] : memref<2x8x128xi32, #tpu.memory_space<vmem>> -> memref<1x1x128xi32, #tpu.memory_space<vmem>>
      %dma_start3A_654 = tpu.memref_squeeze %dma_start3A_653 : memref<1x1x128xi32, #tpu.memory_space<vmem>> -> memref<128xi32, #tpu.memory_space<vmem>>
      %dma_start3A_655 = arith.constant 0 : i32
      %dma_start3A_656 = arith.constant 0 : i32
      %dma_start3A_657 = tpu.memref_slice %arg9[%dma_start3A_655, %dma_start3A_656] : memref<10240x128xf32, #tpu.memory_space<vmem_shared>> -> memref<10240x128xf32, #tpu.memory_space<vmem_shared>>
      tpu.enqueue_indirect_dma source(%arg13 : memref<128x128xf32, #tpu.memory_space<vmem>>) target(%dma_start3A_657 : memref<10240x128xf32, #tpu.memory_space<vmem_shared>>) offsets(%dma_start3A_654 : memref<128xi32, #tpu.memory_space<vmem>>) semaphore(%run_scoped3A_651 : memref<!tpu.dma_semaphore, #tpu.memory_space<semaphore_mem>>) {add = true}
      %dma_wait3A_658 = arith.constant 0 : i32
      %dma_wait3A_659 = tpu.memref_slice %arg12[%run_scoped3A_273, %run_scoped3A_274, %dma_wait3A_658] : memref<2x8x128xi32, #tpu.memory_space<vmem>> -> memref<1x1x128xi32, #tpu.memory_space<vmem>>
      %dma_wait3A_660 = tpu.memref_squeeze %dma_wait3A_659 : memref<1x1x128xi32, #tpu.memory_space<vmem>> -> memref<128xi32, #tpu.memory_space<vmem>>
      %dma_wait3A_661 = arith.constant 0 : i32
      %dma_wait3A_662 = arith.constant 0 : i32
      %dma_wait3A_663 = tpu.memref_slice %arg9[%dma_wait3A_661, %dma_wait3A_662] : memref<10240x128xf32, #tpu.memory_space<vmem_shared>> -> memref<10240x128xf32, #tpu.memory_space<vmem_shared>>
      tpu.wait_indirect_dma semaphore(%run_scoped3A_651 : memref<!tpu.dma_semaphore, #tpu.memory_space<semaphore_mem>>) src(%arg13 : memref<128x128xf32, #tpu.memory_space<vmem>>) dst(%dma_wait3A_663 : memref<10240x128xf32, #tpu.memory_space<vmem_shared>>)
      tpu.yield
    }) : () -> ()
    %dma_start3A_275 = arith.constant 0 : i32
    %dma_start3A_276 = arith.constant 6 : i32
    %dma_start3A_277 = arith.constant 0 : i32
    %dma_start3A_278 = tpu.memref_slice %arg12[%dma_start3A_275, %dma_start3A_276, %dma_start3A_277] : memref<2x8x128xi32, #tpu.memory_space<vmem>> -> memref<1x1x128xi32, #tpu.memory_space<vmem>>
    %dma_start3A_279 = tpu.memref_squeeze %dma_start3A_278 : memref<1x1x128xi32, #tpu.memory_space<vmem>> -> memref<128xi32, #tpu.memory_space<vmem>>
    %dma_start3A_280 = arith.constant 0 : i32
    %dma_start3A_281 = tpu.memref_slice %arg10[%dma_start3A_280] : memref<10240xf32, #tpu.memory_space<vmem_shared>> -> memref<10240xf32, #tpu.memory_space<vmem_shared>>
    tpu.enqueue_indirect_dma source(%arg15 : memref<128xf32, #tpu.memory_space<vmem>>) target(%dma_start3A_281 : memref<10240xf32, #tpu.memory_space<vmem_shared>>) offsets(%dma_start3A_279 : memref<128xi32, #tpu.memory_space<vmem>>) semaphore(%arg19 : memref<!tpu.dma_semaphore, #tpu.memory_space<semaphore_mem>>) {add = true}
    %dma_wait3A_282 = arith.constant 1 : i32
    %dma_wait3A_283 = arith.constant 0 : i32
    %dma_wait3A_284 = arith.constant 0 : i32
    %dma_wait3A_285 = tpu.memref_slice %arg11[%dma_wait3A_282, %dma_wait3A_283, %dma_wait3A_284] : memref<2x8x128xi32, #tpu.memory_space<vmem>> -> memref<1x8x128xi32, #tpu.memory_space<vmem>>
    %dma_wait3A_286 = tpu.memref_squeeze %dma_wait3A_285 : memref<1x8x128xi32, #tpu.memory_space<vmem>> -> memref<8x128xi32, #tpu.memory_space<vmem>>
    %dma_wait3A_287 = arith.constant 0 : i32
    %dma_wait3A_288 = tpu.memref_slice %arg3[%mul3A_57, %dma_wait3A_287] : memref<2560x128xi32, #tpu.memory_space<hbm>> -> memref<8x128xi32, #tpu.memory_space<hbm>>
    %dma_wait3A_289 = arith.constant 0 : i32
    %dma_wait3A_290 = arith.constant 0 : i32
    %dma_wait3A_291 = tpu.memref_slice %arg11[%dma_wait3A_282, %dma_wait3A_289, %dma_wait3A_290] : memref<2x8x128xi32, #tpu.memory_space<vmem>> -> memref<1x8x128xi32, #tpu.memory_space<vmem>>
    %dma_wait3A_292 = tpu.memref_squeeze %dma_wait3A_291 : memref<1x8x128xi32, #tpu.memory_space<vmem>> -> memref<8x128xi32, #tpu.memory_space<vmem>>
    %dma_wait3A_293 = arith.constant 0 : i32
    %dma_wait3A_294 = tpu.memref_slice %arg3[%mul3A_57, %dma_wait3A_293] : memref<2560x128xi32, #tpu.memory_space<hbm>> -> memref<8x128xi32, #tpu.memory_space<hbm>>
    tpu.wait_dma2 semaphore(%arg18 : memref<!tpu.dma_semaphore, #tpu.memory_space<semaphore_mem>>) src(%dma_wait3A_294 : memref<8x128xi32, #tpu.memory_space<hbm>>) dst(%dma_wait3A_292 : memref<8x128xi32, #tpu.memory_space<vmem>>)
    %dma_wait3A_295 = arith.constant 1 : i32
    %dma_wait3A_296 = arith.constant 0 : i32
    %dma_wait3A_297 = arith.constant 0 : i32
    %dma_wait3A_298 = tpu.memref_slice %arg12[%dma_wait3A_295, %dma_wait3A_296, %dma_wait3A_297] : memref<2x8x128xi32, #tpu.memory_space<vmem>> -> memref<1x8x128xi32, #tpu.memory_space<vmem>>
    %dma_wait3A_299 = tpu.memref_squeeze %dma_wait3A_298 : memref<1x8x128xi32, #tpu.memory_space<vmem>> -> memref<8x128xi32, #tpu.memory_space<vmem>>
    %dma_wait3A_300 = arith.constant 0 : i32
    %dma_wait3A_301 = tpu.memref_slice %arg4[%mul3A_57, %dma_wait3A_300] : memref<2560x128xi32, #tpu.memory_space<hbm>> -> memref<8x128xi32, #tpu.memory_space<hbm>>
    %dma_wait3A_302 = arith.constant 0 : i32
    %dma_wait3A_303 = arith.constant 0 : i32
    %dma_wait3A_304 = tpu.memref_slice %arg12[%dma_wait3A_295, %dma_wait3A_302, %dma_wait3A_303] : memref<2x8x128xi32, #tpu.memory_space<vmem>> -> memref<1x8x128xi32, #tpu.memory_space<vmem>>
    %dma_wait3A_305 = tpu.memref_squeeze %dma_wait3A_304 : memref<1x8x128xi32, #tpu.memory_space<vmem>> -> memref<8x128xi32, #tpu.memory_space<vmem>>
    %dma_wait3A_306 = arith.constant 0 : i32
    %dma_wait3A_307 = tpu.memref_slice %arg4[%mul3A_57, %dma_wait3A_306] : memref<2560x128xi32, #tpu.memory_space<hbm>> -> memref<8x128xi32, #tpu.memory_space<hbm>>
    tpu.wait_dma2 semaphore(%arg18 : memref<!tpu.dma_semaphore, #tpu.memory_space<semaphore_mem>>) src(%dma_wait3A_307 : memref<8x128xi32, #tpu.memory_space<hbm>>) dst(%dma_wait3A_305 : memref<8x128xi32, #tpu.memory_space<vmem>>)
    %dma_start3A_308 = arith.constant 1 : i32
    %dma_start3A_309 = arith.constant 0 : i32
    %dma_start3A_310 = arith.constant 0 : i32
    %dma_start3A_311 = tpu.memref_slice %arg11[%dma_start3A_308, %dma_start3A_309, %dma_start3A_310] : memref<2x8x128xi32, #tpu.memory_space<vmem>> -> memref<1x1x128xi32, #tpu.memory_space<vmem>>
    %dma_start3A_312 = tpu.memref_squeeze %dma_start3A_311 : memref<1x1x128xi32, #tpu.memory_space<vmem>> -> memref<128xi32, #tpu.memory_space<vmem>>
    %dma_start3A_313 = arith.constant 0 : i32
    %dma_start3A_314 = arith.constant 0 : i32
    %dma_start3A_315 = tpu.memref_slice %arg2[%dma_start3A_313, %dma_start3A_314] : memref<10240x128xf32, #tpu.memory_space<hbm>> -> memref<10240x128xf32, #tpu.memory_space<hbm>>
    tpu.enqueue_indirect_dma source(%dma_start3A_315 : memref<10240x128xf32, #tpu.memory_space<hbm>>) target(%arg13 : memref<128x128xf32, #tpu.memory_space<vmem>>) offsets(%dma_start3A_312 : memref<128xi32, #tpu.memory_space<vmem>>) semaphore(%arg16 : memref<!tpu.dma_semaphore, #tpu.memory_space<semaphore_mem>>)
    %dma_wait3A_316 = arith.constant 0 : i32
    %dma_wait3A_317 = arith.constant 7 : i32
    %dma_wait3A_318 = arith.constant 0 : i32
    %dma_wait3A_319 = tpu.memref_slice %arg11[%dma_wait3A_316, %dma_wait3A_317, %dma_wait3A_318] : memref<2x8x128xi32, #tpu.memory_space<vmem>> -> memref<1x1x128xi32, #tpu.memory_space<vmem>>
    %dma_wait3A_320 = tpu.memref_squeeze %dma_wait3A_319 : memref<1x1x128xi32, #tpu.memory_space<vmem>> -> memref<128xi32, #tpu.memory_space<vmem>>
    %dma_wait3A_321 = arith.constant 0 : i32
    %dma_wait3A_322 = arith.constant 0 : i32
    %dma_wait3A_323 = tpu.memref_slice %arg2[%dma_wait3A_321, %dma_wait3A_322] : memref<10240x128xf32, #tpu.memory_space<hbm>> -> memref<10240x128xf32, #tpu.memory_space<hbm>>
    tpu.wait_indirect_dma semaphore(%arg17 : memref<!tpu.dma_semaphore, #tpu.memory_space<semaphore_mem>>) src(%dma_wait3A_323 : memref<10240x128xf32, #tpu.memory_space<hbm>>) dst(%arg14 : memref<128x128xf32, #tpu.memory_space<vmem>>)
    %run_scoped3A_324 = arith.constant 0 : i32
    %run_scoped3A_325 = arith.constant 7 : i32
    "tpu.region"() ({
      %run_scoped3A_651 = tpu.sem_alloc : memref<!tpu.dma_semaphore, #tpu.memory_space<semaphore_mem>>
      %dma_start3A_652 = arith.constant 0 : i32
      %dma_start3A_653 = tpu.memref_slice %arg12[%run_scoped3A_324, %run_scoped3A_325, %dma_start3A_652] : memref<2x8x128xi32, #tpu.memory_space<vmem>> -> memref<1x1x128xi32, #tpu.memory_space<vmem>>
      %dma_start3A_654 = tpu.memref_squeeze %dma_start3A_653 : memref<1x1x128xi32, #tpu.memory_space<vmem>> -> memref<128xi32, #tpu.memory_space<vmem>>
      %dma_start3A_655 = arith.constant 0 : i32
      %dma_start3A_656 = arith.constant 0 : i32
      %dma_start3A_657 = tpu.memref_slice %arg9[%dma_start3A_655, %dma_start3A_656] : memref<10240x128xf32, #tpu.memory_space<vmem_shared>> -> memref<10240x128xf32, #tpu.memory_space<vmem_shared>>
      tpu.enqueue_indirect_dma source(%arg14 : memref<128x128xf32, #tpu.memory_space<vmem>>) target(%dma_start3A_657 : memref<10240x128xf32, #tpu.memory_space<vmem_shared>>) offsets(%dma_start3A_654 : memref<128xi32, #tpu.memory_space<vmem>>) semaphore(%run_scoped3A_651 : memref<!tpu.dma_semaphore, #tpu.memory_space<semaphore_mem>>) {add = true}
      %dma_wait3A_658 = arith.constant 0 : i32
      %dma_wait3A_659 = tpu.memref_slice %arg12[%run_scoped3A_324, %run_scoped3A_325, %dma_wait3A_658] : memref<2x8x128xi32, #tpu.memory_space<vmem>> -> memref<1x1x128xi32, #tpu.memory_space<vmem>>
      %dma_wait3A_660 = tpu.memref_squeeze %dma_wait3A_659 : memref<1x1x128xi32, #tpu.memory_space<vmem>> -> memref<128xi32, #tpu.memory_space<vmem>>
      %dma_wait3A_661 = arith.constant 0 : i32
      %dma_wait3A_662 = arith.constant 0 : i32
      %dma_wait3A_663 = tpu.memref_slice %arg9[%dma_wait3A_661, %dma_wait3A_662] : memref<10240x128xf32, #tpu.memory_space<vmem_shared>> -> memref<10240x128xf32, #tpu.memory_space<vmem_shared>>
      tpu.wait_indirect_dma semaphore(%run_scoped3A_651 : memref<!tpu.dma_semaphore, #tpu.memory_space<semaphore_mem>>) src(%arg14 : memref<128x128xf32, #tpu.memory_space<vmem>>) dst(%dma_wait3A_663 : memref<10240x128xf32, #tpu.memory_space<vmem_shared>>)
      tpu.yield
    }) : () -> ()
    %dma_start3A_326 = arith.constant 0 : i32
    %dma_start3A_327 = arith.constant 7 : i32
    %dma_start3A_328 = arith.constant 0 : i32
    %dma_start3A_329 = tpu.memref_slice %arg12[%dma_start3A_326, %dma_start3A_327, %dma_start3A_328] : memref<2x8x128xi32, #tpu.memory_space<vmem>> -> memref<1x1x128xi32, #tpu.memory_space<vmem>>
    %dma_start3A_330 = tpu.memref_squeeze %dma_start3A_329 : memref<1x1x128xi32, #tpu.memory_space<vmem>> -> memref<128xi32, #tpu.memory_space<vmem>>
    %dma_start3A_331 = arith.constant 0 : i32
    %dma_start3A_332 = tpu.memref_slice %arg10[%dma_start3A_331] : memref<10240xf32, #tpu.memory_space<vmem_shared>> -> memref<10240xf32, #tpu.memory_space<vmem_shared>>
    tpu.enqueue_indirect_dma source(%arg15 : memref<128xf32, #tpu.memory_space<vmem>>) target(%dma_start3A_332 : memref<10240xf32, #tpu.memory_space<vmem_shared>>) offsets(%dma_start3A_330 : memref<128xi32, #tpu.memory_space<vmem>>) semaphore(%arg19 : memref<!tpu.dma_semaphore, #tpu.memory_space<semaphore_mem>>) {add = true}
    %dma_start3A_333 = arith.constant 1 : i32
    %dma_start3A_334 = arith.constant 1 : i32
    %dma_start3A_335 = arith.constant 0 : i32
    %dma_start3A_336 = tpu.memref_slice %arg11[%dma_start3A_333, %dma_start3A_334, %dma_start3A_335] : memref<2x8x128xi32, #tpu.memory_space<vmem>> -> memref<1x1x128xi32, #tpu.memory_space<vmem>>
    %dma_start3A_337 = tpu.memref_squeeze %dma_start3A_336 : memref<1x1x128xi32, #tpu.memory_space<vmem>> -> memref<128xi32, #tpu.memory_space<vmem>>
    %dma_start3A_338 = arith.constant 0 : i32
    %dma_start3A_339 = arith.constant 0 : i32
    %dma_start3A_340 = tpu.memref_slice %arg2[%dma_start3A_338, %dma_start3A_339] : memref<10240x128xf32, #tpu.memory_space<hbm>> -> memref<10240x128xf32, #tpu.memory_space<hbm>>
    tpu.enqueue_indirect_dma source(%dma_start3A_340 : memref<10240x128xf32, #tpu.memory_space<hbm>>) target(%arg14 : memref<128x128xf32, #tpu.memory_space<vmem>>) offsets(%dma_start3A_337 : memref<128xi32, #tpu.memory_space<vmem>>) semaphore(%arg17 : memref<!tpu.dma_semaphore, #tpu.memory_space<semaphore_mem>>)
    %dma_wait3A_341 = arith.constant 0 : i32
    %dma_wait3A_342 = arith.constant 0 : i32
    %dma_wait3A_343 = arith.constant 0 : i32
    %dma_wait3A_344 = tpu.memref_slice %arg12[%dma_wait3A_341, %dma_wait3A_342, %dma_wait3A_343] : memref<2x8x128xi32, #tpu.memory_space<vmem>> -> memref<1x1x128xi32, #tpu.memory_space<vmem>>
    %dma_wait3A_345 = tpu.memref_squeeze %dma_wait3A_344 : memref<1x1x128xi32, #tpu.memory_space<vmem>> -> memref<128xi32, #tpu.memory_space<vmem>>
    %dma_wait3A_346 = arith.constant 0 : i32
    %dma_wait3A_347 = tpu.memref_slice %arg10[%dma_wait3A_346] : memref<10240xf32, #tpu.memory_space<vmem_shared>> -> memref<10240xf32, #tpu.memory_space<vmem_shared>>
    tpu.wait_indirect_dma semaphore(%arg19 : memref<!tpu.dma_semaphore, #tpu.memory_space<semaphore_mem>>) src(%arg15 : memref<128xf32, #tpu.memory_space<vmem>>) dst(%dma_wait3A_347 : memref<10240xf32, #tpu.memory_space<vmem_shared>>)
    %dma_wait3A_348 = arith.constant 0 : i32
    %dma_wait3A_349 = arith.constant 0 : i32
    %dma_wait3A_350 = arith.constant 0 : i32
    %dma_wait3A_351 = tpu.memref_slice %arg12[%dma_wait3A_348, %dma_wait3A_349, %dma_wait3A_350] : memref<2x8x128xi32, #tpu.memory_space<vmem>> -> memref<1x1x128xi32, #tpu.memory_space<vmem>>
    %dma_wait3A_352 = tpu.memref_squeeze %dma_wait3A_351 : memref<1x1x128xi32, #tpu.memory_space<vmem>> -> memref<128xi32, #tpu.memory_space<vmem>>
    %dma_wait3A_353 = arith.constant 0 : i32
    %dma_wait3A_354 = tpu.memref_slice %arg10[%dma_wait3A_353] : memref<10240xf32, #tpu.memory_space<vmem_shared>> -> memref<10240xf32, #tpu.memory_space<vmem_shared>>
    tpu.wait_indirect_dma semaphore(%arg19 : memref<!tpu.dma_semaphore, #tpu.memory_space<semaphore_mem>>) src(%arg15 : memref<128xf32, #tpu.memory_space<vmem>>) dst(%dma_wait3A_354 : memref<10240xf32, #tpu.memory_space<vmem_shared>>)
    %dma_wait3A_355 = arith.constant 0 : i32
    %dma_wait3A_356 = arith.constant 0 : i32
    %dma_wait3A_357 = arith.constant 0 : i32
    %dma_wait3A_358 = tpu.memref_slice %arg12[%dma_wait3A_355, %dma_wait3A_356, %dma_wait3A_357] : memref<2x8x128xi32, #tpu.memory_space<vmem>> -> memref<1x1x128xi32, #tpu.memory_space<vmem>>
    %dma_wait3A_359 = tpu.memref_squeeze %dma_wait3A_358 : memref<1x1x128xi32, #tpu.memory_space<vmem>> -> memref<128xi32, #tpu.memory_space<vmem>>
    %dma_wait3A_360 = arith.constant 0 : i32
    %dma_wait3A_361 = tpu.memref_slice %arg10[%dma_wait3A_360] : memref<10240xf32, #tpu.memory_space<vmem_shared>> -> memref<10240xf32, #tpu.memory_space<vmem_shared>>
    tpu.wait_indirect_dma semaphore(%arg19 : memref<!tpu.dma_semaphore, #tpu.memory_space<semaphore_mem>>) src(%arg15 : memref<128xf32, #tpu.memory_space<vmem>>) dst(%dma_wait3A_361 : memref<10240xf32, #tpu.memory_space<vmem_shared>>)
    %dma_wait3A_362 = arith.constant 0 : i32
    %dma_wait3A_363 = arith.constant 0 : i32
    %dma_wait3A_364 = arith.constant 0 : i32
    %dma_wait3A_365 = tpu.memref_slice %arg12[%dma_wait3A_362, %dma_wait3A_363, %dma_wait3A_364] : memref<2x8x128xi32, #tpu.memory_space<vmem>> -> memref<1x1x128xi32, #tpu.memory_space<vmem>>
    %dma_wait3A_366 = tpu.memref_squeeze %dma_wait3A_365 : memref<1x1x128xi32, #tpu.memory_space<vmem>> -> memref<128xi32, #tpu.memory_space<vmem>>
    %dma_wait3A_367 = arith.constant 0 : i32
    %dma_wait3A_368 = tpu.memref_slice %arg10[%dma_wait3A_367] : memref<10240xf32, #tpu.memory_space<vmem_shared>> -> memref<10240xf32, #tpu.memory_space<vmem_shared>>
    tpu.wait_indirect_dma semaphore(%arg19 : memref<!tpu.dma_semaphore, #tpu.memory_space<semaphore_mem>>) src(%arg15 : memref<128xf32, #tpu.memory_space<vmem>>) dst(%dma_wait3A_368 : memref<10240xf32, #tpu.memory_space<vmem_shared>>)
    %dma_wait3A_369 = arith.constant 0 : i32
    %dma_wait3A_370 = arith.constant 0 : i32
    %dma_wait3A_371 = arith.constant 0 : i32
    %dma_wait3A_372 = tpu.memref_slice %arg12[%dma_wait3A_369, %dma_wait3A_370, %dma_wait3A_371] : memref<2x8x128xi32, #tpu.memory_space<vmem>> -> memref<1x1x128xi32, #tpu.memory_space<vmem>>
    %dma_wait3A_373 = tpu.memref_squeeze %dma_wait3A_372 : memref<1x1x128xi32, #tpu.memory_space<vmem>> -> memref<128xi32, #tpu.memory_space<vmem>>
    %dma_wait3A_374 = arith.constant 0 : i32
    %dma_wait3A_375 = tpu.memref_slice %arg10[%dma_wait3A_374] : memref<10240xf32, #tpu.memory_space<vmem_shared>> -> memref<10240xf32, #tpu.memory_space<vmem_shared>>
    tpu.wait_indirect_dma semaphore(%arg19 : memref<!tpu.dma_semaphore, #tpu.memory_space<semaphore_mem>>) src(%arg15 : memref<128xf32, #tpu.memory_space<vmem>>) dst(%dma_wait3A_375 : memref<10240xf32, #tpu.memory_space<vmem_shared>>)
    %dma_wait3A_376 = arith.constant 0 : i32
    %dma_wait3A_377 = arith.constant 0 : i32
    %dma_wait3A_378 = arith.constant 0 : i32
    %dma_wait3A_379 = tpu.memref_slice %arg12[%dma_wait3A_376, %dma_wait3A_377, %dma_wait3A_378] : memref<2x8x128xi32, #tpu.memory_space<vmem>> -> memref<1x1x128xi32, #tpu.memory_space<vmem>>
    %dma_wait3A_380 = tpu.memref_squeeze %dma_wait3A_379 : memref<1x1x128xi32, #tpu.memory_space<vmem>> -> memref<128xi32, #tpu.memory_space<vmem>>
    %dma_wait3A_381 = arith.constant 0 : i32
    %dma_wait3A_382 = tpu.memref_slice %arg10[%dma_wait3A_381] : memref<10240xf32, #tpu.memory_space<vmem_shared>> -> memref<10240xf32, #tpu.memory_space<vmem_shared>>
    tpu.wait_indirect_dma semaphore(%arg19 : memref<!tpu.dma_semaphore, #tpu.memory_space<semaphore_mem>>) src(%arg15 : memref<128xf32, #tpu.memory_space<vmem>>) dst(%dma_wait3A_382 : memref<10240xf32, #tpu.memory_space<vmem_shared>>)
    %dma_wait3A_383 = arith.constant 0 : i32
    %dma_wait3A_384 = arith.constant 0 : i32
    %dma_wait3A_385 = arith.constant 0 : i32
    %dma_wait3A_386 = tpu.memref_slice %arg12[%dma_wait3A_383, %dma_wait3A_384, %dma_wait3A_385] : memref<2x8x128xi32, #tpu.memory_space<vmem>> -> memref<1x1x128xi32, #tpu.memory_space<vmem>>
    %dma_wait3A_387 = tpu.memref_squeeze %dma_wait3A_386 : memref<1x1x128xi32, #tpu.memory_space<vmem>> -> memref<128xi32, #tpu.memory_space<vmem>>
    %dma_wait3A_388 = arith.constant 0 : i32
    %dma_wait3A_389 = tpu.memref_slice %arg10[%dma_wait3A_388] : memref<10240xf32, #tpu.memory_space<vmem_shared>> -> memref<10240xf32, #tpu.memory_space<vmem_shared>>
    tpu.wait_indirect_dma semaphore(%arg19 : memref<!tpu.dma_semaphore, #tpu.memory_space<semaphore_mem>>) src(%arg15 : memref<128xf32, #tpu.memory_space<vmem>>) dst(%dma_wait3A_389 : memref<10240xf32, #tpu.memory_space<vmem_shared>>)
    %dma_wait3A_390 = arith.constant 0 : i32
    %dma_wait3A_391 = arith.constant 0 : i32
    %dma_wait3A_392 = arith.constant 0 : i32
    %dma_wait3A_393 = tpu.memref_slice %arg12[%dma_wait3A_390, %dma_wait3A_391, %dma_wait3A_392] : memref<2x8x128xi32, #tpu.memory_space<vmem>> -> memref<1x1x128xi32, #tpu.memory_space<vmem>>
    %dma_wait3A_394 = tpu.memref_squeeze %dma_wait3A_393 : memref<1x1x128xi32, #tpu.memory_space<vmem>> -> memref<128xi32, #tpu.memory_space<vmem>>
    %dma_wait3A_395 = arith.constant 0 : i32
    %dma_wait3A_396 = tpu.memref_slice %arg10[%dma_wait3A_395] : memref<10240xf32, #tpu.memory_space<vmem_shared>> -> memref<10240xf32, #tpu.memory_space<vmem_shared>>
    tpu.wait_indirect_dma semaphore(%arg19 : memref<!tpu.dma_semaphore, #tpu.memory_space<semaphore_mem>>) src(%arg15 : memref<128xf32, #tpu.memory_space<vmem>>) dst(%dma_wait3A_396 : memref<10240xf32, #tpu.memory_space<vmem_shared>>)
    %scan3A = arith.constant 1 : i32
    %scan3A_397 = arith.constant 8 : i32
    %scan3A_398 = arith.addi %scan3A, %scan3A_397 : i32
    %scan3A_399 = arith.constant 1 : i32
    scf.for %scan3A_651 = %scan3A to %scan3A_398 step %scan3A_399  : i32 {
      %rem3A = arith.constant 2 : i32
      %rem3A_652 = arith.remsi %scan3A_651, %rem3A : i32
      %sub3A = arith.constant 1 : i32
      %sub3A_653 = arith.subi %sub3A, %rem3A_652 : i32
      %dma_wait3A_654 = arith.constant 0 : i32
      %dma_wait3A_655 = arith.constant 0 : i32
      %dma_wait3A_656 = tpu.memref_slice %arg11[%rem3A_652, %dma_wait3A_654, %dma_wait3A_655] : memref<2x8x128xi32, #tpu.memory_space<vmem>> -> memref<1x1x128xi32, #tpu.memory_space<vmem>>
      %dma_wait3A_657 = tpu.memref_squeeze %dma_wait3A_656 : memref<1x1x128xi32, #tpu.memory_space<vmem>> -> memref<128xi32, #tpu.memory_space<vmem>>
      %dma_wait3A_658 = arith.constant 0 : i32
      %dma_wait3A_659 = arith.constant 0 : i32
      %dma_wait3A_660 = tpu.memref_slice %arg2[%dma_wait3A_658, %dma_wait3A_659] : memref<10240x128xf32, #tpu.memory_space<hbm>> -> memref<10240x128xf32, #tpu.memory_space<hbm>>
      tpu.wait_indirect_dma semaphore(%arg16 : memref<!tpu.dma_semaphore, #tpu.memory_space<semaphore_mem>>) src(%dma_wait3A_660 : memref<10240x128xf32, #tpu.memory_space<hbm>>) dst(%arg13 : memref<128x128xf32, #tpu.memory_space<vmem>>)
      %run_scoped3A_661 = arith.constant 0 : i32
      "tpu.region"() ({
        %run_scoped3A_931 = tpu.sem_alloc : memref<!tpu.dma_semaphore, #tpu.memory_space<semaphore_mem>>
        %dma_start3A_932 = arith.constant 0 : i32
        %dma_start3A_933 = tpu.memref_slice %arg12[%rem3A_652, %run_scoped3A_661, %dma_start3A_932] : memref<2x8x128xi32, #tpu.memory_space<vmem>> -> memref<1x1x128xi32, #tpu.memory_space<vmem>>
        %dma_start3A_934 = tpu.memref_squeeze %dma_start3A_933 : memref<1x1x128xi32, #tpu.memory_space<vmem>> -> memref<128xi32, #tpu.memory_space<vmem>>
        %dma_start3A_935 = arith.constant 0 : i32
        %dma_start3A_936 = arith.constant 0 : i32
        %dma_start3A_937 = tpu.memref_slice %arg9[%dma_start3A_935, %dma_start3A_936] : memref<10240x128xf32, #tpu.memory_space<vmem_shared>> -> memref<10240x128xf32, #tpu.memory_space<vmem_shared>>
        tpu.enqueue_indirect_dma source(%arg13 : memref<128x128xf32, #tpu.memory_space<vmem>>) target(%dma_start3A_937 : memref<10240x128xf32, #tpu.memory_space<vmem_shared>>) offsets(%dma_start3A_934 : memref<128xi32, #tpu.memory_space<vmem>>) semaphore(%run_scoped3A_931 : memref<!tpu.dma_semaphore, #tpu.memory_space<semaphore_mem>>) {add = true}
        %dma_wait3A_938 = arith.constant 0 : i32
        %dma_wait3A_939 = tpu.memref_slice %arg12[%rem3A_652, %run_scoped3A_661, %dma_wait3A_938] : memref<2x8x128xi32, #tpu.memory_space<vmem>> -> memref<1x1x128xi32, #tpu.memory_space<vmem>>
        %dma_wait3A_940 = tpu.memref_squeeze %dma_wait3A_939 : memref<1x1x128xi32, #tpu.memory_space<vmem>> -> memref<128xi32, #tpu.memory_space<vmem>>
        %dma_wait3A_941 = arith.constant 0 : i32
        %dma_wait3A_942 = arith.constant 0 : i32
        %dma_wait3A_943 = tpu.memref_slice %arg9[%dma_wait3A_941, %dma_wait3A_942] : memref<10240x128xf32, #tpu.memory_space<vmem_shared>> -> memref<10240x128xf32, #tpu.memory_space<vmem_shared>>
        tpu.wait_indirect_dma semaphore(%run_scoped3A_931 : memref<!tpu.dma_semaphore, #tpu.memory_space<semaphore_mem>>) src(%arg13 : memref<128x128xf32, #tpu.memory_space<vmem>>) dst(%dma_wait3A_943 : memref<10240x128xf32, #tpu.memory_space<vmem_shared>>)
        tpu.yield
      }) : () -> ()
      %dma_start3A_662 = arith.constant 0 : i32
      %dma_start3A_663 = arith.constant 0 : i32
      %dma_start3A_664 = tpu.memref_slice %arg12[%rem3A_652, %dma_start3A_662, %dma_start3A_663] : memref<2x8x128xi32, #tpu.memory_space<vmem>> -> memref<1x1x128xi32, #tpu.memory_space<vmem>>
      %dma_start3A_665 = tpu.memref_squeeze %dma_start3A_664 : memref<1x1x128xi32, #tpu.memory_space<vmem>> -> memref<128xi32, #tpu.memory_space<vmem>>
      %dma_start3A_666 = arith.constant 0 : i32
      %dma_start3A_667 = tpu.memref_slice %arg10[%dma_start3A_666] : memref<10240xf32, #tpu.memory_space<vmem_shared>> -> memref<10240xf32, #tpu.memory_space<vmem_shared>>
      tpu.enqueue_indirect_dma source(%arg15 : memref<128xf32, #tpu.memory_space<vmem>>) target(%dma_start3A_667 : memref<10240xf32, #tpu.memory_space<vmem_shared>>) offsets(%dma_start3A_665 : memref<128xi32, #tpu.memory_space<vmem>>) semaphore(%arg19 : memref<!tpu.dma_semaphore, #tpu.memory_space<semaphore_mem>>) {add = true}
      %dma_start3A_668 = arith.constant 2 : i32
      %dma_start3A_669 = arith.constant 0 : i32
      %dma_start3A_670 = tpu.memref_slice %arg11[%rem3A_652, %dma_start3A_668, %dma_start3A_669] : memref<2x8x128xi32, #tpu.memory_space<vmem>> -> memref<1x1x128xi32, #tpu.memory_space<vmem>>
      %dma_start3A_671 = tpu.memref_squeeze %dma_start3A_670 : memref<1x1x128xi32, #tpu.memory_space<vmem>> -> memref<128xi32, #tpu.memory_space<vmem>>
      %dma_start3A_672 = arith.constant 0 : i32
      %dma_start3A_673 = arith.constant 0 : i32
      %dma_start3A_674 = tpu.memref_slice %arg2[%dma_start3A_672, %dma_start3A_673] : memref<10240x128xf32, #tpu.memory_space<hbm>> -> memref<10240x128xf32, #tpu.memory_space<hbm>>
      tpu.enqueue_indirect_dma source(%dma_start3A_674 : memref<10240x128xf32, #tpu.memory_space<hbm>>) target(%arg13 : memref<128x128xf32, #tpu.memory_space<vmem>>) offsets(%dma_start3A_671 : memref<128xi32, #tpu.memory_space<vmem>>) semaphore(%arg16 : memref<!tpu.dma_semaphore, #tpu.memory_space<semaphore_mem>>)
      %dma_wait3A_675 = arith.constant 1 : i32
      %dma_wait3A_676 = arith.constant 0 : i32
      %dma_wait3A_677 = tpu.memref_slice %arg11[%rem3A_652, %dma_wait3A_675, %dma_wait3A_676] : memref<2x8x128xi32, #tpu.memory_space<vmem>> -> memref<1x1x128xi32, #tpu.memory_space<vmem>>
      %dma_wait3A_678 = tpu.memref_squeeze %dma_wait3A_677 : memref<1x1x128xi32, #tpu.memory_space<vmem>> -> memref<128xi32, #tpu.memory_space<vmem>>
      %dma_wait3A_679 = arith.constant 0 : i32
      %dma_wait3A_680 = arith.constant 0 : i32
      %dma_wait3A_681 = tpu.memref_slice %arg2[%dma_wait3A_679, %dma_wait3A_680] : memref<10240x128xf32, #tpu.memory_space<hbm>> -> memref<10240x128xf32, #tpu.memory_space<hbm>>
      tpu.wait_indirect_dma semaphore(%arg17 : memref<!tpu.dma_semaphore, #tpu.memory_space<semaphore_mem>>) src(%dma_wait3A_681 : memref<10240x128xf32, #tpu.memory_space<hbm>>) dst(%arg14 : memref<128x128xf32, #tpu.memory_space<vmem>>)
      %run_scoped3A_682 = arith.constant 1 : i32
      "tpu.region"() ({
        %run_scoped3A_931 = tpu.sem_alloc : memref<!tpu.dma_semaphore, #tpu.memory_space<semaphore_mem>>
        %dma_start3A_932 = arith.constant 0 : i32
        %dma_start3A_933 = tpu.memref_slice %arg12[%rem3A_652, %run_scoped3A_682, %dma_start3A_932] : memref<2x8x128xi32, #tpu.memory_space<vmem>> -> memref<1x1x128xi32, #tpu.memory_space<vmem>>
        %dma_start3A_934 = tpu.memref_squeeze %dma_start3A_933 : memref<1x1x128xi32, #tpu.memory_space<vmem>> -> memref<128xi32, #tpu.memory_space<vmem>>
        %dma_start3A_935 = arith.constant 0 : i32
        %dma_start3A_936 = arith.constant 0 : i32
        %dma_start3A_937 = tpu.memref_slice %arg9[%dma_start3A_935, %dma_start3A_936] : memref<10240x128xf32, #tpu.memory_space<vmem_shared>> -> memref<10240x128xf32, #tpu.memory_space<vmem_shared>>
        tpu.enqueue_indirect_dma source(%arg14 : memref<128x128xf32, #tpu.memory_space<vmem>>) target(%dma_start3A_937 : memref<10240x128xf32, #tpu.memory_space<vmem_shared>>) offsets(%dma_start3A_934 : memref<128xi32, #tpu.memory_space<vmem>>) semaphore(%run_scoped3A_931 : memref<!tpu.dma_semaphore, #tpu.memory_space<semaphore_mem>>) {add = true}
        %dma_wait3A_938 = arith.constant 0 : i32
        %dma_wait3A_939 = tpu.memref_slice %arg12[%rem3A_652, %run_scoped3A_682, %dma_wait3A_938] : memref<2x8x128xi32, #tpu.memory_space<vmem>> -> memref<1x1x128xi32, #tpu.memory_space<vmem>>
        %dma_wait3A_940 = tpu.memref_squeeze %dma_wait3A_939 : memref<1x1x128xi32, #tpu.memory_space<vmem>> -> memref<128xi32, #tpu.memory_space<vmem>>
        %dma_wait3A_941 = arith.constant 0 : i32
        %dma_wait3A_942 = arith.constant 0 : i32
        %dma_wait3A_943 = tpu.memref_slice %arg9[%dma_wait3A_941, %dma_wait3A_942] : memref<10240x128xf32, #tpu.memory_space<vmem_shared>> -> memref<10240x128xf32, #tpu.memory_space<vmem_shared>>
        tpu.wait_indirect_dma semaphore(%run_scoped3A_931 : memref<!tpu.dma_semaphore, #tpu.memory_space<semaphore_mem>>) src(%arg14 : memref<128x128xf32, #tpu.memory_space<vmem>>) dst(%dma_wait3A_943 : memref<10240x128xf32, #tpu.memory_space<vmem_shared>>)
        tpu.yield
      }) : () -> ()
      %dma_start3A_683 = arith.constant 1 : i32
      %dma_start3A_684 = arith.constant 0 : i32
      %dma_start3A_685 = tpu.memref_slice %arg12[%rem3A_652, %dma_start3A_683, %dma_start3A_684] : memref<2x8x128xi32, #tpu.memory_space<vmem>> -> memref<1x1x128xi32, #tpu.memory_space<vmem>>
      %dma_start3A_686 = tpu.memref_squeeze %dma_start3A_685 : memref<1x1x128xi32, #tpu.memory_space<vmem>> -> memref<128xi32, #tpu.memory_space<vmem>>
      %dma_start3A_687 = arith.constant 0 : i32
      %dma_start3A_688 = tpu.memref_slice %arg10[%dma_start3A_687] : memref<10240xf32, #tpu.memory_space<vmem_shared>> -> memref<10240xf32, #tpu.memory_space<vmem_shared>>
      tpu.enqueue_indirect_dma source(%arg15 : memref<128xf32, #tpu.memory_space<vmem>>) target(%dma_start3A_688 : memref<10240xf32, #tpu.memory_space<vmem_shared>>) offsets(%dma_start3A_686 : memref<128xi32, #tpu.memory_space<vmem>>) semaphore(%arg19 : memref<!tpu.dma_semaphore, #tpu.memory_space<semaphore_mem>>) {add = true}
      %dma_start3A_689 = arith.constant 3 : i32
      %dma_start3A_690 = arith.constant 0 : i32
      %dma_start3A_691 = tpu.memref_slice %arg11[%rem3A_652, %dma_start3A_689, %dma_start3A_690] : memref<2x8x128xi32, #tpu.memory_space<vmem>> -> memref<1x1x128xi32, #tpu.memory_space<vmem>>
      %dma_start3A_692 = tpu.memref_squeeze %dma_start3A_691 : memref<1x1x128xi32, #tpu.memory_space<vmem>> -> memref<128xi32, #tpu.memory_space<vmem>>
      %dma_start3A_693 = arith.constant 0 : i32
      %dma_start3A_694 = arith.constant 0 : i32
      %dma_start3A_695 = tpu.memref_slice %arg2[%dma_start3A_693, %dma_start3A_694] : memref<10240x128xf32, #tpu.memory_space<hbm>> -> memref<10240x128xf32, #tpu.memory_space<hbm>>
      tpu.enqueue_indirect_dma source(%dma_start3A_695 : memref<10240x128xf32, #tpu.memory_space<hbm>>) target(%arg14 : memref<128x128xf32, #tpu.memory_space<vmem>>) offsets(%dma_start3A_692 : memref<128xi32, #tpu.memory_space<vmem>>) semaphore(%arg17 : memref<!tpu.dma_semaphore, #tpu.memory_space<semaphore_mem>>)
      %dma_wait3A_696 = arith.constant 2 : i32
      %dma_wait3A_697 = arith.constant 0 : i32
      %dma_wait3A_698 = tpu.memref_slice %arg11[%rem3A_652, %dma_wait3A_696, %dma_wait3A_697] : memref<2x8x128xi32, #tpu.memory_space<vmem>> -> memref<1x1x128xi32, #tpu.memory_space<vmem>>
      %dma_wait3A_699 = tpu.memref_squeeze %dma_wait3A_698 : memref<1x1x128xi32, #tpu.memory_space<vmem>> -> memref<128xi32, #tpu.memory_space<vmem>>
      %dma_wait3A_700 = arith.constant 0 : i32
      %dma_wait3A_701 = arith.constant 0 : i32
      %dma_wait3A_702 = tpu.memref_slice %arg2[%dma_wait3A_700, %dma_wait3A_701] : memref<10240x128xf32, #tpu.memory_space<hbm>> -> memref<10240x128xf32, #tpu.memory_space<hbm>>
      tpu.wait_indirect_dma semaphore(%arg16 : memref<!tpu.dma_semaphore, #tpu.memory_space<semaphore_mem>>) src(%dma_wait3A_702 : memref<10240x128xf32, #tpu.memory_space<hbm>>) dst(%arg13 : memref<128x128xf32, #tpu.memory_space<vmem>>)
      %run_scoped3A_703 = arith.constant 2 : i32
      "tpu.region"() ({
        %run_scoped3A_931 = tpu.sem_alloc : memref<!tpu.dma_semaphore, #tpu.memory_space<semaphore_mem>>
        %dma_start3A_932 = arith.constant 0 : i32
        %dma_start3A_933 = tpu.memref_slice %arg12[%rem3A_652, %run_scoped3A_703, %dma_start3A_932] : memref<2x8x128xi32, #tpu.memory_space<vmem>> -> memref<1x1x128xi32, #tpu.memory_space<vmem>>
        %dma_start3A_934 = tpu.memref_squeeze %dma_start3A_933 : memref<1x1x128xi32, #tpu.memory_space<vmem>> -> memref<128xi32, #tpu.memory_space<vmem>>
        %dma_start3A_935 = arith.constant 0 : i32
        %dma_start3A_936 = arith.constant 0 : i32
        %dma_start3A_937 = tpu.memref_slice %arg9[%dma_start3A_935, %dma_start3A_936] : memref<10240x128xf32, #tpu.memory_space<vmem_shared>> -> memref<10240x128xf32, #tpu.memory_space<vmem_shared>>
        tpu.enqueue_indirect_dma source(%arg13 : memref<128x128xf32, #tpu.memory_space<vmem>>) target(%dma_start3A_937 : memref<10240x128xf32, #tpu.memory_space<vmem_shared>>) offsets(%dma_start3A_934 : memref<128xi32, #tpu.memory_space<vmem>>) semaphore(%run_scoped3A_931 : memref<!tpu.dma_semaphore, #tpu.memory_space<semaphore_mem>>) {add = true}
        %dma_wait3A_938 = arith.constant 0 : i32
        %dma_wait3A_939 = tpu.memref_slice %arg12[%rem3A_652, %run_scoped3A_703, %dma_wait3A_938] : memref<2x8x128xi32, #tpu.memory_space<vmem>> -> memref<1x1x128xi32, #tpu.memory_space<vmem>>
        %dma_wait3A_940 = tpu.memref_squeeze %dma_wait3A_939 : memref<1x1x128xi32, #tpu.memory_space<vmem>> -> memref<128xi32, #tpu.memory_space<vmem>>
        %dma_wait3A_941 = arith.constant 0 : i32
        %dma_wait3A_942 = arith.constant 0 : i32
        %dma_wait3A_943 = tpu.memref_slice %arg9[%dma_wait3A_941, %dma_wait3A_942] : memref<10240x128xf32, #tpu.memory_space<vmem_shared>> -> memref<10240x128xf32, #tpu.memory_space<vmem_shared>>
        tpu.wait_indirect_dma semaphore(%run_scoped3A_931 : memref<!tpu.dma_semaphore, #tpu.memory_space<semaphore_mem>>) src(%arg13 : memref<128x128xf32, #tpu.memory_space<vmem>>) dst(%dma_wait3A_943 : memref<10240x128xf32, #tpu.memory_space<vmem_shared>>)
        tpu.yield
      }) : () -> ()
      %dma_start3A_704 = arith.constant 2 : i32
      %dma_start3A_705 = arith.constant 0 : i32
      %dma_start3A_706 = tpu.memref_slice %arg12[%rem3A_652, %dma_start3A_704, %dma_start3A_705] : memref<2x8x128xi32, #tpu.memory_space<vmem>> -> memref<1x1x128xi32, #tpu.memory_space<vmem>>
      %dma_start3A_707 = tpu.memref_squeeze %dma_start3A_706 : memref<1x1x128xi32, #tpu.memory_space<vmem>> -> memref<128xi32, #tpu.memory_space<vmem>>
      %dma_start3A_708 = arith.constant 0 : i32
      %dma_start3A_709 = tpu.memref_slice %arg10[%dma_start3A_708] : memref<10240xf32, #tpu.memory_space<vmem_shared>> -> memref<10240xf32, #tpu.memory_space<vmem_shared>>
      tpu.enqueue_indirect_dma source(%arg15 : memref<128xf32, #tpu.memory_space<vmem>>) target(%dma_start3A_709 : memref<10240xf32, #tpu.memory_space<vmem_shared>>) offsets(%dma_start3A_707 : memref<128xi32, #tpu.memory_space<vmem>>) semaphore(%arg19 : memref<!tpu.dma_semaphore, #tpu.memory_space<semaphore_mem>>) {add = true}
      %add3A_710 = arith.constant 1 : i32
      %add3A_711 = arith.addi %scan3A_651, %add3A_710 : i32
      %mul3A_712 = arith.constant 8 : i32
      %mul3A_713 = arith.muli %add3A_711, %mul3A_712 : i32
      %add3A_714 = arith.addi %mul3A_57, %mul3A_713 : i32
      %dma_start3A_715 = arith.constant 0 : i32
      %dma_start3A_716 = arith.constant 0 : i32
      %dma_start3A_717 = tpu.memref_slice %arg11[%sub3A_653, %dma_start3A_715, %dma_start3A_716] : memref<2x8x128xi32, #tpu.memory_space<vmem>> -> memref<1x8x128xi32, #tpu.memory_space<vmem>>
      %dma_start3A_718 = tpu.memref_squeeze %dma_start3A_717 : memref<1x8x128xi32, #tpu.memory_space<vmem>> -> memref<8x128xi32, #tpu.memory_space<vmem>>
      %dma_start3A_719 = arith.constant 0 : i32
      %dma_start3A_720 = tpu.memref_slice %arg3[%add3A_714, %dma_start3A_719] : memref<2560x128xi32, #tpu.memory_space<hbm>> -> memref<8x128xi32, #tpu.memory_space<hbm>>
      %dma_start3A_721 = arith.constant 0 : i32
      %dma_start3A_722 = arith.constant 0 : i32
      %dma_start3A_723 = tpu.memref_slice %arg11[%sub3A_653, %dma_start3A_721, %dma_start3A_722] : memref<2x8x128xi32, #tpu.memory_space<vmem>> -> memref<1x8x128xi32, #tpu.memory_space<vmem>>
      %dma_start3A_724 = tpu.memref_squeeze %dma_start3A_723 : memref<1x8x128xi32, #tpu.memory_space<vmem>> -> memref<8x128xi32, #tpu.memory_space<vmem>>
      %dma_start3A_725 = arith.constant 0 : i32
      %dma_start3A_726 = tpu.memref_slice %arg3[%add3A_714, %dma_start3A_725] : memref<2560x128xi32, #tpu.memory_space<hbm>> -> memref<8x128xi32, #tpu.memory_space<hbm>>
      tpu.enqueue_dma source(%dma_start3A_726 : memref<8x128xi32, #tpu.memory_space<hbm>>) target(%dma_start3A_724 : memref<8x128xi32, #tpu.memory_space<vmem>>) target_semaphore(%arg18 : memref<!tpu.dma_semaphore, #tpu.memory_space<semaphore_mem>>)
      %dma_start3A_727 = arith.constant 0 : i32
      %dma_start3A_728 = arith.constant 0 : i32
      %dma_start3A_729 = tpu.memref_slice %arg12[%sub3A_653, %dma_start3A_727, %dma_start3A_728] : memref<2x8x128xi32, #tpu.memory_space<vmem>> -> memref<1x8x128xi32, #tpu.memory_space<vmem>>
      %dma_start3A_730 = tpu.memref_squeeze %dma_start3A_729 : memref<1x8x128xi32, #tpu.memory_space<vmem>> -> memref<8x128xi32, #tpu.memory_space<vmem>>
      %dma_start3A_731 = arith.constant 0 : i32
      %dma_start3A_732 = tpu.memref_slice %arg4[%add3A_714, %dma_start3A_731] : memref<2560x128xi32, #tpu.memory_space<hbm>> -> memref<8x128xi32, #tpu.memory_space<hbm>>
      %dma_start3A_733 = arith.constant 0 : i32
      %dma_start3A_734 = arith.constant 0 : i32
      %dma_start3A_735 = tpu.memref_slice %arg12[%sub3A_653, %dma_start3A_733, %dma_start3A_734] : memref<2x8x128xi32, #tpu.memory_space<vmem>> -> memref<1x8x128xi32, #tpu.memory_space<vmem>>
      %dma_start3A_736 = tpu.memref_squeeze %dma_start3A_735 : memref<1x8x128xi32, #tpu.memory_space<vmem>> -> memref<8x128xi32, #tpu.memory_space<vmem>>
      %dma_start3A_737 = arith.constant 0 : i32
      %dma_start3A_738 = tpu.memref_slice %arg4[%add3A_714, %dma_start3A_737] : memref<2560x128xi32, #tpu.memory_space<hbm>> -> memref<8x128xi32, #tpu.memory_space<hbm>>
      tpu.enqueue_dma source(%dma_start3A_738 : memref<8x128xi32, #tpu.memory_space<hbm>>) target(%dma_start3A_736 : memref<8x128xi32, #tpu.memory_space<vmem>>) target_semaphore(%arg18 : memref<!tpu.dma_semaphore, #tpu.memory_space<semaphore_mem>>)
      %dma_start3A_739 = arith.constant 4 : i32
      %dma_start3A_740 = arith.constant 0 : i32
      %dma_start3A_741 = tpu.memref_slice %arg11[%rem3A_652, %dma_start3A_739, %dma_start3A_740] : memref<2x8x128xi32, #tpu.memory_space<vmem>> -> memref<1x1x128xi32, #tpu.memory_space<vmem>>
      %dma_start3A_742 = tpu.memref_squeeze %dma_start3A_741 : memref<1x1x128xi32, #tpu.memory_space<vmem>> -> memref<128xi32, #tpu.memory_space<vmem>>
      %dma_start3A_743 = arith.constant 0 : i32
      %dma_start3A_744 = arith.constant 0 : i32
      %dma_start3A_745 = tpu.memref_slice %arg2[%dma_start3A_743, %dma_start3A_744] : memref<10240x128xf32, #tpu.memory_space<hbm>> -> memref<10240x128xf32, #tpu.memory_space<hbm>>
      tpu.enqueue_indirect_dma source(%dma_start3A_745 : memref<10240x128xf32, #tpu.memory_space<hbm>>) target(%arg13 : memref<128x128xf32, #tpu.memory_space<vmem>>) offsets(%dma_start3A_742 : memref<128xi32, #tpu.memory_space<vmem>>) semaphore(%arg16 : memref<!tpu.dma_semaphore, #tpu.memory_space<semaphore_mem>>)
      %dma_wait3A_746 = arith.constant 3 : i32
      %dma_wait3A_747 = arith.constant 0 : i32
      %dma_wait3A_748 = tpu.memref_slice %arg11[%rem3A_652, %dma_wait3A_746, %dma_wait3A_747] : memref<2x8x128xi32, #tpu.memory_space<vmem>> -> memref<1x1x128xi32, #tpu.memory_space<vmem>>
      %dma_wait3A_749 = tpu.memref_squeeze %dma_wait3A_748 : memref<1x1x128xi32, #tpu.memory_space<vmem>> -> memref<128xi32, #tpu.memory_space<vmem>>
      %dma_wait3A_750 = arith.constant 0 : i32
      %dma_wait3A_751 = arith.constant 0 : i32
      %dma_wait3A_752 = tpu.memref_slice %arg2[%dma_wait3A_750, %dma_wait3A_751] : memref<10240x128xf32, #tpu.memory_space<hbm>> -> memref<10240x128xf32, #tpu.memory_space<hbm>>
      tpu.wait_indirect_dma semaphore(%arg17 : memref<!tpu.dma_semaphore, #tpu.memory_space<semaphore_mem>>) src(%dma_wait3A_752 : memref<10240x128xf32, #tpu.memory_space<hbm>>) dst(%arg14 : memref<128x128xf32, #tpu.memory_space<vmem>>)
      %run_scoped3A_753 = arith.constant 3 : i32
      "tpu.region"() ({
        %run_scoped3A_931 = tpu.sem_alloc : memref<!tpu.dma_semaphore, #tpu.memory_space<semaphore_mem>>
        %dma_start3A_932 = arith.constant 0 : i32
        %dma_start3A_933 = tpu.memref_slice %arg12[%rem3A_652, %run_scoped3A_753, %dma_start3A_932] : memref<2x8x128xi32, #tpu.memory_space<vmem>> -> memref<1x1x128xi32, #tpu.memory_space<vmem>>
        %dma_start3A_934 = tpu.memref_squeeze %dma_start3A_933 : memref<1x1x128xi32, #tpu.memory_space<vmem>> -> memref<128xi32, #tpu.memory_space<vmem>>
        %dma_start3A_935 = arith.constant 0 : i32
        %dma_start3A_936 = arith.constant 0 : i32
        %dma_start3A_937 = tpu.memref_slice %arg9[%dma_start3A_935, %dma_start3A_936] : memref<10240x128xf32, #tpu.memory_space<vmem_shared>> -> memref<10240x128xf32, #tpu.memory_space<vmem_shared>>
        tpu.enqueue_indirect_dma source(%arg14 : memref<128x128xf32, #tpu.memory_space<vmem>>) target(%dma_start3A_937 : memref<10240x128xf32, #tpu.memory_space<vmem_shared>>) offsets(%dma_start3A_934 : memref<128xi32, #tpu.memory_space<vmem>>) semaphore(%run_scoped3A_931 : memref<!tpu.dma_semaphore, #tpu.memory_space<semaphore_mem>>) {add = true}
        %dma_wait3A_938 = arith.constant 0 : i32
        %dma_wait3A_939 = tpu.memref_slice %arg12[%rem3A_652, %run_scoped3A_753, %dma_wait3A_938] : memref<2x8x128xi32, #tpu.memory_space<vmem>> -> memref<1x1x128xi32, #tpu.memory_space<vmem>>
        %dma_wait3A_940 = tpu.memref_squeeze %dma_wait3A_939 : memref<1x1x128xi32, #tpu.memory_space<vmem>> -> memref<128xi32, #tpu.memory_space<vmem>>
        %dma_wait3A_941 = arith.constant 0 : i32
        %dma_wait3A_942 = arith.constant 0 : i32
        %dma_wait3A_943 = tpu.memref_slice %arg9[%dma_wait3A_941, %dma_wait3A_942] : memref<10240x128xf32, #tpu.memory_space<vmem_shared>> -> memref<10240x128xf32, #tpu.memory_space<vmem_shared>>
        tpu.wait_indirect_dma semaphore(%run_scoped3A_931 : memref<!tpu.dma_semaphore, #tpu.memory_space<semaphore_mem>>) src(%arg14 : memref<128x128xf32, #tpu.memory_space<vmem>>) dst(%dma_wait3A_943 : memref<10240x128xf32, #tpu.memory_space<vmem_shared>>)
        tpu.yield
      }) : () -> ()
      %dma_start3A_754 = arith.constant 3 : i32
      %dma_start3A_755 = arith.constant 0 : i32
      %dma_start3A_756 = tpu.memref_slice %arg12[%rem3A_652, %dma_start3A_754, %dma_start3A_755] : memref<2x8x128xi32, #tpu.memory_space<vmem>> -> memref<1x1x128xi32, #tpu.memory_space<vmem>>
      %dma_start3A_757 = tpu.memref_squeeze %dma_start3A_756 : memref<1x1x128xi32, #tpu.memory_space<vmem>> -> memref<128xi32, #tpu.memory_space<vmem>>
      %dma_start3A_758 = arith.constant 0 : i32
      %dma_start3A_759 = tpu.memref_slice %arg10[%dma_start3A_758] : memref<10240xf32, #tpu.memory_space<vmem_shared>> -> memref<10240xf32, #tpu.memory_space<vmem_shared>>
      tpu.enqueue_indirect_dma source(%arg15 : memref<128xf32, #tpu.memory_space<vmem>>) target(%dma_start3A_759 : memref<10240xf32, #tpu.memory_space<vmem_shared>>) offsets(%dma_start3A_757 : memref<128xi32, #tpu.memory_space<vmem>>) semaphore(%arg19 : memref<!tpu.dma_semaphore, #tpu.memory_space<semaphore_mem>>) {add = true}
      %dma_start3A_760 = arith.constant 5 : i32
      %dma_start3A_761 = arith.constant 0 : i32
      %dma_start3A_762 = tpu.memref_slice %arg11[%rem3A_652, %dma_start3A_760, %dma_start3A_761] : memref<2x8x128xi32, #tpu.memory_space<vmem>> -> memref<1x1x128xi32, #tpu.memory_space<vmem>>
      %dma_start3A_763 = tpu.memref_squeeze %dma_start3A_762 : memref<1x1x128xi32, #tpu.memory_space<vmem>> -> memref<128xi32, #tpu.memory_space<vmem>>
      %dma_start3A_764 = arith.constant 0 : i32
      %dma_start3A_765 = arith.constant 0 : i32
      %dma_start3A_766 = tpu.memref_slice %arg2[%dma_start3A_764, %dma_start3A_765] : memref<10240x128xf32, #tpu.memory_space<hbm>> -> memref<10240x128xf32, #tpu.memory_space<hbm>>
      tpu.enqueue_indirect_dma source(%dma_start3A_766 : memref<10240x128xf32, #tpu.memory_space<hbm>>) target(%arg14 : memref<128x128xf32, #tpu.memory_space<vmem>>) offsets(%dma_start3A_763 : memref<128xi32, #tpu.memory_space<vmem>>) semaphore(%arg17 : memref<!tpu.dma_semaphore, #tpu.memory_space<semaphore_mem>>)
      %dma_wait3A_767 = arith.constant 4 : i32
      %dma_wait3A_768 = arith.constant 0 : i32
      %dma_wait3A_769 = tpu.memref_slice %arg11[%rem3A_652, %dma_wait3A_767, %dma_wait3A_768] : memref<2x8x128xi32, #tpu.memory_space<vmem>> -> memref<1x1x128xi32, #tpu.memory_space<vmem>>
      %dma_wait3A_770 = tpu.memref_squeeze %dma_wait3A_769 : memref<1x1x128xi32, #tpu.memory_space<vmem>> -> memref<128xi32, #tpu.memory_space<vmem>>
      %dma_wait3A_771 = arith.constant 0 : i32
      %dma_wait3A_772 = arith.constant 0 : i32
      %dma_wait3A_773 = tpu.memref_slice %arg2[%dma_wait3A_771, %dma_wait3A_772] : memref<10240x128xf32, #tpu.memory_space<hbm>> -> memref<10240x128xf32, #tpu.memory_space<hbm>>
      tpu.wait_indirect_dma semaphore(%arg16 : memref<!tpu.dma_semaphore, #tpu.memory_space<semaphore_mem>>) src(%dma_wait3A_773 : memref<10240x128xf32, #tpu.memory_space<hbm>>) dst(%arg13 : memref<128x128xf32, #tpu.memory_space<vmem>>)
      %run_scoped3A_774 = arith.constant 4 : i32
      "tpu.region"() ({
        %run_scoped3A_931 = tpu.sem_alloc : memref<!tpu.dma_semaphore, #tpu.memory_space<semaphore_mem>>
        %dma_start3A_932 = arith.constant 0 : i32
        %dma_start3A_933 = tpu.memref_slice %arg12[%rem3A_652, %run_scoped3A_774, %dma_start3A_932] : memref<2x8x128xi32, #tpu.memory_space<vmem>> -> memref<1x1x128xi32, #tpu.memory_space<vmem>>
        %dma_start3A_934 = tpu.memref_squeeze %dma_start3A_933 : memref<1x1x128xi32, #tpu.memory_space<vmem>> -> memref<128xi32, #tpu.memory_space<vmem>>
        %dma_start3A_935 = arith.constant 0 : i32
        %dma_start3A_936 = arith.constant 0 : i32
        %dma_start3A_937 = tpu.memref_slice %arg9[%dma_start3A_935, %dma_start3A_936] : memref<10240x128xf32, #tpu.memory_space<vmem_shared>> -> memref<10240x128xf32, #tpu.memory_space<vmem_shared>>
        tpu.enqueue_indirect_dma source(%arg13 : memref<128x128xf32, #tpu.memory_space<vmem>>) target(%dma_start3A_937 : memref<10240x128xf32, #tpu.memory_space<vmem_shared>>) offsets(%dma_start3A_934 : memref<128xi32, #tpu.memory_space<vmem>>) semaphore(%run_scoped3A_931 : memref<!tpu.dma_semaphore, #tpu.memory_space<semaphore_mem>>) {add = true}
        %dma_wait3A_938 = arith.constant 0 : i32
        %dma_wait3A_939 = tpu.memref_slice %arg12[%rem3A_652, %run_scoped3A_774, %dma_wait3A_938] : memref<2x8x128xi32, #tpu.memory_space<vmem>> -> memref<1x1x128xi32, #tpu.memory_space<vmem>>
        %dma_wait3A_940 = tpu.memref_squeeze %dma_wait3A_939 : memref<1x1x128xi32, #tpu.memory_space<vmem>> -> memref<128xi32, #tpu.memory_space<vmem>>
        %dma_wait3A_941 = arith.constant 0 : i32
        %dma_wait3A_942 = arith.constant 0 : i32
        %dma_wait3A_943 = tpu.memref_slice %arg9[%dma_wait3A_941, %dma_wait3A_942] : memref<10240x128xf32, #tpu.memory_space<vmem_shared>> -> memref<10240x128xf32, #tpu.memory_space<vmem_shared>>
        tpu.wait_indirect_dma semaphore(%run_scoped3A_931 : memref<!tpu.dma_semaphore, #tpu.memory_space<semaphore_mem>>) src(%arg13 : memref<128x128xf32, #tpu.memory_space<vmem>>) dst(%dma_wait3A_943 : memref<10240x128xf32, #tpu.memory_space<vmem_shared>>)
        tpu.yield
      }) : () -> ()
      %dma_start3A_775 = arith.constant 4 : i32
      %dma_start3A_776 = arith.constant 0 : i32
      %dma_start3A_777 = tpu.memref_slice %arg12[%rem3A_652, %dma_start3A_775, %dma_start3A_776] : memref<2x8x128xi32, #tpu.memory_space<vmem>> -> memref<1x1x128xi32, #tpu.memory_space<vmem>>
      %dma_start3A_778 = tpu.memref_squeeze %dma_start3A_777 : memref<1x1x128xi32, #tpu.memory_space<vmem>> -> memref<128xi32, #tpu.memory_space<vmem>>
      %dma_start3A_779 = arith.constant 0 : i32
      %dma_start3A_780 = tpu.memref_slice %arg10[%dma_start3A_779] : memref<10240xf32, #tpu.memory_space<vmem_shared>> -> memref<10240xf32, #tpu.memory_space<vmem_shared>>
      tpu.enqueue_indirect_dma source(%arg15 : memref<128xf32, #tpu.memory_space<vmem>>) target(%dma_start3A_780 : memref<10240xf32, #tpu.memory_space<vmem_shared>>) offsets(%dma_start3A_778 : memref<128xi32, #tpu.memory_space<vmem>>) semaphore(%arg19 : memref<!tpu.dma_semaphore, #tpu.memory_space<semaphore_mem>>) {add = true}
      %dma_start3A_781 = arith.constant 6 : i32
      %dma_start3A_782 = arith.constant 0 : i32
      %dma_start3A_783 = tpu.memref_slice %arg11[%rem3A_652, %dma_start3A_781, %dma_start3A_782] : memref<2x8x128xi32, #tpu.memory_space<vmem>> -> memref<1x1x128xi32, #tpu.memory_space<vmem>>
      %dma_start3A_784 = tpu.memref_squeeze %dma_start3A_783 : memref<1x1x128xi32, #tpu.memory_space<vmem>> -> memref<128xi32, #tpu.memory_space<vmem>>
      %dma_start3A_785 = arith.constant 0 : i32
      %dma_start3A_786 = arith.constant 0 : i32
      %dma_start3A_787 = tpu.memref_slice %arg2[%dma_start3A_785, %dma_start3A_786] : memref<10240x128xf32, #tpu.memory_space<hbm>> -> memref<10240x128xf32, #tpu.memory_space<hbm>>
      tpu.enqueue_indirect_dma source(%dma_start3A_787 : memref<10240x128xf32, #tpu.memory_space<hbm>>) target(%arg13 : memref<128x128xf32, #tpu.memory_space<vmem>>) offsets(%dma_start3A_784 : memref<128xi32, #tpu.memory_space<vmem>>) semaphore(%arg16 : memref<!tpu.dma_semaphore, #tpu.memory_space<semaphore_mem>>)
      %dma_wait3A_788 = arith.constant 5 : i32
      %dma_wait3A_789 = arith.constant 0 : i32
      %dma_wait3A_790 = tpu.memref_slice %arg11[%rem3A_652, %dma_wait3A_788, %dma_wait3A_789] : memref<2x8x128xi32, #tpu.memory_space<vmem>> -> memref<1x1x128xi32, #tpu.memory_space<vmem>>
      %dma_wait3A_791 = tpu.memref_squeeze %dma_wait3A_790 : memref<1x1x128xi32, #tpu.memory_space<vmem>> -> memref<128xi32, #tpu.memory_space<vmem>>
      %dma_wait3A_792 = arith.constant 0 : i32
      %dma_wait3A_793 = arith.constant 0 : i32
      %dma_wait3A_794 = tpu.memref_slice %arg2[%dma_wait3A_792, %dma_wait3A_793] : memref<10240x128xf32, #tpu.memory_space<hbm>> -> memref<10240x128xf32, #tpu.memory_space<hbm>>
      tpu.wait_indirect_dma semaphore(%arg17 : memref<!tpu.dma_semaphore, #tpu.memory_space<semaphore_mem>>) src(%dma_wait3A_794 : memref<10240x128xf32, #tpu.memory_space<hbm>>) dst(%arg14 : memref<128x128xf32, #tpu.memory_space<vmem>>)
      %run_scoped3A_795 = arith.constant 5 : i32
      "tpu.region"() ({
        %run_scoped3A_931 = tpu.sem_alloc : memref<!tpu.dma_semaphore, #tpu.memory_space<semaphore_mem>>
        %dma_start3A_932 = arith.constant 0 : i32
        %dma_start3A_933 = tpu.memref_slice %arg12[%rem3A_652, %run_scoped3A_795, %dma_start3A_932] : memref<2x8x128xi32, #tpu.memory_space<vmem>> -> memref<1x1x128xi32, #tpu.memory_space<vmem>>
        %dma_start3A_934 = tpu.memref_squeeze %dma_start3A_933 : memref<1x1x128xi32, #tpu.memory_space<vmem>> -> memref<128xi32, #tpu.memory_space<vmem>>
        %dma_start3A_935 = arith.constant 0 : i32
        %dma_start3A_936 = arith.constant 0 : i32
        %dma_start3A_937 = tpu.memref_slice %arg9[%dma_start3A_935, %dma_start3A_936] : memref<10240x128xf32, #tpu.memory_space<vmem_shared>> -> memref<10240x128xf32, #tpu.memory_space<vmem_shared>>
        tpu.enqueue_indirect_dma source(%arg14 : memref<128x128xf32, #tpu.memory_space<vmem>>) target(%dma_start3A_937 : memref<10240x128xf32, #tpu.memory_space<vmem_shared>>) offsets(%dma_start3A_934 : memref<128xi32, #tpu.memory_space<vmem>>) semaphore(%run_scoped3A_931 : memref<!tpu.dma_semaphore, #tpu.memory_space<semaphore_mem>>) {add = true}
        %dma_wait3A_938 = arith.constant 0 : i32
        %dma_wait3A_939 = tpu.memref_slice %arg12[%rem3A_652, %run_scoped3A_795, %dma_wait3A_938] : memref<2x8x128xi32, #tpu.memory_space<vmem>> -> memref<1x1x128xi32, #tpu.memory_space<vmem>>
        %dma_wait3A_940 = tpu.memref_squeeze %dma_wait3A_939 : memref<1x1x128xi32, #tpu.memory_space<vmem>> -> memref<128xi32, #tpu.memory_space<vmem>>
        %dma_wait3A_941 = arith.constant 0 : i32
        %dma_wait3A_942 = arith.constant 0 : i32
        %dma_wait3A_943 = tpu.memref_slice %arg9[%dma_wait3A_941, %dma_wait3A_942] : memref<10240x128xf32, #tpu.memory_space<vmem_shared>> -> memref<10240x128xf32, #tpu.memory_space<vmem_shared>>
        tpu.wait_indirect_dma semaphore(%run_scoped3A_931 : memref<!tpu.dma_semaphore, #tpu.memory_space<semaphore_mem>>) src(%arg14 : memref<128x128xf32, #tpu.memory_space<vmem>>) dst(%dma_wait3A_943 : memref<10240x128xf32, #tpu.memory_space<vmem_shared>>)
        tpu.yield
      }) : () -> ()
      %dma_start3A_796 = arith.constant 5 : i32
      %dma_start3A_797 = arith.constant 0 : i32
      %dma_start3A_798 = tpu.memref_slice %arg12[%rem3A_652, %dma_start3A_796, %dma_start3A_797] : memref<2x8x128xi32, #tpu.memory_space<vmem>> -> memref<1x1x128xi32, #tpu.memory_space<vmem>>
      %dma_start3A_799 = tpu.memref_squeeze %dma_start3A_798 : memref<1x1x128xi32, #tpu.memory_space<vmem>> -> memref<128xi32, #tpu.memory_space<vmem>>
      %dma_start3A_800 = arith.constant 0 : i32
      %dma_start3A_801 = tpu.memref_slice %arg10[%dma_start3A_800] : memref<10240xf32, #tpu.memory_space<vmem_shared>> -> memref<10240xf32, #tpu.memory_space<vmem_shared>>
      tpu.enqueue_indirect_dma source(%arg15 : memref<128xf32, #tpu.memory_space<vmem>>) target(%dma_start3A_801 : memref<10240xf32, #tpu.memory_space<vmem_shared>>) offsets(%dma_start3A_799 : memref<128xi32, #tpu.memory_space<vmem>>) semaphore(%arg19 : memref<!tpu.dma_semaphore, #tpu.memory_space<semaphore_mem>>) {add = true}
      %dma_start3A_802 = arith.constant 7 : i32
      %dma_start3A_803 = arith.constant 0 : i32
      %dma_start3A_804 = tpu.memref_slice %arg11[%rem3A_652, %dma_start3A_802, %dma_start3A_803] : memref<2x8x128xi32, #tpu.memory_space<vmem>> -> memref<1x1x128xi32, #tpu.memory_space<vmem>>
      %dma_start3A_805 = tpu.memref_squeeze %dma_start3A_804 : memref<1x1x128xi32, #tpu.memory_space<vmem>> -> memref<128xi32, #tpu.memory_space<vmem>>
      %dma_start3A_806 = arith.constant 0 : i32
      %dma_start3A_807 = arith.constant 0 : i32
      %dma_start3A_808 = tpu.memref_slice %arg2[%dma_start3A_806, %dma_start3A_807] : memref<10240x128xf32, #tpu.memory_space<hbm>> -> memref<10240x128xf32, #tpu.memory_space<hbm>>
      tpu.enqueue_indirect_dma source(%dma_start3A_808 : memref<10240x128xf32, #tpu.memory_space<hbm>>) target(%arg14 : memref<128x128xf32, #tpu.memory_space<vmem>>) offsets(%dma_start3A_805 : memref<128xi32, #tpu.memory_space<vmem>>) semaphore(%arg17 : memref<!tpu.dma_semaphore, #tpu.memory_space<semaphore_mem>>)
      %dma_wait3A_809 = arith.constant 6 : i32
      %dma_wait3A_810 = arith.constant 0 : i32
      %dma_wait3A_811 = tpu.memref_slice %arg11[%rem3A_652, %dma_wait3A_809, %dma_wait3A_810] : memref<2x8x128xi32, #tpu.memory_space<vmem>> -> memref<1x1x128xi32, #tpu.memory_space<vmem>>
      %dma_wait3A_812 = tpu.memref_squeeze %dma_wait3A_811 : memref<1x1x128xi32, #tpu.memory_space<vmem>> -> memref<128xi32, #tpu.memory_space<vmem>>
      %dma_wait3A_813 = arith.constant 0 : i32
      %dma_wait3A_814 = arith.constant 0 : i32
      %dma_wait3A_815 = tpu.memref_slice %arg2[%dma_wait3A_813, %dma_wait3A_814] : memref<10240x128xf32, #tpu.memory_space<hbm>> -> memref<10240x128xf32, #tpu.memory_space<hbm>>
      tpu.wait_indirect_dma semaphore(%arg16 : memref<!tpu.dma_semaphore, #tpu.memory_space<semaphore_mem>>) src(%dma_wait3A_815 : memref<10240x128xf32, #tpu.memory_space<hbm>>) dst(%arg13 : memref<128x128xf32, #tpu.memory_space<vmem>>)
      %run_scoped3A_816 = arith.constant 6 : i32
      "tpu.region"() ({
        %run_scoped3A_931 = tpu.sem_alloc : memref<!tpu.dma_semaphore, #tpu.memory_space<semaphore_mem>>
        %dma_start3A_932 = arith.constant 0 : i32
        %dma_start3A_933 = tpu.memref_slice %arg12[%rem3A_652, %run_scoped3A_816, %dma_start3A_932] : memref<2x8x128xi32, #tpu.memory_space<vmem>> -> memref<1x1x128xi32, #tpu.memory_space<vmem>>
        %dma_start3A_934 = tpu.memref_squeeze %dma_start3A_933 : memref<1x1x128xi32, #tpu.memory_space<vmem>> -> memref<128xi32, #tpu.memory_space<vmem>>
        %dma_start3A_935 = arith.constant 0 : i32
        %dma_start3A_936 = arith.constant 0 : i32
        %dma_start3A_937 = tpu.memref_slice %arg9[%dma_start3A_935, %dma_start3A_936] : memref<10240x128xf32, #tpu.memory_space<vmem_shared>> -> memref<10240x128xf32, #tpu.memory_space<vmem_shared>>
        tpu.enqueue_indirect_dma source(%arg13 : memref<128x128xf32, #tpu.memory_space<vmem>>) target(%dma_start3A_937 : memref<10240x128xf32, #tpu.memory_space<vmem_shared>>) offsets(%dma_start3A_934 : memref<128xi32, #tpu.memory_space<vmem>>) semaphore(%run_scoped3A_931 : memref<!tpu.dma_semaphore, #tpu.memory_space<semaphore_mem>>) {add = true}
        %dma_wait3A_938 = arith.constant 0 : i32
        %dma_wait3A_939 = tpu.memref_slice %arg12[%rem3A_652, %run_scoped3A_816, %dma_wait3A_938] : memref<2x8x128xi32, #tpu.memory_space<vmem>> -> memref<1x1x128xi32, #tpu.memory_space<vmem>>
        %dma_wait3A_940 = tpu.memref_squeeze %dma_wait3A_939 : memref<1x1x128xi32, #tpu.memory_space<vmem>> -> memref<128xi32, #tpu.memory_space<vmem>>
        %dma_wait3A_941 = arith.constant 0 : i32
        %dma_wait3A_942 = arith.constant 0 : i32
        %dma_wait3A_943 = tpu.memref_slice %arg9[%dma_wait3A_941, %dma_wait3A_942] : memref<10240x128xf32, #tpu.memory_space<vmem_shared>> -> memref<10240x128xf32, #tpu.memory_space<vmem_shared>>
        tpu.wait_indirect_dma semaphore(%run_scoped3A_931 : memref<!tpu.dma_semaphore, #tpu.memory_space<semaphore_mem>>) src(%arg13 : memref<128x128xf32, #tpu.memory_space<vmem>>) dst(%dma_wait3A_943 : memref<10240x128xf32, #tpu.memory_space<vmem_shared>>)
        tpu.yield
      }) : () -> ()
      %dma_start3A_817 = arith.constant 6 : i32
      %dma_start3A_818 = arith.constant 0 : i32
      %dma_start3A_819 = tpu.memref_slice %arg12[%rem3A_652, %dma_start3A_817, %dma_start3A_818] : memref<2x8x128xi32, #tpu.memory_space<vmem>> -> memref<1x1x128xi32, #tpu.memory_space<vmem>>
      %dma_start3A_820 = tpu.memref_squeeze %dma_start3A_819 : memref<1x1x128xi32, #tpu.memory_space<vmem>> -> memref<128xi32, #tpu.memory_space<vmem>>
      %dma_start3A_821 = arith.constant 0 : i32
      %dma_start3A_822 = tpu.memref_slice %arg10[%dma_start3A_821] : memref<10240xf32, #tpu.memory_space<vmem_shared>> -> memref<10240xf32, #tpu.memory_space<vmem_shared>>
      tpu.enqueue_indirect_dma source(%arg15 : memref<128xf32, #tpu.memory_space<vmem>>) target(%dma_start3A_822 : memref<10240xf32, #tpu.memory_space<vmem_shared>>) offsets(%dma_start3A_820 : memref<128xi32, #tpu.memory_space<vmem>>) semaphore(%arg19 : memref<!tpu.dma_semaphore, #tpu.memory_space<semaphore_mem>>) {add = true}
      %dma_wait3A_823 = arith.constant 0 : i32
      %dma_wait3A_824 = arith.constant 0 : i32
      %dma_wait3A_825 = tpu.memref_slice %arg11[%sub3A_653, %dma_wait3A_823, %dma_wait3A_824] : memref<2x8x128xi32, #tpu.memory_space<vmem>> -> memref<1x8x128xi32, #tpu.memory_space<vmem>>
      %dma_wait3A_826 = tpu.memref_squeeze %dma_wait3A_825 : memref<1x8x128xi32, #tpu.memory_space<vmem>> -> memref<8x128xi32, #tpu.memory_space<vmem>>
      %dma_wait3A_827 = arith.constant 0 : i32
      %dma_wait3A_828 = tpu.memref_slice %arg3[%mul3A_57, %dma_wait3A_827] : memref<2560x128xi32, #tpu.memory_space<hbm>> -> memref<8x128xi32, #tpu.memory_space<hbm>>
      %dma_wait3A_829 = arith.constant 0 : i32
      %dma_wait3A_830 = arith.constant 0 : i32
      %dma_wait3A_831 = tpu.memref_slice %arg11[%sub3A_653, %dma_wait3A_829, %dma_wait3A_830] : memref<2x8x128xi32, #tpu.memory_space<vmem>> -> memref<1x8x128xi32, #tpu.memory_space<vmem>>
      %dma_wait3A_832 = tpu.memref_squeeze %dma_wait3A_831 : memref<1x8x128xi32, #tpu.memory_space<vmem>> -> memref<8x128xi32, #tpu.memory_space<vmem>>
      %dma_wait3A_833 = arith.constant 0 : i32
      %dma_wait3A_834 = tpu.memref_slice %arg3[%mul3A_57, %dma_wait3A_833] : memref<2560x128xi32, #tpu.memory_space<hbm>> -> memref<8x128xi32, #tpu.memory_space<hbm>>
      tpu.wait_dma2 semaphore(%arg18 : memref<!tpu.dma_semaphore, #tpu.memory_space<semaphore_mem>>) src(%dma_wait3A_834 : memref<8x128xi32, #tpu.memory_space<hbm>>) dst(%dma_wait3A_832 : memref<8x128xi32, #tpu.memory_space<vmem>>)
      %dma_wait3A_835 = arith.constant 0 : i32
      %dma_wait3A_836 = arith.constant 0 : i32
      %dma_wait3A_837 = tpu.memref_slice %arg12[%sub3A_653, %dma_wait3A_835, %dma_wait3A_836] : memref<2x8x128xi32, #tpu.memory_space<vmem>> -> memref<1x8x128xi32, #tpu.memory_space<vmem>>
      %dma_wait3A_838 = tpu.memref_squeeze %dma_wait3A_837 : memref<1x8x128xi32, #tpu.memory_space<vmem>> -> memref<8x128xi32, #tpu.memory_space<vmem>>
      %dma_wait3A_839 = arith.constant 0 : i32
      %dma_wait3A_840 = tpu.memref_slice %arg4[%mul3A_57, %dma_wait3A_839] : memref<2560x128xi32, #tpu.memory_space<hbm>> -> memref<8x128xi32, #tpu.memory_space<hbm>>
      %dma_wait3A_841 = arith.constant 0 : i32
      %dma_wait3A_842 = arith.constant 0 : i32
      %dma_wait3A_843 = tpu.memref_slice %arg12[%sub3A_653, %dma_wait3A_841, %dma_wait3A_842] : memref<2x8x128xi32, #tpu.memory_space<vmem>> -> memref<1x8x128xi32, #tpu.memory_space<vmem>>
      %dma_wait3A_844 = tpu.memref_squeeze %dma_wait3A_843 : memref<1x8x128xi32, #tpu.memory_space<vmem>> -> memref<8x128xi32, #tpu.memory_space<vmem>>
      %dma_wait3A_845 = arith.constant 0 : i32
      %dma_wait3A_846 = tpu.memref_slice %arg4[%mul3A_57, %dma_wait3A_845] : memref<2560x128xi32, #tpu.memory_space<hbm>> -> memref<8x128xi32, #tpu.memory_space<hbm>>
      tpu.wait_dma2 semaphore(%arg18 : memref<!tpu.dma_semaphore, #tpu.memory_space<semaphore_mem>>) src(%dma_wait3A_846 : memref<8x128xi32, #tpu.memory_space<hbm>>) dst(%dma_wait3A_844 : memref<8x128xi32, #tpu.memory_space<vmem>>)
      %dma_start3A_847 = arith.constant 0 : i32
      %dma_start3A_848 = arith.constant 0 : i32
      %dma_start3A_849 = tpu.memref_slice %arg11[%sub3A_653, %dma_start3A_847, %dma_start3A_848] : memref<2x8x128xi32, #tpu.memory_space<vmem>> -> memref<1x1x128xi32, #tpu.memory_space<vmem>>
      %dma_start3A_850 = tpu.memref_squeeze %dma_start3A_849 : memref<1x1x128xi32, #tpu.memory_space<vmem>> -> memref<128xi32, #tpu.memory_space<vmem>>
      %dma_start3A_851 = arith.constant 0 : i32
      %dma_start3A_852 = arith.constant 0 : i32
      %dma_start3A_853 = tpu.memref_slice %arg2[%dma_start3A_851, %dma_start3A_852] : memref<10240x128xf32, #tpu.memory_space<hbm>> -> memref<10240x128xf32, #tpu.memory_space<hbm>>
      tpu.enqueue_indirect_dma source(%dma_start3A_853 : memref<10240x128xf32, #tpu.memory_space<hbm>>) target(%arg13 : memref<128x128xf32, #tpu.memory_space<vmem>>) offsets(%dma_start3A_850 : memref<128xi32, #tpu.memory_space<vmem>>) semaphore(%arg16 : memref<!tpu.dma_semaphore, #tpu.memory_space<semaphore_mem>>)
      %dma_wait3A_854 = arith.constant 7 : i32
      %dma_wait3A_855 = arith.constant 0 : i32
      %dma_wait3A_856 = tpu.memref_slice %arg11[%rem3A_652, %dma_wait3A_854, %dma_wait3A_855] : memref<2x8x128xi32, #tpu.memory_space<vmem>> -> memref<1x1x128xi32, #tpu.memory_space<vmem>>
      %dma_wait3A_857 = tpu.memref_squeeze %dma_wait3A_856 : memref<1x1x128xi32, #tpu.memory_space<vmem>> -> memref<128xi32, #tpu.memory_space<vmem>>
      %dma_wait3A_858 = arith.constant 0 : i32
      %dma_wait3A_859 = arith.constant 0 : i32
      %dma_wait3A_860 = tpu.memref_slice %arg2[%dma_wait3A_858, %dma_wait3A_859] : memref<10240x128xf32, #tpu.memory_space<hbm>> -> memref<10240x128xf32, #tpu.memory_space<hbm>>
      tpu.wait_indirect_dma semaphore(%arg17 : memref<!tpu.dma_semaphore, #tpu.memory_space<semaphore_mem>>) src(%dma_wait3A_860 : memref<10240x128xf32, #tpu.memory_space<hbm>>) dst(%arg14 : memref<128x128xf32, #tpu.memory_space<vmem>>)
      %run_scoped3A_861 = arith.constant 7 : i32
      "tpu.region"() ({
        %run_scoped3A_931 = tpu.sem_alloc : memref<!tpu.dma_semaphore, #tpu.memory_space<semaphore_mem>>
        %dma_start3A_932 = arith.constant 0 : i32
        %dma_start3A_933 = tpu.memref_slice %arg12[%rem3A_652, %run_scoped3A_861, %dma_start3A_932] : memref<2x8x128xi32, #tpu.memory_space<vmem>> -> memref<1x1x128xi32, #tpu.memory_space<vmem>>
        %dma_start3A_934 = tpu.memref_squeeze %dma_start3A_933 : memref<1x1x128xi32, #tpu.memory_space<vmem>> -> memref<128xi32, #tpu.memory_space<vmem>>
        %dma_start3A_935 = arith.constant 0 : i32
        %dma_start3A_936 = arith.constant 0 : i32
        %dma_start3A_937 = tpu.memref_slice %arg9[%dma_start3A_935, %dma_start3A_936] : memref<10240x128xf32, #tpu.memory_space<vmem_shared>> -> memref<10240x128xf32, #tpu.memory_space<vmem_shared>>
        tpu.enqueue_indirect_dma source(%arg14 : memref<128x128xf32, #tpu.memory_space<vmem>>) target(%dma_start3A_937 : memref<10240x128xf32, #tpu.memory_space<vmem_shared>>) offsets(%dma_start3A_934 : memref<128xi32, #tpu.memory_space<vmem>>) semaphore(%run_scoped3A_931 : memref<!tpu.dma_semaphore, #tpu.memory_space<semaphore_mem>>) {add = true}
        %dma_wait3A_938 = arith.constant 0 : i32
        %dma_wait3A_939 = tpu.memref_slice %arg12[%rem3A_652, %run_scoped3A_861, %dma_wait3A_938] : memref<2x8x128xi32, #tpu.memory_space<vmem>> -> memref<1x1x128xi32, #tpu.memory_space<vmem>>
        %dma_wait3A_940 = tpu.memref_squeeze %dma_wait3A_939 : memref<1x1x128xi32, #tpu.memory_space<vmem>> -> memref<128xi32, #tpu.memory_space<vmem>>
        %dma_wait3A_941 = arith.constant 0 : i32
        %dma_wait3A_942 = arith.constant 0 : i32
        %dma_wait3A_943 = tpu.memref_slice %arg9[%dma_wait3A_941, %dma_wait3A_942] : memref<10240x128xf32, #tpu.memory_space<vmem_shared>> -> memref<10240x128xf32, #tpu.memory_space<vmem_shared>>
        tpu.wait_indirect_dma semaphore(%run_scoped3A_931 : memref<!tpu.dma_semaphore, #tpu.memory_space<semaphore_mem>>) src(%arg14 : memref<128x128xf32, #tpu.memory_space<vmem>>) dst(%dma_wait3A_943 : memref<10240x128xf32, #tpu.memory_space<vmem_shared>>)
        tpu.yield
      }) : () -> ()
      %dma_start3A_862 = arith.constant 7 : i32
      %dma_start3A_863 = arith.constant 0 : i32
      %dma_start3A_864 = tpu.memref_slice %arg12[%rem3A_652, %dma_start3A_862, %dma_start3A_863] : memref<2x8x128xi32, #tpu.memory_space<vmem>> -> memref<1x1x128xi32, #tpu.memory_space<vmem>>
      %dma_start3A_865 = tpu.memref_squeeze %dma_start3A_864 : memref<1x1x128xi32, #tpu.memory_space<vmem>> -> memref<128xi32, #tpu.memory_space<vmem>>
      %dma_start3A_866 = arith.constant 0 : i32
      %dma_start3A_867 = tpu.memref_slice %arg10[%dma_start3A_866] : memref<10240xf32, #tpu.memory_space<vmem_shared>> -> memref<10240xf32, #tpu.memory_space<vmem_shared>>
      tpu.enqueue_indirect_dma source(%arg15 : memref<128xf32, #tpu.memory_space<vmem>>) target(%dma_start3A_867 : memref<10240xf32, #tpu.memory_space<vmem_shared>>) offsets(%dma_start3A_865 : memref<128xi32, #tpu.memory_space<vmem>>) semaphore(%arg19 : memref<!tpu.dma_semaphore, #tpu.memory_space<semaphore_mem>>) {add = true}
      %dma_start3A_868 = arith.constant 1 : i32
      %dma_start3A_869 = arith.constant 0 : i32
      %dma_start3A_870 = tpu.memref_slice %arg11[%sub3A_653, %dma_start3A_868, %dma_start3A_869] : memref<2x8x128xi32, #tpu.memory_space<vmem>> -> memref<1x1x128xi32, #tpu.memory_space<vmem>>
      %dma_start3A_871 = tpu.memref_squeeze %dma_start3A_870 : memref<1x1x128xi32, #tpu.memory_space<vmem>> -> memref<128xi32, #tpu.memory_space<vmem>>
      %dma_start3A_872 = arith.constant 0 : i32
      %dma_start3A_873 = arith.constant 0 : i32
      %dma_start3A_874 = tpu.memref_slice %arg2[%dma_start3A_872, %dma_start3A_873] : memref<10240x128xf32, #tpu.memory_space<hbm>> -> memref<10240x128xf32, #tpu.memory_space<hbm>>
      tpu.enqueue_indirect_dma source(%dma_start3A_874 : memref<10240x128xf32, #tpu.memory_space<hbm>>) target(%arg14 : memref<128x128xf32, #tpu.memory_space<vmem>>) offsets(%dma_start3A_871 : memref<128xi32, #tpu.memory_space<vmem>>) semaphore(%arg17 : memref<!tpu.dma_semaphore, #tpu.memory_space<semaphore_mem>>)
      %dma_wait3A_875 = arith.constant 0 : i32
      %dma_wait3A_876 = arith.constant 0 : i32
      %dma_wait3A_877 = arith.constant 0 : i32
      %dma_wait3A_878 = tpu.memref_slice %arg12[%dma_wait3A_875, %dma_wait3A_876, %dma_wait3A_877] : memref<2x8x128xi32, #tpu.memory_space<vmem>> -> memref<1x1x128xi32, #tpu.memory_space<vmem>>
      %dma_wait3A_879 = tpu.memref_squeeze %dma_wait3A_878 : memref<1x1x128xi32, #tpu.memory_space<vmem>> -> memref<128xi32, #tpu.memory_space<vmem>>
      %dma_wait3A_880 = arith.constant 0 : i32
      %dma_wait3A_881 = tpu.memref_slice %arg10[%dma_wait3A_880] : memref<10240xf32, #tpu.memory_space<vmem_shared>> -> memref<10240xf32, #tpu.memory_space<vmem_shared>>
      tpu.wait_indirect_dma semaphore(%arg19 : memref<!tpu.dma_semaphore, #tpu.memory_space<semaphore_mem>>) src(%arg15 : memref<128xf32, #tpu.memory_space<vmem>>) dst(%dma_wait3A_881 : memref<10240xf32, #tpu.memory_space<vmem_shared>>)
      %dma_wait3A_882 = arith.constant 0 : i32
      %dma_wait3A_883 = arith.constant 0 : i32
      %dma_wait3A_884 = arith.constant 0 : i32
      %dma_wait3A_885 = tpu.memref_slice %arg12[%dma_wait3A_882, %dma_wait3A_883, %dma_wait3A_884] : memref<2x8x128xi32, #tpu.memory_space<vmem>> -> memref<1x1x128xi32, #tpu.memory_space<vmem>>
      %dma_wait3A_886 = tpu.memref_squeeze %dma_wait3A_885 : memref<1x1x128xi32, #tpu.memory_space<vmem>> -> memref<128xi32, #tpu.memory_space<vmem>>
      %dma_wait3A_887 = arith.constant 0 : i32
      %dma_wait3A_888 = tpu.memref_slice %arg10[%dma_wait3A_887] : memref<10240xf32, #tpu.memory_space<vmem_shared>> -> memref<10240xf32, #tpu.memory_space<vmem_shared>>
      tpu.wait_indirect_dma semaphore(%arg19 : memref<!tpu.dma_semaphore, #tpu.memory_space<semaphore_mem>>) src(%arg15 : memref<128xf32, #tpu.memory_space<vmem>>) dst(%dma_wait3A_888 : memref<10240xf32, #tpu.memory_space<vmem_shared>>)
      %dma_wait3A_889 = arith.constant 0 : i32
      %dma_wait3A_890 = arith.constant 0 : i32
      %dma_wait3A_891 = arith.constant 0 : i32
      %dma_wait3A_892 = tpu.memref_slice %arg12[%dma_wait3A_889, %dma_wait3A_890, %dma_wait3A_891] : memref<2x8x128xi32, #tpu.memory_space<vmem>> -> memref<1x1x128xi32, #tpu.memory_space<vmem>>
      %dma_wait3A_893 = tpu.memref_squeeze %dma_wait3A_892 : memref<1x1x128xi32, #tpu.memory_space<vmem>> -> memref<128xi32, #tpu.memory_space<vmem>>
      %dma_wait3A_894 = arith.constant 0 : i32
      %dma_wait3A_895 = tpu.memref_slice %arg10[%dma_wait3A_894] : memref<10240xf32, #tpu.memory_space<vmem_shared>> -> memref<10240xf32, #tpu.memory_space<vmem_shared>>
      tpu.wait_indirect_dma semaphore(%arg19 : memref<!tpu.dma_semaphore, #tpu.memory_space<semaphore_mem>>) src(%arg15 : memref<128xf32, #tpu.memory_space<vmem>>) dst(%dma_wait3A_895 : memref<10240xf32, #tpu.memory_space<vmem_shared>>)
      %dma_wait3A_896 = arith.constant 0 : i32
      %dma_wait3A_897 = arith.constant 0 : i32
      %dma_wait3A_898 = arith.constant 0 : i32
      %dma_wait3A_899 = tpu.memref_slice %arg12[%dma_wait3A_896, %dma_wait3A_897, %dma_wait3A_898] : memref<2x8x128xi32, #tpu.memory_space<vmem>> -> memref<1x1x128xi32, #tpu.memory_space<vmem>>
      %dma_wait3A_900 = tpu.memref_squeeze %dma_wait3A_899 : memref<1x1x128xi32, #tpu.memory_space<vmem>> -> memref<128xi32, #tpu.memory_space<vmem>>
      %dma_wait3A_901 = arith.constant 0 : i32
      %dma_wait3A_902 = tpu.memref_slice %arg10[%dma_wait3A_901] : memref<10240xf32, #tpu.memory_space<vmem_shared>> -> memref<10240xf32, #tpu.memory_space<vmem_shared>>
      tpu.wait_indirect_dma semaphore(%arg19 : memref<!tpu.dma_semaphore, #tpu.memory_space<semaphore_mem>>) src(%arg15 : memref<128xf32, #tpu.memory_space<vmem>>) dst(%dma_wait3A_902 : memref<10240xf32, #tpu.memory_space<vmem_shared>>)
      %dma_wait3A_903 = arith.constant 0 : i32
      %dma_wait3A_904 = arith.constant 0 : i32
      %dma_wait3A_905 = arith.constant 0 : i32
      %dma_wait3A_906 = tpu.memref_slice %arg12[%dma_wait3A_903, %dma_wait3A_904, %dma_wait3A_905] : memref<2x8x128xi32, #tpu.memory_space<vmem>> -> memref<1x1x128xi32, #tpu.memory_space<vmem>>
      %dma_wait3A_907 = tpu.memref_squeeze %dma_wait3A_906 : memref<1x1x128xi32, #tpu.memory_space<vmem>> -> memref<128xi32, #tpu.memory_space<vmem>>
      %dma_wait3A_908 = arith.constant 0 : i32
      %dma_wait3A_909 = tpu.memref_slice %arg10[%dma_wait3A_908] : memref<10240xf32, #tpu.memory_space<vmem_shared>> -> memref<10240xf32, #tpu.memory_space<vmem_shared>>
      tpu.wait_indirect_dma semaphore(%arg19 : memref<!tpu.dma_semaphore, #tpu.memory_space<semaphore_mem>>) src(%arg15 : memref<128xf32, #tpu.memory_space<vmem>>) dst(%dma_wait3A_909 : memref<10240xf32, #tpu.memory_space<vmem_shared>>)
      %dma_wait3A_910 = arith.constant 0 : i32
      %dma_wait3A_911 = arith.constant 0 : i32
      %dma_wait3A_912 = arith.constant 0 : i32
      %dma_wait3A_913 = tpu.memref_slice %arg12[%dma_wait3A_910, %dma_wait3A_911, %dma_wait3A_912] : memref<2x8x128xi32, #tpu.memory_space<vmem>> -> memref<1x1x128xi32, #tpu.memory_space<vmem>>
      %dma_wait3A_914 = tpu.memref_squeeze %dma_wait3A_913 : memref<1x1x128xi32, #tpu.memory_space<vmem>> -> memref<128xi32, #tpu.memory_space<vmem>>
      %dma_wait3A_915 = arith.constant 0 : i32
      %dma_wait3A_916 = tpu.memref_slice %arg10[%dma_wait3A_915] : memref<10240xf32, #tpu.memory_space<vmem_shared>> -> memref<10240xf32, #tpu.memory_space<vmem_shared>>
      tpu.wait_indirect_dma semaphore(%arg19 : memref<!tpu.dma_semaphore, #tpu.memory_space<semaphore_mem>>) src(%arg15 : memref<128xf32, #tpu.memory_space<vmem>>) dst(%dma_wait3A_916 : memref<10240xf32, #tpu.memory_space<vmem_shared>>)
      %dma_wait3A_917 = arith.constant 0 : i32
      %dma_wait3A_918 = arith.constant 0 : i32
      %dma_wait3A_919 = arith.constant 0 : i32
      %dma_wait3A_920 = tpu.memref_slice %arg12[%dma_wait3A_917, %dma_wait3A_918, %dma_wait3A_919] : memref<2x8x128xi32, #tpu.memory_space<vmem>> -> memref<1x1x128xi32, #tpu.memory_space<vmem>>
      %dma_wait3A_921 = tpu.memref_squeeze %dma_wait3A_920 : memref<1x1x128xi32, #tpu.memory_space<vmem>> -> memref<128xi32, #tpu.memory_space<vmem>>
      %dma_wait3A_922 = arith.constant 0 : i32
      %dma_wait3A_923 = tpu.memref_slice %arg10[%dma_wait3A_922] : memref<10240xf32, #tpu.memory_space<vmem_shared>> -> memref<10240xf32, #tpu.memory_space<vmem_shared>>
      tpu.wait_indirect_dma semaphore(%arg19 : memref<!tpu.dma_semaphore, #tpu.memory_space<semaphore_mem>>) src(%arg15 : memref<128xf32, #tpu.memory_space<vmem>>) dst(%dma_wait3A_923 : memref<10240xf32, #tpu.memory_space<vmem_shared>>)
      %dma_wait3A_924 = arith.constant 0 : i32
      %dma_wait3A_925 = arith.constant 0 : i32
      %dma_wait3A_926 = arith.constant 0 : i32
      %dma_wait3A_927 = tpu.memref_slice %arg12[%dma_wait3A_924, %dma_wait3A_925, %dma_wait3A_926] : memref<2x8x128xi32, #tpu.memory_space<vmem>> -> memref<1x1x128xi32, #tpu.memory_space<vmem>>
      %dma_wait3A_928 = tpu.memref_squeeze %dma_wait3A_927 : memref<1x1x128xi32, #tpu.memory_space<vmem>> -> memref<128xi32, #tpu.memory_space<vmem>>
      %dma_wait3A_929 = arith.constant 0 : i32
      %dma_wait3A_930 = tpu.memref_slice %arg10[%dma_wait3A_929] : memref<10240xf32, #tpu.memory_space<vmem_shared>> -> memref<10240xf32, #tpu.memory_space<vmem_shared>>
      tpu.wait_indirect_dma semaphore(%arg19 : memref<!tpu.dma_semaphore, #tpu.memory_space<semaphore_mem>>) src(%arg15 : memref<128xf32, #tpu.memory_space<vmem>>) dst(%dma_wait3A_930 : memref<10240xf32, #tpu.memory_space<vmem_shared>>)
    }
    %scan3A_400 = arith.constant 8 : i32
    %dma_wait3A_401 = arith.constant 1 : i32
    %dma_wait3A_402 = arith.constant 0 : i32
    %dma_wait3A_403 = arith.constant 0 : i32
    %dma_wait3A_404 = tpu.memref_slice %arg11[%dma_wait3A_401, %dma_wait3A_402, %dma_wait3A_403] : memref<2x8x128xi32, #tpu.memory_space<vmem>> -> memref<1x1x128xi32, #tpu.memory_space<vmem>>
    %dma_wait3A_405 = tpu.memref_squeeze %dma_wait3A_404 : memref<1x1x128xi32, #tpu.memory_space<vmem>> -> memref<128xi32, #tpu.memory_space<vmem>>
    %dma_wait3A_406 = arith.constant 0 : i32
    %dma_wait3A_407 = arith.constant 0 : i32
    %dma_wait3A_408 = tpu.memref_slice %arg2[%dma_wait3A_406, %dma_wait3A_407] : memref<10240x128xf32, #tpu.memory_space<hbm>> -> memref<10240x128xf32, #tpu.memory_space<hbm>>
    tpu.wait_indirect_dma semaphore(%arg16 : memref<!tpu.dma_semaphore, #tpu.memory_space<semaphore_mem>>) src(%dma_wait3A_408 : memref<10240x128xf32, #tpu.memory_space<hbm>>) dst(%arg13 : memref<128x128xf32, #tpu.memory_space<vmem>>)
    %run_scoped3A_409 = arith.constant 1 : i32
    %run_scoped3A_410 = arith.constant 0 : i32
    "tpu.region"() ({
      %run_scoped3A_651 = tpu.sem_alloc : memref<!tpu.dma_semaphore, #tpu.memory_space<semaphore_mem>>
      %dma_start3A_652 = arith.constant 0 : i32
      %dma_start3A_653 = tpu.memref_slice %arg12[%run_scoped3A_409, %run_scoped3A_410, %dma_start3A_652] : memref<2x8x128xi32, #tpu.memory_space<vmem>> -> memref<1x1x128xi32, #tpu.memory_space<vmem>>
      %dma_start3A_654 = tpu.memref_squeeze %dma_start3A_653 : memref<1x1x128xi32, #tpu.memory_space<vmem>> -> memref<128xi32, #tpu.memory_space<vmem>>
      %dma_start3A_655 = arith.constant 0 : i32
      %dma_start3A_656 = arith.constant 0 : i32
      %dma_start3A_657 = tpu.memref_slice %arg9[%dma_start3A_655, %dma_start3A_656] : memref<10240x128xf32, #tpu.memory_space<vmem_shared>> -> memref<10240x128xf32, #tpu.memory_space<vmem_shared>>
      tpu.enqueue_indirect_dma source(%arg13 : memref<128x128xf32, #tpu.memory_space<vmem>>) target(%dma_start3A_657 : memref<10240x128xf32, #tpu.memory_space<vmem_shared>>) offsets(%dma_start3A_654 : memref<128xi32, #tpu.memory_space<vmem>>) semaphore(%run_scoped3A_651 : memref<!tpu.dma_semaphore, #tpu.memory_space<semaphore_mem>>) {add = true}
      %dma_wait3A_658 = arith.constant 0 : i32
      %dma_wait3A_659 = tpu.memref_slice %arg12[%run_scoped3A_409, %run_scoped3A_410, %dma_wait3A_658] : memref<2x8x128xi32, #tpu.memory_space<vmem>> -> memref<1x1x128xi32, #tpu.memory_space<vmem>>
      %dma_wait3A_660 = tpu.memref_squeeze %dma_wait3A_659 : memref<1x1x128xi32, #tpu.memory_space<vmem>> -> memref<128xi32, #tpu.memory_space<vmem>>
      %dma_wait3A_661 = arith.constant 0 : i32
      %dma_wait3A_662 = arith.constant 0 : i32
      %dma_wait3A_663 = tpu.memref_slice %arg9[%dma_wait3A_661, %dma_wait3A_662] : memref<10240x128xf32, #tpu.memory_space<vmem_shared>> -> memref<10240x128xf32, #tpu.memory_space<vmem_shared>>
      tpu.wait_indirect_dma semaphore(%run_scoped3A_651 : memref<!tpu.dma_semaphore, #tpu.memory_space<semaphore_mem>>) src(%arg13 : memref<128x128xf32, #tpu.memory_space<vmem>>) dst(%dma_wait3A_663 : memref<10240x128xf32, #tpu.memory_space<vmem_shared>>)
      tpu.yield
    }) : () -> ()
    %dma_start3A_411 = arith.constant 1 : i32
    %dma_start3A_412 = arith.constant 0 : i32
    %dma_start3A_413 = arith.constant 0 : i32
    %dma_start3A_414 = tpu.memref_slice %arg12[%dma_start3A_411, %dma_start3A_412, %dma_start3A_413] : memref<2x8x128xi32, #tpu.memory_space<vmem>> -> memref<1x1x128xi32, #tpu.memory_space<vmem>>
    %dma_start3A_415 = tpu.memref_squeeze %dma_start3A_414 : memref<1x1x128xi32, #tpu.memory_space<vmem>> -> memref<128xi32, #tpu.memory_space<vmem>>
    %dma_start3A_416 = arith.constant 0 : i32
    %dma_start3A_417 = tpu.memref_slice %arg10[%dma_start3A_416] : memref<10240xf32, #tpu.memory_space<vmem_shared>> -> memref<10240xf32, #tpu.memory_space<vmem_shared>>
    tpu.enqueue_indirect_dma source(%arg15 : memref<128xf32, #tpu.memory_space<vmem>>) target(%dma_start3A_417 : memref<10240xf32, #tpu.memory_space<vmem_shared>>) offsets(%dma_start3A_415 : memref<128xi32, #tpu.memory_space<vmem>>) semaphore(%arg19 : memref<!tpu.dma_semaphore, #tpu.memory_space<semaphore_mem>>) {add = true}
    %dma_start3A_418 = arith.constant 1 : i32
    %dma_start3A_419 = arith.constant 2 : i32
    %dma_start3A_420 = arith.constant 0 : i32
    %dma_start3A_421 = tpu.memref_slice %arg11[%dma_start3A_418, %dma_start3A_419, %dma_start3A_420] : memref<2x8x128xi32, #tpu.memory_space<vmem>> -> memref<1x1x128xi32, #tpu.memory_space<vmem>>
    %dma_start3A_422 = tpu.memref_squeeze %dma_start3A_421 : memref<1x1x128xi32, #tpu.memory_space<vmem>> -> memref<128xi32, #tpu.memory_space<vmem>>
    %dma_start3A_423 = arith.constant 0 : i32
    %dma_start3A_424 = arith.constant 0 : i32
    %dma_start3A_425 = tpu.memref_slice %arg2[%dma_start3A_423, %dma_start3A_424] : memref<10240x128xf32, #tpu.memory_space<hbm>> -> memref<10240x128xf32, #tpu.memory_space<hbm>>
    tpu.enqueue_indirect_dma source(%dma_start3A_425 : memref<10240x128xf32, #tpu.memory_space<hbm>>) target(%arg13 : memref<128x128xf32, #tpu.memory_space<vmem>>) offsets(%dma_start3A_422 : memref<128xi32, #tpu.memory_space<vmem>>) semaphore(%arg16 : memref<!tpu.dma_semaphore, #tpu.memory_space<semaphore_mem>>)
    %dma_wait3A_426 = arith.constant 1 : i32
    %dma_wait3A_427 = arith.constant 1 : i32
    %dma_wait3A_428 = arith.constant 0 : i32
    %dma_wait3A_429 = tpu.memref_slice %arg11[%dma_wait3A_426, %dma_wait3A_427, %dma_wait3A_428] : memref<2x8x128xi32, #tpu.memory_space<vmem>> -> memref<1x1x128xi32, #tpu.memory_space<vmem>>
    %dma_wait3A_430 = tpu.memref_squeeze %dma_wait3A_429 : memref<1x1x128xi32, #tpu.memory_space<vmem>> -> memref<128xi32, #tpu.memory_space<vmem>>
    %dma_wait3A_431 = arith.constant 0 : i32
    %dma_wait3A_432 = arith.constant 0 : i32
    %dma_wait3A_433 = tpu.memref_slice %arg2[%dma_wait3A_431, %dma_wait3A_432] : memref<10240x128xf32, #tpu.memory_space<hbm>> -> memref<10240x128xf32, #tpu.memory_space<hbm>>
    tpu.wait_indirect_dma semaphore(%arg17 : memref<!tpu.dma_semaphore, #tpu.memory_space<semaphore_mem>>) src(%dma_wait3A_433 : memref<10240x128xf32, #tpu.memory_space<hbm>>) dst(%arg14 : memref<128x128xf32, #tpu.memory_space<vmem>>)
    %run_scoped3A_434 = arith.constant 1 : i32
    %run_scoped3A_435 = arith.constant 1 : i32
    "tpu.region"() ({
      %run_scoped3A_651 = tpu.sem_alloc : memref<!tpu.dma_semaphore, #tpu.memory_space<semaphore_mem>>
      %dma_start3A_652 = arith.constant 0 : i32
      %dma_start3A_653 = tpu.memref_slice %arg12[%run_scoped3A_434, %run_scoped3A_435, %dma_start3A_652] : memref<2x8x128xi32, #tpu.memory_space<vmem>> -> memref<1x1x128xi32, #tpu.memory_space<vmem>>
      %dma_start3A_654 = tpu.memref_squeeze %dma_start3A_653 : memref<1x1x128xi32, #tpu.memory_space<vmem>> -> memref<128xi32, #tpu.memory_space<vmem>>
      %dma_start3A_655 = arith.constant 0 : i32
      %dma_start3A_656 = arith.constant 0 : i32
      %dma_start3A_657 = tpu.memref_slice %arg9[%dma_start3A_655, %dma_start3A_656] : memref<10240x128xf32, #tpu.memory_space<vmem_shared>> -> memref<10240x128xf32, #tpu.memory_space<vmem_shared>>
      tpu.enqueue_indirect_dma source(%arg14 : memref<128x128xf32, #tpu.memory_space<vmem>>) target(%dma_start3A_657 : memref<10240x128xf32, #tpu.memory_space<vmem_shared>>) offsets(%dma_start3A_654 : memref<128xi32, #tpu.memory_space<vmem>>) semaphore(%run_scoped3A_651 : memref<!tpu.dma_semaphore, #tpu.memory_space<semaphore_mem>>) {add = true}
      %dma_wait3A_658 = arith.constant 0 : i32
      %dma_wait3A_659 = tpu.memref_slice %arg12[%run_scoped3A_434, %run_scoped3A_435, %dma_wait3A_658] : memref<2x8x128xi32, #tpu.memory_space<vmem>> -> memref<1x1x128xi32, #tpu.memory_space<vmem>>
      %dma_wait3A_660 = tpu.memref_squeeze %dma_wait3A_659 : memref<1x1x128xi32, #tpu.memory_space<vmem>> -> memref<128xi32, #tpu.memory_space<vmem>>
      %dma_wait3A_661 = arith.constant 0 : i32
      %dma_wait3A_662 = arith.constant 0 : i32
      %dma_wait3A_663 = tpu.memref_slice %arg9[%dma_wait3A_661, %dma_wait3A_662] : memref<10240x128xf32, #tpu.memory_space<vmem_shared>> -> memref<10240x128xf32, #tpu.memory_space<vmem_shared>>
      tpu.wait_indirect_dma semaphore(%run_scoped3A_651 : memref<!tpu.dma_semaphore, #tpu.memory_space<semaphore_mem>>) src(%arg14 : memref<128x128xf32, #tpu.memory_space<vmem>>) dst(%dma_wait3A_663 : memref<10240x128xf32, #tpu.memory_space<vmem_shared>>)
      tpu.yield
    }) : () -> ()
    %dma_start3A_436 = arith.constant 1 : i32
    %dma_start3A_437 = arith.constant 1 : i32
    %dma_start3A_438 = arith.constant 0 : i32
    %dma_start3A_439 = tpu.memref_slice %arg12[%dma_start3A_436, %dma_start3A_437, %dma_start3A_438] : memref<2x8x128xi32, #tpu.memory_space<vmem>> -> memref<1x1x128xi32, #tpu.memory_space<vmem>>
    %dma_start3A_440 = tpu.memref_squeeze %dma_start3A_439 : memref<1x1x128xi32, #tpu.memory_space<vmem>> -> memref<128xi32, #tpu.memory_space<vmem>>
    %dma_start3A_441 = arith.constant 0 : i32
    %dma_start3A_442 = tpu.memref_slice %arg10[%dma_start3A_441] : memref<10240xf32, #tpu.memory_space<vmem_shared>> -> memref<10240xf32, #tpu.memory_space<vmem_shared>>
    tpu.enqueue_indirect_dma source(%arg15 : memref<128xf32, #tpu.memory_space<vmem>>) target(%dma_start3A_442 : memref<10240xf32, #tpu.memory_space<vmem_shared>>) offsets(%dma_start3A_440 : memref<128xi32, #tpu.memory_space<vmem>>) semaphore(%arg19 : memref<!tpu.dma_semaphore, #tpu.memory_space<semaphore_mem>>) {add = true}
    %dma_start3A_443 = arith.constant 1 : i32
    %dma_start3A_444 = arith.constant 3 : i32
    %dma_start3A_445 = arith.constant 0 : i32
    %dma_start3A_446 = tpu.memref_slice %arg11[%dma_start3A_443, %dma_start3A_444, %dma_start3A_445] : memref<2x8x128xi32, #tpu.memory_space<vmem>> -> memref<1x1x128xi32, #tpu.memory_space<vmem>>
    %dma_start3A_447 = tpu.memref_squeeze %dma_start3A_446 : memref<1x1x128xi32, #tpu.memory_space<vmem>> -> memref<128xi32, #tpu.memory_space<vmem>>
    %dma_start3A_448 = arith.constant 0 : i32
    %dma_start3A_449 = arith.constant 0 : i32
    %dma_start3A_450 = tpu.memref_slice %arg2[%dma_start3A_448, %dma_start3A_449] : memref<10240x128xf32, #tpu.memory_space<hbm>> -> memref<10240x128xf32, #tpu.memory_space<hbm>>
    tpu.enqueue_indirect_dma source(%dma_start3A_450 : memref<10240x128xf32, #tpu.memory_space<hbm>>) target(%arg14 : memref<128x128xf32, #tpu.memory_space<vmem>>) offsets(%dma_start3A_447 : memref<128xi32, #tpu.memory_space<vmem>>) semaphore(%arg17 : memref<!tpu.dma_semaphore, #tpu.memory_space<semaphore_mem>>)
    %dma_wait3A_451 = arith.constant 1 : i32
    %dma_wait3A_452 = arith.constant 2 : i32
    %dma_wait3A_453 = arith.constant 0 : i32
    %dma_wait3A_454 = tpu.memref_slice %arg11[%dma_wait3A_451, %dma_wait3A_452, %dma_wait3A_453] : memref<2x8x128xi32, #tpu.memory_space<vmem>> -> memref<1x1x128xi32, #tpu.memory_space<vmem>>
    %dma_wait3A_455 = tpu.memref_squeeze %dma_wait3A_454 : memref<1x1x128xi32, #tpu.memory_space<vmem>> -> memref<128xi32, #tpu.memory_space<vmem>>
    %dma_wait3A_456 = arith.constant 0 : i32
    %dma_wait3A_457 = arith.constant 0 : i32
    %dma_wait3A_458 = tpu.memref_slice %arg2[%dma_wait3A_456, %dma_wait3A_457] : memref<10240x128xf32, #tpu.memory_space<hbm>> -> memref<10240x128xf32, #tpu.memory_space<hbm>>
    tpu.wait_indirect_dma semaphore(%arg16 : memref<!tpu.dma_semaphore, #tpu.memory_space<semaphore_mem>>) src(%dma_wait3A_458 : memref<10240x128xf32, #tpu.memory_space<hbm>>) dst(%arg13 : memref<128x128xf32, #tpu.memory_space<vmem>>)
    %run_scoped3A_459 = arith.constant 1 : i32
    %run_scoped3A_460 = arith.constant 2 : i32
    "tpu.region"() ({
      %run_scoped3A_651 = tpu.sem_alloc : memref<!tpu.dma_semaphore, #tpu.memory_space<semaphore_mem>>
      %dma_start3A_652 = arith.constant 0 : i32
      %dma_start3A_653 = tpu.memref_slice %arg12[%run_scoped3A_459, %run_scoped3A_460, %dma_start3A_652] : memref<2x8x128xi32, #tpu.memory_space<vmem>> -> memref<1x1x128xi32, #tpu.memory_space<vmem>>
      %dma_start3A_654 = tpu.memref_squeeze %dma_start3A_653 : memref<1x1x128xi32, #tpu.memory_space<vmem>> -> memref<128xi32, #tpu.memory_space<vmem>>
      %dma_start3A_655 = arith.constant 0 : i32
      %dma_start3A_656 = arith.constant 0 : i32
      %dma_start3A_657 = tpu.memref_slice %arg9[%dma_start3A_655, %dma_start3A_656] : memref<10240x128xf32, #tpu.memory_space<vmem_shared>> -> memref<10240x128xf32, #tpu.memory_space<vmem_shared>>
      tpu.enqueue_indirect_dma source(%arg13 : memref<128x128xf32, #tpu.memory_space<vmem>>) target(%dma_start3A_657 : memref<10240x128xf32, #tpu.memory_space<vmem_shared>>) offsets(%dma_start3A_654 : memref<128xi32, #tpu.memory_space<vmem>>) semaphore(%run_scoped3A_651 : memref<!tpu.dma_semaphore, #tpu.memory_space<semaphore_mem>>) {add = true}
      %dma_wait3A_658 = arith.constant 0 : i32
      %dma_wait3A_659 = tpu.memref_slice %arg12[%run_scoped3A_459, %run_scoped3A_460, %dma_wait3A_658] : memref<2x8x128xi32, #tpu.memory_space<vmem>> -> memref<1x1x128xi32, #tpu.memory_space<vmem>>
      %dma_wait3A_660 = tpu.memref_squeeze %dma_wait3A_659 : memref<1x1x128xi32, #tpu.memory_space<vmem>> -> memref<128xi32, #tpu.memory_space<vmem>>
      %dma_wait3A_661 = arith.constant 0 : i32
      %dma_wait3A_662 = arith.constant 0 : i32
      %dma_wait3A_663 = tpu.memref_slice %arg9[%dma_wait3A_661, %dma_wait3A_662] : memref<10240x128xf32, #tpu.memory_space<vmem_shared>> -> memref<10240x128xf32, #tpu.memory_space<vmem_shared>>
      tpu.wait_indirect_dma semaphore(%run_scoped3A_651 : memref<!tpu.dma_semaphore, #tpu.memory_space<semaphore_mem>>) src(%arg13 : memref<128x128xf32, #tpu.memory_space<vmem>>) dst(%dma_wait3A_663 : memref<10240x128xf32, #tpu.memory_space<vmem_shared>>)
      tpu.yield
    }) : () -> ()
    %dma_start3A_461 = arith.constant 1 : i32
    %dma_start3A_462 = arith.constant 2 : i32
    %dma_start3A_463 = arith.constant 0 : i32
    %dma_start3A_464 = tpu.memref_slice %arg12[%dma_start3A_461, %dma_start3A_462, %dma_start3A_463] : memref<2x8x128xi32, #tpu.memory_space<vmem>> -> memref<1x1x128xi32, #tpu.memory_space<vmem>>
    %dma_start3A_465 = tpu.memref_squeeze %dma_start3A_464 : memref<1x1x128xi32, #tpu.memory_space<vmem>> -> memref<128xi32, #tpu.memory_space<vmem>>
    %dma_start3A_466 = arith.constant 0 : i32
    %dma_start3A_467 = tpu.memref_slice %arg10[%dma_start3A_466] : memref<10240xf32, #tpu.memory_space<vmem_shared>> -> memref<10240xf32, #tpu.memory_space<vmem_shared>>
    tpu.enqueue_indirect_dma source(%arg15 : memref<128xf32, #tpu.memory_space<vmem>>) target(%dma_start3A_467 : memref<10240xf32, #tpu.memory_space<vmem_shared>>) offsets(%dma_start3A_465 : memref<128xi32, #tpu.memory_space<vmem>>) semaphore(%arg19 : memref<!tpu.dma_semaphore, #tpu.memory_space<semaphore_mem>>) {add = true}
    %dma_start3A_468 = arith.constant 1 : i32
    %dma_start3A_469 = arith.constant 4 : i32
    %dma_start3A_470 = arith.constant 0 : i32
    %dma_start3A_471 = tpu.memref_slice %arg11[%dma_start3A_468, %dma_start3A_469, %dma_start3A_470] : memref<2x8x128xi32, #tpu.memory_space<vmem>> -> memref<1x1x128xi32, #tpu.memory_space<vmem>>
    %dma_start3A_472 = tpu.memref_squeeze %dma_start3A_471 : memref<1x1x128xi32, #tpu.memory_space<vmem>> -> memref<128xi32, #tpu.memory_space<vmem>>
    %dma_start3A_473 = arith.constant 0 : i32
    %dma_start3A_474 = arith.constant 0 : i32
    %dma_start3A_475 = tpu.memref_slice %arg2[%dma_start3A_473, %dma_start3A_474] : memref<10240x128xf32, #tpu.memory_space<hbm>> -> memref<10240x128xf32, #tpu.memory_space<hbm>>
    tpu.enqueue_indirect_dma source(%dma_start3A_475 : memref<10240x128xf32, #tpu.memory_space<hbm>>) target(%arg13 : memref<128x128xf32, #tpu.memory_space<vmem>>) offsets(%dma_start3A_472 : memref<128xi32, #tpu.memory_space<vmem>>) semaphore(%arg16 : memref<!tpu.dma_semaphore, #tpu.memory_space<semaphore_mem>>)
    %dma_wait3A_476 = arith.constant 1 : i32
    %dma_wait3A_477 = arith.constant 3 : i32
    %dma_wait3A_478 = arith.constant 0 : i32
    %dma_wait3A_479 = tpu.memref_slice %arg11[%dma_wait3A_476, %dma_wait3A_477, %dma_wait3A_478] : memref<2x8x128xi32, #tpu.memory_space<vmem>> -> memref<1x1x128xi32, #tpu.memory_space<vmem>>
    %dma_wait3A_480 = tpu.memref_squeeze %dma_wait3A_479 : memref<1x1x128xi32, #tpu.memory_space<vmem>> -> memref<128xi32, #tpu.memory_space<vmem>>
    %dma_wait3A_481 = arith.constant 0 : i32
    %dma_wait3A_482 = arith.constant 0 : i32
    %dma_wait3A_483 = tpu.memref_slice %arg2[%dma_wait3A_481, %dma_wait3A_482] : memref<10240x128xf32, #tpu.memory_space<hbm>> -> memref<10240x128xf32, #tpu.memory_space<hbm>>
    tpu.wait_indirect_dma semaphore(%arg17 : memref<!tpu.dma_semaphore, #tpu.memory_space<semaphore_mem>>) src(%dma_wait3A_483 : memref<10240x128xf32, #tpu.memory_space<hbm>>) dst(%arg14 : memref<128x128xf32, #tpu.memory_space<vmem>>)
    %run_scoped3A_484 = arith.constant 1 : i32
    %run_scoped3A_485 = arith.constant 3 : i32
    "tpu.region"() ({
      %run_scoped3A_651 = tpu.sem_alloc : memref<!tpu.dma_semaphore, #tpu.memory_space<semaphore_mem>>
      %dma_start3A_652 = arith.constant 0 : i32
      %dma_start3A_653 = tpu.memref_slice %arg12[%run_scoped3A_484, %run_scoped3A_485, %dma_start3A_652] : memref<2x8x128xi32, #tpu.memory_space<vmem>> -> memref<1x1x128xi32, #tpu.memory_space<vmem>>
      %dma_start3A_654 = tpu.memref_squeeze %dma_start3A_653 : memref<1x1x128xi32, #tpu.memory_space<vmem>> -> memref<128xi32, #tpu.memory_space<vmem>>
      %dma_start3A_655 = arith.constant 0 : i32
      %dma_start3A_656 = arith.constant 0 : i32
      %dma_start3A_657 = tpu.memref_slice %arg9[%dma_start3A_655, %dma_start3A_656] : memref<10240x128xf32, #tpu.memory_space<vmem_shared>> -> memref<10240x128xf32, #tpu.memory_space<vmem_shared>>
      tpu.enqueue_indirect_dma source(%arg14 : memref<128x128xf32, #tpu.memory_space<vmem>>) target(%dma_start3A_657 : memref<10240x128xf32, #tpu.memory_space<vmem_shared>>) offsets(%dma_start3A_654 : memref<128xi32, #tpu.memory_space<vmem>>) semaphore(%run_scoped3A_651 : memref<!tpu.dma_semaphore, #tpu.memory_space<semaphore_mem>>) {add = true}
      %dma_wait3A_658 = arith.constant 0 : i32
      %dma_wait3A_659 = tpu.memref_slice %arg12[%run_scoped3A_484, %run_scoped3A_485, %dma_wait3A_658] : memref<2x8x128xi32, #tpu.memory_space<vmem>> -> memref<1x1x128xi32, #tpu.memory_space<vmem>>
      %dma_wait3A_660 = tpu.memref_squeeze %dma_wait3A_659 : memref<1x1x128xi32, #tpu.memory_space<vmem>> -> memref<128xi32, #tpu.memory_space<vmem>>
      %dma_wait3A_661 = arith.constant 0 : i32
      %dma_wait3A_662 = arith.constant 0 : i32
      %dma_wait3A_663 = tpu.memref_slice %arg9[%dma_wait3A_661, %dma_wait3A_662] : memref<10240x128xf32, #tpu.memory_space<vmem_shared>> -> memref<10240x128xf32, #tpu.memory_space<vmem_shared>>
      tpu.wait_indirect_dma semaphore(%run_scoped3A_651 : memref<!tpu.dma_semaphore, #tpu.memory_space<semaphore_mem>>) src(%arg14 : memref<128x128xf32, #tpu.memory_space<vmem>>) dst(%dma_wait3A_663 : memref<10240x128xf32, #tpu.memory_space<vmem_shared>>)
      tpu.yield
    }) : () -> ()
    %dma_start3A_486 = arith.constant 1 : i32
    %dma_start3A_487 = arith.constant 3 : i32
    %dma_start3A_488 = arith.constant 0 : i32
    %dma_start3A_489 = tpu.memref_slice %arg12[%dma_start3A_486, %dma_start3A_487, %dma_start3A_488] : memref<2x8x128xi32, #tpu.memory_space<vmem>> -> memref<1x1x128xi32, #tpu.memory_space<vmem>>
    %dma_start3A_490 = tpu.memref_squeeze %dma_start3A_489 : memref<1x1x128xi32, #tpu.memory_space<vmem>> -> memref<128xi32, #tpu.memory_space<vmem>>
    %dma_start3A_491 = arith.constant 0 : i32
    %dma_start3A_492 = tpu.memref_slice %arg10[%dma_start3A_491] : memref<10240xf32, #tpu.memory_space<vmem_shared>> -> memref<10240xf32, #tpu.memory_space<vmem_shared>>
    tpu.enqueue_indirect_dma source(%arg15 : memref<128xf32, #tpu.memory_space<vmem>>) target(%dma_start3A_492 : memref<10240xf32, #tpu.memory_space<vmem_shared>>) offsets(%dma_start3A_490 : memref<128xi32, #tpu.memory_space<vmem>>) semaphore(%arg19 : memref<!tpu.dma_semaphore, #tpu.memory_space<semaphore_mem>>) {add = true}
    %dma_start3A_493 = arith.constant 1 : i32
    %dma_start3A_494 = arith.constant 5 : i32
    %dma_start3A_495 = arith.constant 0 : i32
    %dma_start3A_496 = tpu.memref_slice %arg11[%dma_start3A_493, %dma_start3A_494, %dma_start3A_495] : memref<2x8x128xi32, #tpu.memory_space<vmem>> -> memref<1x1x128xi32, #tpu.memory_space<vmem>>
    %dma_start3A_497 = tpu.memref_squeeze %dma_start3A_496 : memref<1x1x128xi32, #tpu.memory_space<vmem>> -> memref<128xi32, #tpu.memory_space<vmem>>
    %dma_start3A_498 = arith.constant 0 : i32
    %dma_start3A_499 = arith.constant 0 : i32
    %dma_start3A_500 = tpu.memref_slice %arg2[%dma_start3A_498, %dma_start3A_499] : memref<10240x128xf32, #tpu.memory_space<hbm>> -> memref<10240x128xf32, #tpu.memory_space<hbm>>
    tpu.enqueue_indirect_dma source(%dma_start3A_500 : memref<10240x128xf32, #tpu.memory_space<hbm>>) target(%arg14 : memref<128x128xf32, #tpu.memory_space<vmem>>) offsets(%dma_start3A_497 : memref<128xi32, #tpu.memory_space<vmem>>) semaphore(%arg17 : memref<!tpu.dma_semaphore, #tpu.memory_space<semaphore_mem>>)
    %dma_wait3A_501 = arith.constant 1 : i32
    %dma_wait3A_502 = arith.constant 4 : i32
    %dma_wait3A_503 = arith.constant 0 : i32
    %dma_wait3A_504 = tpu.memref_slice %arg11[%dma_wait3A_501, %dma_wait3A_502, %dma_wait3A_503] : memref<2x8x128xi32, #tpu.memory_space<vmem>> -> memref<1x1x128xi32, #tpu.memory_space<vmem>>
    %dma_wait3A_505 = tpu.memref_squeeze %dma_wait3A_504 : memref<1x1x128xi32, #tpu.memory_space<vmem>> -> memref<128xi32, #tpu.memory_space<vmem>>
    %dma_wait3A_506 = arith.constant 0 : i32
    %dma_wait3A_507 = arith.constant 0 : i32
    %dma_wait3A_508 = tpu.memref_slice %arg2[%dma_wait3A_506, %dma_wait3A_507] : memref<10240x128xf32, #tpu.memory_space<hbm>> -> memref<10240x128xf32, #tpu.memory_space<hbm>>
    tpu.wait_indirect_dma semaphore(%arg16 : memref<!tpu.dma_semaphore, #tpu.memory_space<semaphore_mem>>) src(%dma_wait3A_508 : memref<10240x128xf32, #tpu.memory_space<hbm>>) dst(%arg13 : memref<128x128xf32, #tpu.memory_space<vmem>>)
    %run_scoped3A_509 = arith.constant 1 : i32
    %run_scoped3A_510 = arith.constant 4 : i32
    "tpu.region"() ({
      %run_scoped3A_651 = tpu.sem_alloc : memref<!tpu.dma_semaphore, #tpu.memory_space<semaphore_mem>>
      %dma_start3A_652 = arith.constant 0 : i32
      %dma_start3A_653 = tpu.memref_slice %arg12[%run_scoped3A_509, %run_scoped3A_510, %dma_start3A_652] : memref<2x8x128xi32, #tpu.memory_space<vmem>> -> memref<1x1x128xi32, #tpu.memory_space<vmem>>
      %dma_start3A_654 = tpu.memref_squeeze %dma_start3A_653 : memref<1x1x128xi32, #tpu.memory_space<vmem>> -> memref<128xi32, #tpu.memory_space<vmem>>
      %dma_start3A_655 = arith.constant 0 : i32
      %dma_start3A_656 = arith.constant 0 : i32
      %dma_start3A_657 = tpu.memref_slice %arg9[%dma_start3A_655, %dma_start3A_656] : memref<10240x128xf32, #tpu.memory_space<vmem_shared>> -> memref<10240x128xf32, #tpu.memory_space<vmem_shared>>
      tpu.enqueue_indirect_dma source(%arg13 : memref<128x128xf32, #tpu.memory_space<vmem>>) target(%dma_start3A_657 : memref<10240x128xf32, #tpu.memory_space<vmem_shared>>) offsets(%dma_start3A_654 : memref<128xi32, #tpu.memory_space<vmem>>) semaphore(%run_scoped3A_651 : memref<!tpu.dma_semaphore, #tpu.memory_space<semaphore_mem>>) {add = true}
      %dma_wait3A_658 = arith.constant 0 : i32
      %dma_wait3A_659 = tpu.memref_slice %arg12[%run_scoped3A_509, %run_scoped3A_510, %dma_wait3A_658] : memref<2x8x128xi32, #tpu.memory_space<vmem>> -> memref<1x1x128xi32, #tpu.memory_space<vmem>>
      %dma_wait3A_660 = tpu.memref_squeeze %dma_wait3A_659 : memref<1x1x128xi32, #tpu.memory_space<vmem>> -> memref<128xi32, #tpu.memory_space<vmem>>
      %dma_wait3A_661 = arith.constant 0 : i32
      %dma_wait3A_662 = arith.constant 0 : i32
      %dma_wait3A_663 = tpu.memref_slice %arg9[%dma_wait3A_661, %dma_wait3A_662] : memref<10240x128xf32, #tpu.memory_space<vmem_shared>> -> memref<10240x128xf32, #tpu.memory_space<vmem_shared>>
      tpu.wait_indirect_dma semaphore(%run_scoped3A_651 : memref<!tpu.dma_semaphore, #tpu.memory_space<semaphore_mem>>) src(%arg13 : memref<128x128xf32, #tpu.memory_space<vmem>>) dst(%dma_wait3A_663 : memref<10240x128xf32, #tpu.memory_space<vmem_shared>>)
      tpu.yield
    }) : () -> ()
    %dma_start3A_511 = arith.constant 1 : i32
    %dma_start3A_512 = arith.constant 4 : i32
    %dma_start3A_513 = arith.constant 0 : i32
    %dma_start3A_514 = tpu.memref_slice %arg12[%dma_start3A_511, %dma_start3A_512, %dma_start3A_513] : memref<2x8x128xi32, #tpu.memory_space<vmem>> -> memref<1x1x128xi32, #tpu.memory_space<vmem>>
    %dma_start3A_515 = tpu.memref_squeeze %dma_start3A_514 : memref<1x1x128xi32, #tpu.memory_space<vmem>> -> memref<128xi32, #tpu.memory_space<vmem>>
    %dma_start3A_516 = arith.constant 0 : i32
    %dma_start3A_517 = tpu.memref_slice %arg10[%dma_start3A_516] : memref<10240xf32, #tpu.memory_space<vmem_shared>> -> memref<10240xf32, #tpu.memory_space<vmem_shared>>
    tpu.enqueue_indirect_dma source(%arg15 : memref<128xf32, #tpu.memory_space<vmem>>) target(%dma_start3A_517 : memref<10240xf32, #tpu.memory_space<vmem_shared>>) offsets(%dma_start3A_515 : memref<128xi32, #tpu.memory_space<vmem>>) semaphore(%arg19 : memref<!tpu.dma_semaphore, #tpu.memory_space<semaphore_mem>>) {add = true}
    %dma_start3A_518 = arith.constant 1 : i32
    %dma_start3A_519 = arith.constant 6 : i32
    %dma_start3A_520 = arith.constant 0 : i32
    %dma_start3A_521 = tpu.memref_slice %arg11[%dma_start3A_518, %dma_start3A_519, %dma_start3A_520] : memref<2x8x128xi32, #tpu.memory_space<vmem>> -> memref<1x1x128xi32, #tpu.memory_space<vmem>>
    %dma_start3A_522 = tpu.memref_squeeze %dma_start3A_521 : memref<1x1x128xi32, #tpu.memory_space<vmem>> -> memref<128xi32, #tpu.memory_space<vmem>>
    %dma_start3A_523 = arith.constant 0 : i32
    %dma_start3A_524 = arith.constant 0 : i32
    %dma_start3A_525 = tpu.memref_slice %arg2[%dma_start3A_523, %dma_start3A_524] : memref<10240x128xf32, #tpu.memory_space<hbm>> -> memref<10240x128xf32, #tpu.memory_space<hbm>>
    tpu.enqueue_indirect_dma source(%dma_start3A_525 : memref<10240x128xf32, #tpu.memory_space<hbm>>) target(%arg13 : memref<128x128xf32, #tpu.memory_space<vmem>>) offsets(%dma_start3A_522 : memref<128xi32, #tpu.memory_space<vmem>>) semaphore(%arg16 : memref<!tpu.dma_semaphore, #tpu.memory_space<semaphore_mem>>)
    %dma_wait3A_526 = arith.constant 1 : i32
    %dma_wait3A_527 = arith.constant 5 : i32
    %dma_wait3A_528 = arith.constant 0 : i32
    %dma_wait3A_529 = tpu.memref_slice %arg11[%dma_wait3A_526, %dma_wait3A_527, %dma_wait3A_528] : memref<2x8x128xi32, #tpu.memory_space<vmem>> -> memref<1x1x128xi32, #tpu.memory_space<vmem>>
    %dma_wait3A_530 = tpu.memref_squeeze %dma_wait3A_529 : memref<1x1x128xi32, #tpu.memory_space<vmem>> -> memref<128xi32, #tpu.memory_space<vmem>>
    %dma_wait3A_531 = arith.constant 0 : i32
    %dma_wait3A_532 = arith.constant 0 : i32
    %dma_wait3A_533 = tpu.memref_slice %arg2[%dma_wait3A_531, %dma_wait3A_532] : memref<10240x128xf32, #tpu.memory_space<hbm>> -> memref<10240x128xf32, #tpu.memory_space<hbm>>
    tpu.wait_indirect_dma semaphore(%arg17 : memref<!tpu.dma_semaphore, #tpu.memory_space<semaphore_mem>>) src(%dma_wait3A_533 : memref<10240x128xf32, #tpu.memory_space<hbm>>) dst(%arg14 : memref<128x128xf32, #tpu.memory_space<vmem>>)
    %run_scoped3A_534 = arith.constant 1 : i32
    %run_scoped3A_535 = arith.constant 5 : i32
    "tpu.region"() ({
      %run_scoped3A_651 = tpu.sem_alloc : memref<!tpu.dma_semaphore, #tpu.memory_space<semaphore_mem>>
      %dma_start3A_652 = arith.constant 0 : i32
      %dma_start3A_653 = tpu.memref_slice %arg12[%run_scoped3A_534, %run_scoped3A_535, %dma_start3A_652] : memref<2x8x128xi32, #tpu.memory_space<vmem>> -> memref<1x1x128xi32, #tpu.memory_space<vmem>>
      %dma_start3A_654 = tpu.memref_squeeze %dma_start3A_653 : memref<1x1x128xi32, #tpu.memory_space<vmem>> -> memref<128xi32, #tpu.memory_space<vmem>>
      %dma_start3A_655 = arith.constant 0 : i32
      %dma_start3A_656 = arith.constant 0 : i32
      %dma_start3A_657 = tpu.memref_slice %arg9[%dma_start3A_655, %dma_start3A_656] : memref<10240x128xf32, #tpu.memory_space<vmem_shared>> -> memref<10240x128xf32, #tpu.memory_space<vmem_shared>>
      tpu.enqueue_indirect_dma source(%arg14 : memref<128x128xf32, #tpu.memory_space<vmem>>) target(%dma_start3A_657 : memref<10240x128xf32, #tpu.memory_space<vmem_shared>>) offsets(%dma_start3A_654 : memref<128xi32, #tpu.memory_space<vmem>>) semaphore(%run_scoped3A_651 : memref<!tpu.dma_semaphore, #tpu.memory_space<semaphore_mem>>) {add = true}
      %dma_wait3A_658 = arith.constant 0 : i32
      %dma_wait3A_659 = tpu.memref_slice %arg12[%run_scoped3A_534, %run_scoped3A_535, %dma_wait3A_658] : memref<2x8x128xi32, #tpu.memory_space<vmem>> -> memref<1x1x128xi32, #tpu.memory_space<vmem>>
      %dma_wait3A_660 = tpu.memref_squeeze %dma_wait3A_659 : memref<1x1x128xi32, #tpu.memory_space<vmem>> -> memref<128xi32, #tpu.memory_space<vmem>>
      %dma_wait3A_661 = arith.constant 0 : i32
      %dma_wait3A_662 = arith.constant 0 : i32
      %dma_wait3A_663 = tpu.memref_slice %arg9[%dma_wait3A_661, %dma_wait3A_662] : memref<10240x128xf32, #tpu.memory_space<vmem_shared>> -> memref<10240x128xf32, #tpu.memory_space<vmem_shared>>
      tpu.wait_indirect_dma semaphore(%run_scoped3A_651 : memref<!tpu.dma_semaphore, #tpu.memory_space<semaphore_mem>>) src(%arg14 : memref<128x128xf32, #tpu.memory_space<vmem>>) dst(%dma_wait3A_663 : memref<10240x128xf32, #tpu.memory_space<vmem_shared>>)
      tpu.yield
    }) : () -> ()
    %dma_start3A_536 = arith.constant 1 : i32
    %dma_start3A_537 = arith.constant 5 : i32
    %dma_start3A_538 = arith.constant 0 : i32
    %dma_start3A_539 = tpu.memref_slice %arg12[%dma_start3A_536, %dma_start3A_537, %dma_start3A_538] : memref<2x8x128xi32, #tpu.memory_space<vmem>> -> memref<1x1x128xi32, #tpu.memory_space<vmem>>
    %dma_start3A_540 = tpu.memref_squeeze %dma_start3A_539 : memref<1x1x128xi32, #tpu.memory_space<vmem>> -> memref<128xi32, #tpu.memory_space<vmem>>
    %dma_start3A_541 = arith.constant 0 : i32
    %dma_start3A_542 = tpu.memref_slice %arg10[%dma_start3A_541] : memref<10240xf32, #tpu.memory_space<vmem_shared>> -> memref<10240xf32, #tpu.memory_space<vmem_shared>>
    tpu.enqueue_indirect_dma source(%arg15 : memref<128xf32, #tpu.memory_space<vmem>>) target(%dma_start3A_542 : memref<10240xf32, #tpu.memory_space<vmem_shared>>) offsets(%dma_start3A_540 : memref<128xi32, #tpu.memory_space<vmem>>) semaphore(%arg19 : memref<!tpu.dma_semaphore, #tpu.memory_space<semaphore_mem>>) {add = true}
    %dma_start3A_543 = arith.constant 1 : i32
    %dma_start3A_544 = arith.constant 7 : i32
    %dma_start3A_545 = arith.constant 0 : i32
    %dma_start3A_546 = tpu.memref_slice %arg11[%dma_start3A_543, %dma_start3A_544, %dma_start3A_545] : memref<2x8x128xi32, #tpu.memory_space<vmem>> -> memref<1x1x128xi32, #tpu.memory_space<vmem>>
    %dma_start3A_547 = tpu.memref_squeeze %dma_start3A_546 : memref<1x1x128xi32, #tpu.memory_space<vmem>> -> memref<128xi32, #tpu.memory_space<vmem>>
    %dma_start3A_548 = arith.constant 0 : i32
    %dma_start3A_549 = arith.constant 0 : i32
    %dma_start3A_550 = tpu.memref_slice %arg2[%dma_start3A_548, %dma_start3A_549] : memref<10240x128xf32, #tpu.memory_space<hbm>> -> memref<10240x128xf32, #tpu.memory_space<hbm>>
    tpu.enqueue_indirect_dma source(%dma_start3A_550 : memref<10240x128xf32, #tpu.memory_space<hbm>>) target(%arg14 : memref<128x128xf32, #tpu.memory_space<vmem>>) offsets(%dma_start3A_547 : memref<128xi32, #tpu.memory_space<vmem>>) semaphore(%arg17 : memref<!tpu.dma_semaphore, #tpu.memory_space<semaphore_mem>>)
    %dma_wait3A_551 = arith.constant 1 : i32
    %dma_wait3A_552 = arith.constant 6 : i32
    %dma_wait3A_553 = arith.constant 0 : i32
    %dma_wait3A_554 = tpu.memref_slice %arg11[%dma_wait3A_551, %dma_wait3A_552, %dma_wait3A_553] : memref<2x8x128xi32, #tpu.memory_space<vmem>> -> memref<1x1x128xi32, #tpu.memory_space<vmem>>
    %dma_wait3A_555 = tpu.memref_squeeze %dma_wait3A_554 : memref<1x1x128xi32, #tpu.memory_space<vmem>> -> memref<128xi32, #tpu.memory_space<vmem>>
    %dma_wait3A_556 = arith.constant 0 : i32
    %dma_wait3A_557 = arith.constant 0 : i32
    %dma_wait3A_558 = tpu.memref_slice %arg2[%dma_wait3A_556, %dma_wait3A_557] : memref<10240x128xf32, #tpu.memory_space<hbm>> -> memref<10240x128xf32, #tpu.memory_space<hbm>>
    tpu.wait_indirect_dma semaphore(%arg16 : memref<!tpu.dma_semaphore, #tpu.memory_space<semaphore_mem>>) src(%dma_wait3A_558 : memref<10240x128xf32, #tpu.memory_space<hbm>>) dst(%arg13 : memref<128x128xf32, #tpu.memory_space<vmem>>)
    %run_scoped3A_559 = arith.constant 1 : i32
    %run_scoped3A_560 = arith.constant 6 : i32
    "tpu.region"() ({
      %run_scoped3A_651 = tpu.sem_alloc : memref<!tpu.dma_semaphore, #tpu.memory_space<semaphore_mem>>
      %dma_start3A_652 = arith.constant 0 : i32
      %dma_start3A_653 = tpu.memref_slice %arg12[%run_scoped3A_559, %run_scoped3A_560, %dma_start3A_652] : memref<2x8x128xi32, #tpu.memory_space<vmem>> -> memref<1x1x128xi32, #tpu.memory_space<vmem>>
      %dma_start3A_654 = tpu.memref_squeeze %dma_start3A_653 : memref<1x1x128xi32, #tpu.memory_space<vmem>> -> memref<128xi32, #tpu.memory_space<vmem>>
      %dma_start3A_655 = arith.constant 0 : i32
      %dma_start3A_656 = arith.constant 0 : i32
      %dma_start3A_657 = tpu.memref_slice %arg9[%dma_start3A_655, %dma_start3A_656] : memref<10240x128xf32, #tpu.memory_space<vmem_shared>> -> memref<10240x128xf32, #tpu.memory_space<vmem_shared>>
      tpu.enqueue_indirect_dma source(%arg13 : memref<128x128xf32, #tpu.memory_space<vmem>>) target(%dma_start3A_657 : memref<10240x128xf32, #tpu.memory_space<vmem_shared>>) offsets(%dma_start3A_654 : memref<128xi32, #tpu.memory_space<vmem>>) semaphore(%run_scoped3A_651 : memref<!tpu.dma_semaphore, #tpu.memory_space<semaphore_mem>>) {add = true}
      %dma_wait3A_658 = arith.constant 0 : i32
      %dma_wait3A_659 = tpu.memref_slice %arg12[%run_scoped3A_559, %run_scoped3A_560, %dma_wait3A_658] : memref<2x8x128xi32, #tpu.memory_space<vmem>> -> memref<1x1x128xi32, #tpu.memory_space<vmem>>
      %dma_wait3A_660 = tpu.memref_squeeze %dma_wait3A_659 : memref<1x1x128xi32, #tpu.memory_space<vmem>> -> memref<128xi32, #tpu.memory_space<vmem>>
      %dma_wait3A_661 = arith.constant 0 : i32
      %dma_wait3A_662 = arith.constant 0 : i32
      %dma_wait3A_663 = tpu.memref_slice %arg9[%dma_wait3A_661, %dma_wait3A_662] : memref<10240x128xf32, #tpu.memory_space<vmem_shared>> -> memref<10240x128xf32, #tpu.memory_space<vmem_shared>>
      tpu.wait_indirect_dma semaphore(%run_scoped3A_651 : memref<!tpu.dma_semaphore, #tpu.memory_space<semaphore_mem>>) src(%arg13 : memref<128x128xf32, #tpu.memory_space<vmem>>) dst(%dma_wait3A_663 : memref<10240x128xf32, #tpu.memory_space<vmem_shared>>)
      tpu.yield
    }) : () -> ()
    %dma_start3A_561 = arith.constant 1 : i32
    %dma_start3A_562 = arith.constant 6 : i32
    %dma_start3A_563 = arith.constant 0 : i32
    %dma_start3A_564 = tpu.memref_slice %arg12[%dma_start3A_561, %dma_start3A_562, %dma_start3A_563] : memref<2x8x128xi32, #tpu.memory_space<vmem>> -> memref<1x1x128xi32, #tpu.memory_space<vmem>>
    %dma_start3A_565 = tpu.memref_squeeze %dma_start3A_564 : memref<1x1x128xi32, #tpu.memory_space<vmem>> -> memref<128xi32, #tpu.memory_space<vmem>>
    %dma_start3A_566 = arith.constant 0 : i32
    %dma_start3A_567 = tpu.memref_slice %arg10[%dma_start3A_566] : memref<10240xf32, #tpu.memory_space<vmem_shared>> -> memref<10240xf32, #tpu.memory_space<vmem_shared>>
    tpu.enqueue_indirect_dma source(%arg15 : memref<128xf32, #tpu.memory_space<vmem>>) target(%dma_start3A_567 : memref<10240xf32, #tpu.memory_space<vmem_shared>>) offsets(%dma_start3A_565 : memref<128xi32, #tpu.memory_space<vmem>>) semaphore(%arg19 : memref<!tpu.dma_semaphore, #tpu.memory_space<semaphore_mem>>) {add = true}
    %dma_wait3A_568 = arith.constant 1 : i32
    %dma_wait3A_569 = arith.constant 7 : i32
    %dma_wait3A_570 = arith.constant 0 : i32
    %dma_wait3A_571 = tpu.memref_slice %arg11[%dma_wait3A_568, %dma_wait3A_569, %dma_wait3A_570] : memref<2x8x128xi32, #tpu.memory_space<vmem>> -> memref<1x1x128xi32, #tpu.memory_space<vmem>>
    %dma_wait3A_572 = tpu.memref_squeeze %dma_wait3A_571 : memref<1x1x128xi32, #tpu.memory_space<vmem>> -> memref<128xi32, #tpu.memory_space<vmem>>
    %dma_wait3A_573 = arith.constant 0 : i32
    %dma_wait3A_574 = arith.constant 0 : i32
    %dma_wait3A_575 = tpu.memref_slice %arg2[%dma_wait3A_573, %dma_wait3A_574] : memref<10240x128xf32, #tpu.memory_space<hbm>> -> memref<10240x128xf32, #tpu.memory_space<hbm>>
    tpu.wait_indirect_dma semaphore(%arg17 : memref<!tpu.dma_semaphore, #tpu.memory_space<semaphore_mem>>) src(%dma_wait3A_575 : memref<10240x128xf32, #tpu.memory_space<hbm>>) dst(%arg14 : memref<128x128xf32, #tpu.memory_space<vmem>>)
    %run_scoped3A_576 = arith.constant 1 : i32
    %run_scoped3A_577 = arith.constant 7 : i32
    "tpu.region"() ({
      %run_scoped3A_651 = tpu.sem_alloc : memref<!tpu.dma_semaphore, #tpu.memory_space<semaphore_mem>>
      %dma_start3A_652 = arith.constant 0 : i32
      %dma_start3A_653 = tpu.memref_slice %arg12[%run_scoped3A_576, %run_scoped3A_577, %dma_start3A_652] : memref<2x8x128xi32, #tpu.memory_space<vmem>> -> memref<1x1x128xi32, #tpu.memory_space<vmem>>
      %dma_start3A_654 = tpu.memref_squeeze %dma_start3A_653 : memref<1x1x128xi32, #tpu.memory_space<vmem>> -> memref<128xi32, #tpu.memory_space<vmem>>
      %dma_start3A_655 = arith.constant 0 : i32
      %dma_start3A_656 = arith.constant 0 : i32
      %dma_start3A_657 = tpu.memref_slice %arg9[%dma_start3A_655, %dma_start3A_656] : memref<10240x128xf32, #tpu.memory_space<vmem_shared>> -> memref<10240x128xf32, #tpu.memory_space<vmem_shared>>
      tpu.enqueue_indirect_dma source(%arg14 : memref<128x128xf32, #tpu.memory_space<vmem>>) target(%dma_start3A_657 : memref<10240x128xf32, #tpu.memory_space<vmem_shared>>) offsets(%dma_start3A_654 : memref<128xi32, #tpu.memory_space<vmem>>) semaphore(%run_scoped3A_651 : memref<!tpu.dma_semaphore, #tpu.memory_space<semaphore_mem>>) {add = true}
      %dma_wait3A_658 = arith.constant 0 : i32
      %dma_wait3A_659 = tpu.memref_slice %arg12[%run_scoped3A_576, %run_scoped3A_577, %dma_wait3A_658] : memref<2x8x128xi32, #tpu.memory_space<vmem>> -> memref<1x1x128xi32, #tpu.memory_space<vmem>>
      %dma_wait3A_660 = tpu.memref_squeeze %dma_wait3A_659 : memref<1x1x128xi32, #tpu.memory_space<vmem>> -> memref<128xi32, #tpu.memory_space<vmem>>
      %dma_wait3A_661 = arith.constant 0 : i32
      %dma_wait3A_662 = arith.constant 0 : i32
      %dma_wait3A_663 = tpu.memref_slice %arg9[%dma_wait3A_661, %dma_wait3A_662] : memref<10240x128xf32, #tpu.memory_space<vmem_shared>> -> memref<10240x128xf32, #tpu.memory_space<vmem_shared>>
      tpu.wait_indirect_dma semaphore(%run_scoped3A_651 : memref<!tpu.dma_semaphore, #tpu.memory_space<semaphore_mem>>) src(%arg14 : memref<128x128xf32, #tpu.memory_space<vmem>>) dst(%dma_wait3A_663 : memref<10240x128xf32, #tpu.memory_space<vmem_shared>>)
      tpu.yield
    }) : () -> ()
    %dma_start3A_578 = arith.constant 1 : i32
    %dma_start3A_579 = arith.constant 7 : i32
    %dma_start3A_580 = arith.constant 0 : i32
    %dma_start3A_581 = tpu.memref_slice %arg12[%dma_start3A_578, %dma_start3A_579, %dma_start3A_580] : memref<2x8x128xi32, #tpu.memory_space<vmem>> -> memref<1x1x128xi32, #tpu.memory_space<vmem>>
    %dma_start3A_582 = tpu.memref_squeeze %dma_start3A_581 : memref<1x1x128xi32, #tpu.memory_space<vmem>> -> memref<128xi32, #tpu.memory_space<vmem>>
    %dma_start3A_583 = arith.constant 0 : i32
    %dma_start3A_584 = tpu.memref_slice %arg10[%dma_start3A_583] : memref<10240xf32, #tpu.memory_space<vmem_shared>> -> memref<10240xf32, #tpu.memory_space<vmem_shared>>
    tpu.enqueue_indirect_dma source(%arg15 : memref<128xf32, #tpu.memory_space<vmem>>) target(%dma_start3A_584 : memref<10240xf32, #tpu.memory_space<vmem_shared>>) offsets(%dma_start3A_582 : memref<128xi32, #tpu.memory_space<vmem>>) semaphore(%arg19 : memref<!tpu.dma_semaphore, #tpu.memory_space<semaphore_mem>>) {add = true}
    %dma_wait3A_585 = arith.constant 0 : i32
    %dma_wait3A_586 = arith.constant 0 : i32
    %dma_wait3A_587 = arith.constant 0 : i32
    %dma_wait3A_588 = tpu.memref_slice %arg12[%dma_wait3A_585, %dma_wait3A_586, %dma_wait3A_587] : memref<2x8x128xi32, #tpu.memory_space<vmem>> -> memref<1x1x128xi32, #tpu.memory_space<vmem>>
    %dma_wait3A_589 = tpu.memref_squeeze %dma_wait3A_588 : memref<1x1x128xi32, #tpu.memory_space<vmem>> -> memref<128xi32, #tpu.memory_space<vmem>>
    %dma_wait3A_590 = arith.constant 0 : i32
    %dma_wait3A_591 = tpu.memref_slice %arg10[%dma_wait3A_590] : memref<10240xf32, #tpu.memory_space<vmem_shared>> -> memref<10240xf32, #tpu.memory_space<vmem_shared>>
    tpu.wait_indirect_dma semaphore(%arg19 : memref<!tpu.dma_semaphore, #tpu.memory_space<semaphore_mem>>) src(%arg15 : memref<128xf32, #tpu.memory_space<vmem>>) dst(%dma_wait3A_591 : memref<10240xf32, #tpu.memory_space<vmem_shared>>)
    %dma_wait3A_592 = arith.constant 0 : i32
    %dma_wait3A_593 = arith.constant 0 : i32
    %dma_wait3A_594 = arith.constant 0 : i32
    %dma_wait3A_595 = tpu.memref_slice %arg12[%dma_wait3A_592, %dma_wait3A_593, %dma_wait3A_594] : memref<2x8x128xi32, #tpu.memory_space<vmem>> -> memref<1x1x128xi32, #tpu.memory_space<vmem>>
    %dma_wait3A_596 = tpu.memref_squeeze %dma_wait3A_595 : memref<1x1x128xi32, #tpu.memory_space<vmem>> -> memref<128xi32, #tpu.memory_space<vmem>>
    %dma_wait3A_597 = arith.constant 0 : i32
    %dma_wait3A_598 = tpu.memref_slice %arg10[%dma_wait3A_597] : memref<10240xf32, #tpu.memory_space<vmem_shared>> -> memref<10240xf32, #tpu.memory_space<vmem_shared>>
    tpu.wait_indirect_dma semaphore(%arg19 : memref<!tpu.dma_semaphore, #tpu.memory_space<semaphore_mem>>) src(%arg15 : memref<128xf32, #tpu.memory_space<vmem>>) dst(%dma_wait3A_598 : memref<10240xf32, #tpu.memory_space<vmem_shared>>)
    %dma_wait3A_599 = arith.constant 0 : i32
    %dma_wait3A_600 = arith.constant 0 : i32
    %dma_wait3A_601 = arith.constant 0 : i32
    %dma_wait3A_602 = tpu.memref_slice %arg12[%dma_wait3A_599, %dma_wait3A_600, %dma_wait3A_601] : memref<2x8x128xi32, #tpu.memory_space<vmem>> -> memref<1x1x128xi32, #tpu.memory_space<vmem>>
    %dma_wait3A_603 = tpu.memref_squeeze %dma_wait3A_602 : memref<1x1x128xi32, #tpu.memory_space<vmem>> -> memref<128xi32, #tpu.memory_space<vmem>>
    %dma_wait3A_604 = arith.constant 0 : i32
    %dma_wait3A_605 = tpu.memref_slice %arg10[%dma_wait3A_604] : memref<10240xf32, #tpu.memory_space<vmem_shared>> -> memref<10240xf32, #tpu.memory_space<vmem_shared>>
    tpu.wait_indirect_dma semaphore(%arg19 : memref<!tpu.dma_semaphore, #tpu.memory_space<semaphore_mem>>) src(%arg15 : memref<128xf32, #tpu.memory_space<vmem>>) dst(%dma_wait3A_605 : memref<10240xf32, #tpu.memory_space<vmem_shared>>)
    %dma_wait3A_606 = arith.constant 0 : i32
    %dma_wait3A_607 = arith.constant 0 : i32
    %dma_wait3A_608 = arith.constant 0 : i32
    %dma_wait3A_609 = tpu.memref_slice %arg12[%dma_wait3A_606, %dma_wait3A_607, %dma_wait3A_608] : memref<2x8x128xi32, #tpu.memory_space<vmem>> -> memref<1x1x128xi32, #tpu.memory_space<vmem>>
    %dma_wait3A_610 = tpu.memref_squeeze %dma_wait3A_609 : memref<1x1x128xi32, #tpu.memory_space<vmem>> -> memref<128xi32, #tpu.memory_space<vmem>>
    %dma_wait3A_611 = arith.constant 0 : i32
    %dma_wait3A_612 = tpu.memref_slice %arg10[%dma_wait3A_611] : memref<10240xf32, #tpu.memory_space<vmem_shared>> -> memref<10240xf32, #tpu.memory_space<vmem_shared>>
    tpu.wait_indirect_dma semaphore(%arg19 : memref<!tpu.dma_semaphore, #tpu.memory_space<semaphore_mem>>) src(%arg15 : memref<128xf32, #tpu.memory_space<vmem>>) dst(%dma_wait3A_612 : memref<10240xf32, #tpu.memory_space<vmem_shared>>)
    %dma_wait3A_613 = arith.constant 0 : i32
    %dma_wait3A_614 = arith.constant 0 : i32
    %dma_wait3A_615 = arith.constant 0 : i32
    %dma_wait3A_616 = tpu.memref_slice %arg12[%dma_wait3A_613, %dma_wait3A_614, %dma_wait3A_615] : memref<2x8x128xi32, #tpu.memory_space<vmem>> -> memref<1x1x128xi32, #tpu.memory_space<vmem>>
    %dma_wait3A_617 = tpu.memref_squeeze %dma_wait3A_616 : memref<1x1x128xi32, #tpu.memory_space<vmem>> -> memref<128xi32, #tpu.memory_space<vmem>>
    %dma_wait3A_618 = arith.constant 0 : i32
    %dma_wait3A_619 = tpu.memref_slice %arg10[%dma_wait3A_618] : memref<10240xf32, #tpu.memory_space<vmem_shared>> -> memref<10240xf32, #tpu.memory_space<vmem_shared>>
    tpu.wait_indirect_dma semaphore(%arg19 : memref<!tpu.dma_semaphore, #tpu.memory_space<semaphore_mem>>) src(%arg15 : memref<128xf32, #tpu.memory_space<vmem>>) dst(%dma_wait3A_619 : memref<10240xf32, #tpu.memory_space<vmem_shared>>)
    %dma_wait3A_620 = arith.constant 0 : i32
    %dma_wait3A_621 = arith.constant 0 : i32
    %dma_wait3A_622 = arith.constant 0 : i32
    %dma_wait3A_623 = tpu.memref_slice %arg12[%dma_wait3A_620, %dma_wait3A_621, %dma_wait3A_622] : memref<2x8x128xi32, #tpu.memory_space<vmem>> -> memref<1x1x128xi32, #tpu.memory_space<vmem>>
    %dma_wait3A_624 = tpu.memref_squeeze %dma_wait3A_623 : memref<1x1x128xi32, #tpu.memory_space<vmem>> -> memref<128xi32, #tpu.memory_space<vmem>>
    %dma_wait3A_625 = arith.constant 0 : i32
    %dma_wait3A_626 = tpu.memref_slice %arg10[%dma_wait3A_625] : memref<10240xf32, #tpu.memory_space<vmem_shared>> -> memref<10240xf32, #tpu.memory_space<vmem_shared>>
    tpu.wait_indirect_dma semaphore(%arg19 : memref<!tpu.dma_semaphore, #tpu.memory_space<semaphore_mem>>) src(%arg15 : memref<128xf32, #tpu.memory_space<vmem>>) dst(%dma_wait3A_626 : memref<10240xf32, #tpu.memory_space<vmem_shared>>)
    %dma_wait3A_627 = arith.constant 0 : i32
    %dma_wait3A_628 = arith.constant 0 : i32
    %dma_wait3A_629 = arith.constant 0 : i32
    %dma_wait3A_630 = tpu.memref_slice %arg12[%dma_wait3A_627, %dma_wait3A_628, %dma_wait3A_629] : memref<2x8x128xi32, #tpu.memory_space<vmem>> -> memref<1x1x128xi32, #tpu.memory_space<vmem>>
    %dma_wait3A_631 = tpu.memref_squeeze %dma_wait3A_630 : memref<1x1x128xi32, #tpu.memory_space<vmem>> -> memref<128xi32, #tpu.memory_space<vmem>>
    %dma_wait3A_632 = arith.constant 0 : i32
    %dma_wait3A_633 = tpu.memref_slice %arg10[%dma_wait3A_632] : memref<10240xf32, #tpu.memory_space<vmem_shared>> -> memref<10240xf32, #tpu.memory_space<vmem_shared>>
    tpu.wait_indirect_dma semaphore(%arg19 : memref<!tpu.dma_semaphore, #tpu.memory_space<semaphore_mem>>) src(%arg15 : memref<128xf32, #tpu.memory_space<vmem>>) dst(%dma_wait3A_633 : memref<10240xf32, #tpu.memory_space<vmem_shared>>)
    %dma_wait3A_634 = arith.constant 0 : i32
    %dma_wait3A_635 = arith.constant 0 : i32
    %dma_wait3A_636 = arith.constant 0 : i32
    %dma_wait3A_637 = tpu.memref_slice %arg12[%dma_wait3A_634, %dma_wait3A_635, %dma_wait3A_636] : memref<2x8x128xi32, #tpu.memory_space<vmem>> -> memref<1x1x128xi32, #tpu.memory_space<vmem>>
    %dma_wait3A_638 = tpu.memref_squeeze %dma_wait3A_637 : memref<1x1x128xi32, #tpu.memory_space<vmem>> -> memref<128xi32, #tpu.memory_space<vmem>>
    %dma_wait3A_639 = arith.constant 0 : i32
    %dma_wait3A_640 = tpu.memref_slice %arg10[%dma_wait3A_639] : memref<10240xf32, #tpu.memory_space<vmem_shared>> -> memref<10240xf32, #tpu.memory_space<vmem_shared>>
    tpu.wait_indirect_dma semaphore(%arg19 : memref<!tpu.dma_semaphore, #tpu.memory_space<semaphore_mem>>) src(%arg15 : memref<128xf32, #tpu.memory_space<vmem>>) dst(%dma_wait3A_640 : memref<10240xf32, #tpu.memory_space<vmem_shared>>)
    %barrier3A_641 = arith.constant 0 : index
    tpu.barrier barrier_id(%barrier3A_641)
    %mul3A_642 = arith.constant 640 : i32
    %mul3A_643 = arith.muli %arg1, %mul3A_642 : i32
    %mul3A_644 = arith.constant 640 : i32
    %mul3A_645 = arith.muli %arg1, %mul3A_644 : i32
    "tpu.region"() ({
      %run_scoped3A_651 = tpu.sem_alloc : memref<!tpu.dma_semaphore, #tpu.memory_space<semaphore_mem>>
      %dma_start3A_652 = arith.constant 0 : i32
      %dma_start3A_653 = tpu.memref_slice %arg7[%arg0, %mul3A_645, %dma_start3A_652] : memref<2x10240x128xf32, #tpu.memory_space<hbm>> -> memref<1x640x128xf32, #tpu.memory_space<hbm>>
      %dma_start3A_654 = tpu.memref_squeeze %dma_start3A_653 : memref<1x640x128xf32, #tpu.memory_space<hbm>> -> memref<640x128xf32, #tpu.memory_space<hbm>>
      %dma_start3A_655 = arith.constant 0 : i32
      %dma_start3A_656 = tpu.memref_slice %arg9[%mul3A_643, %dma_start3A_655] : memref<10240x128xf32, #tpu.memory_space<vmem_shared>> -> memref<640x128xf32, #tpu.memory_space<vmem_shared>>
      tpu.enqueue_dma source(%dma_start3A_656 : memref<640x128xf32, #tpu.memory_space<vmem_shared>>) target(%dma_start3A_654 : memref<640x128xf32, #tpu.memory_space<hbm>>) target_semaphore(%run_scoped3A_651 : memref<!tpu.dma_semaphore, #tpu.memory_space<semaphore_mem>>)
      %dma_wait3A_657 = arith.constant 0 : i32
      %dma_wait3A_658 = tpu.memref_slice %arg7[%arg0, %mul3A_645, %dma_wait3A_657] : memref<2x10240x128xf32, #tpu.memory_space<hbm>> -> memref<1x640x128xf32, #tpu.memory_space<hbm>>
      %dma_wait3A_659 = tpu.memref_squeeze %dma_wait3A_658 : memref<1x640x128xf32, #tpu.memory_space<hbm>> -> memref<640x128xf32, #tpu.memory_space<hbm>>
      %dma_wait3A_660 = arith.constant 0 : i32
      %dma_wait3A_661 = tpu.memref_slice %arg9[%mul3A_643, %dma_wait3A_660] : memref<10240x128xf32, #tpu.memory_space<vmem_shared>> -> memref<640x128xf32, #tpu.memory_space<vmem_shared>>
      tpu.wait_dma2 semaphore(%run_scoped3A_651 : memref<!tpu.dma_semaphore, #tpu.memory_space<semaphore_mem>>) src(%dma_wait3A_661 : memref<640x128xf32, #tpu.memory_space<vmem_shared>>) dst(%dma_wait3A_659 : memref<640x128xf32, #tpu.memory_space<hbm>>)
      tpu.yield
    }) : () -> ()
    %eq3A_646 = arith.constant 0 : i32
    %eq3A_647 = arith.cmpi eq, %arg1, %eq3A_646 : i32
    %convert_element_type3A_648 = arith.extui %eq3A_647 : i1 to i32
    %cond3A_649 = arith.constant 0 : i32
    %cond3A_650 = arith.cmpi ne, %convert_element_type3A_648, %cond3A_649 : i32
    scf.if %cond3A_650 {
      "tpu.region"() ({
        %run_scoped3A_651 = tpu.sem_alloc : memref<!tpu.dma_semaphore, #tpu.memory_space<semaphore_mem>>
        %dma_start3A_652 = arith.constant 0 : i32
        %dma_start3A_653 = tpu.memref_slice %arg8[%arg0, %dma_start3A_652] : memref<2x10240xf32, #tpu.memory_space<hbm>> -> memref<1x10240xf32, #tpu.memory_space<hbm>>
        %dma_start3A_654 = tpu.memref_squeeze %dma_start3A_653 : memref<1x10240xf32, #tpu.memory_space<hbm>> -> memref<10240xf32, #tpu.memory_space<hbm>>
        tpu.enqueue_dma source(%arg10 : memref<10240xf32, #tpu.memory_space<vmem_shared>>) target(%dma_start3A_654 : memref<10240xf32, #tpu.memory_space<hbm>>) target_semaphore(%run_scoped3A_651 : memref<!tpu.dma_semaphore, #tpu.memory_space<semaphore_mem>>)
        %dma_wait3A_655 = arith.constant 0 : i32
        %dma_wait3A_656 = tpu.memref_slice %arg8[%arg0, %dma_wait3A_655] : memref<2x10240xf32, #tpu.memory_space<hbm>> -> memref<1x10240xf32, #tpu.memory_space<hbm>>
        %dma_wait3A_657 = tpu.memref_squeeze %dma_wait3A_656 : memref<1x10240xf32, #tpu.memory_space<hbm>> -> memref<10240xf32, #tpu.memory_space<hbm>>
        tpu.wait_dma2 semaphore(%run_scoped3A_651 : memref<!tpu.dma_semaphore, #tpu.memory_space<semaphore_mem>>) src(%arg10 : memref<10240xf32, #tpu.memory_space<vmem_shared>>) dst(%dma_wait3A_657 : memref<10240xf32, #tpu.memory_space<hbm>>)
        tpu.yield
      }) : () -> ()
    } else {
    }
    return
  }
}

#map = affine_map<(d0, d1) -> (0, 0)>
#map1 = affine_map<(d0, d1) -> (0)>
#map2 = affine_map<(d0, d1) -> (0, 0, 0)>
module attributes {stable_mosaic.version = 14 : i64} {
  func.func @k(%arg0: i32, %arg1: i32, %arg2: memref<10240x128xf32, #tpu.memory_space<hbm>>, %arg3: memref<2560x128xi32, #tpu.memory_space<hbm>>, %arg4: memref<2560x128xi32, #tpu.memory_space<hbm>>, %arg5: memref<10240x128xf32, #tpu.memory_space<hbm>>, %arg6: memref<10240xf32, #tpu.memory_space<hbm>>, %arg7: memref<2x10240x128xf32, #tpu.memory_space<hbm>>, %arg8: memref<2x10240xf32, #tpu.memory_space<hbm>>, %arg9: memref<10240x128xf32, #tpu.memory_space<vmem_shared>>, %arg10: memref<10240xf32, #tpu.memory_space<vmem_shared>>, %arg11: memref<2x8x128xi32, #tpu.memory_space<vmem>>, %arg12: memref<2x8x128xi32, #tpu.memory_space<vmem>>, %arg13: memref<128x128xf32, #tpu.memory_space<vmem>>, %arg14: memref<128x128xf32, #tpu.memory_space<vmem>>, %arg15: memref<128xf32, #tpu.memory_space<vmem>>, %arg16: memref<!tpu.dma_semaphore, #tpu.memory_space<semaphore_mem>>, %arg17: memref<!tpu.dma_semaphore, #tpu.memory_space<semaphore_mem>>, %arg18: memref<!tpu.dma_semaphore, #tpu.memory_space<semaphore_mem>>, %arg19: memref<!tpu.dma_semaphore, #tpu.memory_space<semaphore_mem>>, %arg20: memref<!tpu.dma_semaphore, #tpu.memory_space<semaphore_mem>>) attributes {dimension_semantics = [#tpu.dimension_semantics<core_parallel>, #tpu.dimension_semantics<subcore_parallel>], iteration_bounds = array<i64: 2, 16>, scalar_prefetch = 0 : i64, scratch_operands = 12 : i64, tpu.core_type = #tpu.core_type<sc_vector_subcore>, window_params = [{transform_indices = #map}, {transform_indices = #map}, {transform_indices = #map}, {transform_indices = #map}, {transform_indices = #map1}, {transform_indices = #map2}, {transform_indices = #map}]} {
    %mul3A = arith.constant 16 : i32
    %mul3A_0 = arith.muli %arg0, %mul3A : i32
    %add3A = arith.addi %mul3A_0, %arg1 : i32
    %mul3A_1 = arith.constant 640 : i32
    %mul3A_2 = arith.muli %arg1, %mul3A_1 : i32
    %mul3A_3 = arith.constant 640 : i32
    %mul3A_4 = arith.muli %arg1, %mul3A_3 : i32
    %dma_start3A = arith.constant 0 : i32
    %dma_start3A_5 = tpu.memref_slice %arg9[%mul3A_4, %dma_start3A] : memref<10240x128xf32, #tpu.memory_space<vmem_shared>> -> memref<640x128xf32, #tpu.memory_space<vmem_shared>>
    %dma_start3A_6 = arith.constant 0 : i32
    %dma_start3A_7 = tpu.memref_slice %arg5[%mul3A_2, %dma_start3A_6] : memref<10240x128xf32, #tpu.memory_space<hbm>> -> memref<640x128xf32, #tpu.memory_space<hbm>>
    tpu.enqueue_dma source(%dma_start3A_7 : memref<640x128xf32, #tpu.memory_space<hbm>>) target(%dma_start3A_5 : memref<640x128xf32, #tpu.memory_space<vmem_shared>>) target_semaphore(%arg20 : memref<!tpu.dma_semaphore, #tpu.memory_space<semaphore_mem>>)
    %eq3A = arith.constant 0 : i32
    %eq3A_8 = arith.cmpi eq, %arg1, %eq3A : i32
    %convert_element_type3A = arith.extui %eq3A_8 : i1 to i32
    %cond3A = arith.constant 0 : i32
    %cond3A_9 = arith.cmpi ne, %convert_element_type3A, %cond3A : i32
    scf.if %cond3A_9 {
      tpu.enqueue_dma source(%arg6 : memref<10240xf32, #tpu.memory_space<hbm>>) target(%arg10 : memref<10240xf32, #tpu.memory_space<vmem_shared>>) target_semaphore(%arg20 : memref<!tpu.dma_semaphore, #tpu.memory_space<semaphore_mem>>)
    } else {
    }
    %broadcast_in_dim3A = arith.constant 1.000000e+00 : f32
    %broadcast_in_dim3A_10 = vector.broadcast %broadcast_in_dim3A : f32 to vector<16xf32>
    %swap3A = arith.constant 0 : index
    %swap3A_11 = tpu.vector_load %arg15[%swap3A] {strides = array<i32>} : memref<128xf32, #tpu.memory_space<vmem>>, vector<16xf32>,
    %swap3A_12 = vector.shape_cast %swap3A_11 : vector<16xf32> to vector<16xf32>
    %swap3A_13 = vector.shape_cast %broadcast_in_dim3A_10 : vector<16xf32> to vector<16xf32>
    tpu.vector_store %arg15[%swap3A], %swap3A_13 {strides = array<i32>} : memref<128xf32, #tpu.memory_space<vmem>>, vector<16xf32>,
    %broadcast_in_dim3A_14 = arith.constant 1.000000e+00 : f32
    %broadcast_in_dim3A_15 = vector.broadcast %broadcast_in_dim3A_14 : f32 to vector<16xf32>
    %swap3A_16 = arith.constant 16 : index
    %swap3A_17 = tpu.vector_load %arg15[%swap3A_16] {strides = array<i32>} : memref<128xf32, #tpu.memory_space<vmem>>, vector<16xf32>,
    %swap3A_18 = vector.shape_cast %swap3A_17 : vector<16xf32> to vector<16xf32>
    %swap3A_19 = vector.shape_cast %broadcast_in_dim3A_15 : vector<16xf32> to vector<16xf32>
    tpu.vector_store %arg15[%swap3A_16], %swap3A_19 {strides = array<i32>} : memref<128xf32, #tpu.memory_space<vmem>>, vector<16xf32>,
    %broadcast_in_dim3A_20 = arith.constant 1.000000e+00 : f32
    %broadcast_in_dim3A_21 = vector.broadcast %broadcast_in_dim3A_20 : f32 to vector<16xf32>
    %swap3A_22 = arith.constant 32 : index
    %swap3A_23 = tpu.vector_load %arg15[%swap3A_22] {strides = array<i32>} : memref<128xf32, #tpu.memory_space<vmem>>, vector<16xf32>,
    %swap3A_24 = vector.shape_cast %swap3A_23 : vector<16xf32> to vector<16xf32>
    %swap3A_25 = vector.shape_cast %broadcast_in_dim3A_21 : vector<16xf32> to vector<16xf32>
    tpu.vector_store %arg15[%swap3A_22], %swap3A_25 {strides = array<i32>} : memref<128xf32, #tpu.memory_space<vmem>>, vector<16xf32>,
    %broadcast_in_dim3A_26 = arith.constant 1.000000e+00 : f32
    %broadcast_in_dim3A_27 = vector.broadcast %broadcast_in_dim3A_26 : f32 to vector<16xf32>
    %swap3A_28 = arith.constant 48 : index
    %swap3A_29 = tpu.vector_load %arg15[%swap3A_28] {strides = array<i32>} : memref<128xf32, #tpu.memory_space<vmem>>, vector<16xf32>,
    %swap3A_30 = vector.shape_cast %swap3A_29 : vector<16xf32> to vector<16xf32>
    %swap3A_31 = vector.shape_cast %broadcast_in_dim3A_27 : vector<16xf32> to vector<16xf32>
    tpu.vector_store %arg15[%swap3A_28], %swap3A_31 {strides = array<i32>} : memref<128xf32, #tpu.memory_space<vmem>>, vector<16xf32>,
    %broadcast_in_dim3A_32 = arith.constant 1.000000e+00 : f32
    %broadcast_in_dim3A_33 = vector.broadcast %broadcast_in_dim3A_32 : f32 to vector<16xf32>
    %swap3A_34 = arith.constant 64 : index
    %swap3A_35 = tpu.vector_load %arg15[%swap3A_34] {strides = array<i32>} : memref<128xf32, #tpu.memory_space<vmem>>, vector<16xf32>,
    %swap3A_36 = vector.shape_cast %swap3A_35 : vector<16xf32> to vector<16xf32>
    %swap3A_37 = vector.shape_cast %broadcast_in_dim3A_33 : vector<16xf32> to vector<16xf32>
    tpu.vector_store %arg15[%swap3A_34], %swap3A_37 {strides = array<i32>} : memref<128xf32, #tpu.memory_space<vmem>>, vector<16xf32>,
    %broadcast_in_dim3A_38 = arith.constant 1.000000e+00 : f32
    %broadcast_in_dim3A_39 = vector.broadcast %broadcast_in_dim3A_38 : f32 to vector<16xf32>
    %swap3A_40 = arith.constant 80 : index
    %swap3A_41 = tpu.vector_load %arg15[%swap3A_40] {strides = array<i32>} : memref<128xf32, #tpu.memory_space<vmem>>, vector<16xf32>,
    %swap3A_42 = vector.shape_cast %swap3A_41 : vector<16xf32> to vector<16xf32>
    %swap3A_43 = vector.shape_cast %broadcast_in_dim3A_39 : vector<16xf32> to vector<16xf32>
    tpu.vector_store %arg15[%swap3A_40], %swap3A_43 {strides = array<i32>} : memref<128xf32, #tpu.memory_space<vmem>>, vector<16xf32>,
    %broadcast_in_dim3A_44 = arith.constant 1.000000e+00 : f32
    %broadcast_in_dim3A_45 = vector.broadcast %broadcast_in_dim3A_44 : f32 to vector<16xf32>
    %swap3A_46 = arith.constant 96 : index
    %swap3A_47 = tpu.vector_load %arg15[%swap3A_46] {strides = array<i32>} : memref<128xf32, #tpu.memory_space<vmem>>, vector<16xf32>,
    %swap3A_48 = vector.shape_cast %swap3A_47 : vector<16xf32> to vector<16xf32>
    %swap3A_49 = vector.shape_cast %broadcast_in_dim3A_45 : vector<16xf32> to vector<16xf32>
    tpu.vector_store %arg15[%swap3A_46], %swap3A_49 {strides = array<i32>} : memref<128xf32, #tpu.memory_space<vmem>>, vector<16xf32>,
    %broadcast_in_dim3A_50 = arith.constant 1.000000e+00 : f32
    %broadcast_in_dim3A_51 = vector.broadcast %broadcast_in_dim3A_50 : f32 to vector<16xf32>
    %swap3A_52 = arith.constant 112 : index
    %swap3A_53 = tpu.vector_load %arg15[%swap3A_52] {strides = array<i32>} : memref<128xf32, #tpu.memory_space<vmem>>, vector<16xf32>,
    %swap3A_54 = vector.shape_cast %swap3A_53 : vector<16xf32> to vector<16xf32>
    %swap3A_55 = vector.shape_cast %broadcast_in_dim3A_51 : vector<16xf32> to vector<16xf32>
    tpu.vector_store %arg15[%swap3A_52], %swap3A_55 {strides = array<i32>} : memref<128xf32, #tpu.memory_space<vmem>>, vector<16xf32>,
    %mul3A_56 = arith.constant 80 : i32
    %mul3A_57 = arith.muli %add3A, %mul3A_56 : i32
    %run_scoped3A = arith.constant 0 : i32
    "tpu.region"() ({
      %run_scoped3A_651 = tpu.sem_alloc : memref<!tpu.dma_semaphore, #tpu.memory_space<semaphore_mem>>
      %dma_start3A_652 = arith.constant 0 : i32
      %dma_start3A_653 = arith.constant 0 : i32
      %dma_start3A_654 = tpu.memref_slice %arg11[%run_scoped3A, %dma_start3A_652, %dma_start3A_653] : memref<2x8x128xi32, #tpu.memory_space<vmem>> -> memref<1x8x128xi32, #tpu.memory_space<vmem>>
      %dma_start3A_655 = tpu.memref_squeeze %dma_start3A_654 : memref<1x8x128xi32, #tpu.memory_space<vmem>> -> memref<8x128xi32, #tpu.memory_space<vmem>>
      %dma_start3A_656 = arith.constant 0 : i32
      %dma_start3A_657 = tpu.memref_slice %arg3[%mul3A_57, %dma_start3A_656] : memref<2560x128xi32, #tpu.memory_space<hbm>> -> memref<8x128xi32, #tpu.memory_space<hbm>>
      %dma_start3A_658 = arith.constant 0 : i32
      %dma_start3A_659 = arith.constant 0 : i32
      %dma_start3A_660 = tpu.memref_slice %arg11[%run_scoped3A, %dma_start3A_658, %dma_start3A_659] : memref<2x8x128xi32, #tpu.memory_space<vmem>> -> memref<1x8x128xi32, #tpu.memory_space<vmem>>
      %dma_start3A_661 = tpu.memref_squeeze %dma_start3A_660 : memref<1x8x128xi32, #tpu.memory_space<vmem>> -> memref<8x128xi32, #tpu.memory_space<vmem>>
      %dma_start3A_662 = arith.constant 0 : i32
      %dma_start3A_663 = tpu.memref_slice %arg3[%mul3A_57, %dma_start3A_662] : memref<2560x128xi32, #tpu.memory_space<hbm>> -> memref<8x128xi32, #tpu.memory_space<hbm>>
      tpu.enqueue_dma source(%dma_start3A_663 : memref<8x128xi32, #tpu.memory_space<hbm>>) target(%dma_start3A_661 : memref<8x128xi32, #tpu.memory_space<vmem>>) target_semaphore(%run_scoped3A_651 : memref<!tpu.dma_semaphore, #tpu.memory_space<semaphore_mem>>)
      %dma_wait3A_664 = arith.constant 0 : i32
      %dma_wait3A_665 = arith.constant 0 : i32
      %dma_wait3A_666 = tpu.memref_slice %arg11[%run_scoped3A, %dma_wait3A_664, %dma_wait3A_665] : memref<2x8x128xi32, #tpu.memory_space<vmem>> -> memref<1x8x128xi32, #tpu.memory_space<vmem>>
      %dma_wait3A_667 = tpu.memref_squeeze %dma_wait3A_666 : memref<1x8x128xi32, #tpu.memory_space<vmem>> -> memref<8x128xi32, #tpu.memory_space<vmem>>
      %dma_wait3A_668 = arith.constant 0 : i32
      %dma_wait3A_669 = tpu.memref_slice %arg3[%mul3A_57, %dma_wait3A_668] : memref<2560x128xi32, #tpu.memory_space<hbm>> -> memref<8x128xi32, #tpu.memory_space<hbm>>
      %dma_wait3A_670 = arith.constant 0 : i32
      %dma_wait3A_671 = arith.constant 0 : i32
      %dma_wait3A_672 = tpu.memref_slice %arg11[%run_scoped3A, %dma_wait3A_670, %dma_wait3A_671] : memref<2x8x128xi32, #tpu.memory_space<vmem>> -> memref<1x8x128xi32, #tpu.memory_space<vmem>>
      %dma_wait3A_673 = tpu.memref_squeeze %dma_wait3A_672 : memref<1x8x128xi32, #tpu.memory_space<vmem>> -> memref<8x128xi32, #tpu.memory_space<vmem>>
      %dma_wait3A_674 = arith.constant 0 : i32
      %dma_wait3A_675 = tpu.memref_slice %arg3[%mul3A_57, %dma_wait3A_674] : memref<2560x128xi32, #tpu.memory_space<hbm>> -> memref<8x128xi32, #tpu.memory_space<hbm>>
      tpu.wait_dma2 semaphore(%run_scoped3A_651 : memref<!tpu.dma_semaphore, #tpu.memory_space<semaphore_mem>>) src(%dma_wait3A_675 : memref<8x128xi32, #tpu.memory_space<hbm>>) dst(%dma_wait3A_673 : memref<8x128xi32, #tpu.memory_space<vmem>>)
      tpu.yield
    }) : () -> ()
    %run_scoped3A_58 = arith.constant 0 : i32
    "tpu.region"() ({
      %run_scoped3A_651 = tpu.sem_alloc : memref<!tpu.dma_semaphore, #tpu.memory_space<semaphore_mem>>
      %dma_start3A_652 = arith.constant 0 : i32
      %dma_start3A_653 = arith.constant 0 : i32
      %dma_start3A_654 = tpu.memref_slice %arg12[%run_scoped3A_58, %dma_start3A_652, %dma_start3A_653] : memref<2x8x128xi32, #tpu.memory_space<vmem>> -> memref<1x8x128xi32, #tpu.memory_space<vmem>>
      %dma_start3A_655 = tpu.memref_squeeze %dma_start3A_654 : memref<1x8x128xi32, #tpu.memory_space<vmem>> -> memref<8x128xi32, #tpu.memory_space<vmem>>
      %dma_start3A_656 = arith.constant 0 : i32
      %dma_start3A_657 = tpu.memref_slice %arg4[%mul3A_57, %dma_start3A_656] : memref<2560x128xi32, #tpu.memory_space<hbm>> -> memref<8x128xi32, #tpu.memory_space<hbm>>
      %dma_start3A_658 = arith.constant 0 : i32
      %dma_start3A_659 = arith.constant 0 : i32
      %dma_start3A_660 = tpu.memref_slice %arg12[%run_scoped3A_58, %dma_start3A_658, %dma_start3A_659] : memref<2x8x128xi32, #tpu.memory_space<vmem>> -> memref<1x8x128xi32, #tpu.memory_space<vmem>>
      %dma_start3A_661 = tpu.memref_squeeze %dma_start3A_660 : memref<1x8x128xi32, #tpu.memory_space<vmem>> -> memref<8x128xi32, #tpu.memory_space<vmem>>
      %dma_start3A_662 = arith.constant 0 : i32
      %dma_start3A_663 = tpu.memref_slice %arg4[%mul3A_57, %dma_start3A_662] : memref<2560x128xi32, #tpu.memory_space<hbm>> -> memref<8x128xi32, #tpu.memory_space<hbm>>
      tpu.enqueue_dma source(%dma_start3A_663 : memref<8x128xi32, #tpu.memory_space<hbm>>) target(%dma_start3A_661 : memref<8x128xi32, #tpu.memory_space<vmem>>) target_semaphore(%run_scoped3A_651 : memref<!tpu.dma_semaphore, #tpu.memory_space<semaphore_mem>>)
      %dma_wait3A_664 = arith.constant 0 : i32
      %dma_wait3A_665 = arith.constant 0 : i32
      %dma_wait3A_666 = tpu.memref_slice %arg12[%run_scoped3A_58, %dma_wait3A_664, %dma_wait3A_665] : memref<2x8x128xi32, #tpu.memory_space<vmem>> -> memref<1x8x128xi32, #tpu.memory_space<vmem>>
      %dma_wait3A_667 = tpu.memref_squeeze %dma_wait3A_666 : memref<1x8x128xi32, #tpu.memory_space<vmem>> -> memref<8x128xi32, #tpu.memory_space<vmem>>
      %dma_wait3A_668 = arith.constant 0 : i32
      %dma_wait3A_669 = tpu.memref_slice %arg4[%mul3A_57, %dma_wait3A_668] : memref<2560x128xi32, #tpu.memory_space<hbm>> -> memref<8x128xi32, #tpu.memory_space<hbm>>
      %dma_wait3A_670 = arith.constant 0 : i32
      %dma_wait3A_671 = arith.constant 0 : i32
      %dma_wait3A_672 = tpu.memref_slice %arg12[%run_scoped3A_58, %dma_wait3A_670, %dma_wait3A_671] : memref<2x8x128xi32, #tpu.memory_space<vmem>> -> memref<1x8x128xi32, #tpu.memory_space<vmem>>
      %dma_wait3A_673 = tpu.memref_squeeze %dma_wait3A_672 : memref<1x8x128xi32, #tpu.memory_space<vmem>> -> memref<8x128xi32, #tpu.memory_space<vmem>>
      %dma_wait3A_674 = arith.constant 0 : i32
      %dma_wait3A_675 = tpu.memref_slice %arg4[%mul3A_57, %dma_wait3A_674] : memref<2560x128xi32, #tpu.memory_space<hbm>> -> memref<8x128xi32, #tpu.memory_space<hbm>>
      tpu.wait_dma2 semaphore(%run_scoped3A_651 : memref<!tpu.dma_semaphore, #tpu.memory_space<semaphore_mem>>) src(%dma_wait3A_675 : memref<8x128xi32, #tpu.memory_space<hbm>>) dst(%dma_wait3A_673 : memref<8x128xi32, #tpu.memory_space<vmem>>)
      tpu.yield
    }) : () -> ()
    %dma_start3A_59 = arith.constant 0 : i32
    %dma_start3A_60 = arith.constant 0 : i32
    %dma_start3A_61 = arith.constant 0 : i32
    %dma_start3A_62 = tpu.memref_slice %arg11[%dma_start3A_59, %dma_start3A_60, %dma_start3A_61] : memref<2x8x128xi32, #tpu.memory_space<vmem>> -> memref<1x1x128xi32, #tpu.memory_space<vmem>>
    %dma_start3A_63 = tpu.memref_squeeze %dma_start3A_62 : memref<1x1x128xi32, #tpu.memory_space<vmem>> -> memref<128xi32, #tpu.memory_space<vmem>>
    %dma_start3A_64 = arith.constant 0 : i32
    %dma_start3A_65 = arith.constant 0 : i32
    %dma_start3A_66 = tpu.memref_slice %arg2[%dma_start3A_64, %dma_start3A_65] : memref<10240x128xf32, #tpu.memory_space<hbm>> -> memref<10240x128xf32, #tpu.memory_space<hbm>>
    tpu.enqueue_indirect_dma source(%dma_start3A_66 : memref<10240x128xf32, #tpu.memory_space<hbm>>) target(%arg13 : memref<128x128xf32, #tpu.memory_space<vmem>>) offsets(%dma_start3A_63 : memref<128xi32, #tpu.memory_space<vmem>>) semaphore(%arg16 : memref<!tpu.dma_semaphore, #tpu.memory_space<semaphore_mem>>)
    %dma_start3A_67 = arith.constant 0 : i32
    %dma_start3A_68 = arith.constant 1 : i32
    %dma_start3A_69 = arith.constant 0 : i32
    %dma_start3A_70 = tpu.memref_slice %arg11[%dma_start3A_67, %dma_start3A_68, %dma_start3A_69] : memref<2x8x128xi32, #tpu.memory_space<vmem>> -> memref<1x1x128xi32, #tpu.memory_space<vmem>>
    %dma_start3A_71 = tpu.memref_squeeze %dma_start3A_70 : memref<1x1x128xi32, #tpu.memory_space<vmem>> -> memref<128xi32, #tpu.memory_space<vmem>>
    %dma_start3A_72 = arith.constant 0 : i32
    %dma_start3A_73 = arith.constant 0 : i32
    %dma_start3A_74 = tpu.memref_slice %arg2[%dma_start3A_72, %dma_start3A_73] : memref<10240x128xf32, #tpu.memory_space<hbm>> -> memref<10240x128xf32, #tpu.memory_space<hbm>>
    tpu.enqueue_indirect_dma source(%dma_start3A_74 : memref<10240x128xf32, #tpu.memory_space<hbm>>) target(%arg14 : memref<128x128xf32, #tpu.memory_space<vmem>>) offsets(%dma_start3A_71 : memref<128xi32, #tpu.memory_space<vmem>>) semaphore(%arg17 : memref<!tpu.dma_semaphore, #tpu.memory_space<semaphore_mem>>)
    %add3A_75 = arith.constant 8 : i32
    %add3A_76 = arith.addi %mul3A_57, %add3A_75 : i32
    %dma_start3A_77 = arith.constant 1 : i32
    %dma_start3A_78 = arith.constant 0 : i32
    %dma_start3A_79 = arith.constant 0 : i32
    %dma_start3A_80 = tpu.memref_slice %arg11[%dma_start3A_77, %dma_start3A_78, %dma_start3A_79] : memref<2x8x128xi32, #tpu.memory_space<vmem>> -> memref<1x8x128xi32, #tpu.memory_space<vmem>>
    %dma_start3A_81 = tpu.memref_squeeze %dma_start3A_80 : memref<1x8x128xi32, #tpu.memory_space<vmem>> -> memref<8x128xi32, #tpu.memory_space<vmem>>
    %dma_start3A_82 = arith.constant 0 : i32
    %dma_start3A_83 = tpu.memref_slice %arg3[%add3A_76, %dma_start3A_82] : memref<2560x128xi32, #tpu.memory_space<hbm>> -> memref<8x128xi32, #tpu.memory_space<hbm>>
    %dma_start3A_84 = arith.constant 0 : i32
    %dma_start3A_85 = arith.constant 0 : i32
    %dma_start3A_86 = tpu.memref_slice %arg11[%dma_start3A_77, %dma_start3A_84, %dma_start3A_85] : memref<2x8x128xi32, #tpu.memory_space<vmem>> -> memref<1x8x128xi32, #tpu.memory_space<vmem>>
    %dma_start3A_87 = tpu.memref_squeeze %dma_start3A_86 : memref<1x8x128xi32, #tpu.memory_space<vmem>> -> memref<8x128xi32, #tpu.memory_space<vmem>>
    %dma_start3A_88 = arith.constant 0 : i32
    %dma_start3A_89 = tpu.memref_slice %arg3[%add3A_76, %dma_start3A_88] : memref<2560x128xi32, #tpu.memory_space<hbm>> -> memref<8x128xi32, #tpu.memory_space<hbm>>
    tpu.enqueue_dma source(%dma_start3A_89 : memref<8x128xi32, #tpu.memory_space<hbm>>) target(%dma_start3A_87 : memref<8x128xi32, #tpu.memory_space<vmem>>) target_semaphore(%arg18 : memref<!tpu.dma_semaphore, #tpu.memory_space<semaphore_mem>>)
    %dma_start3A_90 = arith.constant 1 : i32
    %dma_start3A_91 = arith.constant 0 : i32
    %dma_start3A_92 = arith.constant 0 : i32
    %dma_start3A_93 = tpu.memref_slice %arg12[%dma_start3A_90, %dma_start3A_91, %dma_start3A_92] : memref<2x8x128xi32, #tpu.memory_space<vmem>> -> memref<1x8x128xi32, #tpu.memory_space<vmem>>
    %dma_start3A_94 = tpu.memref_squeeze %dma_start3A_93 : memref<1x8x128xi32, #tpu.memory_space<vmem>> -> memref<8x128xi32, #tpu.memory_space<vmem>>
    %dma_start3A_95 = arith.constant 0 : i32
    %dma_start3A_96 = tpu.memref_slice %arg4[%add3A_76, %dma_start3A_95] : memref<2560x128xi32, #tpu.memory_space<hbm>> -> memref<8x128xi32, #tpu.memory_space<hbm>>
    %dma_start3A_97 = arith.constant 0 : i32
    %dma_start3A_98 = arith.constant 0 : i32
    %dma_start3A_99 = tpu.memref_slice %arg12[%dma_start3A_90, %dma_start3A_97, %dma_start3A_98] : memref<2x8x128xi32, #tpu.memory_space<vmem>> -> memref<1x8x128xi32, #tpu.memory_space<vmem>>
    %dma_start3A_100 = tpu.memref_squeeze %dma_start3A_99 : memref<1x8x128xi32, #tpu.memory_space<vmem>> -> memref<8x128xi32, #tpu.memory_space<vmem>>
    %dma_start3A_101 = arith.constant 0 : i32
    %dma_start3A_102 = tpu.memref_slice %arg4[%add3A_76, %dma_start3A_101] : memref<2560x128xi32, #tpu.memory_space<hbm>> -> memref<8x128xi32, #tpu.memory_space<hbm>>
    tpu.enqueue_dma source(%dma_start3A_102 : memref<8x128xi32, #tpu.memory_space<hbm>>) target(%dma_start3A_100 : memref<8x128xi32, #tpu.memory_space<vmem>>) target_semaphore(%arg18 : memref<!tpu.dma_semaphore, #tpu.memory_space<semaphore_mem>>)
    %mul3A_103 = arith.constant 640 : i32
    %mul3A_104 = arith.muli %arg1, %mul3A_103 : i32
    %mul3A_105 = arith.constant 640 : i32
    %mul3A_106 = arith.muli %arg1, %mul3A_105 : i32
    %dma_wait3A = arith.constant 0 : i32
    %dma_wait3A_107 = tpu.memref_slice %arg9[%mul3A_106, %dma_wait3A] : memref<10240x128xf32, #tpu.memory_space<vmem_shared>> -> memref<640x128xf32, #tpu.memory_space<vmem_shared>>
    %dma_wait3A_108 = arith.constant 0 : i32
    %dma_wait3A_109 = tpu.memref_slice %arg5[%mul3A_104, %dma_wait3A_108] : memref<10240x128xf32, #tpu.memory_space<hbm>> -> memref<640x128xf32, #tpu.memory_space<hbm>>
    tpu.wait_dma2 semaphore(%arg20 : memref<!tpu.dma_semaphore, #tpu.memory_space<semaphore_mem>>) src(%dma_wait3A_109 : memref<640x128xf32, #tpu.memory_space<hbm>>) dst(%dma_wait3A_107 : memref<640x128xf32, #tpu.memory_space<vmem_shared>>)
    %eq3A_110 = arith.constant 0 : i32
    %eq3A_111 = arith.cmpi eq, %arg1, %eq3A_110 : i32
    %convert_element_type3A_112 = arith.extui %eq3A_111 : i1 to i32
    %cond3A_113 = arith.constant 0 : i32
    %cond3A_114 = arith.cmpi ne, %convert_element_type3A_112, %cond3A_113 : i32
    scf.if %cond3A_114 {
      tpu.wait_dma2 semaphore(%arg20 : memref<!tpu.dma_semaphore, #tpu.memory_space<semaphore_mem>>) src(%arg6 : memref<10240xf32, #tpu.memory_space<hbm>>) dst(%arg10 : memref<10240xf32, #tpu.memory_space<vmem_shared>>)
    } else {
    }
    %barrier3A = arith.constant 0 : index
    tpu.barrier barrier_id(%barrier3A)
    %dma_wait3A_115 = arith.constant 0 : i32
    %dma_wait3A_116 = arith.constant 0 : i32
    %dma_wait3A_117 = arith.constant 0 : i32
    %dma_wait3A_118 = tpu.memref_slice %arg11[%dma_wait3A_115, %dma_wait3A_116, %dma_wait3A_117] : memref<2x8x128xi32, #tpu.memory_space<vmem>> -> memref<1x1x128xi32, #tpu.memory_space<vmem>>
    %dma_wait3A_119 = tpu.memref_squeeze %dma_wait3A_118 : memref<1x1x128xi32, #tpu.memory_space<vmem>> -> memref<128xi32, #tpu.memory_space<vmem>>
    %dma_wait3A_120 = arith.constant 0 : i32
    %dma_wait3A_121 = arith.constant 0 : i32
    %dma_wait3A_122 = tpu.memref_slice %arg2[%dma_wait3A_120, %dma_wait3A_121] : memref<10240x128xf32, #tpu.memory_space<hbm>> -> memref<10240x128xf32, #tpu.memory_space<hbm>>
    tpu.wait_indirect_dma semaphore(%arg16 : memref<!tpu.dma_semaphore, #tpu.memory_space<semaphore_mem>>) src(%dma_wait3A_122 : memref<10240x128xf32, #tpu.memory_space<hbm>>) dst(%arg13 : memref<128x128xf32, #tpu.memory_space<vmem>>)
    %run_scoped3A_123 = arith.constant 0 : i32
    %run_scoped3A_124 = arith.constant 0 : i32
    "tpu.region"() ({
      %run_scoped3A_651 = tpu.sem_alloc : memref<!tpu.dma_semaphore, #tpu.memory_space<semaphore_mem>>
      %dma_start3A_652 = arith.constant 0 : i32
      %dma_start3A_653 = tpu.memref_slice %arg12[%run_scoped3A_123, %run_scoped3A_124, %dma_start3A_652] : memref<2x8x128xi32, #tpu.memory_space<vmem>> -> memref<1x1x128xi32, #tpu.memory_space<vmem>>
      %dma_start3A_654 = tpu.memref_squeeze %dma_start3A_653 : memref<1x1x128xi32, #tpu.memory_space<vmem>> -> memref<128xi32, #tpu.memory_space<vmem>>
      %dma_start3A_655 = arith.constant 0 : i32
      %dma_start3A_656 = arith.constant 0 : i32
      %dma_start3A_657 = tpu.memref_slice %arg9[%dma_start3A_655, %dma_start3A_656] : memref<10240x128xf32, #tpu.memory_space<vmem_shared>> -> memref<10240x128xf32, #tpu.memory_space<vmem_shared>>
      tpu.enqueue_indirect_dma source(%arg13 : memref<128x128xf32, #tpu.memory_space<vmem>>) target(%dma_start3A_657 : memref<10240x128xf32, #tpu.memory_space<vmem_shared>>) offsets(%dma_start3A_654 : memref<128xi32, #tpu.memory_space<vmem>>) semaphore(%run_scoped3A_651 : memref<!tpu.dma_semaphore, #tpu.memory_space<semaphore_mem>>) {add = true}
      %dma_wait3A_658 = arith.constant 0 : i32
      %dma_wait3A_659 = tpu.memref_slice %arg12[%run_scoped3A_123, %run_scoped3A_124, %dma_wait3A_658] : memref<2x8x128xi32, #tpu.memory_space<vmem>> -> memref<1x1x128xi32, #tpu.memory_space<vmem>>
      %dma_wait3A_660 = tpu.memref_squeeze %dma_wait3A_659 : memref<1x1x128xi32, #tpu.memory_space<vmem>> -> memref<128xi32, #tpu.memory_space<vmem>>
      %dma_wait3A_661 = arith.constant 0 : i32
      %dma_wait3A_662 = arith.constant 0 : i32
      %dma_wait3A_663 = tpu.memref_slice %arg9[%dma_wait3A_661, %dma_wait3A_662] : memref<10240x128xf32, #tpu.memory_space<vmem_shared>> -> memref<10240x128xf32, #tpu.memory_space<vmem_shared>>
      tpu.wait_indirect_dma semaphore(%run_scoped3A_651 : memref<!tpu.dma_semaphore, #tpu.memory_space<semaphore_mem>>) src(%arg13 : memref<128x128xf32, #tpu.memory_space<vmem>>) dst(%dma_wait3A_663 : memref<10240x128xf32, #tpu.memory_space<vmem_shared>>)
      tpu.yield
    }) : () -> ()
    %dma_start3A_125 = arith.constant 0 : i32
    %dma_start3A_126 = arith.constant 0 : i32
    %dma_start3A_127 = arith.constant 0 : i32
    %dma_start3A_128 = tpu.memref_slice %arg12[%dma_start3A_125, %dma_start3A_126, %dma_start3A_127] : memref<2x8x128xi32, #tpu.memory_space<vmem>> -> memref<1x1x128xi32, #tpu.memory_space<vmem>>
    %dma_start3A_129 = tpu.memref_squeeze %dma_start3A_128 : memref<1x1x128xi32, #tpu.memory_space<vmem>> -> memref<128xi32, #tpu.memory_space<vmem>>
    %dma_start3A_130 = arith.constant 0 : i32
    %dma_start3A_131 = tpu.memref_slice %arg10[%dma_start3A_130] : memref<10240xf32, #tpu.memory_space<vmem_shared>> -> memref<10240xf32, #tpu.memory_space<vmem_shared>>
    tpu.enqueue_indirect_dma source(%arg15 : memref<128xf32, #tpu.memory_space<vmem>>) target(%dma_start3A_131 : memref<10240xf32, #tpu.memory_space<vmem_shared>>) offsets(%dma_start3A_129 : memref<128xi32, #tpu.memory_space<vmem>>) semaphore(%arg19 : memref<!tpu.dma_semaphore, #tpu.memory_space<semaphore_mem>>) {add = true}
    %dma_start3A_132 = arith.constant 0 : i32
    %dma_start3A_133 = arith.constant 2 : i32
    %dma_start3A_134 = arith.constant 0 : i32
    %dma_start3A_135 = tpu.memref_slice %arg11[%dma_start3A_132, %dma_start3A_133, %dma_start3A_134] : memref<2x8x128xi32, #tpu.memory_space<vmem>> -> memref<1x1x128xi32, #tpu.memory_space<vmem>>
    %dma_start3A_136 = tpu.memref_squeeze %dma_start3A_135 : memref<1x1x128xi32, #tpu.memory_space<vmem>> -> memref<128xi32, #tpu.memory_space<vmem>>
    %dma_start3A_137 = arith.constant 0 : i32
    %dma_start3A_138 = arith.constant 0 : i32
    %dma_start3A_139 = tpu.memref_slice %arg2[%dma_start3A_137, %dma_start3A_138] : memref<10240x128xf32, #tpu.memory_space<hbm>> -> memref<10240x128xf32, #tpu.memory_space<hbm>>
    tpu.enqueue_indirect_dma source(%dma_start3A_139 : memref<10240x128xf32, #tpu.memory_space<hbm>>) target(%arg13 : memref<128x128xf32, #tpu.memory_space<vmem>>) offsets(%dma_start3A_136 : memref<128xi32, #tpu.memory_space<vmem>>) semaphore(%arg16 : memref<!tpu.dma_semaphore, #tpu.memory_space<semaphore_mem>>)
    %dma_wait3A_140 = arith.constant 0 : i32
    %dma_wait3A_141 = arith.constant 1 : i32
    %dma_wait3A_142 = arith.constant 0 : i32
    %dma_wait3A_143 = tpu.memref_slice %arg11[%dma_wait3A_140, %dma_wait3A_141, %dma_wait3A_142] : memref<2x8x128xi32, #tpu.memory_space<vmem>> -> memref<1x1x128xi32, #tpu.memory_space<vmem>>
    %dma_wait3A_144 = tpu.memref_squeeze %dma_wait3A_143 : memref<1x1x128xi32, #tpu.memory_space<vmem>> -> memref<128xi32, #tpu.memory_space<vmem>>
    %dma_wait3A_145 = arith.constant 0 : i32
    %dma_wait3A_146 = arith.constant 0 : i32
    %dma_wait3A_147 = tpu.memref_slice %arg2[%dma_wait3A_145, %dma_wait3A_146] : memref<10240x128xf32, #tpu.memory_space<hbm>> -> memref<10240x128xf32, #tpu.memory_space<hbm>>
    tpu.wait_indirect_dma semaphore(%arg17 : memref<!tpu.dma_semaphore, #tpu.memory_space<semaphore_mem>>) src(%dma_wait3A_147 : memref<10240x128xf32, #tpu.memory_space<hbm>>) dst(%arg14 : memref<128x128xf32, #tpu.memory_space<vmem>>)
    %run_scoped3A_148 = arith.constant 0 : i32
    %run_scoped3A_149 = arith.constant 1 : i32
    "tpu.region"() ({
      %run_scoped3A_651 = tpu.sem_alloc : memref<!tpu.dma_semaphore, #tpu.memory_space<semaphore_mem>>
      %dma_start3A_652 = arith.constant 0 : i32
      %dma_start3A_653 = tpu.memref_slice %arg12[%run_scoped3A_148, %run_scoped3A_149, %dma_start3A_652] : memref<2x8x128xi32, #tpu.memory_space<vmem>> -> memref<1x1x128xi32, #tpu.memory_space<vmem>>
      %dma_start3A_654 = tpu.memref_squeeze %dma_start3A_653 : memref<1x1x128xi32, #tpu.memory_space<vmem>> -> memref<128xi32, #tpu.memory_space<vmem>>
      %dma_start3A_655 = arith.constant 0 : i32
      %dma_start3A_656 = arith.constant 0 : i32
      %dma_start3A_657 = tpu.memref_slice %arg9[%dma_start3A_655, %dma_start3A_656] : memref<10240x128xf32, #tpu.memory_space<vmem_shared>> -> memref<10240x128xf32, #tpu.memory_space<vmem_shared>>
      tpu.enqueue_indirect_dma source(%arg14 : memref<128x128xf32, #tpu.memory_space<vmem>>) target(%dma_start3A_657 : memref<10240x128xf32, #tpu.memory_space<vmem_shared>>) offsets(%dma_start3A_654 : memref<128xi32, #tpu.memory_space<vmem>>) semaphore(%run_scoped3A_651 : memref<!tpu.dma_semaphore, #tpu.memory_space<semaphore_mem>>) {add = true}
      %dma_wait3A_658 = arith.constant 0 : i32
      %dma_wait3A_659 = tpu.memref_slice %arg12[%run_scoped3A_148, %run_scoped3A_149, %dma_wait3A_658] : memref<2x8x128xi32, #tpu.memory_space<vmem>> -> memref<1x1x128xi32, #tpu.memory_space<vmem>>
      %dma_wait3A_660 = tpu.memref_squeeze %dma_wait3A_659 : memref<1x1x128xi32, #tpu.memory_space<vmem>> -> memref<128xi32, #tpu.memory_space<vmem>>
      %dma_wait3A_661 = arith.constant 0 : i32
      %dma_wait3A_662 = arith.constant 0 : i32
      %dma_wait3A_663 = tpu.memref_slice %arg9[%dma_wait3A_661, %dma_wait3A_662] : memref<10240x128xf32, #tpu.memory_space<vmem_shared>> -> memref<10240x128xf32, #tpu.memory_space<vmem_shared>>
      tpu.wait_indirect_dma semaphore(%run_scoped3A_651 : memref<!tpu.dma_semaphore, #tpu.memory_space<semaphore_mem>>) src(%arg14 : memref<128x128xf32, #tpu.memory_space<vmem>>) dst(%dma_wait3A_663 : memref<10240x128xf32, #tpu.memory_space<vmem_shared>>)
      tpu.yield
    }) : () -> ()
    %dma_start3A_150 = arith.constant 0 : i32
    %dma_start3A_151 = arith.constant 1 : i32
    %dma_start3A_152 = arith.constant 0 : i32
    %dma_start3A_153 = tpu.memref_slice %arg12[%dma_start3A_150, %dma_start3A_151, %dma_start3A_152] : memref<2x8x128xi32, #tpu.memory_space<vmem>> -> memref<1x1x128xi32, #tpu.memory_space<vmem>>
    %dma_start3A_154 = tpu.memref_squeeze %dma_start3A_153 : memref<1x1x128xi32, #tpu.memory_space<vmem>> -> memref<128xi32, #tpu.memory_space<vmem>>
    %dma_start3A_155 = arith.constant 0 : i32
    %dma_start3A_156 = tpu.memref_slice %arg10[%dma_start3A_155] : memref<10240xf32, #tpu.memory_space<vmem_shared>> -> memref<10240xf32, #tpu.memory_space<vmem_shared>>
    tpu.enqueue_indirect_dma source(%arg15 : memref<128xf32, #tpu.memory_space<vmem>>) target(%dma_start3A_156 : memref<10240xf32, #tpu.memory_space<vmem_shared>>) offsets(%dma_start3A_154 : memref<128xi32, #tpu.memory_space<vmem>>) semaphore(%arg19 : memref<!tpu.dma_semaphore, #tpu.memory_space<semaphore_mem>>) {add = true}
    %dma_start3A_157 = arith.constant 0 : i32
    %dma_start3A_158 = arith.constant 3 : i32
    %dma_start3A_159 = arith.constant 0 : i32
    %dma_start3A_160 = tpu.memref_slice %arg11[%dma_start3A_157, %dma_start3A_158, %dma_start3A_159] : memref<2x8x128xi32, #tpu.memory_space<vmem>> -> memref<1x1x128xi32, #tpu.memory_space<vmem>>
    %dma_start3A_161 = tpu.memref_squeeze %dma_start3A_160 : memref<1x1x128xi32, #tpu.memory_space<vmem>> -> memref<128xi32, #tpu.memory_space<vmem>>
    %dma_start3A_162 = arith.constant 0 : i32
    %dma_start3A_163 = arith.constant 0 : i32
    %dma_start3A_164 = tpu.memref_slice %arg2[%dma_start3A_162, %dma_start3A_163] : memref<10240x128xf32, #tpu.memory_space<hbm>> -> memref<10240x128xf32, #tpu.memory_space<hbm>>
    tpu.enqueue_indirect_dma source(%dma_start3A_164 : memref<10240x128xf32, #tpu.memory_space<hbm>>) target(%arg14 : memref<128x128xf32, #tpu.memory_space<vmem>>) offsets(%dma_start3A_161 : memref<128xi32, #tpu.memory_space<vmem>>) semaphore(%arg17 : memref<!tpu.dma_semaphore, #tpu.memory_space<semaphore_mem>>)
    %dma_wait3A_165 = arith.constant 0 : i32
    %dma_wait3A_166 = arith.constant 2 : i32
    %dma_wait3A_167 = arith.constant 0 : i32
    %dma_wait3A_168 = tpu.memref_slice %arg11[%dma_wait3A_165, %dma_wait3A_166, %dma_wait3A_167] : memref<2x8x128xi32, #tpu.memory_space<vmem>> -> memref<1x1x128xi32, #tpu.memory_space<vmem>>
    %dma_wait3A_169 = tpu.memref_squeeze %dma_wait3A_168 : memref<1x1x128xi32, #tpu.memory_space<vmem>> -> memref<128xi32, #tpu.memory_space<vmem>>
    %dma_wait3A_170 = arith.constant 0 : i32
    %dma_wait3A_171 = arith.constant 0 : i32
    %dma_wait3A_172 = tpu.memref_slice %arg2[%dma_wait3A_170, %dma_wait3A_171] : memref<10240x128xf32, #tpu.memory_space<hbm>> -> memref<10240x128xf32, #tpu.memory_space<hbm>>
    tpu.wait_indirect_dma semaphore(%arg16 : memref<!tpu.dma_semaphore, #tpu.memory_space<semaphore_mem>>) src(%dma_wait3A_172 : memref<10240x128xf32, #tpu.memory_space<hbm>>) dst(%arg13 : memref<128x128xf32, #tpu.memory_space<vmem>>)
    %run_scoped3A_173 = arith.constant 0 : i32
    %run_scoped3A_174 = arith.constant 2 : i32
    "tpu.region"() ({
      %run_scoped3A_651 = tpu.sem_alloc : memref<!tpu.dma_semaphore, #tpu.memory_space<semaphore_mem>>
      %dma_start3A_652 = arith.constant 0 : i32
      %dma_start3A_653 = tpu.memref_slice %arg12[%run_scoped3A_173, %run_scoped3A_174, %dma_start3A_652] : memref<2x8x128xi32, #tpu.memory_space<vmem>> -> memref<1x1x128xi32, #tpu.memory_space<vmem>>
      %dma_start3A_654 = tpu.memref_squeeze %dma_start3A_653 : memref<1x1x128xi32, #tpu.memory_space<vmem>> -> memref<128xi32, #tpu.memory_space<vmem>>
      %dma_start3A_655 = arith.constant 0 : i32
      %dma_start3A_656 = arith.constant 0 : i32
      %dma_start3A_657 = tpu.memref_slice %arg9[%dma_start3A_655, %dma_start3A_656] : memref<10240x128xf32, #tpu.memory_space<vmem_shared>> -> memref<10240x128xf32, #tpu.memory_space<vmem_shared>>
      tpu.enqueue_indirect_dma source(%arg13 : memref<128x128xf32, #tpu.memory_space<vmem>>) target(%dma_start3A_657 : memref<10240x128xf32, #tpu.memory_space<vmem_shared>>) offsets(%dma_start3A_654 : memref<128xi32, #tpu.memory_space<vmem>>) semaphore(%run_scoped3A_651 : memref<!tpu.dma_semaphore, #tpu.memory_space<semaphore_mem>>) {add = true}
      %dma_wait3A_658 = arith.constant 0 : i32
      %dma_wait3A_659 = tpu.memref_slice %arg12[%run_scoped3A_173, %run_scoped3A_174, %dma_wait3A_658] : memref<2x8x128xi32, #tpu.memory_space<vmem>> -> memref<1x1x128xi32, #tpu.memory_space<vmem>>
      %dma_wait3A_660 = tpu.memref_squeeze %dma_wait3A_659 : memref<1x1x128xi32, #tpu.memory_space<vmem>> -> memref<128xi32, #tpu.memory_space<vmem>>
      %dma_wait3A_661 = arith.constant 0 : i32
      %dma_wait3A_662 = arith.constant 0 : i32
      %dma_wait3A_663 = tpu.memref_slice %arg9[%dma_wait3A_661, %dma_wait3A_662] : memref<10240x128xf32, #tpu.memory_space<vmem_shared>> -> memref<10240x128xf32, #tpu.memory_space<vmem_shared>>
      tpu.wait_indirect_dma semaphore(%run_scoped3A_651 : memref<!tpu.dma_semaphore, #tpu.memory_space<semaphore_mem>>) src(%arg13 : memref<128x128xf32, #tpu.memory_space<vmem>>) dst(%dma_wait3A_663 : memref<10240x128xf32, #tpu.memory_space<vmem_shared>>)
      tpu.yield
    }) : () -> ()
    %dma_start3A_175 = arith.constant 0 : i32
    %dma_start3A_176 = arith.constant 2 : i32
    %dma_start3A_177 = arith.constant 0 : i32
    %dma_start3A_178 = tpu.memref_slice %arg12[%dma_start3A_175, %dma_start3A_176, %dma_start3A_177] : memref<2x8x128xi32, #tpu.memory_space<vmem>> -> memref<1x1x128xi32, #tpu.memory_space<vmem>>
    %dma_start3A_179 = tpu.memref_squeeze %dma_start3A_178 : memref<1x1x128xi32, #tpu.memory_space<vmem>> -> memref<128xi32, #tpu.memory_space<vmem>>
    %dma_start3A_180 = arith.constant 0 : i32
    %dma_start3A_181 = tpu.memref_slice %arg10[%dma_start3A_180] : memref<10240xf32, #tpu.memory_space<vmem_shared>> -> memref<10240xf32, #tpu.memory_space<vmem_shared>>
    tpu.enqueue_indirect_dma source(%arg15 : memref<128xf32, #tpu.memory_space<vmem>>) target(%dma_start3A_181 : memref<10240xf32, #tpu.memory_space<vmem_shared>>) offsets(%dma_start3A_179 : memref<128xi32, #tpu.memory_space<vmem>>) semaphore(%arg19 : memref<!tpu.dma_semaphore, #tpu.memory_space<semaphore_mem>>) {add = true}
    %dma_start3A_182 = arith.constant 0 : i32
    %dma_start3A_183 = arith.constant 4 : i32
    %dma_start3A_184 = arith.constant 0 : i32
    %dma_start3A_185 = tpu.memref_slice %arg11[%dma_start3A_182, %dma_start3A_183, %dma_start3A_184] : memref<2x8x128xi32, #tpu.memory_space<vmem>> -> memref<1x1x128xi32, #tpu.memory_space<vmem>>
    %dma_start3A_186 = tpu.memref_squeeze %dma_start3A_185 : memref<1x1x128xi32, #tpu.memory_space<vmem>> -> memref<128xi32, #tpu.memory_space<vmem>>
    %dma_start3A_187 = arith.constant 0 : i32
    %dma_start3A_188 = arith.constant 0 : i32
    %dma_start3A_189 = tpu.memref_slice %arg2[%dma_start3A_187, %dma_start3A_188] : memref<10240x128xf32, #tpu.memory_space<hbm>> -> memref<10240x128xf32, #tpu.memory_space<hbm>>
    tpu.enqueue_indirect_dma source(%dma_start3A_189 : memref<10240x128xf32, #tpu.memory_space<hbm>>) target(%arg13 : memref<128x128xf32, #tpu.memory_space<vmem>>) offsets(%dma_start3A_186 : memref<128xi32, #tpu.memory_space<vmem>>) semaphore(%arg16 : memref<!tpu.dma_semaphore, #tpu.memory_space<semaphore_mem>>)
    %dma_wait3A_190 = arith.constant 0 : i32
    %dma_wait3A_191 = arith.constant 3 : i32
    %dma_wait3A_192 = arith.constant 0 : i32
    %dma_wait3A_193 = tpu.memref_slice %arg11[%dma_wait3A_190, %dma_wait3A_191, %dma_wait3A_192] : memref<2x8x128xi32, #tpu.memory_space<vmem>> -> memref<1x1x128xi32, #tpu.memory_space<vmem>>
    %dma_wait3A_194 = tpu.memref_squeeze %dma_wait3A_193 : memref<1x1x128xi32, #tpu.memory_space<vmem>> -> memref<128xi32, #tpu.memory_space<vmem>>
    %dma_wait3A_195 = arith.constant 0 : i32
    %dma_wait3A_196 = arith.constant 0 : i32
    %dma_wait3A_197 = tpu.memref_slice %arg2[%dma_wait3A_195, %dma_wait3A_196] : memref<10240x128xf32, #tpu.memory_space<hbm>> -> memref<10240x128xf32, #tpu.memory_space<hbm>>
    tpu.wait_indirect_dma semaphore(%arg17 : memref<!tpu.dma_semaphore, #tpu.memory_space<semaphore_mem>>) src(%dma_wait3A_197 : memref<10240x128xf32, #tpu.memory_space<hbm>>) dst(%arg14 : memref<128x128xf32, #tpu.memory_space<vmem>>)
    %run_scoped3A_198 = arith.constant 0 : i32
    %run_scoped3A_199 = arith.constant 3 : i32
    "tpu.region"() ({
      %run_scoped3A_651 = tpu.sem_alloc : memref<!tpu.dma_semaphore, #tpu.memory_space<semaphore_mem>>
      %dma_start3A_652 = arith.constant 0 : i32
      %dma_start3A_653 = tpu.memref_slice %arg12[%run_scoped3A_198, %run_scoped3A_199, %dma_start3A_652] : memref<2x8x128xi32, #tpu.memory_space<vmem>> -> memref<1x1x128xi32, #tpu.memory_space<vmem>>
      %dma_start3A_654 = tpu.memref_squeeze %dma_start3A_653 : memref<1x1x128xi32, #tpu.memory_space<vmem>> -> memref<128xi32, #tpu.memory_space<vmem>>
      %dma_start3A_655 = arith.constant 0 : i32
      %dma_start3A_656 = arith.constant 0 : i32
      %dma_start3A_657 = tpu.memref_slice %arg9[%dma_start3A_655, %dma_start3A_656] : memref<10240x128xf32, #tpu.memory_space<vmem_shared>> -> memref<10240x128xf32, #tpu.memory_space<vmem_shared>>
      tpu.enqueue_indirect_dma source(%arg14 : memref<128x128xf32, #tpu.memory_space<vmem>>) target(%dma_start3A_657 : memref<10240x128xf32, #tpu.memory_space<vmem_shared>>) offsets(%dma_start3A_654 : memref<128xi32, #tpu.memory_space<vmem>>) semaphore(%run_scoped3A_651 : memref<!tpu.dma_semaphore, #tpu.memory_space<semaphore_mem>>) {add = true}
      %dma_wait3A_658 = arith.constant 0 : i32
      %dma_wait3A_659 = tpu.memref_slice %arg12[%run_scoped3A_198, %run_scoped3A_199, %dma_wait3A_658] : memref<2x8x128xi32, #tpu.memory_space<vmem>> -> memref<1x1x128xi32, #tpu.memory_space<vmem>>
      %dma_wait3A_660 = tpu.memref_squeeze %dma_wait3A_659 : memref<1x1x128xi32, #tpu.memory_space<vmem>> -> memref<128xi32, #tpu.memory_space<vmem>>
      %dma_wait3A_661 = arith.constant 0 : i32
      %dma_wait3A_662 = arith.constant 0 : i32
      %dma_wait3A_663 = tpu.memref_slice %arg9[%dma_wait3A_661, %dma_wait3A_662] : memref<10240x128xf32, #tpu.memory_space<vmem_shared>> -> memref<10240x128xf32, #tpu.memory_space<vmem_shared>>
      tpu.wait_indirect_dma semaphore(%run_scoped3A_651 : memref<!tpu.dma_semaphore, #tpu.memory_space<semaphore_mem>>) src(%arg14 : memref<128x128xf32, #tpu.memory_space<vmem>>) dst(%dma_wait3A_663 : memref<10240x128xf32, #tpu.memory_space<vmem_shared>>)
      tpu.yield
    }) : () -> ()
    %dma_start3A_200 = arith.constant 0 : i32
    %dma_start3A_201 = arith.constant 3 : i32
    %dma_start3A_202 = arith.constant 0 : i32
    %dma_start3A_203 = tpu.memref_slice %arg12[%dma_start3A_200, %dma_start3A_201, %dma_start3A_202] : memref<2x8x128xi32, #tpu.memory_space<vmem>> -> memref<1x1x128xi32, #tpu.memory_space<vmem>>
    %dma_start3A_204 = tpu.memref_squeeze %dma_start3A_203 : memref<1x1x128xi32, #tpu.memory_space<vmem>> -> memref<128xi32, #tpu.memory_space<vmem>>
    %dma_start3A_205 = arith.constant 0 : i32
    %dma_start3A_206 = tpu.memref_slice %arg10[%dma_start3A_205] : memref<10240xf32, #tpu.memory_space<vmem_shared>> -> memref<10240xf32, #tpu.memory_space<vmem_shared>>
    tpu.enqueue_indirect_dma source(%arg15 : memref<128xf32, #tpu.memory_space<vmem>>) target(%dma_start3A_206 : memref<10240xf32, #tpu.memory_space<vmem_shared>>) offsets(%dma_start3A_204 : memref<128xi32, #tpu.memory_space<vmem>>) semaphore(%arg19 : memref<!tpu.dma_semaphore, #tpu.memory_space<semaphore_mem>>) {add = true}
    %dma_start3A_207 = arith.constant 0 : i32
    %dma_start3A_208 = arith.constant 5 : i32
    %dma_start3A_209 = arith.constant 0 : i32
    %dma_start3A_210 = tpu.memref_slice %arg11[%dma_start3A_207, %dma_start3A_208, %dma_start3A_209] : memref<2x8x128xi32, #tpu.memory_space<vmem>> -> memref<1x1x128xi32, #tpu.memory_space<vmem>>
    %dma_start3A_211 = tpu.memref_squeeze %dma_start3A_210 : memref<1x1x128xi32, #tpu.memory_space<vmem>> -> memref<128xi32, #tpu.memory_space<vmem>>
    %dma_start3A_212 = arith.constant 0 : i32
    %dma_start3A_213 = arith.constant 0 : i32
    %dma_start3A_214 = tpu.memref_slice %arg2[%dma_start3A_212, %dma_start3A_213] : memref<10240x128xf32, #tpu.memory_space<hbm>> -> memref<10240x128xf32, #tpu.memory_space<hbm>>
    tpu.enqueue_indirect_dma source(%dma_start3A_214 : memref<10240x128xf32, #tpu.memory_space<hbm>>) target(%arg14 : memref<128x128xf32, #tpu.memory_space<vmem>>) offsets(%dma_start3A_211 : memref<128xi32, #tpu.memory_space<vmem>>) semaphore(%arg17 : memref<!tpu.dma_semaphore, #tpu.memory_space<semaphore_mem>>)
    %dma_wait3A_215 = arith.constant 0 : i32
    %dma_wait3A_216 = arith.constant 4 : i32
    %dma_wait3A_217 = arith.constant 0 : i32
    %dma_wait3A_218 = tpu.memref_slice %arg11[%dma_wait3A_215, %dma_wait3A_216, %dma_wait3A_217] : memref<2x8x128xi32, #tpu.memory_space<vmem>> -> memref<1x1x128xi32, #tpu.memory_space<vmem>>
    %dma_wait3A_219 = tpu.memref_squeeze %dma_wait3A_218 : memref<1x1x128xi32, #tpu.memory_space<vmem>> -> memref<128xi32, #tpu.memory_space<vmem>>
    %dma_wait3A_220 = arith.constant 0 : i32
    %dma_wait3A_221 = arith.constant 0 : i32
    %dma_wait3A_222 = tpu.memref_slice %arg2[%dma_wait3A_220, %dma_wait3A_221] : memref<10240x128xf32, #tpu.memory_space<hbm>> -> memref<10240x128xf32, #tpu.memory_space<hbm>>
    tpu.wait_indirect_dma semaphore(%arg16 : memref<!tpu.dma_semaphore, #tpu.memory_space<semaphore_mem>>) src(%dma_wait3A_222 : memref<10240x128xf32, #tpu.memory_space<hbm>>) dst(%arg13 : memref<128x128xf32, #tpu.memory_space<vmem>>)
    %run_scoped3A_223 = arith.constant 0 : i32
    %run_scoped3A_224 = arith.constant 4 : i32
    "tpu.region"() ({
      %run_scoped3A_651 = tpu.sem_alloc : memref<!tpu.dma_semaphore, #tpu.memory_space<semaphore_mem>>
      %dma_start3A_652 = arith.constant 0 : i32
      %dma_start3A_653 = tpu.memref_slice %arg12[%run_scoped3A_223, %run_scoped3A_224, %dma_start3A_652] : memref<2x8x128xi32, #tpu.memory_space<vmem>> -> memref<1x1x128xi32, #tpu.memory_space<vmem>>
      %dma_start3A_654 = tpu.memref_squeeze %dma_start3A_653 : memref<1x1x128xi32, #tpu.memory_space<vmem>> -> memref<128xi32, #tpu.memory_space<vmem>>
      %dma_start3A_655 = arith.constant 0 : i32
      %dma_start3A_656 = arith.constant 0 : i32
      %dma_start3A_657 = tpu.memref_slice %arg9[%dma_start3A_655, %dma_start3A_656] : memref<10240x128xf32, #tpu.memory_space<vmem_shared>> -> memref<10240x128xf32, #tpu.memory_space<vmem_shared>>
      tpu.enqueue_indirect_dma source(%arg13 : memref<128x128xf32, #tpu.memory_space<vmem>>) target(%dma_start3A_657 : memref<10240x128xf32, #tpu.memory_space<vmem_shared>>) offsets(%dma_start3A_654 : memref<128xi32, #tpu.memory_space<vmem>>) semaphore(%run_scoped3A_651 : memref<!tpu.dma_semaphore, #tpu.memory_space<semaphore_mem>>) {add = true}
      %dma_wait3A_658 = arith.constant 0 : i32
      %dma_wait3A_659 = tpu.memref_slice %arg12[%run_scoped3A_223, %run_scoped3A_224, %dma_wait3A_658] : memref<2x8x128xi32, #tpu.memory_space<vmem>> -> memref<1x1x128xi32, #tpu.memory_space<vmem>>
      %dma_wait3A_660 = tpu.memref_squeeze %dma_wait3A_659 : memref<1x1x128xi32, #tpu.memory_space<vmem>> -> memref<128xi32, #tpu.memory_space<vmem>>
      %dma_wait3A_661 = arith.constant 0 : i32
      %dma_wait3A_662 = arith.constant 0 : i32
      %dma_wait3A_663 = tpu.memref_slice %arg9[%dma_wait3A_661, %dma_wait3A_662] : memref<10240x128xf32, #tpu.memory_space<vmem_shared>> -> memref<10240x128xf32, #tpu.memory_space<vmem_shared>>
      tpu.wait_indirect_dma semaphore(%run_scoped3A_651 : memref<!tpu.dma_semaphore, #tpu.memory_space<semaphore_mem>>) src(%arg13 : memref<128x128xf32, #tpu.memory_space<vmem>>) dst(%dma_wait3A_663 : memref<10240x128xf32, #tpu.memory_space<vmem_shared>>)
      tpu.yield
    }) : () -> ()
    %dma_start3A_225 = arith.constant 0 : i32
    %dma_start3A_226 = arith.constant 4 : i32
    %dma_start3A_227 = arith.constant 0 : i32
    %dma_start3A_228 = tpu.memref_slice %arg12[%dma_start3A_225, %dma_start3A_226, %dma_start3A_227] : memref<2x8x128xi32, #tpu.memory_space<vmem>> -> memref<1x1x128xi32, #tpu.memory_space<vmem>>
    %dma_start3A_229 = tpu.memref_squeeze %dma_start3A_228 : memref<1x1x128xi32, #tpu.memory_space<vmem>> -> memref<128xi32, #tpu.memory_space<vmem>>
    %dma_start3A_230 = arith.constant 0 : i32
    %dma_start3A_231 = tpu.memref_slice %arg10[%dma_start3A_230] : memref<10240xf32, #tpu.memory_space<vmem_shared>> -> memref<10240xf32, #tpu.memory_space<vmem_shared>>
    tpu.enqueue_indirect_dma source(%arg15 : memref<128xf32, #tpu.memory_space<vmem>>) target(%dma_start3A_231 : memref<10240xf32, #tpu.memory_space<vmem_shared>>) offsets(%dma_start3A_229 : memref<128xi32, #tpu.memory_space<vmem>>) semaphore(%arg19 : memref<!tpu.dma_semaphore, #tpu.memory_space<semaphore_mem>>) {add = true}
    %dma_start3A_232 = arith.constant 0 : i32
    %dma_start3A_233 = arith.constant 6 : i32
    %dma_start3A_234 = arith.constant 0 : i32
    %dma_start3A_235 = tpu.memref_slice %arg11[%dma_start3A_232, %dma_start3A_233, %dma_start3A_234] : memref<2x8x128xi32, #tpu.memory_space<vmem>> -> memref<1x1x128xi32, #tpu.memory_space<vmem>>
    %dma_start3A_236 = tpu.memref_squeeze %dma_start3A_235 : memref<1x1x128xi32, #tpu.memory_space<vmem>> -> memref<128xi32, #tpu.memory_space<vmem>>
    %dma_start3A_237 = arith.constant 0 : i32
    %dma_start3A_238 = arith.constant 0 : i32
    %dma_start3A_239 = tpu.memref_slice %arg2[%dma_start3A_237, %dma_start3A_238] : memref<10240x128xf32, #tpu.memory_space<hbm>> -> memref<10240x128xf32, #tpu.memory_space<hbm>>
    tpu.enqueue_indirect_dma source(%dma_start3A_239 : memref<10240x128xf32, #tpu.memory_space<hbm>>) target(%arg13 : memref<128x128xf32, #tpu.memory_space<vmem>>) offsets(%dma_start3A_236 : memref<128xi32, #tpu.memory_space<vmem>>) semaphore(%arg16 : memref<!tpu.dma_semaphore, #tpu.memory_space<semaphore_mem>>)
    %dma_wait3A_240 = arith.constant 0 : i32
    %dma_wait3A_241 = arith.constant 5 : i32
    %dma_wait3A_242 = arith.constant 0 : i32
    %dma_wait3A_243 = tpu.memref_slice %arg11[%dma_wait3A_240, %dma_wait3A_241, %dma_wait3A_242] : memref<2x8x128xi32, #tpu.memory_space<vmem>> -> memref<1x1x128xi32, #tpu.memory_space<vmem>>
    %dma_wait3A_244 = tpu.memref_squeeze %dma_wait3A_243 : memref<1x1x128xi32, #tpu.memory_space<vmem>> -> memref<128xi32, #tpu.memory_space<vmem>>
    %dma_wait3A_245 = arith.constant 0 : i32
    %dma_wait3A_246 = arith.constant 0 : i32
    %dma_wait3A_247 = tpu.memref_slice %arg2[%dma_wait3A_245, %dma_wait3A_246] : memref<10240x128xf32, #tpu.memory_space<hbm>> -> memref<10240x128xf32, #tpu.memory_space<hbm>>
    tpu.wait_indirect_dma semaphore(%arg17 : memref<!tpu.dma_semaphore, #tpu.memory_space<semaphore_mem>>) src(%dma_wait3A_247 : memref<10240x128xf32, #tpu.memory_space<hbm>>) dst(%arg14 : memref<128x128xf32, #tpu.memory_space<vmem>>)
    %run_scoped3A_248 = arith.constant 0 : i32
    %run_scoped3A_249 = arith.constant 5 : i32
    "tpu.region"() ({
      %run_scoped3A_651 = tpu.sem_alloc : memref<!tpu.dma_semaphore, #tpu.memory_space<semaphore_mem>>
      %dma_start3A_652 = arith.constant 0 : i32
      %dma_start3A_653 = tpu.memref_slice %arg12[%run_scoped3A_248, %run_scoped3A_249, %dma_start3A_652] : memref<2x8x128xi32, #tpu.memory_space<vmem>> -> memref<1x1x128xi32, #tpu.memory_space<vmem>>
      %dma_start3A_654 = tpu.memref_squeeze %dma_start3A_653 : memref<1x1x128xi32, #tpu.memory_space<vmem>> -> memref<128xi32, #tpu.memory_space<vmem>>
      %dma_start3A_655 = arith.constant 0 : i32
      %dma_start3A_656 = arith.constant 0 : i32
      %dma_start3A_657 = tpu.memref_slice %arg9[%dma_start3A_655, %dma_start3A_656] : memref<10240x128xf32, #tpu.memory_space<vmem_shared>> -> memref<10240x128xf32, #tpu.memory_space<vmem_shared>>
      tpu.enqueue_indirect_dma source(%arg14 : memref<128x128xf32, #tpu.memory_space<vmem>>) target(%dma_start3A_657 : memref<10240x128xf32, #tpu.memory_space<vmem_shared>>) offsets(%dma_start3A_654 : memref<128xi32, #tpu.memory_space<vmem>>) semaphore(%run_scoped3A_651 : memref<!tpu.dma_semaphore, #tpu.memory_space<semaphore_mem>>) {add = true}
      %dma_wait3A_658 = arith.constant 0 : i32
      %dma_wait3A_659 = tpu.memref_slice %arg12[%run_scoped3A_248, %run_scoped3A_249, %dma_wait3A_658] : memref<2x8x128xi32, #tpu.memory_space<vmem>> -> memref<1x1x128xi32, #tpu.memory_space<vmem>>
      %dma_wait3A_660 = tpu.memref_squeeze %dma_wait3A_659 : memref<1x1x128xi32, #tpu.memory_space<vmem>> -> memref<128xi32, #tpu.memory_space<vmem>>
      %dma_wait3A_661 = arith.constant 0 : i32
      %dma_wait3A_662 = arith.constant 0 : i32
      %dma_wait3A_663 = tpu.memref_slice %arg9[%dma_wait3A_661, %dma_wait3A_662] : memref<10240x128xf32, #tpu.memory_space<vmem_shared>> -> memref<10240x128xf32, #tpu.memory_space<vmem_shared>>
      tpu.wait_indirect_dma semaphore(%run_scoped3A_651 : memref<!tpu.dma_semaphore, #tpu.memory_space<semaphore_mem>>) src(%arg14 : memref<128x128xf32, #tpu.memory_space<vmem>>) dst(%dma_wait3A_663 : memref<10240x128xf32, #tpu.memory_space<vmem_shared>>)
      tpu.yield
    }) : () -> ()
    %dma_start3A_250 = arith.constant 0 : i32
    %dma_start3A_251 = arith.constant 5 : i32
    %dma_start3A_252 = arith.constant 0 : i32
    %dma_start3A_253 = tpu.memref_slice %arg12[%dma_start3A_250, %dma_start3A_251, %dma_start3A_252] : memref<2x8x128xi32, #tpu.memory_space<vmem>> -> memref<1x1x128xi32, #tpu.memory_space<vmem>>
    %dma_start3A_254 = tpu.memref_squeeze %dma_start3A_253 : memref<1x1x128xi32, #tpu.memory_space<vmem>> -> memref<128xi32, #tpu.memory_space<vmem>>
    %dma_start3A_255 = arith.constant 0 : i32
    %dma_start3A_256 = tpu.memref_slice %arg10[%dma_start3A_255] : memref<10240xf32, #tpu.memory_space<vmem_shared>> -> memref<10240xf32, #tpu.memory_space<vmem_shared>>
    tpu.enqueue_indirect_dma source(%arg15 : memref<128xf32, #tpu.memory_space<vmem>>) target(%dma_start3A_256 : memref<10240xf32, #tpu.memory_space<vmem_shared>>) offsets(%dma_start3A_254 : memref<128xi32, #tpu.memory_space<vmem>>) semaphore(%arg19 : memref<!tpu.dma_semaphore, #tpu.memory_space<semaphore_mem>>) {add = true}
    %dma_start3A_257 = arith.constant 0 : i32
    %dma_start3A_258 = arith.constant 7 : i32
    %dma_start3A_259 = arith.constant 0 : i32
    %dma_start3A_260 = tpu.memref_slice %arg11[%dma_start3A_257, %dma_start3A_258, %dma_start3A_259] : memref<2x8x128xi32, #tpu.memory_space<vmem>> -> memref<1x1x128xi32, #tpu.memory_space<vmem>>
    %dma_start3A_261 = tpu.memref_squeeze %dma_start3A_260 : memref<1x1x128xi32, #tpu.memory_space<vmem>> -> memref<128xi32, #tpu.memory_space<vmem>>
    %dma_start3A_262 = arith.constant 0 : i32
    %dma_start3A_263 = arith.constant 0 : i32
    %dma_start3A_264 = tpu.memref_slice %arg2[%dma_start3A_262, %dma_start3A_263] : memref<10240x128xf32, #tpu.memory_space<hbm>> -> memref<10240x128xf32, #tpu.memory_space<hbm>>
    tpu.enqueue_indirect_dma source(%dma_start3A_264 : memref<10240x128xf32, #tpu.memory_space<hbm>>) target(%arg14 : memref<128x128xf32, #tpu.memory_space<vmem>>) offsets(%dma_start3A_261 : memref<128xi32, #tpu.memory_space<vmem>>) semaphore(%arg17 : memref<!tpu.dma_semaphore, #tpu.memory_space<semaphore_mem>>)
    %dma_wait3A_265 = arith.constant 0 : i32
    %dma_wait3A_266 = arith.constant 6 : i32
    %dma_wait3A_267 = arith.constant 0 : i32
    %dma_wait3A_268 = tpu.memref_slice %arg11[%dma_wait3A_265, %dma_wait3A_266, %dma_wait3A_267] : memref<2x8x128xi32, #tpu.memory_space<vmem>> -> memref<1x1x128xi32, #tpu.memory_space<vmem>>
    %dma_wait3A_269 = tpu.memref_squeeze %dma_wait3A_268 : memref<1x1x128xi32, #tpu.memory_space<vmem>> -> memref<128xi32, #tpu.memory_space<vmem>>
    %dma_wait3A_270 = arith.constant 0 : i32
    %dma_wait3A_271 = arith.constant 0 : i32
    %dma_wait3A_272 = tpu.memref_slice %arg2[%dma_wait3A_270, %dma_wait3A_271] : memref<10240x128xf32, #tpu.memory_space<hbm>> -> memref<10240x128xf32, #tpu.memory_space<hbm>>
    tpu.wait_indirect_dma semaphore(%arg16 : memref<!tpu.dma_semaphore, #tpu.memory_space<semaphore_mem>>) src(%dma_wait3A_272 : memref<10240x128xf32, #tpu.memory_space<hbm>>) dst(%arg13 : memref<128x128xf32, #tpu.memory_space<vmem>>)
    %run_scoped3A_273 = arith.constant 0 : i32
    %run_scoped3A_274 = arith.constant 6 : i32
    "tpu.region"() ({
      %run_scoped3A_651 = tpu.sem_alloc : memref<!tpu.dma_semaphore, #tpu.memory_space<semaphore_mem>>
      %dma_start3A_652 = arith.constant 0 : i32
      %dma_start3A_653 = tpu.memref_slice %arg12[%run_scoped3A_273, %run_scoped3A_274, %dma_start3A_652] : memref<2x8x128xi32, #tpu.memory_space<vmem>> -> memref<1x1x128xi32, #tpu.memory_space<vmem>>
      %dma_start3A_654 = tpu.memref_squeeze %dma_start3A_653 : memref<1x1x128xi32, #tpu.memory_space<vmem>> -> memref<128xi32, #tpu.memory_space<vmem>>
      %dma_start3A_655 = arith.constant 0 : i32
      %dma_start3A_656 = arith.constant 0 : i32
      %dma_start3A_657 = tpu.memref_slice %arg9[%dma_start3A_655, %dma_start3A_656] : memref<10240x128xf32, #tpu.memory_space<vmem_shared>> -> memref<10240x128xf32, #tpu.memory_space<vmem_shared>>
      tpu.enqueue_indirect_dma source(%arg13 : memref<128x128xf32, #tpu.memory_space<vmem>>) target(%dma_start3A_657 : memref<10240x128xf32, #tpu.memory_space<vmem_shared>>) offsets(%dma_start3A_654 : memref<128xi32, #tpu.memory_space<vmem>>) semaphore(%run_scoped3A_651 : memref<!tpu.dma_semaphore, #tpu.memory_space<semaphore_mem>>) {add = true}
      %dma_wait3A_658 = arith.constant 0 : i32
      %dma_wait3A_659 = tpu.memref_slice %arg12[%run_scoped3A_273, %run_scoped3A_274, %dma_wait3A_658] : memref<2x8x128xi32, #tpu.memory_space<vmem>> -> memref<1x1x128xi32, #tpu.memory_space<vmem>>
      %dma_wait3A_660 = tpu.memref_squeeze %dma_wait3A_659 : memref<1x1x128xi32, #tpu.memory_space<vmem>> -> memref<128xi32, #tpu.memory_space<vmem>>
      %dma_wait3A_661 = arith.constant 0 : i32
      %dma_wait3A_662 = arith.constant 0 : i32
      %dma_wait3A_663 = tpu.memref_slice %arg9[%dma_wait3A_661, %dma_wait3A_662] : memref<10240x128xf32, #tpu.memory_space<vmem_shared>> -> memref<10240x128xf32, #tpu.memory_space<vmem_shared>>
      tpu.wait_indirect_dma semaphore(%run_scoped3A_651 : memref<!tpu.dma_semaphore, #tpu.memory_space<semaphore_mem>>) src(%arg13 : memref<128x128xf32, #tpu.memory_space<vmem>>) dst(%dma_wait3A_663 : memref<10240x128xf32, #tpu.memory_space<vmem_shared>>)
      tpu.yield
    }) : () -> ()
    %dma_start3A_275 = arith.constant 0 : i32
    %dma_start3A_276 = arith.constant 6 : i32
    %dma_start3A_277 = arith.constant 0 : i32
    %dma_start3A_278 = tpu.memref_slice %arg12[%dma_start3A_275, %dma_start3A_276, %dma_start3A_277] : memref<2x8x128xi32, #tpu.memory_space<vmem>> -> memref<1x1x128xi32, #tpu.memory_space<vmem>>
    %dma_start3A_279 = tpu.memref_squeeze %dma_start3A_278 : memref<1x1x128xi32, #tpu.memory_space<vmem>> -> memref<128xi32, #tpu.memory_space<vmem>>
    %dma_start3A_280 = arith.constant 0 : i32
    %dma_start3A_281 = tpu.memref_slice %arg10[%dma_start3A_280] : memref<10240xf32, #tpu.memory_space<vmem_shared>> -> memref<10240xf32, #tpu.memory_space<vmem_shared>>
    tpu.enqueue_indirect_dma source(%arg15 : memref<128xf32, #tpu.memory_space<vmem>>) target(%dma_start3A_281 : memref<10240xf32, #tpu.memory_space<vmem_shared>>) offsets(%dma_start3A_279 : memref<128xi32, #tpu.memory_space<vmem>>) semaphore(%arg19 : memref<!tpu.dma_semaphore, #tpu.memory_space<semaphore_mem>>) {add = true}
    %dma_wait3A_282 = arith.constant 1 : i32
    %dma_wait3A_283 = arith.constant 0 : i32
    %dma_wait3A_284 = arith.constant 0 : i32
    %dma_wait3A_285 = tpu.memref_slice %arg11[%dma_wait3A_282, %dma_wait3A_283, %dma_wait3A_284] : memref<2x8x128xi32, #tpu.memory_space<vmem>> -> memref<1x8x128xi32, #tpu.memory_space<vmem>>
    %dma_wait3A_286 = tpu.memref_squeeze %dma_wait3A_285 : memref<1x8x128xi32, #tpu.memory_space<vmem>> -> memref<8x128xi32, #tpu.memory_space<vmem>>
    %dma_wait3A_287 = arith.constant 0 : i32
    %dma_wait3A_288 = tpu.memref_slice %arg3[%mul3A_57, %dma_wait3A_287] : memref<2560x128xi32, #tpu.memory_space<hbm>> -> memref<8x128xi32, #tpu.memory_space<hbm>>
    %dma_wait3A_289 = arith.constant 0 : i32
    %dma_wait3A_290 = arith.constant 0 : i32
    %dma_wait3A_291 = tpu.memref_slice %arg11[%dma_wait3A_282, %dma_wait3A_289, %dma_wait3A_290] : memref<2x8x128xi32, #tpu.memory_space<vmem>> -> memref<1x8x128xi32, #tpu.memory_space<vmem>>
    %dma_wait3A_292 = tpu.memref_squeeze %dma_wait3A_291 : memref<1x8x128xi32, #tpu.memory_space<vmem>> -> memref<8x128xi32, #tpu.memory_space<vmem>>
    %dma_wait3A_293 = arith.constant 0 : i32
    %dma_wait3A_294 = tpu.memref_slice %arg3[%mul3A_57, %dma_wait3A_293] : memref<2560x128xi32, #tpu.memory_space<hbm>> -> memref<8x128xi32, #tpu.memory_space<hbm>>
    tpu.wait_dma2 semaphore(%arg18 : memref<!tpu.dma_semaphore, #tpu.memory_space<semaphore_mem>>) src(%dma_wait3A_294 : memref<8x128xi32, #tpu.memory_space<hbm>>) dst(%dma_wait3A_292 : memref<8x128xi32, #tpu.memory_space<vmem>>)
    %dma_wait3A_295 = arith.constant 1 : i32
    %dma_wait3A_296 = arith.constant 0 : i32
    %dma_wait3A_297 = arith.constant 0 : i32
    %dma_wait3A_298 = tpu.memref_slice %arg12[%dma_wait3A_295, %dma_wait3A_296, %dma_wait3A_297] : memref<2x8x128xi32, #tpu.memory_space<vmem>> -> memref<1x8x128xi32, #tpu.memory_space<vmem>>
    %dma_wait3A_299 = tpu.memref_squeeze %dma_wait3A_298 : memref<1x8x128xi32, #tpu.memory_space<vmem>> -> memref<8x128xi32, #tpu.memory_space<vmem>>
    %dma_wait3A_300 = arith.constant 0 : i32
    %dma_wait3A_301 = tpu.memref_slice %arg4[%mul3A_57, %dma_wait3A_300] : memref<2560x128xi32, #tpu.memory_space<hbm>> -> memref<8x128xi32, #tpu.memory_space<hbm>>
    %dma_wait3A_302 = arith.constant 0 : i32
    %dma_wait3A_303 = arith.constant 0 : i32
    %dma_wait3A_304 = tpu.memref_slice %arg12[%dma_wait3A_295, %dma_wait3A_302, %dma_wait3A_303] : memref<2x8x128xi32, #tpu.memory_space<vmem>> -> memref<1x8x128xi32, #tpu.memory_space<vmem>>
    %dma_wait3A_305 = tpu.memref_squeeze %dma_wait3A_304 : memref<1x8x128xi32, #tpu.memory_space<vmem>> -> memref<8x128xi32, #tpu.memory_space<vmem>>
    %dma_wait3A_306 = arith.constant 0 : i32
    %dma_wait3A_307 = tpu.memref_slice %arg4[%mul3A_57, %dma_wait3A_306] : memref<2560x128xi32, #tpu.memory_space<hbm>> -> memref<8x128xi32, #tpu.memory_space<hbm>>
    tpu.wait_dma2 semaphore(%arg18 : memref<!tpu.dma_semaphore, #tpu.memory_space<semaphore_mem>>) src(%dma_wait3A_307 : memref<8x128xi32, #tpu.memory_space<hbm>>) dst(%dma_wait3A_305 : memref<8x128xi32, #tpu.memory_space<vmem>>)
    %dma_start3A_308 = arith.constant 1 : i32
    %dma_start3A_309 = arith.constant 0 : i32
    %dma_start3A_310 = arith.constant 0 : i32
    %dma_start3A_311 = tpu.memref_slice %arg11[%dma_start3A_308, %dma_start3A_309, %dma_start3A_310] : memref<2x8x128xi32, #tpu.memory_space<vmem>> -> memref<1x1x128xi32, #tpu.memory_space<vmem>>
    %dma_start3A_312 = tpu.memref_squeeze %dma_start3A_311 : memref<1x1x128xi32, #tpu.memory_space<vmem>> -> memref<128xi32, #tpu.memory_space<vmem>>
    %dma_start3A_313 = arith.constant 0 : i32
    %dma_start3A_314 = arith.constant 0 : i32
    %dma_start3A_315 = tpu.memref_slice %arg2[%dma_start3A_313, %dma_start3A_314] : memref<10240x128xf32, #tpu.memory_space<hbm>> -> memref<10240x128xf32, #tpu.memory_space<hbm>>
    tpu.enqueue_indirect_dma source(%dma_start3A_315 : memref<10240x128xf32, #tpu.memory_space<hbm>>) target(%arg13 : memref<128x128xf32, #tpu.memory_space<vmem>>) offsets(%dma_start3A_312 : memref<128xi32, #tpu.memory_space<vmem>>) semaphore(%arg16 : memref<!tpu.dma_semaphore, #tpu.memory_space<semaphore_mem>>)
    %dma_wait3A_316 = arith.constant 0 : i32
    %dma_wait3A_317 = arith.constant 7 : i32
    %dma_wait3A_318 = arith.constant 0 : i32
    %dma_wait3A_319 = tpu.memref_slice %arg11[%dma_wait3A_316, %dma_wait3A_317, %dma_wait3A_318] : memref<2x8x128xi32, #tpu.memory_space<vmem>> -> memref<1x1x128xi32, #tpu.memory_space<vmem>>
    %dma_wait3A_320 = tpu.memref_squeeze %dma_wait3A_319 : memref<1x1x128xi32, #tpu.memory_space<vmem>> -> memref<128xi32, #tpu.memory_space<vmem>>
    %dma_wait3A_321 = arith.constant 0 : i32
    %dma_wait3A_322 = arith.constant 0 : i32
    %dma_wait3A_323 = tpu.memref_slice %arg2[%dma_wait3A_321, %dma_wait3A_322] : memref<10240x128xf32, #tpu.memory_space<hbm>> -> memref<10240x128xf32, #tpu.memory_space<hbm>>
    tpu.wait_indirect_dma semaphore(%arg17 : memref<!tpu.dma_semaphore, #tpu.memory_space<semaphore_mem>>) src(%dma_wait3A_323 : memref<10240x128xf32, #tpu.memory_space<hbm>>) dst(%arg14 : memref<128x128xf32, #tpu.memory_space<vmem>>)
    %run_scoped3A_324 = arith.constant 0 : i32
    %run_scoped3A_325 = arith.constant 7 : i32
    "tpu.region"() ({
      %run_scoped3A_651 = tpu.sem_alloc : memref<!tpu.dma_semaphore, #tpu.memory_space<semaphore_mem>>
      %dma_start3A_652 = arith.constant 0 : i32
      %dma_start3A_653 = tpu.memref_slice %arg12[%run_scoped3A_324, %run_scoped3A_325, %dma_start3A_652] : memref<2x8x128xi32, #tpu.memory_space<vmem>> -> memref<1x1x128xi32, #tpu.memory_space<vmem>>
      %dma_start3A_654 = tpu.memref_squeeze %dma_start3A_653 : memref<1x1x128xi32, #tpu.memory_space<vmem>> -> memref<128xi32, #tpu.memory_space<vmem>>
      %dma_start3A_655 = arith.constant 0 : i32
      %dma_start3A_656 = arith.constant 0 : i32
      %dma_start3A_657 = tpu.memref_slice %arg9[%dma_start3A_655, %dma_start3A_656] : memref<10240x128xf32, #tpu.memory_space<vmem_shared>> -> memref<10240x128xf32, #tpu.memory_space<vmem_shared>>
      tpu.enqueue_indirect_dma source(%arg14 : memref<128x128xf32, #tpu.memory_space<vmem>>) target(%dma_start3A_657 : memref<10240x128xf32, #tpu.memory_space<vmem_shared>>) offsets(%dma_start3A_654 : memref<128xi32, #tpu.memory_space<vmem>>) semaphore(%run_scoped3A_651 : memref<!tpu.dma_semaphore, #tpu.memory_space<semaphore_mem>>) {add = true}
      %dma_wait3A_658 = arith.constant 0 : i32
      %dma_wait3A_659 = tpu.memref_slice %arg12[%run_scoped3A_324, %run_scoped3A_325, %dma_wait3A_658] : memref<2x8x128xi32, #tpu.memory_space<vmem>> -> memref<1x1x128xi32, #tpu.memory_space<vmem>>
      %dma_wait3A_660 = tpu.memref_squeeze %dma_wait3A_659 : memref<1x1x128xi32, #tpu.memory_space<vmem>> -> memref<128xi32, #tpu.memory_space<vmem>>
      %dma_wait3A_661 = arith.constant 0 : i32
      %dma_wait3A_662 = arith.constant 0 : i32
      %dma_wait3A_663 = tpu.memref_slice %arg9[%dma_wait3A_661, %dma_wait3A_662] : memref<10240x128xf32, #tpu.memory_space<vmem_shared>> -> memref<10240x128xf32, #tpu.memory_space<vmem_shared>>
      tpu.wait_indirect_dma semaphore(%run_scoped3A_651 : memref<!tpu.dma_semaphore, #tpu.memory_space<semaphore_mem>>) src(%arg14 : memref<128x128xf32, #tpu.memory_space<vmem>>) dst(%dma_wait3A_663 : memref<10240x128xf32, #tpu.memory_space<vmem_shared>>)
      tpu.yield
    }) : () -> ()
    %dma_start3A_326 = arith.constant 0 : i32
    %dma_start3A_327 = arith.constant 7 : i32
    %dma_start3A_328 = arith.constant 0 : i32
    %dma_start3A_329 = tpu.memref_slice %arg12[%dma_start3A_326, %dma_start3A_327, %dma_start3A_328] : memref<2x8x128xi32, #tpu.memory_space<vmem>> -> memref<1x1x128xi32, #tpu.memory_space<vmem>>
    %dma_start3A_330 = tpu.memref_squeeze %dma_start3A_329 : memref<1x1x128xi32, #tpu.memory_space<vmem>> -> memref<128xi32, #tpu.memory_space<vmem>>
    %dma_start3A_331 = arith.constant 0 : i32
    %dma_start3A_332 = tpu.memref_slice %arg10[%dma_start3A_331] : memref<10240xf32, #tpu.memory_space<vmem_shared>> -> memref<10240xf32, #tpu.memory_space<vmem_shared>>
    tpu.enqueue_indirect_dma source(%arg15 : memref<128xf32, #tpu.memory_space<vmem>>) target(%dma_start3A_332 : memref<10240xf32, #tpu.memory_space<vmem_shared>>) offsets(%dma_start3A_330 : memref<128xi32, #tpu.memory_space<vmem>>) semaphore(%arg19 : memref<!tpu.dma_semaphore, #tpu.memory_space<semaphore_mem>>) {add = true}
    %dma_start3A_333 = arith.constant 1 : i32
    %dma_start3A_334 = arith.constant 1 : i32
    %dma_start3A_335 = arith.constant 0 : i32
    %dma_start3A_336 = tpu.memref_slice %arg11[%dma_start3A_333, %dma_start3A_334, %dma_start3A_335] : memref<2x8x128xi32, #tpu.memory_space<vmem>> -> memref<1x1x128xi32, #tpu.memory_space<vmem>>
    %dma_start3A_337 = tpu.memref_squeeze %dma_start3A_336 : memref<1x1x128xi32, #tpu.memory_space<vmem>> -> memref<128xi32, #tpu.memory_space<vmem>>
    %dma_start3A_338 = arith.constant 0 : i32
    %dma_start3A_339 = arith.constant 0 : i32
    %dma_start3A_340 = tpu.memref_slice %arg2[%dma_start3A_338, %dma_start3A_339] : memref<10240x128xf32, #tpu.memory_space<hbm>> -> memref<10240x128xf32, #tpu.memory_space<hbm>>
    tpu.enqueue_indirect_dma source(%dma_start3A_340 : memref<10240x128xf32, #tpu.memory_space<hbm>>) target(%arg14 : memref<128x128xf32, #tpu.memory_space<vmem>>) offsets(%dma_start3A_337 : memref<128xi32, #tpu.memory_space<vmem>>) semaphore(%arg17 : memref<!tpu.dma_semaphore, #tpu.memory_space<semaphore_mem>>)
    %dma_wait3A_341 = arith.constant 0 : i32
    %dma_wait3A_342 = arith.constant 0 : i32
    %dma_wait3A_343 = arith.constant 0 : i32
    %dma_wait3A_344 = tpu.memref_slice %arg12[%dma_wait3A_341, %dma_wait3A_342, %dma_wait3A_343] : memref<2x8x128xi32, #tpu.memory_space<vmem>> -> memref<1x1x128xi32, #tpu.memory_space<vmem>>
    %dma_wait3A_345 = tpu.memref_squeeze %dma_wait3A_344 : memref<1x1x128xi32, #tpu.memory_space<vmem>> -> memref<128xi32, #tpu.memory_space<vmem>>
    %dma_wait3A_346 = arith.constant 0 : i32
    %dma_wait3A_347 = tpu.memref_slice %arg10[%dma_wait3A_346] : memref<10240xf32, #tpu.memory_space<vmem_shared>> -> memref<10240xf32, #tpu.memory_space<vmem_shared>>
    tpu.wait_indirect_dma semaphore(%arg19 : memref<!tpu.dma_semaphore, #tpu.memory_space<semaphore_mem>>) src(%arg15 : memref<128xf32, #tpu.memory_space<vmem>>) dst(%dma_wait3A_347 : memref<10240xf32, #tpu.memory_space<vmem_shared>>)
    %dma_wait3A_348 = arith.constant 0 : i32
    %dma_wait3A_349 = arith.constant 0 : i32
    %dma_wait3A_350 = arith.constant 0 : i32
    %dma_wait3A_351 = tpu.memref_slice %arg12[%dma_wait3A_348, %dma_wait3A_349, %dma_wait3A_350] : memref<2x8x128xi32, #tpu.memory_space<vmem>> -> memref<1x1x128xi32, #tpu.memory_space<vmem>>
    %dma_wait3A_352 = tpu.memref_squeeze %dma_wait3A_351 : memref<1x1x128xi32, #tpu.memory_space<vmem>> -> memref<128xi32, #tpu.memory_space<vmem>>
    %dma_wait3A_353 = arith.constant 0 : i32
    %dma_wait3A_354 = tpu.memref_slice %arg10[%dma_wait3A_353] : memref<10240xf32, #tpu.memory_space<vmem_shared>> -> memref<10240xf32, #tpu.memory_space<vmem_shared>>
    tpu.wait_indirect_dma semaphore(%arg19 : memref<!tpu.dma_semaphore, #tpu.memory_space<semaphore_mem>>) src(%arg15 : memref<128xf32, #tpu.memory_space<vmem>>) dst(%dma_wait3A_354 : memref<10240xf32, #tpu.memory_space<vmem_shared>>)
    %dma_wait3A_355 = arith.constant 0 : i32
    %dma_wait3A_356 = arith.constant 0 : i32
    %dma_wait3A_357 = arith.constant 0 : i32
    %dma_wait3A_358 = tpu.memref_slice %arg12[%dma_wait3A_355, %dma_wait3A_356, %dma_wait3A_357] : memref<2x8x128xi32, #tpu.memory_space<vmem>> -> memref<1x1x128xi32, #tpu.memory_space<vmem>>
    %dma_wait3A_359 = tpu.memref_squeeze %dma_wait3A_358 : memref<1x1x128xi32, #tpu.memory_space<vmem>> -> memref<128xi32, #tpu.memory_space<vmem>>
    %dma_wait3A_360 = arith.constant 0 : i32
    %dma_wait3A_361 = tpu.memref_slice %arg10[%dma_wait3A_360] : memref<10240xf32, #tpu.memory_space<vmem_shared>> -> memref<10240xf32, #tpu.memory_space<vmem_shared>>
    tpu.wait_indirect_dma semaphore(%arg19 : memref<!tpu.dma_semaphore, #tpu.memory_space<semaphore_mem>>) src(%arg15 : memref<128xf32, #tpu.memory_space<vmem>>) dst(%dma_wait3A_361 : memref<10240xf32, #tpu.memory_space<vmem_shared>>)
    %dma_wait3A_362 = arith.constant 0 : i32
    %dma_wait3A_363 = arith.constant 0 : i32
    %dma_wait3A_364 = arith.constant 0 : i32
    %dma_wait3A_365 = tpu.memref_slice %arg12[%dma_wait3A_362, %dma_wait3A_363, %dma_wait3A_364] : memref<2x8x128xi32, #tpu.memory_space<vmem>> -> memref<1x1x128xi32, #tpu.memory_space<vmem>>
    %dma_wait3A_366 = tpu.memref_squeeze %dma_wait3A_365 : memref<1x1x128xi32, #tpu.memory_space<vmem>> -> memref<128xi32, #tpu.memory_space<vmem>>
    %dma_wait3A_367 = arith.constant 0 : i32
    %dma_wait3A_368 = tpu.memref_slice %arg10[%dma_wait3A_367] : memref<10240xf32, #tpu.memory_space<vmem_shared>> -> memref<10240xf32, #tpu.memory_space<vmem_shared>>
    tpu.wait_indirect_dma semaphore(%arg19 : memref<!tpu.dma_semaphore, #tpu.memory_space<semaphore_mem>>) src(%arg15 : memref<128xf32, #tpu.memory_space<vmem>>) dst(%dma_wait3A_368 : memref<10240xf32, #tpu.memory_space<vmem_shared>>)
    %dma_wait3A_369 = arith.constant 0 : i32
    %dma_wait3A_370 = arith.constant 0 : i32
    %dma_wait3A_371 = arith.constant 0 : i32
    %dma_wait3A_372 = tpu.memref_slice %arg12[%dma_wait3A_369, %dma_wait3A_370, %dma_wait3A_371] : memref<2x8x128xi32, #tpu.memory_space<vmem>> -> memref<1x1x128xi32, #tpu.memory_space<vmem>>
    %dma_wait3A_373 = tpu.memref_squeeze %dma_wait3A_372 : memref<1x1x128xi32, #tpu.memory_space<vmem>> -> memref<128xi32, #tpu.memory_space<vmem>>
    %dma_wait3A_374 = arith.constant 0 : i32
    %dma_wait3A_375 = tpu.memref_slice %arg10[%dma_wait3A_374] : memref<10240xf32, #tpu.memory_space<vmem_shared>> -> memref<10240xf32, #tpu.memory_space<vmem_shared>>
    tpu.wait_indirect_dma semaphore(%arg19 : memref<!tpu.dma_semaphore, #tpu.memory_space<semaphore_mem>>) src(%arg15 : memref<128xf32, #tpu.memory_space<vmem>>) dst(%dma_wait3A_375 : memref<10240xf32, #tpu.memory_space<vmem_shared>>)
    %dma_wait3A_376 = arith.constant 0 : i32
    %dma_wait3A_377 = arith.constant 0 : i32
    %dma_wait3A_378 = arith.constant 0 : i32
    %dma_wait3A_379 = tpu.memref_slice %arg12[%dma_wait3A_376, %dma_wait3A_377, %dma_wait3A_378] : memref<2x8x128xi32, #tpu.memory_space<vmem>> -> memref<1x1x128xi32, #tpu.memory_space<vmem>>
    %dma_wait3A_380 = tpu.memref_squeeze %dma_wait3A_379 : memref<1x1x128xi32, #tpu.memory_space<vmem>> -> memref<128xi32, #tpu.memory_space<vmem>>
    %dma_wait3A_381 = arith.constant 0 : i32
    %dma_wait3A_382 = tpu.memref_slice %arg10[%dma_wait3A_381] : memref<10240xf32, #tpu.memory_space<vmem_shared>> -> memref<10240xf32, #tpu.memory_space<vmem_shared>>
    tpu.wait_indirect_dma semaphore(%arg19 : memref<!tpu.dma_semaphore, #tpu.memory_space<semaphore_mem>>) src(%arg15 : memref<128xf32, #tpu.memory_space<vmem>>) dst(%dma_wait3A_382 : memref<10240xf32, #tpu.memory_space<vmem_shared>>)
    %dma_wait3A_383 = arith.constant 0 : i32
    %dma_wait3A_384 = arith.constant 0 : i32
    %dma_wait3A_385 = arith.constant 0 : i32
    %dma_wait3A_386 = tpu.memref_slice %arg12[%dma_wait3A_383, %dma_wait3A_384, %dma_wait3A_385] : memref<2x8x128xi32, #tpu.memory_space<vmem>> -> memref<1x1x128xi32, #tpu.memory_space<vmem>>
    %dma_wait3A_387 = tpu.memref_squeeze %dma_wait3A_386 : memref<1x1x128xi32, #tpu.memory_space<vmem>> -> memref<128xi32, #tpu.memory_space<vmem>>
    %dma_wait3A_388 = arith.constant 0 : i32
    %dma_wait3A_389 = tpu.memref_slice %arg10[%dma_wait3A_388] : memref<10240xf32, #tpu.memory_space<vmem_shared>> -> memref<10240xf32, #tpu.memory_space<vmem_shared>>
    tpu.wait_indirect_dma semaphore(%arg19 : memref<!tpu.dma_semaphore, #tpu.memory_space<semaphore_mem>>) src(%arg15 : memref<128xf32, #tpu.memory_space<vmem>>) dst(%dma_wait3A_389 : memref<10240xf32, #tpu.memory_space<vmem_shared>>)
    %dma_wait3A_390 = arith.constant 0 : i32
    %dma_wait3A_391 = arith.constant 0 : i32
    %dma_wait3A_392 = arith.constant 0 : i32
    %dma_wait3A_393 = tpu.memref_slice %arg12[%dma_wait3A_390, %dma_wait3A_391, %dma_wait3A_392] : memref<2x8x128xi32, #tpu.memory_space<vmem>> -> memref<1x1x128xi32, #tpu.memory_space<vmem>>
    %dma_wait3A_394 = tpu.memref_squeeze %dma_wait3A_393 : memref<1x1x128xi32, #tpu.memory_space<vmem>> -> memref<128xi32, #tpu.memory_space<vmem>>
    %dma_wait3A_395 = arith.constant 0 : i32
    %dma_wait3A_396 = tpu.memref_slice %arg10[%dma_wait3A_395] : memref<10240xf32, #tpu.memory_space<vmem_shared>> -> memref<10240xf32, #tpu.memory_space<vmem_shared>>
    tpu.wait_indirect_dma semaphore(%arg19 : memref<!tpu.dma_semaphore, #tpu.memory_space<semaphore_mem>>) src(%arg15 : memref<128xf32, #tpu.memory_space<vmem>>) dst(%dma_wait3A_396 : memref<10240xf32, #tpu.memory_space<vmem_shared>>)
    %scan3A = arith.constant 1 : i32
    %scan3A_397 = arith.constant 8 : i32
    %scan3A_398 = arith.addi %scan3A, %scan3A_397 : i32
    %scan3A_399 = arith.constant 1 : i32
    scf.for %scan3A_651 = %scan3A to %scan3A_398 step %scan3A_399  : i32 {
      %rem3A = arith.constant 2 : i32
      %rem3A_652 = arith.remsi %scan3A_651, %rem3A : i32
      %sub3A = arith.constant 1 : i32
      %sub3A_653 = arith.subi %sub3A, %rem3A_652 : i32
      %dma_wait3A_654 = arith.constant 0 : i32
      %dma_wait3A_655 = arith.constant 0 : i32
      %dma_wait3A_656 = tpu.memref_slice %arg11[%rem3A_652, %dma_wait3A_654, %dma_wait3A_655] : memref<2x8x128xi32, #tpu.memory_space<vmem>> -> memref<1x1x128xi32, #tpu.memory_space<vmem>>
      %dma_wait3A_657 = tpu.memref_squeeze %dma_wait3A_656 : memref<1x1x128xi32, #tpu.memory_space<vmem>> -> memref<128xi32, #tpu.memory_space<vmem>>
      %dma_wait3A_658 = arith.constant 0 : i32
      %dma_wait3A_659 = arith.constant 0 : i32
      %dma_wait3A_660 = tpu.memref_slice %arg2[%dma_wait3A_658, %dma_wait3A_659] : memref<10240x128xf32, #tpu.memory_space<hbm>> -> memref<10240x128xf32, #tpu.memory_space<hbm>>
      tpu.wait_indirect_dma semaphore(%arg16 : memref<!tpu.dma_semaphore, #tpu.memory_space<semaphore_mem>>) src(%dma_wait3A_660 : memref<10240x128xf32, #tpu.memory_space<hbm>>) dst(%arg13 : memref<128x128xf32, #tpu.memory_space<vmem>>)
      %run_scoped3A_661 = arith.constant 0 : i32
      "tpu.region"() ({
        %run_scoped3A_931 = tpu.sem_alloc : memref<!tpu.dma_semaphore, #tpu.memory_space<semaphore_mem>>
        %dma_start3A_932 = arith.constant 0 : i32
        %dma_start3A_933 = tpu.memref_slice %arg12[%rem3A_652, %run_scoped3A_661, %dma_start3A_932] : memref<2x8x128xi32, #tpu.memory_space<vmem>> -> memref<1x1x128xi32, #tpu.memory_space<vmem>>
        %dma_start3A_934 = tpu.memref_squeeze %dma_start3A_933 : memref<1x1x128xi32, #tpu.memory_space<vmem>> -> memref<128xi32, #tpu.memory_space<vmem>>
        %dma_start3A_935 = arith.constant 0 : i32
        %dma_start3A_936 = arith.constant 0 : i32
        %dma_start3A_937 = tpu.memref_slice %arg9[%dma_start3A_935, %dma_start3A_936] : memref<10240x128xf32, #tpu.memory_space<vmem_shared>> -> memref<10240x128xf32, #tpu.memory_space<vmem_shared>>
        tpu.enqueue_indirect_dma source(%arg13 : memref<128x128xf32, #tpu.memory_space<vmem>>) target(%dma_start3A_937 : memref<10240x128xf32, #tpu.memory_space<vmem_shared>>) offsets(%dma_start3A_934 : memref<128xi32, #tpu.memory_space<vmem>>) semaphore(%run_scoped3A_931 : memref<!tpu.dma_semaphore, #tpu.memory_space<semaphore_mem>>) {add = true}
        %dma_wait3A_938 = arith.constant 0 : i32
        %dma_wait3A_939 = tpu.memref_slice %arg12[%rem3A_652, %run_scoped3A_661, %dma_wait3A_938] : memref<2x8x128xi32, #tpu.memory_space<vmem>> -> memref<1x1x128xi32, #tpu.memory_space<vmem>>
        %dma_wait3A_940 = tpu.memref_squeeze %dma_wait3A_939 : memref<1x1x128xi32, #tpu.memory_space<vmem>> -> memref<128xi32, #tpu.memory_space<vmem>>
        %dma_wait3A_941 = arith.constant 0 : i32
        %dma_wait3A_942 = arith.constant 0 : i32
        %dma_wait3A_943 = tpu.memref_slice %arg9[%dma_wait3A_941, %dma_wait3A_942] : memref<10240x128xf32, #tpu.memory_space<vmem_shared>> -> memref<10240x128xf32, #tpu.memory_space<vmem_shared>>
        tpu.wait_indirect_dma semaphore(%run_scoped3A_931 : memref<!tpu.dma_semaphore, #tpu.memory_space<semaphore_mem>>) src(%arg13 : memref<128x128xf32, #tpu.memory_space<vmem>>) dst(%dma_wait3A_943 : memref<10240x128xf32, #tpu.memory_space<vmem_shared>>)
        tpu.yield
      }) : () -> ()
      %dma_start3A_662 = arith.constant 0 : i32
      %dma_start3A_663 = arith.constant 0 : i32
      %dma_start3A_664 = tpu.memref_slice %arg12[%rem3A_652, %dma_start3A_662, %dma_start3A_663] : memref<2x8x128xi32, #tpu.memory_space<vmem>> -> memref<1x1x128xi32, #tpu.memory_space<vmem>>
      %dma_start3A_665 = tpu.memref_squeeze %dma_start3A_664 : memref<1x1x128xi32, #tpu.memory_space<vmem>> -> memref<128xi32, #tpu.memory_space<vmem>>
      %dma_start3A_666 = arith.constant 0 : i32
      %dma_start3A_667 = tpu.memref_slice %arg10[%dma_start3A_666] : memref<10240xf32, #tpu.memory_space<vmem_shared>> -> memref<10240xf32, #tpu.memory_space<vmem_shared>>
      tpu.enqueue_indirect_dma source(%arg15 : memref<128xf32, #tpu.memory_space<vmem>>) target(%dma_start3A_667 : memref<10240xf32, #tpu.memory_space<vmem_shared>>) offsets(%dma_start3A_665 : memref<128xi32, #tpu.memory_space<vmem>>) semaphore(%arg19 : memref<!tpu.dma_semaphore, #tpu.memory_space<semaphore_mem>>) {add = true}
      %dma_start3A_668 = arith.constant 2 : i32
      %dma_start3A_669 = arith.constant 0 : i32
      %dma_start3A_670 = tpu.memref_slice %arg11[%rem3A_652, %dma_start3A_668, %dma_start3A_669] : memref<2x8x128xi32, #tpu.memory_space<vmem>> -> memref<1x1x128xi32, #tpu.memory_space<vmem>>
      %dma_start3A_671 = tpu.memref_squeeze %dma_start3A_670 : memref<1x1x128xi32, #tpu.memory_space<vmem>> -> memref<128xi32, #tpu.memory_space<vmem>>
      %dma_start3A_672 = arith.constant 0 : i32
      %dma_start3A_673 = arith.constant 0 : i32
      %dma_start3A_674 = tpu.memref_slice %arg2[%dma_start3A_672, %dma_start3A_673] : memref<10240x128xf32, #tpu.memory_space<hbm>> -> memref<10240x128xf32, #tpu.memory_space<hbm>>
      tpu.enqueue_indirect_dma source(%dma_start3A_674 : memref<10240x128xf32, #tpu.memory_space<hbm>>) target(%arg13 : memref<128x128xf32, #tpu.memory_space<vmem>>) offsets(%dma_start3A_671 : memref<128xi32, #tpu.memory_space<vmem>>) semaphore(%arg16 : memref<!tpu.dma_semaphore, #tpu.memory_space<semaphore_mem>>)
      %dma_wait3A_675 = arith.constant 1 : i32
      %dma_wait3A_676 = arith.constant 0 : i32
      %dma_wait3A_677 = tpu.memref_slice %arg11[%rem3A_652, %dma_wait3A_675, %dma_wait3A_676] : memref<2x8x128xi32, #tpu.memory_space<vmem>> -> memref<1x1x128xi32, #tpu.memory_space<vmem>>
      %dma_wait3A_678 = tpu.memref_squeeze %dma_wait3A_677 : memref<1x1x128xi32, #tpu.memory_space<vmem>> -> memref<128xi32, #tpu.memory_space<vmem>>
      %dma_wait3A_679 = arith.constant 0 : i32
      %dma_wait3A_680 = arith.constant 0 : i32
      %dma_wait3A_681 = tpu.memref_slice %arg2[%dma_wait3A_679, %dma_wait3A_680] : memref<10240x128xf32, #tpu.memory_space<hbm>> -> memref<10240x128xf32, #tpu.memory_space<hbm>>
      tpu.wait_indirect_dma semaphore(%arg17 : memref<!tpu.dma_semaphore, #tpu.memory_space<semaphore_mem>>) src(%dma_wait3A_681 : memref<10240x128xf32, #tpu.memory_space<hbm>>) dst(%arg14 : memref<128x128xf32, #tpu.memory_space<vmem>>)
      %run_scoped3A_682 = arith.constant 1 : i32
      "tpu.region"() ({
        %run_scoped3A_931 = tpu.sem_alloc : memref<!tpu.dma_semaphore, #tpu.memory_space<semaphore_mem>>
        %dma_start3A_932 = arith.constant 0 : i32
        %dma_start3A_933 = tpu.memref_slice %arg12[%rem3A_652, %run_scoped3A_682, %dma_start3A_932] : memref<2x8x128xi32, #tpu.memory_space<vmem>> -> memref<1x1x128xi32, #tpu.memory_space<vmem>>
        %dma_start3A_934 = tpu.memref_squeeze %dma_start3A_933 : memref<1x1x128xi32, #tpu.memory_space<vmem>> -> memref<128xi32, #tpu.memory_space<vmem>>
        %dma_start3A_935 = arith.constant 0 : i32
        %dma_start3A_936 = arith.constant 0 : i32
        %dma_start3A_937 = tpu.memref_slice %arg9[%dma_start3A_935, %dma_start3A_936] : memref<10240x128xf32, #tpu.memory_space<vmem_shared>> -> memref<10240x128xf32, #tpu.memory_space<vmem_shared>>
        tpu.enqueue_indirect_dma source(%arg14 : memref<128x128xf32, #tpu.memory_space<vmem>>) target(%dma_start3A_937 : memref<10240x128xf32, #tpu.memory_space<vmem_shared>>) offsets(%dma_start3A_934 : memref<128xi32, #tpu.memory_space<vmem>>) semaphore(%run_scoped3A_931 : memref<!tpu.dma_semaphore, #tpu.memory_space<semaphore_mem>>) {add = true}
        %dma_wait3A_938 = arith.constant 0 : i32
        %dma_wait3A_939 = tpu.memref_slice %arg12[%rem3A_652, %run_scoped3A_682, %dma_wait3A_938] : memref<2x8x128xi32, #tpu.memory_space<vmem>> -> memref<1x1x128xi32, #tpu.memory_space<vmem>>
        %dma_wait3A_940 = tpu.memref_squeeze %dma_wait3A_939 : memref<1x1x128xi32, #tpu.memory_space<vmem>> -> memref<128xi32, #tpu.memory_space<vmem>>
        %dma_wait3A_941 = arith.constant 0 : i32
        %dma_wait3A_942 = arith.constant 0 : i32
        %dma_wait3A_943 = tpu.memref_slice %arg9[%dma_wait3A_941, %dma_wait3A_942] : memref<10240x128xf32, #tpu.memory_space<vmem_shared>> -> memref<10240x128xf32, #tpu.memory_space<vmem_shared>>
        tpu.wait_indirect_dma semaphore(%run_scoped3A_931 : memref<!tpu.dma_semaphore, #tpu.memory_space<semaphore_mem>>) src(%arg14 : memref<128x128xf32, #tpu.memory_space<vmem>>) dst(%dma_wait3A_943 : memref<10240x128xf32, #tpu.memory_space<vmem_shared>>)
        tpu.yield
      }) : () -> ()
      %dma_start3A_683 = arith.constant 1 : i32
      %dma_start3A_684 = arith.constant 0 : i32
      %dma_start3A_685 = tpu.memref_slice %arg12[%rem3A_652, %dma_start3A_683, %dma_start3A_684] : memref<2x8x128xi32, #tpu.memory_space<vmem>> -> memref<1x1x128xi32, #tpu.memory_space<vmem>>
      %dma_start3A_686 = tpu.memref_squeeze %dma_start3A_685 : memref<1x1x128xi32, #tpu.memory_space<vmem>> -> memref<128xi32, #tpu.memory_space<vmem>>
      %dma_start3A_687 = arith.constant 0 : i32
      %dma_start3A_688 = tpu.memref_slice %arg10[%dma_start3A_687] : memref<10240xf32, #tpu.memory_space<vmem_shared>> -> memref<10240xf32, #tpu.memory_space<vmem_shared>>
      tpu.enqueue_indirect_dma source(%arg15 : memref<128xf32, #tpu.memory_space<vmem>>) target(%dma_start3A_688 : memref<10240xf32, #tpu.memory_space<vmem_shared>>) offsets(%dma_start3A_686 : memref<128xi32, #tpu.memory_space<vmem>>) semaphore(%arg19 : memref<!tpu.dma_semaphore, #tpu.memory_space<semaphore_mem>>) {add = true}
      %dma_start3A_689 = arith.constant 3 : i32
      %dma_start3A_690 = arith.constant 0 : i32
      %dma_start3A_691 = tpu.memref_slice %arg11[%rem3A_652, %dma_start3A_689, %dma_start3A_690] : memref<2x8x128xi32, #tpu.memory_space<vmem>> -> memref<1x1x128xi32, #tpu.memory_space<vmem>>
      %dma_start3A_692 = tpu.memref_squeeze %dma_start3A_691 : memref<1x1x128xi32, #tpu.memory_space<vmem>> -> memref<128xi32, #tpu.memory_space<vmem>>
      %dma_start3A_693 = arith.constant 0 : i32
      %dma_start3A_694 = arith.constant 0 : i32
      %dma_start3A_695 = tpu.memref_slice %arg2[%dma_start3A_693, %dma_start3A_694] : memref<10240x128xf32, #tpu.memory_space<hbm>> -> memref<10240x128xf32, #tpu.memory_space<hbm>>
      tpu.enqueue_indirect_dma source(%dma_start3A_695 : memref<10240x128xf32, #tpu.memory_space<hbm>>) target(%arg14 : memref<128x128xf32, #tpu.memory_space<vmem>>) offsets(%dma_start3A_692 : memref<128xi32, #tpu.memory_space<vmem>>) semaphore(%arg17 : memref<!tpu.dma_semaphore, #tpu.memory_space<semaphore_mem>>)
      %dma_wait3A_696 = arith.constant 2 : i32
      %dma_wait3A_697 = arith.constant 0 : i32
      %dma_wait3A_698 = tpu.memref_slice %arg11[%rem3A_652, %dma_wait3A_696, %dma_wait3A_697] : memref<2x8x128xi32, #tpu.memory_space<vmem>> -> memref<1x1x128xi32, #tpu.memory_space<vmem>>
      %dma_wait3A_699 = tpu.memref_squeeze %dma_wait3A_698 : memref<1x1x128xi32, #tpu.memory_space<vmem>> -> memref<128xi32, #tpu.memory_space<vmem>>
      %dma_wait3A_700 = arith.constant 0 : i32
      %dma_wait3A_701 = arith.constant 0 : i32
      %dma_wait3A_702 = tpu.memref_slice %arg2[%dma_wait3A_700, %dma_wait3A_701] : memref<10240x128xf32, #tpu.memory_space<hbm>> -> memref<10240x128xf32, #tpu.memory_space<hbm>>
      tpu.wait_indirect_dma semaphore(%arg16 : memref<!tpu.dma_semaphore, #tpu.memory_space<semaphore_mem>>) src(%dma_wait3A_702 : memref<10240x128xf32, #tpu.memory_space<hbm>>) dst(%arg13 : memref<128x128xf32, #tpu.memory_space<vmem>>)
      %run_scoped3A_703 = arith.constant 2 : i32
      "tpu.region"() ({
        %run_scoped3A_931 = tpu.sem_alloc : memref<!tpu.dma_semaphore, #tpu.memory_space<semaphore_mem>>
        %dma_start3A_932 = arith.constant 0 : i32
        %dma_start3A_933 = tpu.memref_slice %arg12[%rem3A_652, %run_scoped3A_703, %dma_start3A_932] : memref<2x8x128xi32, #tpu.memory_space<vmem>> -> memref<1x1x128xi32, #tpu.memory_space<vmem>>
        %dma_start3A_934 = tpu.memref_squeeze %dma_start3A_933 : memref<1x1x128xi32, #tpu.memory_space<vmem>> -> memref<128xi32, #tpu.memory_space<vmem>>
        %dma_start3A_935 = arith.constant 0 : i32
        %dma_start3A_936 = arith.constant 0 : i32
        %dma_start3A_937 = tpu.memref_slice %arg9[%dma_start3A_935, %dma_start3A_936] : memref<10240x128xf32, #tpu.memory_space<vmem_shared>> -> memref<10240x128xf32, #tpu.memory_space<vmem_shared>>
        tpu.enqueue_indirect_dma source(%arg13 : memref<128x128xf32, #tpu.memory_space<vmem>>) target(%dma_start3A_937 : memref<10240x128xf32, #tpu.memory_space<vmem_shared>>) offsets(%dma_start3A_934 : memref<128xi32, #tpu.memory_space<vmem>>) semaphore(%run_scoped3A_931 : memref<!tpu.dma_semaphore, #tpu.memory_space<semaphore_mem>>) {add = true}
        %dma_wait3A_938 = arith.constant 0 : i32
        %dma_wait3A_939 = tpu.memref_slice %arg12[%rem3A_652, %run_scoped3A_703, %dma_wait3A_938] : memref<2x8x128xi32, #tpu.memory_space<vmem>> -> memref<1x1x128xi32, #tpu.memory_space<vmem>>
        %dma_wait3A_940 = tpu.memref_squeeze %dma_wait3A_939 : memref<1x1x128xi32, #tpu.memory_space<vmem>> -> memref<128xi32, #tpu.memory_space<vmem>>
        %dma_wait3A_941 = arith.constant 0 : i32
        %dma_wait3A_942 = arith.constant 0 : i32
        %dma_wait3A_943 = tpu.memref_slice %arg9[%dma_wait3A_941, %dma_wait3A_942] : memref<10240x128xf32, #tpu.memory_space<vmem_shared>> -> memref<10240x128xf32, #tpu.memory_space<vmem_shared>>
        tpu.wait_indirect_dma semaphore(%run_scoped3A_931 : memref<!tpu.dma_semaphore, #tpu.memory_space<semaphore_mem>>) src(%arg13 : memref<128x128xf32, #tpu.memory_space<vmem>>) dst(%dma_wait3A_943 : memref<10240x128xf32, #tpu.memory_space<vmem_shared>>)
        tpu.yield
      }) : () -> ()
      %dma_start3A_704 = arith.constant 2 : i32
      %dma_start3A_705 = arith.constant 0 : i32
      %dma_start3A_706 = tpu.memref_slice %arg12[%rem3A_652, %dma_start3A_704, %dma_start3A_705] : memref<2x8x128xi32, #tpu.memory_space<vmem>> -> memref<1x1x128xi32, #tpu.memory_space<vmem>>
      %dma_start3A_707 = tpu.memref_squeeze %dma_start3A_706 : memref<1x1x128xi32, #tpu.memory_space<vmem>> -> memref<128xi32, #tpu.memory_space<vmem>>
      %dma_start3A_708 = arith.constant 0 : i32
      %dma_start3A_709 = tpu.memref_slice %arg10[%dma_start3A_708] : memref<10240xf32, #tpu.memory_space<vmem_shared>> -> memref<10240xf32, #tpu.memory_space<vmem_shared>>
      tpu.enqueue_indirect_dma source(%arg15 : memref<128xf32, #tpu.memory_space<vmem>>) target(%dma_start3A_709 : memref<10240xf32, #tpu.memory_space<vmem_shared>>) offsets(%dma_start3A_707 : memref<128xi32, #tpu.memory_space<vmem>>) semaphore(%arg19 : memref<!tpu.dma_semaphore, #tpu.memory_space<semaphore_mem>>) {add = true}
      %add3A_710 = arith.constant 1 : i32
      %add3A_711 = arith.addi %scan3A_651, %add3A_710 : i32
      %mul3A_712 = arith.constant 8 : i32
      %mul3A_713 = arith.muli %add3A_711, %mul3A_712 : i32
      %add3A_714 = arith.addi %mul3A_57, %mul3A_713 : i32
      %dma_start3A_715 = arith.constant 0 : i32
      %dma_start3A_716 = arith.constant 0 : i32
      %dma_start3A_717 = tpu.memref_slice %arg11[%sub3A_653, %dma_start3A_715, %dma_start3A_716] : memref<2x8x128xi32, #tpu.memory_space<vmem>> -> memref<1x8x128xi32, #tpu.memory_space<vmem>>
      %dma_start3A_718 = tpu.memref_squeeze %dma_start3A_717 : memref<1x8x128xi32, #tpu.memory_space<vmem>> -> memref<8x128xi32, #tpu.memory_space<vmem>>
      %dma_start3A_719 = arith.constant 0 : i32
      %dma_start3A_720 = tpu.memref_slice %arg3[%add3A_714, %dma_start3A_719] : memref<2560x128xi32, #tpu.memory_space<hbm>> -> memref<8x128xi32, #tpu.memory_space<hbm>>
      %dma_start3A_721 = arith.constant 0 : i32
      %dma_start3A_722 = arith.constant 0 : i32
      %dma_start3A_723 = tpu.memref_slice %arg11[%sub3A_653, %dma_start3A_721, %dma_start3A_722] : memref<2x8x128xi32, #tpu.memory_space<vmem>> -> memref<1x8x128xi32, #tpu.memory_space<vmem>>
      %dma_start3A_724 = tpu.memref_squeeze %dma_start3A_723 : memref<1x8x128xi32, #tpu.memory_space<vmem>> -> memref<8x128xi32, #tpu.memory_space<vmem>>
      %dma_start3A_725 = arith.constant 0 : i32
      %dma_start3A_726 = tpu.memref_slice %arg3[%add3A_714, %dma_start3A_725] : memref<2560x128xi32, #tpu.memory_space<hbm>> -> memref<8x128xi32, #tpu.memory_space<hbm>>
      tpu.enqueue_dma source(%dma_start3A_726 : memref<8x128xi32, #tpu.memory_space<hbm>>) target(%dma_start3A_724 : memref<8x128xi32, #tpu.memory_space<vmem>>) target_semaphore(%arg18 : memref<!tpu.dma_semaphore, #tpu.memory_space<semaphore_mem>>)
      %dma_start3A_727 = arith.constant 0 : i32
      %dma_start3A_728 = arith.constant 0 : i32
      %dma_start3A_729 = tpu.memref_slice %arg12[%sub3A_653, %dma_start3A_727, %dma_start3A_728] : memref<2x8x128xi32, #tpu.memory_space<vmem>> -> memref<1x8x128xi32, #tpu.memory_space<vmem>>
      %dma_start3A_730 = tpu.memref_squeeze %dma_start3A_729 : memref<1x8x128xi32, #tpu.memory_space<vmem>> -> memref<8x128xi32, #tpu.memory_space<vmem>>
      %dma_start3A_731 = arith.constant 0 : i32
      %dma_start3A_732 = tpu.memref_slice %arg4[%add3A_714, %dma_start3A_731] : memref<2560x128xi32, #tpu.memory_space<hbm>> -> memref<8x128xi32, #tpu.memory_space<hbm>>
      %dma_start3A_733 = arith.constant 0 : i32
      %dma_start3A_734 = arith.constant 0 : i32
      %dma_start3A_735 = tpu.memref_slice %arg12[%sub3A_653, %dma_start3A_733, %dma_start3A_734] : memref<2x8x128xi32, #tpu.memory_space<vmem>> -> memref<1x8x128xi32, #tpu.memory_space<vmem>>
      %dma_start3A_736 = tpu.memref_squeeze %dma_start3A_735 : memref<1x8x128xi32, #tpu.memory_space<vmem>> -> memref<8x128xi32, #tpu.memory_space<vmem>>
      %dma_start3A_737 = arith.constant 0 : i32
      %dma_start3A_738 = tpu.memref_slice %arg4[%add3A_714, %dma_start3A_737] : memref<2560x128xi32, #tpu.memory_space<hbm>> -> memref<8x128xi32, #tpu.memory_space<hbm>>
      tpu.enqueue_dma source(%dma_start3A_738 : memref<8x128xi32, #tpu.memory_space<hbm>>) target(%dma_start3A_736 : memref<8x128xi32, #tpu.memory_space<vmem>>) target_semaphore(%arg18 : memref<!tpu.dma_semaphore, #tpu.memory_space<semaphore_mem>>)
      %dma_start3A_739 = arith.constant 4 : i32
      %dma_start3A_740 = arith.constant 0 : i32
      %dma_start3A_741 = tpu.memref_slice %arg11[%rem3A_652, %dma_start3A_739, %dma_start3A_740] : memref<2x8x128xi32, #tpu.memory_space<vmem>> -> memref<1x1x128xi32, #tpu.memory_space<vmem>>
      %dma_start3A_742 = tpu.memref_squeeze %dma_start3A_741 : memref<1x1x128xi32, #tpu.memory_space<vmem>> -> memref<128xi32, #tpu.memory_space<vmem>>
      %dma_start3A_743 = arith.constant 0 : i32
      %dma_start3A_744 = arith.constant 0 : i32
      %dma_start3A_745 = tpu.memref_slice %arg2[%dma_start3A_743, %dma_start3A_744] : memref<10240x128xf32, #tpu.memory_space<hbm>> -> memref<10240x128xf32, #tpu.memory_space<hbm>>
      tpu.enqueue_indirect_dma source(%dma_start3A_745 : memref<10240x128xf32, #tpu.memory_space<hbm>>) target(%arg13 : memref<128x128xf32, #tpu.memory_space<vmem>>) offsets(%dma_start3A_742 : memref<128xi32, #tpu.memory_space<vmem>>) semaphore(%arg16 : memref<!tpu.dma_semaphore, #tpu.memory_space<semaphore_mem>>)
      %dma_wait3A_746 = arith.constant 3 : i32
      %dma_wait3A_747 = arith.constant 0 : i32
      %dma_wait3A_748 = tpu.memref_slice %arg11[%rem3A_652, %dma_wait3A_746, %dma_wait3A_747] : memref<2x8x128xi32, #tpu.memory_space<vmem>> -> memref<1x1x128xi32, #tpu.memory_space<vmem>>
      %dma_wait3A_749 = tpu.memref_squeeze %dma_wait3A_748 : memref<1x1x128xi32, #tpu.memory_space<vmem>> -> memref<128xi32, #tpu.memory_space<vmem>>
      %dma_wait3A_750 = arith.constant 0 : i32
      %dma_wait3A_751 = arith.constant 0 : i32
      %dma_wait3A_752 = tpu.memref_slice %arg2[%dma_wait3A_750, %dma_wait3A_751] : memref<10240x128xf32, #tpu.memory_space<hbm>> -> memref<10240x128xf32, #tpu.memory_space<hbm>>
      tpu.wait_indirect_dma semaphore(%arg17 : memref<!tpu.dma_semaphore, #tpu.memory_space<semaphore_mem>>) src(%dma_wait3A_752 : memref<10240x128xf32, #tpu.memory_space<hbm>>) dst(%arg14 : memref<128x128xf32, #tpu.memory_space<vmem>>)
      %run_scoped3A_753 = arith.constant 3 : i32
      "tpu.region"() ({
        %run_scoped3A_931 = tpu.sem_alloc : memref<!tpu.dma_semaphore, #tpu.memory_space<semaphore_mem>>
        %dma_start3A_932 = arith.constant 0 : i32
        %dma_start3A_933 = tpu.memref_slice %arg12[%rem3A_652, %run_scoped3A_753, %dma_start3A_932] : memref<2x8x128xi32, #tpu.memory_space<vmem>> -> memref<1x1x128xi32, #tpu.memory_space<vmem>>
        %dma_start3A_934 = tpu.memref_squeeze %dma_start3A_933 : memref<1x1x128xi32, #tpu.memory_space<vmem>> -> memref<128xi32, #tpu.memory_space<vmem>>
        %dma_start3A_935 = arith.constant 0 : i32
        %dma_start3A_936 = arith.constant 0 : i32
        %dma_start3A_937 = tpu.memref_slice %arg9[%dma_start3A_935, %dma_start3A_936] : memref<10240x128xf32, #tpu.memory_space<vmem_shared>> -> memref<10240x128xf32, #tpu.memory_space<vmem_shared>>
        tpu.enqueue_indirect_dma source(%arg14 : memref<128x128xf32, #tpu.memory_space<vmem>>) target(%dma_start3A_937 : memref<10240x128xf32, #tpu.memory_space<vmem_shared>>) offsets(%dma_start3A_934 : memref<128xi32, #tpu.memory_space<vmem>>) semaphore(%run_scoped3A_931 : memref<!tpu.dma_semaphore, #tpu.memory_space<semaphore_mem>>) {add = true}
        %dma_wait3A_938 = arith.constant 0 : i32
        %dma_wait3A_939 = tpu.memref_slice %arg12[%rem3A_652, %run_scoped3A_753, %dma_wait3A_938] : memref<2x8x128xi32, #tpu.memory_space<vmem>> -> memref<1x1x128xi32, #tpu.memory_space<vmem>>
        %dma_wait3A_940 = tpu.memref_squeeze %dma_wait3A_939 : memref<1x1x128xi32, #tpu.memory_space<vmem>> -> memref<128xi32, #tpu.memory_space<vmem>>
        %dma_wait3A_941 = arith.constant 0 : i32
        %dma_wait3A_942 = arith.constant 0 : i32
        %dma_wait3A_943 = tpu.memref_slice %arg9[%dma_wait3A_941, %dma_wait3A_942] : memref<10240x128xf32, #tpu.memory_space<vmem_shared>> -> memref<10240x128xf32, #tpu.memory_space<vmem_shared>>
        tpu.wait_indirect_dma semaphore(%run_scoped3A_931 : memref<!tpu.dma_semaphore, #tpu.memory_space<semaphore_mem>>) src(%arg14 : memref<128x128xf32, #tpu.memory_space<vmem>>) dst(%dma_wait3A_943 : memref<10240x128xf32, #tpu.memory_space<vmem_shared>>)
        tpu.yield
      }) : () -> ()
      %dma_start3A_754 = arith.constant 3 : i32
      %dma_start3A_755 = arith.constant 0 : i32
      %dma_start3A_756 = tpu.memref_slice %arg12[%rem3A_652, %dma_start3A_754, %dma_start3A_755] : memref<2x8x128xi32, #tpu.memory_space<vmem>> -> memref<1x1x128xi32, #tpu.memory_space<vmem>>
      %dma_start3A_757 = tpu.memref_squeeze %dma_start3A_756 : memref<1x1x128xi32, #tpu.memory_space<vmem>> -> memref<128xi32, #tpu.memory_space<vmem>>
      %dma_start3A_758 = arith.constant 0 : i32
      %dma_start3A_759 = tpu.memref_slice %arg10[%dma_start3A_758] : memref<10240xf32, #tpu.memory_space<vmem_shared>> -> memref<10240xf32, #tpu.memory_space<vmem_shared>>
      tpu.enqueue_indirect_dma source(%arg15 : memref<128xf32, #tpu.memory_space<vmem>>) target(%dma_start3A_759 : memref<10240xf32, #tpu.memory_space<vmem_shared>>) offsets(%dma_start3A_757 : memref<128xi32, #tpu.memory_space<vmem>>) semaphore(%arg19 : memref<!tpu.dma_semaphore, #tpu.memory_space<semaphore_mem>>) {add = true}
      %dma_start3A_760 = arith.constant 5 : i32
      %dma_start3A_761 = arith.constant 0 : i32
      %dma_start3A_762 = tpu.memref_slice %arg11[%rem3A_652, %dma_start3A_760, %dma_start3A_761] : memref<2x8x128xi32, #tpu.memory_space<vmem>> -> memref<1x1x128xi32, #tpu.memory_space<vmem>>
      %dma_start3A_763 = tpu.memref_squeeze %dma_start3A_762 : memref<1x1x128xi32, #tpu.memory_space<vmem>> -> memref<128xi32, #tpu.memory_space<vmem>>
      %dma_start3A_764 = arith.constant 0 : i32
      %dma_start3A_765 = arith.constant 0 : i32
      %dma_start3A_766 = tpu.memref_slice %arg2[%dma_start3A_764, %dma_start3A_765] : memref<10240x128xf32, #tpu.memory_space<hbm>> -> memref<10240x128xf32, #tpu.memory_space<hbm>>
      tpu.enqueue_indirect_dma source(%dma_start3A_766 : memref<10240x128xf32, #tpu.memory_space<hbm>>) target(%arg14 : memref<128x128xf32, #tpu.memory_space<vmem>>) offsets(%dma_start3A_763 : memref<128xi32, #tpu.memory_space<vmem>>) semaphore(%arg17 : memref<!tpu.dma_semaphore, #tpu.memory_space<semaphore_mem>>)
      %dma_wait3A_767 = arith.constant 4 : i32
      %dma_wait3A_768 = arith.constant 0 : i32
      %dma_wait3A_769 = tpu.memref_slice %arg11[%rem3A_652, %dma_wait3A_767, %dma_wait3A_768] : memref<2x8x128xi32, #tpu.memory_space<vmem>> -> memref<1x1x128xi32, #tpu.memory_space<vmem>>
      %dma_wait3A_770 = tpu.memref_squeeze %dma_wait3A_769 : memref<1x1x128xi32, #tpu.memory_space<vmem>> -> memref<128xi32, #tpu.memory_space<vmem>>
      %dma_wait3A_771 = arith.constant 0 : i32
      %dma_wait3A_772 = arith.constant 0 : i32
      %dma_wait3A_773 = tpu.memref_slice %arg2[%dma_wait3A_771, %dma_wait3A_772] : memref<10240x128xf32, #tpu.memory_space<hbm>> -> memref<10240x128xf32, #tpu.memory_space<hbm>>
      tpu.wait_indirect_dma semaphore(%arg16 : memref<!tpu.dma_semaphore, #tpu.memory_space<semaphore_mem>>) src(%dma_wait3A_773 : memref<10240x128xf32, #tpu.memory_space<hbm>>) dst(%arg13 : memref<128x128xf32, #tpu.memory_space<vmem>>)
      %run_scoped3A_774 = arith.constant 4 : i32
      "tpu.region"() ({
        %run_scoped3A_931 = tpu.sem_alloc : memref<!tpu.dma_semaphore, #tpu.memory_space<semaphore_mem>>
        %dma_start3A_932 = arith.constant 0 : i32
        %dma_start3A_933 = tpu.memref_slice %arg12[%rem3A_652, %run_scoped3A_774, %dma_start3A_932] : memref<2x8x128xi32, #tpu.memory_space<vmem>> -> memref<1x1x128xi32, #tpu.memory_space<vmem>>
        %dma_start3A_934 = tpu.memref_squeeze %dma_start3A_933 : memref<1x1x128xi32, #tpu.memory_space<vmem>> -> memref<128xi32, #tpu.memory_space<vmem>>
        %dma_start3A_935 = arith.constant 0 : i32
        %dma_start3A_936 = arith.constant 0 : i32
        %dma_start3A_937 = tpu.memref_slice %arg9[%dma_start3A_935, %dma_start3A_936] : memref<10240x128xf32, #tpu.memory_space<vmem_shared>> -> memref<10240x128xf32, #tpu.memory_space<vmem_shared>>
        tpu.enqueue_indirect_dma source(%arg13 : memref<128x128xf32, #tpu.memory_space<vmem>>) target(%dma_start3A_937 : memref<10240x128xf32, #tpu.memory_space<vmem_shared>>) offsets(%dma_start3A_934 : memref<128xi32, #tpu.memory_space<vmem>>) semaphore(%run_scoped3A_931 : memref<!tpu.dma_semaphore, #tpu.memory_space<semaphore_mem>>) {add = true}
        %dma_wait3A_938 = arith.constant 0 : i32
        %dma_wait3A_939 = tpu.memref_slice %arg12[%rem3A_652, %run_scoped3A_774, %dma_wait3A_938] : memref<2x8x128xi32, #tpu.memory_space<vmem>> -> memref<1x1x128xi32, #tpu.memory_space<vmem>>
        %dma_wait3A_940 = tpu.memref_squeeze %dma_wait3A_939 : memref<1x1x128xi32, #tpu.memory_space<vmem>> -> memref<128xi32, #tpu.memory_space<vmem>>
        %dma_wait3A_941 = arith.constant 0 : i32
        %dma_wait3A_942 = arith.constant 0 : i32
        %dma_wait3A_943 = tpu.memref_slice %arg9[%dma_wait3A_941, %dma_wait3A_942] : memref<10240x128xf32, #tpu.memory_space<vmem_shared>> -> memref<10240x128xf32, #tpu.memory_space<vmem_shared>>
        tpu.wait_indirect_dma semaphore(%run_scoped3A_931 : memref<!tpu.dma_semaphore, #tpu.memory_space<semaphore_mem>>) src(%arg13 : memref<128x128xf32, #tpu.memory_space<vmem>>) dst(%dma_wait3A_943 : memref<10240x128xf32, #tpu.memory_space<vmem_shared>>)
        tpu.yield
      }) : () -> ()
      %dma_start3A_775 = arith.constant 4 : i32
      %dma_start3A_776 = arith.constant 0 : i32
      %dma_start3A_777 = tpu.memref_slice %arg12[%rem3A_652, %dma_start3A_775, %dma_start3A_776] : memref<2x8x128xi32, #tpu.memory_space<vmem>> -> memref<1x1x128xi32, #tpu.memory_space<vmem>>
      %dma_start3A_778 = tpu.memref_squeeze %dma_start3A_777 : memref<1x1x128xi32, #tpu.memory_space<vmem>> -> memref<128xi32, #tpu.memory_space<vmem>>
      %dma_start3A_779 = arith.constant 0 : i32
      %dma_start3A_780 = tpu.memref_slice %arg10[%dma_start3A_779] : memref<10240xf32, #tpu.memory_space<vmem_shared>> -> memref<10240xf32, #tpu.memory_space<vmem_shared>>
      tpu.enqueue_indirect_dma source(%arg15 : memref<128xf32, #tpu.memory_space<vmem>>) target(%dma_start3A_780 : memref<10240xf32, #tpu.memory_space<vmem_shared>>) offsets(%dma_start3A_778 : memref<128xi32, #tpu.memory_space<vmem>>) semaphore(%arg19 : memref<!tpu.dma_semaphore, #tpu.memory_space<semaphore_mem>>) {add = true}
      %dma_start3A_781 = arith.constant 6 : i32
      %dma_start3A_782 = arith.constant 0 : i32
      %dma_start3A_783 = tpu.memref_slice %arg11[%rem3A_652, %dma_start3A_781, %dma_start3A_782] : memref<2x8x128xi32, #tpu.memory_space<vmem>> -> memref<1x1x128xi32, #tpu.memory_space<vmem>>
      %dma_start3A_784 = tpu.memref_squeeze %dma_start3A_783 : memref<1x1x128xi32, #tpu.memory_space<vmem>> -> memref<128xi32, #tpu.memory_space<vmem>>
      %dma_start3A_785 = arith.constant 0 : i32
      %dma_start3A_786 = arith.constant 0 : i32
      %dma_start3A_787 = tpu.memref_slice %arg2[%dma_start3A_785, %dma_start3A_786] : memref<10240x128xf32, #tpu.memory_space<hbm>> -> memref<10240x128xf32, #tpu.memory_space<hbm>>
      tpu.enqueue_indirect_dma source(%dma_start3A_787 : memref<10240x128xf32, #tpu.memory_space<hbm>>) target(%arg13 : memref<128x128xf32, #tpu.memory_space<vmem>>) offsets(%dma_start3A_784 : memref<128xi32, #tpu.memory_space<vmem>>) semaphore(%arg16 : memref<!tpu.dma_semaphore, #tpu.memory_space<semaphore_mem>>)
      %dma_wait3A_788 = arith.constant 5 : i32
      %dma_wait3A_789 = arith.constant 0 : i32
      %dma_wait3A_790 = tpu.memref_slice %arg11[%rem3A_652, %dma_wait3A_788, %dma_wait3A_789] : memref<2x8x128xi32, #tpu.memory_space<vmem>> -> memref<1x1x128xi32, #tpu.memory_space<vmem>>
      %dma_wait3A_791 = tpu.memref_squeeze %dma_wait3A_790 : memref<1x1x128xi32, #tpu.memory_space<vmem>> -> memref<128xi32, #tpu.memory_space<vmem>>
      %dma_wait3A_792 = arith.constant 0 : i32
      %dma_wait3A_793 = arith.constant 0 : i32
      %dma_wait3A_794 = tpu.memref_slice %arg2[%dma_wait3A_792, %dma_wait3A_793] : memref<10240x128xf32, #tpu.memory_space<hbm>> -> memref<10240x128xf32, #tpu.memory_space<hbm>>
      tpu.wait_indirect_dma semaphore(%arg17 : memref<!tpu.dma_semaphore, #tpu.memory_space<semaphore_mem>>) src(%dma_wait3A_794 : memref<10240x128xf32, #tpu.memory_space<hbm>>) dst(%arg14 : memref<128x128xf32, #tpu.memory_space<vmem>>)
      %run_scoped3A_795 = arith.constant 5 : i32
      "tpu.region"() ({
        %run_scoped3A_931 = tpu.sem_alloc : memref<!tpu.dma_semaphore, #tpu.memory_space<semaphore_mem>>
        %dma_start3A_932 = arith.constant 0 : i32
        %dma_start3A_933 = tpu.memref_slice %arg12[%rem3A_652, %run_scoped3A_795, %dma_start3A_932] : memref<2x8x128xi32, #tpu.memory_space<vmem>> -> memref<1x1x128xi32, #tpu.memory_space<vmem>>
        %dma_start3A_934 = tpu.memref_squeeze %dma_start3A_933 : memref<1x1x128xi32, #tpu.memory_space<vmem>> -> memref<128xi32, #tpu.memory_space<vmem>>
        %dma_start3A_935 = arith.constant 0 : i32
        %dma_start3A_936 = arith.constant 0 : i32
        %dma_start3A_937 = tpu.memref_slice %arg9[%dma_start3A_935, %dma_start3A_936] : memref<10240x128xf32, #tpu.memory_space<vmem_shared>> -> memref<10240x128xf32, #tpu.memory_space<vmem_shared>>
        tpu.enqueue_indirect_dma source(%arg14 : memref<128x128xf32, #tpu.memory_space<vmem>>) target(%dma_start3A_937 : memref<10240x128xf32, #tpu.memory_space<vmem_shared>>) offsets(%dma_start3A_934 : memref<128xi32, #tpu.memory_space<vmem>>) semaphore(%run_scoped3A_931 : memref<!tpu.dma_semaphore, #tpu.memory_space<semaphore_mem>>) {add = true}
        %dma_wait3A_938 = arith.constant 0 : i32
        %dma_wait3A_939 = tpu.memref_slice %arg12[%rem3A_652, %run_scoped3A_795, %dma_wait3A_938] : memref<2x8x128xi32, #tpu.memory_space<vmem>> -> memref<1x1x128xi32, #tpu.memory_space<vmem>>
        %dma_wait3A_940 = tpu.memref_squeeze %dma_wait3A_939 : memref<1x1x128xi32, #tpu.memory_space<vmem>> -> memref<128xi32, #tpu.memory_space<vmem>>
        %dma_wait3A_941 = arith.constant 0 : i32
        %dma_wait3A_942 = arith.constant 0 : i32
        %dma_wait3A_943 = tpu.memref_slice %arg9[%dma_wait3A_941, %dma_wait3A_942] : memref<10240x128xf32, #tpu.memory_space<vmem_shared>> -> memref<10240x128xf32, #tpu.memory_space<vmem_shared>>
        tpu.wait_indirect_dma semaphore(%run_scoped3A_931 : memref<!tpu.dma_semaphore, #tpu.memory_space<semaphore_mem>>) src(%arg14 : memref<128x128xf32, #tpu.memory_space<vmem>>) dst(%dma_wait3A_943 : memref<10240x128xf32, #tpu.memory_space<vmem_shared>>)
        tpu.yield
      }) : () -> ()
      %dma_start3A_796 = arith.constant 5 : i32
      %dma_start3A_797 = arith.constant 0 : i32
      %dma_start3A_798 = tpu.memref_slice %arg12[%rem3A_652, %dma_start3A_796, %dma_start3A_797] : memref<2x8x128xi32, #tpu.memory_space<vmem>> -> memref<1x1x128xi32, #tpu.memory_space<vmem>>
      %dma_start3A_799 = tpu.memref_squeeze %dma_start3A_798 : memref<1x1x128xi32, #tpu.memory_space<vmem>> -> memref<128xi32, #tpu.memory_space<vmem>>
      %dma_start3A_800 = arith.constant 0 : i32
      %dma_start3A_801 = tpu.memref_slice %arg10[%dma_start3A_800] : memref<10240xf32, #tpu.memory_space<vmem_shared>> -> memref<10240xf32, #tpu.memory_space<vmem_shared>>
      tpu.enqueue_indirect_dma source(%arg15 : memref<128xf32, #tpu.memory_space<vmem>>) target(%dma_start3A_801 : memref<10240xf32, #tpu.memory_space<vmem_shared>>) offsets(%dma_start3A_799 : memref<128xi32, #tpu.memory_space<vmem>>) semaphore(%arg19 : memref<!tpu.dma_semaphore, #tpu.memory_space<semaphore_mem>>) {add = true}
      %dma_start3A_802 = arith.constant 7 : i32
      %dma_start3A_803 = arith.constant 0 : i32
      %dma_start3A_804 = tpu.memref_slice %arg11[%rem3A_652, %dma_start3A_802, %dma_start3A_803] : memref<2x8x128xi32, #tpu.memory_space<vmem>> -> memref<1x1x128xi32, #tpu.memory_space<vmem>>
      %dma_start3A_805 = tpu.memref_squeeze %dma_start3A_804 : memref<1x1x128xi32, #tpu.memory_space<vmem>> -> memref<128xi32, #tpu.memory_space<vmem>>
      %dma_start3A_806 = arith.constant 0 : i32
      %dma_start3A_807 = arith.constant 0 : i32
      %dma_start3A_808 = tpu.memref_slice %arg2[%dma_start3A_806, %dma_start3A_807] : memref<10240x128xf32, #tpu.memory_space<hbm>> -> memref<10240x128xf32, #tpu.memory_space<hbm>>
      tpu.enqueue_indirect_dma source(%dma_start3A_808 : memref<10240x128xf32, #tpu.memory_space<hbm>>) target(%arg14 : memref<128x128xf32, #tpu.memory_space<vmem>>) offsets(%dma_start3A_805 : memref<128xi32, #tpu.memory_space<vmem>>) semaphore(%arg17 : memref<!tpu.dma_semaphore, #tpu.memory_space<semaphore_mem>>)
      %dma_wait3A_809 = arith.constant 6 : i32
      %dma_wait3A_810 = arith.constant 0 : i32
      %dma_wait3A_811 = tpu.memref_slice %arg11[%rem3A_652, %dma_wait3A_809, %dma_wait3A_810] : memref<2x8x128xi32, #tpu.memory_space<vmem>> -> memref<1x1x128xi32, #tpu.memory_space<vmem>>
      %dma_wait3A_812 = tpu.memref_squeeze %dma_wait3A_811 : memref<1x1x128xi32, #tpu.memory_space<vmem>> -> memref<128xi32, #tpu.memory_space<vmem>>
      %dma_wait3A_813 = arith.constant 0 : i32
      %dma_wait3A_814 = arith.constant 0 : i32
      %dma_wait3A_815 = tpu.memref_slice %arg2[%dma_wait3A_813, %dma_wait3A_814] : memref<10240x128xf32, #tpu.memory_space<hbm>> -> memref<10240x128xf32, #tpu.memory_space<hbm>>
      tpu.wait_indirect_dma semaphore(%arg16 : memref<!tpu.dma_semaphore, #tpu.memory_space<semaphore_mem>>) src(%dma_wait3A_815 : memref<10240x128xf32, #tpu.memory_space<hbm>>) dst(%arg13 : memref<128x128xf32, #tpu.memory_space<vmem>>)
      %run_scoped3A_816 = arith.constant 6 : i32
      "tpu.region"() ({
        %run_scoped3A_931 = tpu.sem_alloc : memref<!tpu.dma_semaphore, #tpu.memory_space<semaphore_mem>>
        %dma_start3A_932 = arith.constant 0 : i32
        %dma_start3A_933 = tpu.memref_slice %arg12[%rem3A_652, %run_scoped3A_816, %dma_start3A_932] : memref<2x8x128xi32, #tpu.memory_space<vmem>> -> memref<1x1x128xi32, #tpu.memory_space<vmem>>
        %dma_start3A_934 = tpu.memref_squeeze %dma_start3A_933 : memref<1x1x128xi32, #tpu.memory_space<vmem>> -> memref<128xi32, #tpu.memory_space<vmem>>
        %dma_start3A_935 = arith.constant 0 : i32
        %dma_start3A_936 = arith.constant 0 : i32
        %dma_start3A_937 = tpu.memref_slice %arg9[%dma_start3A_935, %dma_start3A_936] : memref<10240x128xf32, #tpu.memory_space<vmem_shared>> -> memref<10240x128xf32, #tpu.memory_space<vmem_shared>>
        tpu.enqueue_indirect_dma source(%arg13 : memref<128x128xf32, #tpu.memory_space<vmem>>) target(%dma_start3A_937 : memref<10240x128xf32, #tpu.memory_space<vmem_shared>>) offsets(%dma_start3A_934 : memref<128xi32, #tpu.memory_space<vmem>>) semaphore(%run_scoped3A_931 : memref<!tpu.dma_semaphore, #tpu.memory_space<semaphore_mem>>) {add = true}
        %dma_wait3A_938 = arith.constant 0 : i32
        %dma_wait3A_939 = tpu.memref_slice %arg12[%rem3A_652, %run_scoped3A_816, %dma_wait3A_938] : memref<2x8x128xi32, #tpu.memory_space<vmem>> -> memref<1x1x128xi32, #tpu.memory_space<vmem>>
        %dma_wait3A_940 = tpu.memref_squeeze %dma_wait3A_939 : memref<1x1x128xi32, #tpu.memory_space<vmem>> -> memref<128xi32, #tpu.memory_space<vmem>>
        %dma_wait3A_941 = arith.constant 0 : i32
        %dma_wait3A_942 = arith.constant 0 : i32
        %dma_wait3A_943 = tpu.memref_slice %arg9[%dma_wait3A_941, %dma_wait3A_942] : memref<10240x128xf32, #tpu.memory_space<vmem_shared>> -> memref<10240x128xf32, #tpu.memory_space<vmem_shared>>
        tpu.wait_indirect_dma semaphore(%run_scoped3A_931 : memref<!tpu.dma_semaphore, #tpu.memory_space<semaphore_mem>>) src(%arg13 : memref<128x128xf32, #tpu.memory_space<vmem>>) dst(%dma_wait3A_943 : memref<10240x128xf32, #tpu.memory_space<vmem_shared>>)
        tpu.yield
      }) : () -> ()
      %dma_start3A_817 = arith.constant 6 : i32
      %dma_start3A_818 = arith.constant 0 : i32
      %dma_start3A_819 = tpu.memref_slice %arg12[%rem3A_652, %dma_start3A_817, %dma_start3A_818] : memref<2x8x128xi32, #tpu.memory_space<vmem>> -> memref<1x1x128xi32, #tpu.memory_space<vmem>>
      %dma_start3A_820 = tpu.memref_squeeze %dma_start3A_819 : memref<1x1x128xi32, #tpu.memory_space<vmem>> -> memref<128xi32, #tpu.memory_space<vmem>>
      %dma_start3A_821 = arith.constant 0 : i32
      %dma_start3A_822 = tpu.memref_slice %arg10[%dma_start3A_821] : memref<10240xf32, #tpu.memory_space<vmem_shared>> -> memref<10240xf32, #tpu.memory_space<vmem_shared>>
      tpu.enqueue_indirect_dma source(%arg15 : memref<128xf32, #tpu.memory_space<vmem>>) target(%dma_start3A_822 : memref<10240xf32, #tpu.memory_space<vmem_shared>>) offsets(%dma_start3A_820 : memref<128xi32, #tpu.memory_space<vmem>>) semaphore(%arg19 : memref<!tpu.dma_semaphore, #tpu.memory_space<semaphore_mem>>) {add = true}
      %dma_wait3A_823 = arith.constant 0 : i32
      %dma_wait3A_824 = arith.constant 0 : i32
      %dma_wait3A_825 = tpu.memref_slice %arg11[%sub3A_653, %dma_wait3A_823, %dma_wait3A_824] : memref<2x8x128xi32, #tpu.memory_space<vmem>> -> memref<1x8x128xi32, #tpu.memory_space<vmem>>
      %dma_wait3A_826 = tpu.memref_squeeze %dma_wait3A_825 : memref<1x8x128xi32, #tpu.memory_space<vmem>> -> memref<8x128xi32, #tpu.memory_space<vmem>>
      %dma_wait3A_827 = arith.constant 0 : i32
      %dma_wait3A_828 = tpu.memref_slice %arg3[%mul3A_57, %dma_wait3A_827] : memref<2560x128xi32, #tpu.memory_space<hbm>> -> memref<8x128xi32, #tpu.memory_space<hbm>>
      %dma_wait3A_829 = arith.constant 0 : i32
      %dma_wait3A_830 = arith.constant 0 : i32
      %dma_wait3A_831 = tpu.memref_slice %arg11[%sub3A_653, %dma_wait3A_829, %dma_wait3A_830] : memref<2x8x128xi32, #tpu.memory_space<vmem>> -> memref<1x8x128xi32, #tpu.memory_space<vmem>>
      %dma_wait3A_832 = tpu.memref_squeeze %dma_wait3A_831 : memref<1x8x128xi32, #tpu.memory_space<vmem>> -> memref<8x128xi32, #tpu.memory_space<vmem>>
      %dma_wait3A_833 = arith.constant 0 : i32
      %dma_wait3A_834 = tpu.memref_slice %arg3[%mul3A_57, %dma_wait3A_833] : memref<2560x128xi32, #tpu.memory_space<hbm>> -> memref<8x128xi32, #tpu.memory_space<hbm>>
      tpu.wait_dma2 semaphore(%arg18 : memref<!tpu.dma_semaphore, #tpu.memory_space<semaphore_mem>>) src(%dma_wait3A_834 : memref<8x128xi32, #tpu.memory_space<hbm>>) dst(%dma_wait3A_832 : memref<8x128xi32, #tpu.memory_space<vmem>>)
      %dma_wait3A_835 = arith.constant 0 : i32
      %dma_wait3A_836 = arith.constant 0 : i32
      %dma_wait3A_837 = tpu.memref_slice %arg12[%sub3A_653, %dma_wait3A_835, %dma_wait3A_836] : memref<2x8x128xi32, #tpu.memory_space<vmem>> -> memref<1x8x128xi32, #tpu.memory_space<vmem>>
      %dma_wait3A_838 = tpu.memref_squeeze %dma_wait3A_837 : memref<1x8x128xi32, #tpu.memory_space<vmem>> -> memref<8x128xi32, #tpu.memory_space<vmem>>
      %dma_wait3A_839 = arith.constant 0 : i32
      %dma_wait3A_840 = tpu.memref_slice %arg4[%mul3A_57, %dma_wait3A_839] : memref<2560x128xi32, #tpu.memory_space<hbm>> -> memref<8x128xi32, #tpu.memory_space<hbm>>
      %dma_wait3A_841 = arith.constant 0 : i32
      %dma_wait3A_842 = arith.constant 0 : i32
      %dma_wait3A_843 = tpu.memref_slice %arg12[%sub3A_653, %dma_wait3A_841, %dma_wait3A_842] : memref<2x8x128xi32, #tpu.memory_space<vmem>> -> memref<1x8x128xi32, #tpu.memory_space<vmem>>
      %dma_wait3A_844 = tpu.memref_squeeze %dma_wait3A_843 : memref<1x8x128xi32, #tpu.memory_space<vmem>> -> memref<8x128xi32, #tpu.memory_space<vmem>>
      %dma_wait3A_845 = arith.constant 0 : i32
      %dma_wait3A_846 = tpu.memref_slice %arg4[%mul3A_57, %dma_wait3A_845] : memref<2560x128xi32, #tpu.memory_space<hbm>> -> memref<8x128xi32, #tpu.memory_space<hbm>>
      tpu.wait_dma2 semaphore(%arg18 : memref<!tpu.dma_semaphore, #tpu.memory_space<semaphore_mem>>) src(%dma_wait3A_846 : memref<8x128xi32, #tpu.memory_space<hbm>>) dst(%dma_wait3A_844 : memref<8x128xi32, #tpu.memory_space<vmem>>)
      %dma_start3A_847 = arith.constant 0 : i32
      %dma_start3A_848 = arith.constant 0 : i32
      %dma_start3A_849 = tpu.memref_slice %arg11[%sub3A_653, %dma_start3A_847, %dma_start3A_848] : memref<2x8x128xi32, #tpu.memory_space<vmem>> -> memref<1x1x128xi32, #tpu.memory_space<vmem>>
      %dma_start3A_850 = tpu.memref_squeeze %dma_start3A_849 : memref<1x1x128xi32, #tpu.memory_space<vmem>> -> memref<128xi32, #tpu.memory_space<vmem>>
      %dma_start3A_851 = arith.constant 0 : i32
      %dma_start3A_852 = arith.constant 0 : i32
      %dma_start3A_853 = tpu.memref_slice %arg2[%dma_start3A_851, %dma_start3A_852] : memref<10240x128xf32, #tpu.memory_space<hbm>> -> memref<10240x128xf32, #tpu.memory_space<hbm>>
      tpu.enqueue_indirect_dma source(%dma_start3A_853 : memref<10240x128xf32, #tpu.memory_space<hbm>>) target(%arg13 : memref<128x128xf32, #tpu.memory_space<vmem>>) offsets(%dma_start3A_850 : memref<128xi32, #tpu.memory_space<vmem>>) semaphore(%arg16 : memref<!tpu.dma_semaphore, #tpu.memory_space<semaphore_mem>>)
      %dma_wait3A_854 = arith.constant 7 : i32
      %dma_wait3A_855 = arith.constant 0 : i32
      %dma_wait3A_856 = tpu.memref_slice %arg11[%rem3A_652, %dma_wait3A_854, %dma_wait3A_855] : memref<2x8x128xi32, #tpu.memory_space<vmem>> -> memref<1x1x128xi32, #tpu.memory_space<vmem>>
      %dma_wait3A_857 = tpu.memref_squeeze %dma_wait3A_856 : memref<1x1x128xi32, #tpu.memory_space<vmem>> -> memref<128xi32, #tpu.memory_space<vmem>>
      %dma_wait3A_858 = arith.constant 0 : i32
      %dma_wait3A_859 = arith.constant 0 : i32
      %dma_wait3A_860 = tpu.memref_slice %arg2[%dma_wait3A_858, %dma_wait3A_859] : memref<10240x128xf32, #tpu.memory_space<hbm>> -> memref<10240x128xf32, #tpu.memory_space<hbm>>
      tpu.wait_indirect_dma semaphore(%arg17 : memref<!tpu.dma_semaphore, #tpu.memory_space<semaphore_mem>>) src(%dma_wait3A_860 : memref<10240x128xf32, #tpu.memory_space<hbm>>) dst(%arg14 : memref<128x128xf32, #tpu.memory_space<vmem>>)
      %run_scoped3A_861 = arith.constant 7 : i32
      "tpu.region"() ({
        %run_scoped3A_931 = tpu.sem_alloc : memref<!tpu.dma_semaphore, #tpu.memory_space<semaphore_mem>>
        %dma_start3A_932 = arith.constant 0 : i32
        %dma_start3A_933 = tpu.memref_slice %arg12[%rem3A_652, %run_scoped3A_861, %dma_start3A_932] : memref<2x8x128xi32, #tpu.memory_space<vmem>> -> memref<1x1x128xi32, #tpu.memory_space<vmem>>
        %dma_start3A_934 = tpu.memref_squeeze %dma_start3A_933 : memref<1x1x128xi32, #tpu.memory_space<vmem>> -> memref<128xi32, #tpu.memory_space<vmem>>
        %dma_start3A_935 = arith.constant 0 : i32
        %dma_start3A_936 = arith.constant 0 : i32
        %dma_start3A_937 = tpu.memref_slice %arg9[%dma_start3A_935, %dma_start3A_936] : memref<10240x128xf32, #tpu.memory_space<vmem_shared>> -> memref<10240x128xf32, #tpu.memory_space<vmem_shared>>
        tpu.enqueue_indirect_dma source(%arg14 : memref<128x128xf32, #tpu.memory_space<vmem>>) target(%dma_start3A_937 : memref<10240x128xf32, #tpu.memory_space<vmem_shared>>) offsets(%dma_start3A_934 : memref<128xi32, #tpu.memory_space<vmem>>) semaphore(%run_scoped3A_931 : memref<!tpu.dma_semaphore, #tpu.memory_space<semaphore_mem>>) {add = true}
        %dma_wait3A_938 = arith.constant 0 : i32
        %dma_wait3A_939 = tpu.memref_slice %arg12[%rem3A_652, %run_scoped3A_861, %dma_wait3A_938] : memref<2x8x128xi32, #tpu.memory_space<vmem>> -> memref<1x1x128xi32, #tpu.memory_space<vmem>>
        %dma_wait3A_940 = tpu.memref_squeeze %dma_wait3A_939 : memref<1x1x128xi32, #tpu.memory_space<vmem>> -> memref<128xi32, #tpu.memory_space<vmem>>
        %dma_wait3A_941 = arith.constant 0 : i32
        %dma_wait3A_942 = arith.constant 0 : i32
        %dma_wait3A_943 = tpu.memref_slice %arg9[%dma_wait3A_941, %dma_wait3A_942] : memref<10240x128xf32, #tpu.memory_space<vmem_shared>> -> memref<10240x128xf32, #tpu.memory_space<vmem_shared>>
        tpu.wait_indirect_dma semaphore(%run_scoped3A_931 : memref<!tpu.dma_semaphore, #tpu.memory_space<semaphore_mem>>) src(%arg14 : memref<128x128xf32, #tpu.memory_space<vmem>>) dst(%dma_wait3A_943 : memref<10240x128xf32, #tpu.memory_space<vmem_shared>>)
        tpu.yield
      }) : () -> ()
      %dma_start3A_862 = arith.constant 7 : i32
      %dma_start3A_863 = arith.constant 0 : i32
      %dma_start3A_864 = tpu.memref_slice %arg12[%rem3A_652, %dma_start3A_862, %dma_start3A_863] : memref<2x8x128xi32, #tpu.memory_space<vmem>> -> memref<1x1x128xi32, #tpu.memory_space<vmem>>
      %dma_start3A_865 = tpu.memref_squeeze %dma_start3A_864 : memref<1x1x128xi32, #tpu.memory_space<vmem>> -> memref<128xi32, #tpu.memory_space<vmem>>
      %dma_start3A_866 = arith.constant 0 : i32
      %dma_start3A_867 = tpu.memref_slice %arg10[%dma_start3A_866] : memref<10240xf32, #tpu.memory_space<vmem_shared>> -> memref<10240xf32, #tpu.memory_space<vmem_shared>>
      tpu.enqueue_indirect_dma source(%arg15 : memref<128xf32, #tpu.memory_space<vmem>>) target(%dma_start3A_867 : memref<10240xf32, #tpu.memory_space<vmem_shared>>) offsets(%dma_start3A_865 : memref<128xi32, #tpu.memory_space<vmem>>) semaphore(%arg19 : memref<!tpu.dma_semaphore, #tpu.memory_space<semaphore_mem>>) {add = true}
      %dma_start3A_868 = arith.constant 1 : i32
      %dma_start3A_869 = arith.constant 0 : i32
      %dma_start3A_870 = tpu.memref_slice %arg11[%sub3A_653, %dma_start3A_868, %dma_start3A_869] : memref<2x8x128xi32, #tpu.memory_space<vmem>> -> memref<1x1x128xi32, #tpu.memory_space<vmem>>
      %dma_start3A_871 = tpu.memref_squeeze %dma_start3A_870 : memref<1x1x128xi32, #tpu.memory_space<vmem>> -> memref<128xi32, #tpu.memory_space<vmem>>
      %dma_start3A_872 = arith.constant 0 : i32
      %dma_start3A_873 = arith.constant 0 : i32
      %dma_start3A_874 = tpu.memref_slice %arg2[%dma_start3A_872, %dma_start3A_873] : memref<10240x128xf32, #tpu.memory_space<hbm>> -> memref<10240x128xf32, #tpu.memory_space<hbm>>
      tpu.enqueue_indirect_dma source(%dma_start3A_874 : memref<10240x128xf32, #tpu.memory_space<hbm>>) target(%arg14 : memref<128x128xf32, #tpu.memory_space<vmem>>) offsets(%dma_start3A_871 : memref<128xi32, #tpu.memory_space<vmem>>) semaphore(%arg17 : memref<!tpu.dma_semaphore, #tpu.memory_space<semaphore_mem>>)
      %dma_wait3A_875 = arith.constant 0 : i32
      %dma_wait3A_876 = arith.constant 0 : i32
      %dma_wait3A_877 = arith.constant 0 : i32
      %dma_wait3A_878 = tpu.memref_slice %arg12[%dma_wait3A_875, %dma_wait3A_876, %dma_wait3A_877] : memref<2x8x128xi32, #tpu.memory_space<vmem>> -> memref<1x1x128xi32, #tpu.memory_space<vmem>>
      %dma_wait3A_879 = tpu.memref_squeeze %dma_wait3A_878 : memref<1x1x128xi32, #tpu.memory_space<vmem>> -> memref<128xi32, #tpu.memory_space<vmem>>
      %dma_wait3A_880 = arith.constant 0 : i32
      %dma_wait3A_881 = tpu.memref_slice %arg10[%dma_wait3A_880] : memref<10240xf32, #tpu.memory_space<vmem_shared>> -> memref<10240xf32, #tpu.memory_space<vmem_shared>>
      tpu.wait_indirect_dma semaphore(%arg19 : memref<!tpu.dma_semaphore, #tpu.memory_space<semaphore_mem>>) src(%arg15 : memref<128xf32, #tpu.memory_space<vmem>>) dst(%dma_wait3A_881 : memref<10240xf32, #tpu.memory_space<vmem_shared>>)
      %dma_wait3A_882 = arith.constant 0 : i32
      %dma_wait3A_883 = arith.constant 0 : i32
      %dma_wait3A_884 = arith.constant 0 : i32
      %dma_wait3A_885 = tpu.memref_slice %arg12[%dma_wait3A_882, %dma_wait3A_883, %dma_wait3A_884] : memref<2x8x128xi32, #tpu.memory_space<vmem>> -> memref<1x1x128xi32, #tpu.memory_space<vmem>>
      %dma_wait3A_886 = tpu.memref_squeeze %dma_wait3A_885 : memref<1x1x128xi32, #tpu.memory_space<vmem>> -> memref<128xi32, #tpu.memory_space<vmem>>
      %dma_wait3A_887 = arith.constant 0 : i32
      %dma_wait3A_888 = tpu.memref_slice %arg10[%dma_wait3A_887] : memref<10240xf32, #tpu.memory_space<vmem_shared>> -> memref<10240xf32, #tpu.memory_space<vmem_shared>>
      tpu.wait_indirect_dma semaphore(%arg19 : memref<!tpu.dma_semaphore, #tpu.memory_space<semaphore_mem>>) src(%arg15 : memref<128xf32, #tpu.memory_space<vmem>>) dst(%dma_wait3A_888 : memref<10240xf32, #tpu.memory_space<vmem_shared>>)
      %dma_wait3A_889 = arith.constant 0 : i32
      %dma_wait3A_890 = arith.constant 0 : i32
      %dma_wait3A_891 = arith.constant 0 : i32
      %dma_wait3A_892 = tpu.memref_slice %arg12[%dma_wait3A_889, %dma_wait3A_890, %dma_wait3A_891] : memref<2x8x128xi32, #tpu.memory_space<vmem>> -> memref<1x1x128xi32, #tpu.memory_space<vmem>>
      %dma_wait3A_893 = tpu.memref_squeeze %dma_wait3A_892 : memref<1x1x128xi32, #tpu.memory_space<vmem>> -> memref<128xi32, #tpu.memory_space<vmem>>
      %dma_wait3A_894 = arith.constant 0 : i32
      %dma_wait3A_895 = tpu.memref_slice %arg10[%dma_wait3A_894] : memref<10240xf32, #tpu.memory_space<vmem_shared>> -> memref<10240xf32, #tpu.memory_space<vmem_shared>>
      tpu.wait_indirect_dma semaphore(%arg19 : memref<!tpu.dma_semaphore, #tpu.memory_space<semaphore_mem>>) src(%arg15 : memref<128xf32, #tpu.memory_space<vmem>>) dst(%dma_wait3A_895 : memref<10240xf32, #tpu.memory_space<vmem_shared>>)
      %dma_wait3A_896 = arith.constant 0 : i32
      %dma_wait3A_897 = arith.constant 0 : i32
      %dma_wait3A_898 = arith.constant 0 : i32
      %dma_wait3A_899 = tpu.memref_slice %arg12[%dma_wait3A_896, %dma_wait3A_897, %dma_wait3A_898] : memref<2x8x128xi32, #tpu.memory_space<vmem>> -> memref<1x1x128xi32, #tpu.memory_space<vmem>>
      %dma_wait3A_900 = tpu.memref_squeeze %dma_wait3A_899 : memref<1x1x128xi32, #tpu.memory_space<vmem>> -> memref<128xi32, #tpu.memory_space<vmem>>
      %dma_wait3A_901 = arith.constant 0 : i32
      %dma_wait3A_902 = tpu.memref_slice %arg10[%dma_wait3A_901] : memref<10240xf32, #tpu.memory_space<vmem_shared>> -> memref<10240xf32, #tpu.memory_space<vmem_shared>>
      tpu.wait_indirect_dma semaphore(%arg19 : memref<!tpu.dma_semaphore, #tpu.memory_space<semaphore_mem>>) src(%arg15 : memref<128xf32, #tpu.memory_space<vmem>>) dst(%dma_wait3A_902 : memref<10240xf32, #tpu.memory_space<vmem_shared>>)
      %dma_wait3A_903 = arith.constant 0 : i32
      %dma_wait3A_904 = arith.constant 0 : i32
      %dma_wait3A_905 = arith.constant 0 : i32
      %dma_wait3A_906 = tpu.memref_slice %arg12[%dma_wait3A_903, %dma_wait3A_904, %dma_wait3A_905] : memref<2x8x128xi32, #tpu.memory_space<vmem>> -> memref<1x1x128xi32, #tpu.memory_space<vmem>>
      %dma_wait3A_907 = tpu.memref_squeeze %dma_wait3A_906 : memref<1x1x128xi32, #tpu.memory_space<vmem>> -> memref<128xi32, #tpu.memory_space<vmem>>
      %dma_wait3A_908 = arith.constant 0 : i32
      %dma_wait3A_909 = tpu.memref_slice %arg10[%dma_wait3A_908] : memref<10240xf32, #tpu.memory_space<vmem_shared>> -> memref<10240xf32, #tpu.memory_space<vmem_shared>>
      tpu.wait_indirect_dma semaphore(%arg19 : memref<!tpu.dma_semaphore, #tpu.memory_space<semaphore_mem>>) src(%arg15 : memref<128xf32, #tpu.memory_space<vmem>>) dst(%dma_wait3A_909 : memref<10240xf32, #tpu.memory_space<vmem_shared>>)
      %dma_wait3A_910 = arith.constant 0 : i32
      %dma_wait3A_911 = arith.constant 0 : i32
      %dma_wait3A_912 = arith.constant 0 : i32
      %dma_wait3A_913 = tpu.memref_slice %arg12[%dma_wait3A_910, %dma_wait3A_911, %dma_wait3A_912] : memref<2x8x128xi32, #tpu.memory_space<vmem>> -> memref<1x1x128xi32, #tpu.memory_space<vmem>>
      %dma_wait3A_914 = tpu.memref_squeeze %dma_wait3A_913 : memref<1x1x128xi32, #tpu.memory_space<vmem>> -> memref<128xi32, #tpu.memory_space<vmem>>
      %dma_wait3A_915 = arith.constant 0 : i32
      %dma_wait3A_916 = tpu.memref_slice %arg10[%dma_wait3A_915] : memref<10240xf32, #tpu.memory_space<vmem_shared>> -> memref<10240xf32, #tpu.memory_space<vmem_shared>>
      tpu.wait_indirect_dma semaphore(%arg19 : memref<!tpu.dma_semaphore, #tpu.memory_space<semaphore_mem>>) src(%arg15 : memref<128xf32, #tpu.memory_space<vmem>>) dst(%dma_wait3A_916 : memref<10240xf32, #tpu.memory_space<vmem_shared>>)
      %dma_wait3A_917 = arith.constant 0 : i32
      %dma_wait3A_918 = arith.constant 0 : i32
      %dma_wait3A_919 = arith.constant 0 : i32
      %dma_wait3A_920 = tpu.memref_slice %arg12[%dma_wait3A_917, %dma_wait3A_918, %dma_wait3A_919] : memref<2x8x128xi32, #tpu.memory_space<vmem>> -> memref<1x1x128xi32, #tpu.memory_space<vmem>>
      %dma_wait3A_921 = tpu.memref_squeeze %dma_wait3A_920 : memref<1x1x128xi32, #tpu.memory_space<vmem>> -> memref<128xi32, #tpu.memory_space<vmem>>
      %dma_wait3A_922 = arith.constant 0 : i32
      %dma_wait3A_923 = tpu.memref_slice %arg10[%dma_wait3A_922] : memref<10240xf32, #tpu.memory_space<vmem_shared>> -> memref<10240xf32, #tpu.memory_space<vmem_shared>>
      tpu.wait_indirect_dma semaphore(%arg19 : memref<!tpu.dma_semaphore, #tpu.memory_space<semaphore_mem>>) src(%arg15 : memref<128xf32, #tpu.memory_space<vmem>>) dst(%dma_wait3A_923 : memref<10240xf32, #tpu.memory_space<vmem_shared>>)
      %dma_wait3A_924 = arith.constant 0 : i32
      %dma_wait3A_925 = arith.constant 0 : i32
      %dma_wait3A_926 = arith.constant 0 : i32
      %dma_wait3A_927 = tpu.memref_slice %arg12[%dma_wait3A_924, %dma_wait3A_925, %dma_wait3A_926] : memref<2x8x128xi32, #tpu.memory_space<vmem>> -> memref<1x1x128xi32, #tpu.memory_space<vmem>>
      %dma_wait3A_928 = tpu.memref_squeeze %dma_wait3A_927 : memref<1x1x128xi32, #tpu.memory_space<vmem>> -> memref<128xi32, #tpu.memory_space<vmem>>
      %dma_wait3A_929 = arith.constant 0 : i32
      %dma_wait3A_930 = tpu.memref_slice %arg10[%dma_wait3A_929] : memref<10240xf32, #tpu.memory_space<vmem_shared>> -> memref<10240xf32, #tpu.memory_space<vmem_shared>>
      tpu.wait_indirect_dma semaphore(%arg19 : memref<!tpu.dma_semaphore, #tpu.memory_space<semaphore_mem>>) src(%arg15 : memref<128xf32, #tpu.memory_space<vmem>>) dst(%dma_wait3A_930 : memref<10240xf32, #tpu.memory_space<vmem_shared>>)
    }
    %scan3A_400 = arith.constant 8 : i32
    %dma_wait3A_401 = arith.constant 1 : i32
    %dma_wait3A_402 = arith.constant 0 : i32
    %dma_wait3A_403 = arith.constant 0 : i32
    %dma_wait3A_404 = tpu.memref_slice %arg11[%dma_wait3A_401, %dma_wait3A_402, %dma_wait3A_403] : memref<2x8x128xi32, #tpu.memory_space<vmem>> -> memref<1x1x128xi32, #tpu.memory_space<vmem>>
    %dma_wait3A_405 = tpu.memref_squeeze %dma_wait3A_404 : memref<1x1x128xi32, #tpu.memory_space<vmem>> -> memref<128xi32, #tpu.memory_space<vmem>>
    %dma_wait3A_406 = arith.constant 0 : i32
    %dma_wait3A_407 = arith.constant 0 : i32
    %dma_wait3A_408 = tpu.memref_slice %arg2[%dma_wait3A_406, %dma_wait3A_407] : memref<10240x128xf32, #tpu.memory_space<hbm>> -> memref<10240x128xf32, #tpu.memory_space<hbm>>
    tpu.wait_indirect_dma semaphore(%arg16 : memref<!tpu.dma_semaphore, #tpu.memory_space<semaphore_mem>>) src(%dma_wait3A_408 : memref<10240x128xf32, #tpu.memory_space<hbm>>) dst(%arg13 : memref<128x128xf32, #tpu.memory_space<vmem>>)
    %run_scoped3A_409 = arith.constant 1 : i32
    %run_scoped3A_410 = arith.constant 0 : i32
    "tpu.region"() ({
      %run_scoped3A_651 = tpu.sem_alloc : memref<!tpu.dma_semaphore, #tpu.memory_space<semaphore_mem>>
      %dma_start3A_652 = arith.constant 0 : i32
      %dma_start3A_653 = tpu.memref_slice %arg12[%run_scoped3A_409, %run_scoped3A_410, %dma_start3A_652] : memref<2x8x128xi32, #tpu.memory_space<vmem>> -> memref<1x1x128xi32, #tpu.memory_space<vmem>>
      %dma_start3A_654 = tpu.memref_squeeze %dma_start3A_653 : memref<1x1x128xi32, #tpu.memory_space<vmem>> -> memref<128xi32, #tpu.memory_space<vmem>>
      %dma_start3A_655 = arith.constant 0 : i32
      %dma_start3A_656 = arith.constant 0 : i32
      %dma_start3A_657 = tpu.memref_slice %arg9[%dma_start3A_655, %dma_start3A_656] : memref<10240x128xf32, #tpu.memory_space<vmem_shared>> -> memref<10240x128xf32, #tpu.memory_space<vmem_shared>>
      tpu.enqueue_indirect_dma source(%arg13 : memref<128x128xf32, #tpu.memory_space<vmem>>) target(%dma_start3A_657 : memref<10240x128xf32, #tpu.memory_space<vmem_shared>>) offsets(%dma_start3A_654 : memref<128xi32, #tpu.memory_space<vmem>>) semaphore(%run_scoped3A_651 : memref<!tpu.dma_semaphore, #tpu.memory_space<semaphore_mem>>) {add = true}
      %dma_wait3A_658 = arith.constant 0 : i32
      %dma_wait3A_659 = tpu.memref_slice %arg12[%run_scoped3A_409, %run_scoped3A_410, %dma_wait3A_658] : memref<2x8x128xi32, #tpu.memory_space<vmem>> -> memref<1x1x128xi32, #tpu.memory_space<vmem>>
      %dma_wait3A_660 = tpu.memref_squeeze %dma_wait3A_659 : memref<1x1x128xi32, #tpu.memory_space<vmem>> -> memref<128xi32, #tpu.memory_space<vmem>>
      %dma_wait3A_661 = arith.constant 0 : i32
      %dma_wait3A_662 = arith.constant 0 : i32
      %dma_wait3A_663 = tpu.memref_slice %arg9[%dma_wait3A_661, %dma_wait3A_662] : memref<10240x128xf32, #tpu.memory_space<vmem_shared>> -> memref<10240x128xf32, #tpu.memory_space<vmem_shared>>
      tpu.wait_indirect_dma semaphore(%run_scoped3A_651 : memref<!tpu.dma_semaphore, #tpu.memory_space<semaphore_mem>>) src(%arg13 : memref<128x128xf32, #tpu.memory_space<vmem>>) dst(%dma_wait3A_663 : memref<10240x128xf32, #tpu.memory_space<vmem_shared>>)
      tpu.yield
    }) : () -> ()
    %dma_start3A_411 = arith.constant 1 : i32
    %dma_start3A_412 = arith.constant 0 : i32
    %dma_start3A_413 = arith.constant 0 : i32
    %dma_start3A_414 = tpu.memref_slice %arg12[%dma_start3A_411, %dma_start3A_412, %dma_start3A_413] : memref<2x8x128xi32, #tpu.memory_space<vmem>> -> memref<1x1x128xi32, #tpu.memory_space<vmem>>
    %dma_start3A_415 = tpu.memref_squeeze %dma_start3A_414 : memref<1x1x128xi32, #tpu.memory_space<vmem>> -> memref<128xi32, #tpu.memory_space<vmem>>
    %dma_start3A_416 = arith.constant 0 : i32
    %dma_start3A_417 = tpu.memref_slice %arg10[%dma_start3A_416] : memref<10240xf32, #tpu.memory_space<vmem_shared>> -> memref<10240xf32, #tpu.memory_space<vmem_shared>>
    tpu.enqueue_indirect_dma source(%arg15 : memref<128xf32, #tpu.memory_space<vmem>>) target(%dma_start3A_417 : memref<10240xf32, #tpu.memory_space<vmem_shared>>) offsets(%dma_start3A_415 : memref<128xi32, #tpu.memory_space<vmem>>) semaphore(%arg19 : memref<!tpu.dma_semaphore, #tpu.memory_space<semaphore_mem>>) {add = true}
    %dma_start3A_418 = arith.constant 1 : i32
    %dma_start3A_419 = arith.constant 2 : i32
    %dma_start3A_420 = arith.constant 0 : i32
    %dma_start3A_421 = tpu.memref_slice %arg11[%dma_start3A_418, %dma_start3A_419, %dma_start3A_420] : memref<2x8x128xi32, #tpu.memory_space<vmem>> -> memref<1x1x128xi32, #tpu.memory_space<vmem>>
    %dma_start3A_422 = tpu.memref_squeeze %dma_start3A_421 : memref<1x1x128xi32, #tpu.memory_space<vmem>> -> memref<128xi32, #tpu.memory_space<vmem>>
    %dma_start3A_423 = arith.constant 0 : i32
    %dma_start3A_424 = arith.constant 0 : i32
    %dma_start3A_425 = tpu.memref_slice %arg2[%dma_start3A_423, %dma_start3A_424] : memref<10240x128xf32, #tpu.memory_space<hbm>> -> memref<10240x128xf32, #tpu.memory_space<hbm>>
    tpu.enqueue_indirect_dma source(%dma_start3A_425 : memref<10240x128xf32, #tpu.memory_space<hbm>>) target(%arg13 : memref<128x128xf32, #tpu.memory_space<vmem>>) offsets(%dma_start3A_422 : memref<128xi32, #tpu.memory_space<vmem>>) semaphore(%arg16 : memref<!tpu.dma_semaphore, #tpu.memory_space<semaphore_mem>>)
    %dma_wait3A_426 = arith.constant 1 : i32
    %dma_wait3A_427 = arith.constant 1 : i32
    %dma_wait3A_428 = arith.constant 0 : i32
    %dma_wait3A_429 = tpu.memref_slice %arg11[%dma_wait3A_426, %dma_wait3A_427, %dma_wait3A_428] : memref<2x8x128xi32, #tpu.memory_space<vmem>> -> memref<1x1x128xi32, #tpu.memory_space<vmem>>
    %dma_wait3A_430 = tpu.memref_squeeze %dma_wait3A_429 : memref<1x1x128xi32, #tpu.memory_space<vmem>> -> memref<128xi32, #tpu.memory_space<vmem>>
    %dma_wait3A_431 = arith.constant 0 : i32
    %dma_wait3A_432 = arith.constant 0 : i32
    %dma_wait3A_433 = tpu.memref_slice %arg2[%dma_wait3A_431, %dma_wait3A_432] : memref<10240x128xf32, #tpu.memory_space<hbm>> -> memref<10240x128xf32, #tpu.memory_space<hbm>>
    tpu.wait_indirect_dma semaphore(%arg17 : memref<!tpu.dma_semaphore, #tpu.memory_space<semaphore_mem>>) src(%dma_wait3A_433 : memref<10240x128xf32, #tpu.memory_space<hbm>>) dst(%arg14 : memref<128x128xf32, #tpu.memory_space<vmem>>)
    %run_scoped3A_434 = arith.constant 1 : i32
    %run_scoped3A_435 = arith.constant 1 : i32
    "tpu.region"() ({
      %run_scoped3A_651 = tpu.sem_alloc : memref<!tpu.dma_semaphore, #tpu.memory_space<semaphore_mem>>
      %dma_start3A_652 = arith.constant 0 : i32
      %dma_start3A_653 = tpu.memref_slice %arg12[%run_scoped3A_434, %run_scoped3A_435, %dma_start3A_652] : memref<2x8x128xi32, #tpu.memory_space<vmem>> -> memref<1x1x128xi32, #tpu.memory_space<vmem>>
      %dma_start3A_654 = tpu.memref_squeeze %dma_start3A_653 : memref<1x1x128xi32, #tpu.memory_space<vmem>> -> memref<128xi32, #tpu.memory_space<vmem>>
      %dma_start3A_655 = arith.constant 0 : i32
      %dma_start3A_656 = arith.constant 0 : i32
      %dma_start3A_657 = tpu.memref_slice %arg9[%dma_start3A_655, %dma_start3A_656] : memref<10240x128xf32, #tpu.memory_space<vmem_shared>> -> memref<10240x128xf32, #tpu.memory_space<vmem_shared>>
      tpu.enqueue_indirect_dma source(%arg14 : memref<128x128xf32, #tpu.memory_space<vmem>>) target(%dma_start3A_657 : memref<10240x128xf32, #tpu.memory_space<vmem_shared>>) offsets(%dma_start3A_654 : memref<128xi32, #tpu.memory_space<vmem>>) semaphore(%run_scoped3A_651 : memref<!tpu.dma_semaphore, #tpu.memory_space<semaphore_mem>>) {add = true}
      %dma_wait3A_658 = arith.constant 0 : i32
      %dma_wait3A_659 = tpu.memref_slice %arg12[%run_scoped3A_434, %run_scoped3A_435, %dma_wait3A_658] : memref<2x8x128xi32, #tpu.memory_space<vmem>> -> memref<1x1x128xi32, #tpu.memory_space<vmem>>
      %dma_wait3A_660 = tpu.memref_squeeze %dma_wait3A_659 : memref<1x1x128xi32, #tpu.memory_space<vmem>> -> memref<128xi32, #tpu.memory_space<vmem>>
      %dma_wait3A_661 = arith.constant 0 : i32
      %dma_wait3A_662 = arith.constant 0 : i32
      %dma_wait3A_663 = tpu.memref_slice %arg9[%dma_wait3A_661, %dma_wait3A_662] : memref<10240x128xf32, #tpu.memory_space<vmem_shared>> -> memref<10240x128xf32, #tpu.memory_space<vmem_shared>>
      tpu.wait_indirect_dma semaphore(%run_scoped3A_651 : memref<!tpu.dma_semaphore, #tpu.memory_space<semaphore_mem>>) src(%arg14 : memref<128x128xf32, #tpu.memory_space<vmem>>) dst(%dma_wait3A_663 : memref<10240x128xf32, #tpu.memory_space<vmem_shared>>)
      tpu.yield
    }) : () -> ()
    %dma_start3A_436 = arith.constant 1 : i32
    %dma_start3A_437 = arith.constant 1 : i32
    %dma_start3A_438 = arith.constant 0 : i32
    %dma_start3A_439 = tpu.memref_slice %arg12[%dma_start3A_436, %dma_start3A_437, %dma_start3A_438] : memref<2x8x128xi32, #tpu.memory_space<vmem>> -> memref<1x1x128xi32, #tpu.memory_space<vmem>>
    %dma_start3A_440 = tpu.memref_squeeze %dma_start3A_439 : memref<1x1x128xi32, #tpu.memory_space<vmem>> -> memref<128xi32, #tpu.memory_space<vmem>>
    %dma_start3A_441 = arith.constant 0 : i32
    %dma_start3A_442 = tpu.memref_slice %arg10[%dma_start3A_441] : memref<10240xf32, #tpu.memory_space<vmem_shared>> -> memref<10240xf32, #tpu.memory_space<vmem_shared>>
    tpu.enqueue_indirect_dma source(%arg15 : memref<128xf32, #tpu.memory_space<vmem>>) target(%dma_start3A_442 : memref<10240xf32, #tpu.memory_space<vmem_shared>>) offsets(%dma_start3A_440 : memref<128xi32, #tpu.memory_space<vmem>>) semaphore(%arg19 : memref<!tpu.dma_semaphore, #tpu.memory_space<semaphore_mem>>) {add = true}
    %dma_start3A_443 = arith.constant 1 : i32
    %dma_start3A_444 = arith.constant 3 : i32
    %dma_start3A_445 = arith.constant 0 : i32
    %dma_start3A_446 = tpu.memref_slice %arg11[%dma_start3A_443, %dma_start3A_444, %dma_start3A_445] : memref<2x8x128xi32, #tpu.memory_space<vmem>> -> memref<1x1x128xi32, #tpu.memory_space<vmem>>
    %dma_start3A_447 = tpu.memref_squeeze %dma_start3A_446 : memref<1x1x128xi32, #tpu.memory_space<vmem>> -> memref<128xi32, #tpu.memory_space<vmem>>
    %dma_start3A_448 = arith.constant 0 : i32
    %dma_start3A_449 = arith.constant 0 : i32
    %dma_start3A_450 = tpu.memref_slice %arg2[%dma_start3A_448, %dma_start3A_449] : memref<10240x128xf32, #tpu.memory_space<hbm>> -> memref<10240x128xf32, #tpu.memory_space<hbm>>
    tpu.enqueue_indirect_dma source(%dma_start3A_450 : memref<10240x128xf32, #tpu.memory_space<hbm>>) target(%arg14 : memref<128x128xf32, #tpu.memory_space<vmem>>) offsets(%dma_start3A_447 : memref<128xi32, #tpu.memory_space<vmem>>) semaphore(%arg17 : memref<!tpu.dma_semaphore, #tpu.memory_space<semaphore_mem>>)
    %dma_wait3A_451 = arith.constant 1 : i32
    %dma_wait3A_452 = arith.constant 2 : i32
    %dma_wait3A_453 = arith.constant 0 : i32
    %dma_wait3A_454 = tpu.memref_slice %arg11[%dma_wait3A_451, %dma_wait3A_452, %dma_wait3A_453] : memref<2x8x128xi32, #tpu.memory_space<vmem>> -> memref<1x1x128xi32, #tpu.memory_space<vmem>>
    %dma_wait3A_455 = tpu.memref_squeeze %dma_wait3A_454 : memref<1x1x128xi32, #tpu.memory_space<vmem>> -> memref<128xi32, #tpu.memory_space<vmem>>
    %dma_wait3A_456 = arith.constant 0 : i32
    %dma_wait3A_457 = arith.constant 0 : i32
    %dma_wait3A_458 = tpu.memref_slice %arg2[%dma_wait3A_456, %dma_wait3A_457] : memref<10240x128xf32, #tpu.memory_space<hbm>> -> memref<10240x128xf32, #tpu.memory_space<hbm>>
    tpu.wait_indirect_dma semaphore(%arg16 : memref<!tpu.dma_semaphore, #tpu.memory_space<semaphore_mem>>) src(%dma_wait3A_458 : memref<10240x128xf32, #tpu.memory_space<hbm>>) dst(%arg13 : memref<128x128xf32, #tpu.memory_space<vmem>>)
    %run_scoped3A_459 = arith.constant 1 : i32
    %run_scoped3A_460 = arith.constant 2 : i32
    "tpu.region"() ({
      %run_scoped3A_651 = tpu.sem_alloc : memref<!tpu.dma_semaphore, #tpu.memory_space<semaphore_mem>>
      %dma_start3A_652 = arith.constant 0 : i32
      %dma_start3A_653 = tpu.memref_slice %arg12[%run_scoped3A_459, %run_scoped3A_460, %dma_start3A_652] : memref<2x8x128xi32, #tpu.memory_space<vmem>> -> memref<1x1x128xi32, #tpu.memory_space<vmem>>
      %dma_start3A_654 = tpu.memref_squeeze %dma_start3A_653 : memref<1x1x128xi32, #tpu.memory_space<vmem>> -> memref<128xi32, #tpu.memory_space<vmem>>
      %dma_start3A_655 = arith.constant 0 : i32
      %dma_start3A_656 = arith.constant 0 : i32
      %dma_start3A_657 = tpu.memref_slice %arg9[%dma_start3A_655, %dma_start3A_656] : memref<10240x128xf32, #tpu.memory_space<vmem_shared>> -> memref<10240x128xf32, #tpu.memory_space<vmem_shared>>
      tpu.enqueue_indirect_dma source(%arg13 : memref<128x128xf32, #tpu.memory_space<vmem>>) target(%dma_start3A_657 : memref<10240x128xf32, #tpu.memory_space<vmem_shared>>) offsets(%dma_start3A_654 : memref<128xi32, #tpu.memory_space<vmem>>) semaphore(%run_scoped3A_651 : memref<!tpu.dma_semaphore, #tpu.memory_space<semaphore_mem>>) {add = true}
      %dma_wait3A_658 = arith.constant 0 : i32
      %dma_wait3A_659 = tpu.memref_slice %arg12[%run_scoped3A_459, %run_scoped3A_460, %dma_wait3A_658] : memref<2x8x128xi32, #tpu.memory_space<vmem>> -> memref<1x1x128xi32, #tpu.memory_space<vmem>>
      %dma_wait3A_660 = tpu.memref_squeeze %dma_wait3A_659 : memref<1x1x128xi32, #tpu.memory_space<vmem>> -> memref<128xi32, #tpu.memory_space<vmem>>
      %dma_wait3A_661 = arith.constant 0 : i32
      %dma_wait3A_662 = arith.constant 0 : i32
      %dma_wait3A_663 = tpu.memref_slice %arg9[%dma_wait3A_661, %dma_wait3A_662] : memref<10240x128xf32, #tpu.memory_space<vmem_shared>> -> memref<10240x128xf32, #tpu.memory_space<vmem_shared>>
      tpu.wait_indirect_dma semaphore(%run_scoped3A_651 : memref<!tpu.dma_semaphore, #tpu.memory_space<semaphore_mem>>) src(%arg13 : memref<128x128xf32, #tpu.memory_space<vmem>>) dst(%dma_wait3A_663 : memref<10240x128xf32, #tpu.memory_space<vmem_shared>>)
      tpu.yield
    }) : () -> ()
    %dma_start3A_461 = arith.constant 1 : i32
    %dma_start3A_462 = arith.constant 2 : i32
    %dma_start3A_463 = arith.constant 0 : i32
    %dma_start3A_464 = tpu.memref_slice %arg12[%dma_start3A_461, %dma_start3A_462, %dma_start3A_463] : memref<2x8x128xi32, #tpu.memory_space<vmem>> -> memref<1x1x128xi32, #tpu.memory_space<vmem>>
    %dma_start3A_465 = tpu.memref_squeeze %dma_start3A_464 : memref<1x1x128xi32, #tpu.memory_space<vmem>> -> memref<128xi32, #tpu.memory_space<vmem>>
    %dma_start3A_466 = arith.constant 0 : i32
    %dma_start3A_467 = tpu.memref_slice %arg10[%dma_start3A_466] : memref<10240xf32, #tpu.memory_space<vmem_shared>> -> memref<10240xf32, #tpu.memory_space<vmem_shared>>
    tpu.enqueue_indirect_dma source(%arg15 : memref<128xf32, #tpu.memory_space<vmem>>) target(%dma_start3A_467 : memref<10240xf32, #tpu.memory_space<vmem_shared>>) offsets(%dma_start3A_465 : memref<128xi32, #tpu.memory_space<vmem>>) semaphore(%arg19 : memref<!tpu.dma_semaphore, #tpu.memory_space<semaphore_mem>>) {add = true}
    %dma_start3A_468 = arith.constant 1 : i32
    %dma_start3A_469 = arith.constant 4 : i32
    %dma_start3A_470 = arith.constant 0 : i32
    %dma_start3A_471 = tpu.memref_slice %arg11[%dma_start3A_468, %dma_start3A_469, %dma_start3A_470] : memref<2x8x128xi32, #tpu.memory_space<vmem>> -> memref<1x1x128xi32, #tpu.memory_space<vmem>>
    %dma_start3A_472 = tpu.memref_squeeze %dma_start3A_471 : memref<1x1x128xi32, #tpu.memory_space<vmem>> -> memref<128xi32, #tpu.memory_space<vmem>>
    %dma_start3A_473 = arith.constant 0 : i32
    %dma_start3A_474 = arith.constant 0 : i32
    %dma_start3A_475 = tpu.memref_slice %arg2[%dma_start3A_473, %dma_start3A_474] : memref<10240x128xf32, #tpu.memory_space<hbm>> -> memref<10240x128xf32, #tpu.memory_space<hbm>>
    tpu.enqueue_indirect_dma source(%dma_start3A_475 : memref<10240x128xf32, #tpu.memory_space<hbm>>) target(%arg13 : memref<128x128xf32, #tpu.memory_space<vmem>>) offsets(%dma_start3A_472 : memref<128xi32, #tpu.memory_space<vmem>>) semaphore(%arg16 : memref<!tpu.dma_semaphore, #tpu.memory_space<semaphore_mem>>)
    %dma_wait3A_476 = arith.constant 1 : i32
    %dma_wait3A_477 = arith.constant 3 : i32
    %dma_wait3A_478 = arith.constant 0 : i32
    %dma_wait3A_479 = tpu.memref_slice %arg11[%dma_wait3A_476, %dma_wait3A_477, %dma_wait3A_478] : memref<2x8x128xi32, #tpu.memory_space<vmem>> -> memref<1x1x128xi32, #tpu.memory_space<vmem>>
    %dma_wait3A_480 = tpu.memref_squeeze %dma_wait3A_479 : memref<1x1x128xi32, #tpu.memory_space<vmem>> -> memref<128xi32, #tpu.memory_space<vmem>>
    %dma_wait3A_481 = arith.constant 0 : i32
    %dma_wait3A_482 = arith.constant 0 : i32
    %dma_wait3A_483 = tpu.memref_slice %arg2[%dma_wait3A_481, %dma_wait3A_482] : memref<10240x128xf32, #tpu.memory_space<hbm>> -> memref<10240x128xf32, #tpu.memory_space<hbm>>
    tpu.wait_indirect_dma semaphore(%arg17 : memref<!tpu.dma_semaphore, #tpu.memory_space<semaphore_mem>>) src(%dma_wait3A_483 : memref<10240x128xf32, #tpu.memory_space<hbm>>) dst(%arg14 : memref<128x128xf32, #tpu.memory_space<vmem>>)
    %run_scoped3A_484 = arith.constant 1 : i32
    %run_scoped3A_485 = arith.constant 3 : i32
    "tpu.region"() ({
      %run_scoped3A_651 = tpu.sem_alloc : memref<!tpu.dma_semaphore, #tpu.memory_space<semaphore_mem>>
      %dma_start3A_652 = arith.constant 0 : i32
      %dma_start3A_653 = tpu.memref_slice %arg12[%run_scoped3A_484, %run_scoped3A_485, %dma_start3A_652] : memref<2x8x128xi32, #tpu.memory_space<vmem>> -> memref<1x1x128xi32, #tpu.memory_space<vmem>>
      %dma_start3A_654 = tpu.memref_squeeze %dma_start3A_653 : memref<1x1x128xi32, #tpu.memory_space<vmem>> -> memref<128xi32, #tpu.memory_space<vmem>>
      %dma_start3A_655 = arith.constant 0 : i32
      %dma_start3A_656 = arith.constant 0 : i32
      %dma_start3A_657 = tpu.memref_slice %arg9[%dma_start3A_655, %dma_start3A_656] : memref<10240x128xf32, #tpu.memory_space<vmem_shared>> -> memref<10240x128xf32, #tpu.memory_space<vmem_shared>>
      tpu.enqueue_indirect_dma source(%arg14 : memref<128x128xf32, #tpu.memory_space<vmem>>) target(%dma_start3A_657 : memref<10240x128xf32, #tpu.memory_space<vmem_shared>>) offsets(%dma_start3A_654 : memref<128xi32, #tpu.memory_space<vmem>>) semaphore(%run_scoped3A_651 : memref<!tpu.dma_semaphore, #tpu.memory_space<semaphore_mem>>) {add = true}
      %dma_wait3A_658 = arith.constant 0 : i32
      %dma_wait3A_659 = tpu.memref_slice %arg12[%run_scoped3A_484, %run_scoped3A_485, %dma_wait3A_658] : memref<2x8x128xi32, #tpu.memory_space<vmem>> -> memref<1x1x128xi32, #tpu.memory_space<vmem>>
      %dma_wait3A_660 = tpu.memref_squeeze %dma_wait3A_659 : memref<1x1x128xi32, #tpu.memory_space<vmem>> -> memref<128xi32, #tpu.memory_space<vmem>>
      %dma_wait3A_661 = arith.constant 0 : i32
      %dma_wait3A_662 = arith.constant 0 : i32
      %dma_wait3A_663 = tpu.memref_slice %arg9[%dma_wait3A_661, %dma_wait3A_662] : memref<10240x128xf32, #tpu.memory_space<vmem_shared>> -> memref<10240x128xf32, #tpu.memory_space<vmem_shared>>
      tpu.wait_indirect_dma semaphore(%run_scoped3A_651 : memref<!tpu.dma_semaphore, #tpu.memory_space<semaphore_mem>>) src(%arg14 : memref<128x128xf32, #tpu.memory_space<vmem>>) dst(%dma_wait3A_663 : memref<10240x128xf32, #tpu.memory_space<vmem_shared>>)
      tpu.yield
    }) : () -> ()
    %dma_start3A_486 = arith.constant 1 : i32
    %dma_start3A_487 = arith.constant 3 : i32
    %dma_start3A_488 = arith.constant 0 : i32
    %dma_start3A_489 = tpu.memref_slice %arg12[%dma_start3A_486, %dma_start3A_487, %dma_start3A_488] : memref<2x8x128xi32, #tpu.memory_space<vmem>> -> memref<1x1x128xi32, #tpu.memory_space<vmem>>
    %dma_start3A_490 = tpu.memref_squeeze %dma_start3A_489 : memref<1x1x128xi32, #tpu.memory_space<vmem>> -> memref<128xi32, #tpu.memory_space<vmem>>
    %dma_start3A_491 = arith.constant 0 : i32
    %dma_start3A_492 = tpu.memref_slice %arg10[%dma_start3A_491] : memref<10240xf32, #tpu.memory_space<vmem_shared>> -> memref<10240xf32, #tpu.memory_space<vmem_shared>>
    tpu.enqueue_indirect_dma source(%arg15 : memref<128xf32, #tpu.memory_space<vmem>>) target(%dma_start3A_492 : memref<10240xf32, #tpu.memory_space<vmem_shared>>) offsets(%dma_start3A_490 : memref<128xi32, #tpu.memory_space<vmem>>) semaphore(%arg19 : memref<!tpu.dma_semaphore, #tpu.memory_space<semaphore_mem>>) {add = true}
    %dma_start3A_493 = arith.constant 1 : i32
    %dma_start3A_494 = arith.constant 5 : i32
    %dma_start3A_495 = arith.constant 0 : i32
    %dma_start3A_496 = tpu.memref_slice %arg11[%dma_start3A_493, %dma_start3A_494, %dma_start3A_495] : memref<2x8x128xi32, #tpu.memory_space<vmem>> -> memref<1x1x128xi32, #tpu.memory_space<vmem>>
    %dma_start3A_497 = tpu.memref_squeeze %dma_start3A_496 : memref<1x1x128xi32, #tpu.memory_space<vmem>> -> memref<128xi32, #tpu.memory_space<vmem>>
    %dma_start3A_498 = arith.constant 0 : i32
    %dma_start3A_499 = arith.constant 0 : i32
    %dma_start3A_500 = tpu.memref_slice %arg2[%dma_start3A_498, %dma_start3A_499] : memref<10240x128xf32, #tpu.memory_space<hbm>> -> memref<10240x128xf32, #tpu.memory_space<hbm>>
    tpu.enqueue_indirect_dma source(%dma_start3A_500 : memref<10240x128xf32, #tpu.memory_space<hbm>>) target(%arg14 : memref<128x128xf32, #tpu.memory_space<vmem>>) offsets(%dma_start3A_497 : memref<128xi32, #tpu.memory_space<vmem>>) semaphore(%arg17 : memref<!tpu.dma_semaphore, #tpu.memory_space<semaphore_mem>>)
    %dma_wait3A_501 = arith.constant 1 : i32
    %dma_wait3A_502 = arith.constant 4 : i32
    %dma_wait3A_503 = arith.constant 0 : i32
    %dma_wait3A_504 = tpu.memref_slice %arg11[%dma_wait3A_501, %dma_wait3A_502, %dma_wait3A_503] : memref<2x8x128xi32, #tpu.memory_space<vmem>> -> memref<1x1x128xi32, #tpu.memory_space<vmem>>
    %dma_wait3A_505 = tpu.memref_squeeze %dma_wait3A_504 : memref<1x1x128xi32, #tpu.memory_space<vmem>> -> memref<128xi32, #tpu.memory_space<vmem>>
    %dma_wait3A_506 = arith.constant 0 : i32
    %dma_wait3A_507 = arith.constant 0 : i32
    %dma_wait3A_508 = tpu.memref_slice %arg2[%dma_wait3A_506, %dma_wait3A_507] : memref<10240x128xf32, #tpu.memory_space<hbm>> -> memref<10240x128xf32, #tpu.memory_space<hbm>>
    tpu.wait_indirect_dma semaphore(%arg16 : memref<!tpu.dma_semaphore, #tpu.memory_space<semaphore_mem>>) src(%dma_wait3A_508 : memref<10240x128xf32, #tpu.memory_space<hbm>>) dst(%arg13 : memref<128x128xf32, #tpu.memory_space<vmem>>)
    %run_scoped3A_509 = arith.constant 1 : i32
    %run_scoped3A_510 = arith.constant 4 : i32
    "tpu.region"() ({
      %run_scoped3A_651 = tpu.sem_alloc : memref<!tpu.dma_semaphore, #tpu.memory_space<semaphore_mem>>
      %dma_start3A_652 = arith.constant 0 : i32
      %dma_start3A_653 = tpu.memref_slice %arg12[%run_scoped3A_509, %run_scoped3A_510, %dma_start3A_652] : memref<2x8x128xi32, #tpu.memory_space<vmem>> -> memref<1x1x128xi32, #tpu.memory_space<vmem>>
      %dma_start3A_654 = tpu.memref_squeeze %dma_start3A_653 : memref<1x1x128xi32, #tpu.memory_space<vmem>> -> memref<128xi32, #tpu.memory_space<vmem>>
      %dma_start3A_655 = arith.constant 0 : i32
      %dma_start3A_656 = arith.constant 0 : i32
      %dma_start3A_657 = tpu.memref_slice %arg9[%dma_start3A_655, %dma_start3A_656] : memref<10240x128xf32, #tpu.memory_space<vmem_shared>> -> memref<10240x128xf32, #tpu.memory_space<vmem_shared>>
      tpu.enqueue_indirect_dma source(%arg13 : memref<128x128xf32, #tpu.memory_space<vmem>>) target(%dma_start3A_657 : memref<10240x128xf32, #tpu.memory_space<vmem_shared>>) offsets(%dma_start3A_654 : memref<128xi32, #tpu.memory_space<vmem>>) semaphore(%run_scoped3A_651 : memref<!tpu.dma_semaphore, #tpu.memory_space<semaphore_mem>>) {add = true}
      %dma_wait3A_658 = arith.constant 0 : i32
      %dma_wait3A_659 = tpu.memref_slice %arg12[%run_scoped3A_509, %run_scoped3A_510, %dma_wait3A_658] : memref<2x8x128xi32, #tpu.memory_space<vmem>> -> memref<1x1x128xi32, #tpu.memory_space<vmem>>
      %dma_wait3A_660 = tpu.memref_squeeze %dma_wait3A_659 : memref<1x1x128xi32, #tpu.memory_space<vmem>> -> memref<128xi32, #tpu.memory_space<vmem>>
      %dma_wait3A_661 = arith.constant 0 : i32
      %dma_wait3A_662 = arith.constant 0 : i32
      %dma_wait3A_663 = tpu.memref_slice %arg9[%dma_wait3A_661, %dma_wait3A_662] : memref<10240x128xf32, #tpu.memory_space<vmem_shared>> -> memref<10240x128xf32, #tpu.memory_space<vmem_shared>>
      tpu.wait_indirect_dma semaphore(%run_scoped3A_651 : memref<!tpu.dma_semaphore, #tpu.memory_space<semaphore_mem>>) src(%arg13 : memref<128x128xf32, #tpu.memory_space<vmem>>) dst(%dma_wait3A_663 : memref<10240x128xf32, #tpu.memory_space<vmem_shared>>)
      tpu.yield
    }) : () -> ()
    %dma_start3A_511 = arith.constant 1 : i32
    %dma_start3A_512 = arith.constant 4 : i32
    %dma_start3A_513 = arith.constant 0 : i32
    %dma_start3A_514 = tpu.memref_slice %arg12[%dma_start3A_511, %dma_start3A_512, %dma_start3A_513] : memref<2x8x128xi32, #tpu.memory_space<vmem>> -> memref<1x1x128xi32, #tpu.memory_space<vmem>>
    %dma_start3A_515 = tpu.memref_squeeze %dma_start3A_514 : memref<1x1x128xi32, #tpu.memory_space<vmem>> -> memref<128xi32, #tpu.memory_space<vmem>>
    %dma_start3A_516 = arith.constant 0 : i32
    %dma_start3A_517 = tpu.memref_slice %arg10[%dma_start3A_516] : memref<10240xf32, #tpu.memory_space<vmem_shared>> -> memref<10240xf32, #tpu.memory_space<vmem_shared>>
    tpu.enqueue_indirect_dma source(%arg15 : memref<128xf32, #tpu.memory_space<vmem>>) target(%dma_start3A_517 : memref<10240xf32, #tpu.memory_space<vmem_shared>>) offsets(%dma_start3A_515 : memref<128xi32, #tpu.memory_space<vmem>>) semaphore(%arg19 : memref<!tpu.dma_semaphore, #tpu.memory_space<semaphore_mem>>) {add = true}
    %dma_start3A_518 = arith.constant 1 : i32
    %dma_start3A_519 = arith.constant 6 : i32
    %dma_start3A_520 = arith.constant 0 : i32
    %dma_start3A_521 = tpu.memref_slice %arg11[%dma_start3A_518, %dma_start3A_519, %dma_start3A_520] : memref<2x8x128xi32, #tpu.memory_space<vmem>> -> memref<1x1x128xi32, #tpu.memory_space<vmem>>
    %dma_start3A_522 = tpu.memref_squeeze %dma_start3A_521 : memref<1x1x128xi32, #tpu.memory_space<vmem>> -> memref<128xi32, #tpu.memory_space<vmem>>
    %dma_start3A_523 = arith.constant 0 : i32
    %dma_start3A_524 = arith.constant 0 : i32
    %dma_start3A_525 = tpu.memref_slice %arg2[%dma_start3A_523, %dma_start3A_524] : memref<10240x128xf32, #tpu.memory_space<hbm>> -> memref<10240x128xf32, #tpu.memory_space<hbm>>
    tpu.enqueue_indirect_dma source(%dma_start3A_525 : memref<10240x128xf32, #tpu.memory_space<hbm>>) target(%arg13 : memref<128x128xf32, #tpu.memory_space<vmem>>) offsets(%dma_start3A_522 : memref<128xi32, #tpu.memory_space<vmem>>) semaphore(%arg16 : memref<!tpu.dma_semaphore, #tpu.memory_space<semaphore_mem>>)
    %dma_wait3A_526 = arith.constant 1 : i32
    %dma_wait3A_527 = arith.constant 5 : i32
    %dma_wait3A_528 = arith.constant 0 : i32
    %dma_wait3A_529 = tpu.memref_slice %arg11[%dma_wait3A_526, %dma_wait3A_527, %dma_wait3A_528] : memref<2x8x128xi32, #tpu.memory_space<vmem>> -> memref<1x1x128xi32, #tpu.memory_space<vmem>>
    %dma_wait3A_530 = tpu.memref_squeeze %dma_wait3A_529 : memref<1x1x128xi32, #tpu.memory_space<vmem>> -> memref<128xi32, #tpu.memory_space<vmem>>
    %dma_wait3A_531 = arith.constant 0 : i32
    %dma_wait3A_532 = arith.constant 0 : i32
    %dma_wait3A_533 = tpu.memref_slice %arg2[%dma_wait3A_531, %dma_wait3A_532] : memref<10240x128xf32, #tpu.memory_space<hbm>> -> memref<10240x128xf32, #tpu.memory_space<hbm>>
    tpu.wait_indirect_dma semaphore(%arg17 : memref<!tpu.dma_semaphore, #tpu.memory_space<semaphore_mem>>) src(%dma_wait3A_533 : memref<10240x128xf32, #tpu.memory_space<hbm>>) dst(%arg14 : memref<128x128xf32, #tpu.memory_space<vmem>>)
    %run_scoped3A_534 = arith.constant 1 : i32
    %run_scoped3A_535 = arith.constant 5 : i32
    "tpu.region"() ({
      %run_scoped3A_651 = tpu.sem_alloc : memref<!tpu.dma_semaphore, #tpu.memory_space<semaphore_mem>>
      %dma_start3A_652 = arith.constant 0 : i32
      %dma_start3A_653 = tpu.memref_slice %arg12[%run_scoped3A_534, %run_scoped3A_535, %dma_start3A_652] : memref<2x8x128xi32, #tpu.memory_space<vmem>> -> memref<1x1x128xi32, #tpu.memory_space<vmem>>
      %dma_start3A_654 = tpu.memref_squeeze %dma_start3A_653 : memref<1x1x128xi32, #tpu.memory_space<vmem>> -> memref<128xi32, #tpu.memory_space<vmem>>
      %dma_start3A_655 = arith.constant 0 : i32
      %dma_start3A_656 = arith.constant 0 : i32
      %dma_start3A_657 = tpu.memref_slice %arg9[%dma_start3A_655, %dma_start3A_656] : memref<10240x128xf32, #tpu.memory_space<vmem_shared>> -> memref<10240x128xf32, #tpu.memory_space<vmem_shared>>
      tpu.enqueue_indirect_dma source(%arg14 : memref<128x128xf32, #tpu.memory_space<vmem>>) target(%dma_start3A_657 : memref<10240x128xf32, #tpu.memory_space<vmem_shared>>) offsets(%dma_start3A_654 : memref<128xi32, #tpu.memory_space<vmem>>) semaphore(%run_scoped3A_651 : memref<!tpu.dma_semaphore, #tpu.memory_space<semaphore_mem>>) {add = true}
      %dma_wait3A_658 = arith.constant 0 : i32
      %dma_wait3A_659 = tpu.memref_slice %arg12[%run_scoped3A_534, %run_scoped3A_535, %dma_wait3A_658] : memref<2x8x128xi32, #tpu.memory_space<vmem>> -> memref<1x1x128xi32, #tpu.memory_space<vmem>>
      %dma_wait3A_660 = tpu.memref_squeeze %dma_wait3A_659 : memref<1x1x128xi32, #tpu.memory_space<vmem>> -> memref<128xi32, #tpu.memory_space<vmem>>
      %dma_wait3A_661 = arith.constant 0 : i32
      %dma_wait3A_662 = arith.constant 0 : i32
      %dma_wait3A_663 = tpu.memref_slice %arg9[%dma_wait3A_661, %dma_wait3A_662] : memref<10240x128xf32, #tpu.memory_space<vmem_shared>> -> memref<10240x128xf32, #tpu.memory_space<vmem_shared>>
      tpu.wait_indirect_dma semaphore(%run_scoped3A_651 : memref<!tpu.dma_semaphore, #tpu.memory_space<semaphore_mem>>) src(%arg14 : memref<128x128xf32, #tpu.memory_space<vmem>>) dst(%dma_wait3A_663 : memref<10240x128xf32, #tpu.memory_space<vmem_shared>>)
      tpu.yield
    }) : () -> ()
    %dma_start3A_536 = arith.constant 1 : i32
    %dma_start3A_537 = arith.constant 5 : i32
    %dma_start3A_538 = arith.constant 0 : i32
    %dma_start3A_539 = tpu.memref_slice %arg12[%dma_start3A_536, %dma_start3A_537, %dma_start3A_538] : memref<2x8x128xi32, #tpu.memory_space<vmem>> -> memref<1x1x128xi32, #tpu.memory_space<vmem>>
    %dma_start3A_540 = tpu.memref_squeeze %dma_start3A_539 : memref<1x1x128xi32, #tpu.memory_space<vmem>> -> memref<128xi32, #tpu.memory_space<vmem>>
    %dma_start3A_541 = arith.constant 0 : i32
    %dma_start3A_542 = tpu.memref_slice %arg10[%dma_start3A_541] : memref<10240xf32, #tpu.memory_space<vmem_shared>> -> memref<10240xf32, #tpu.memory_space<vmem_shared>>
    tpu.enqueue_indirect_dma source(%arg15 : memref<128xf32, #tpu.memory_space<vmem>>) target(%dma_start3A_542 : memref<10240xf32, #tpu.memory_space<vmem_shared>>) offsets(%dma_start3A_540 : memref<128xi32, #tpu.memory_space<vmem>>) semaphore(%arg19 : memref<!tpu.dma_semaphore, #tpu.memory_space<semaphore_mem>>) {add = true}
    %dma_start3A_543 = arith.constant 1 : i32
    %dma_start3A_544 = arith.constant 7 : i32
    %dma_start3A_545 = arith.constant 0 : i32
    %dma_start3A_546 = tpu.memref_slice %arg11[%dma_start3A_543, %dma_start3A_544, %dma_start3A_545] : memref<2x8x128xi32, #tpu.memory_space<vmem>> -> memref<1x1x128xi32, #tpu.memory_space<vmem>>
    %dma_start3A_547 = tpu.memref_squeeze %dma_start3A_546 : memref<1x1x128xi32, #tpu.memory_space<vmem>> -> memref<128xi32, #tpu.memory_space<vmem>>
    %dma_start3A_548 = arith.constant 0 : i32
    %dma_start3A_549 = arith.constant 0 : i32
    %dma_start3A_550 = tpu.memref_slice %arg2[%dma_start3A_548, %dma_start3A_549] : memref<10240x128xf32, #tpu.memory_space<hbm>> -> memref<10240x128xf32, #tpu.memory_space<hbm>>
    tpu.enqueue_indirect_dma source(%dma_start3A_550 : memref<10240x128xf32, #tpu.memory_space<hbm>>) target(%arg14 : memref<128x128xf32, #tpu.memory_space<vmem>>) offsets(%dma_start3A_547 : memref<128xi32, #tpu.memory_space<vmem>>) semaphore(%arg17 : memref<!tpu.dma_semaphore, #tpu.memory_space<semaphore_mem>>)
    %dma_wait3A_551 = arith.constant 1 : i32
    %dma_wait3A_552 = arith.constant 6 : i32
    %dma_wait3A_553 = arith.constant 0 : i32
    %dma_wait3A_554 = tpu.memref_slice %arg11[%dma_wait3A_551, %dma_wait3A_552, %dma_wait3A_553] : memref<2x8x128xi32, #tpu.memory_space<vmem>> -> memref<1x1x128xi32, #tpu.memory_space<vmem>>
    %dma_wait3A_555 = tpu.memref_squeeze %dma_wait3A_554 : memref<1x1x128xi32, #tpu.memory_space<vmem>> -> memref<128xi32, #tpu.memory_space<vmem>>
    %dma_wait3A_556 = arith.constant 0 : i32
    %dma_wait3A_557 = arith.constant 0 : i32
    %dma_wait3A_558 = tpu.memref_slice %arg2[%dma_wait3A_556, %dma_wait3A_557] : memref<10240x128xf32, #tpu.memory_space<hbm>> -> memref<10240x128xf32, #tpu.memory_space<hbm>>
    tpu.wait_indirect_dma semaphore(%arg16 : memref<!tpu.dma_semaphore, #tpu.memory_space<semaphore_mem>>) src(%dma_wait3A_558 : memref<10240x128xf32, #tpu.memory_space<hbm>>) dst(%arg13 : memref<128x128xf32, #tpu.memory_space<vmem>>)
    %run_scoped3A_559 = arith.constant 1 : i32
    %run_scoped3A_560 = arith.constant 6 : i32
    "tpu.region"() ({
      %run_scoped3A_651 = tpu.sem_alloc : memref<!tpu.dma_semaphore, #tpu.memory_space<semaphore_mem>>
      %dma_start3A_652 = arith.constant 0 : i32
      %dma_start3A_653 = tpu.memref_slice %arg12[%run_scoped3A_559, %run_scoped3A_560, %dma_start3A_652] : memref<2x8x128xi32, #tpu.memory_space<vmem>> -> memref<1x1x128xi32, #tpu.memory_space<vmem>>
      %dma_start3A_654 = tpu.memref_squeeze %dma_start3A_653 : memref<1x1x128xi32, #tpu.memory_space<vmem>> -> memref<128xi32, #tpu.memory_space<vmem>>
      %dma_start3A_655 = arith.constant 0 : i32
      %dma_start3A_656 = arith.constant 0 : i32
      %dma_start3A_657 = tpu.memref_slice %arg9[%dma_start3A_655, %dma_start3A_656] : memref<10240x128xf32, #tpu.memory_space<vmem_shared>> -> memref<10240x128xf32, #tpu.memory_space<vmem_shared>>
      tpu.enqueue_indirect_dma source(%arg13 : memref<128x128xf32, #tpu.memory_space<vmem>>) target(%dma_start3A_657 : memref<10240x128xf32, #tpu.memory_space<vmem_shared>>) offsets(%dma_start3A_654 : memref<128xi32, #tpu.memory_space<vmem>>) semaphore(%run_scoped3A_651 : memref<!tpu.dma_semaphore, #tpu.memory_space<semaphore_mem>>) {add = true}
      %dma_wait3A_658 = arith.constant 0 : i32
      %dma_wait3A_659 = tpu.memref_slice %arg12[%run_scoped3A_559, %run_scoped3A_560, %dma_wait3A_658] : memref<2x8x128xi32, #tpu.memory_space<vmem>> -> memref<1x1x128xi32, #tpu.memory_space<vmem>>
      %dma_wait3A_660 = tpu.memref_squeeze %dma_wait3A_659 : memref<1x1x128xi32, #tpu.memory_space<vmem>> -> memref<128xi32, #tpu.memory_space<vmem>>
      %dma_wait3A_661 = arith.constant 0 : i32
      %dma_wait3A_662 = arith.constant 0 : i32
      %dma_wait3A_663 = tpu.memref_slice %arg9[%dma_wait3A_661, %dma_wait3A_662] : memref<10240x128xf32, #tpu.memory_space<vmem_shared>> -> memref<10240x128xf32, #tpu.memory_space<vmem_shared>>
      tpu.wait_indirect_dma semaphore(%run_scoped3A_651 : memref<!tpu.dma_semaphore, #tpu.memory_space<semaphore_mem>>) src(%arg13 : memref<128x128xf32, #tpu.memory_space<vmem>>) dst(%dma_wait3A_663 : memref<10240x128xf32, #tpu.memory_space<vmem_shared>>)
      tpu.yield
    }) : () -> ()
    %dma_start3A_561 = arith.constant 1 : i32
    %dma_start3A_562 = arith.constant 6 : i32
    %dma_start3A_563 = arith.constant 0 : i32
    %dma_start3A_564 = tpu.memref_slice %arg12[%dma_start3A_561, %dma_start3A_562, %dma_start3A_563] : memref<2x8x128xi32, #tpu.memory_space<vmem>> -> memref<1x1x128xi32, #tpu.memory_space<vmem>>
    %dma_start3A_565 = tpu.memref_squeeze %dma_start3A_564 : memref<1x1x128xi32, #tpu.memory_space<vmem>> -> memref<128xi32, #tpu.memory_space<vmem>>
    %dma_start3A_566 = arith.constant 0 : i32
    %dma_start3A_567 = tpu.memref_slice %arg10[%dma_start3A_566] : memref<10240xf32, #tpu.memory_space<vmem_shared>> -> memref<10240xf32, #tpu.memory_space<vmem_shared>>
    tpu.enqueue_indirect_dma source(%arg15 : memref<128xf32, #tpu.memory_space<vmem>>) target(%dma_start3A_567 : memref<10240xf32, #tpu.memory_space<vmem_shared>>) offsets(%dma_start3A_565 : memref<128xi32, #tpu.memory_space<vmem>>) semaphore(%arg19 : memref<!tpu.dma_semaphore, #tpu.memory_space<semaphore_mem>>) {add = true}
    %dma_wait3A_568 = arith.constant 1 : i32
    %dma_wait3A_569 = arith.constant 7 : i32
    %dma_wait3A_570 = arith.constant 0 : i32
    %dma_wait3A_571 = tpu.memref_slice %arg11[%dma_wait3A_568, %dma_wait3A_569, %dma_wait3A_570] : memref<2x8x128xi32, #tpu.memory_space<vmem>> -> memref<1x1x128xi32, #tpu.memory_space<vmem>>
    %dma_wait3A_572 = tpu.memref_squeeze %dma_wait3A_571 : memref<1x1x128xi32, #tpu.memory_space<vmem>> -> memref<128xi32, #tpu.memory_space<vmem>>
    %dma_wait3A_573 = arith.constant 0 : i32
    %dma_wait3A_574 = arith.constant 0 : i32
    %dma_wait3A_575 = tpu.memref_slice %arg2[%dma_wait3A_573, %dma_wait3A_574] : memref<10240x128xf32, #tpu.memory_space<hbm>> -> memref<10240x128xf32, #tpu.memory_space<hbm>>
    tpu.wait_indirect_dma semaphore(%arg17 : memref<!tpu.dma_semaphore, #tpu.memory_space<semaphore_mem>>) src(%dma_wait3A_575 : memref<10240x128xf32, #tpu.memory_space<hbm>>) dst(%arg14 : memref<128x128xf32, #tpu.memory_space<vmem>>)
    %run_scoped3A_576 = arith.constant 1 : i32
    %run_scoped3A_577 = arith.constant 7 : i32
    "tpu.region"() ({
      %run_scoped3A_651 = tpu.sem_alloc : memref<!tpu.dma_semaphore, #tpu.memory_space<semaphore_mem>>
      %dma_start3A_652 = arith.constant 0 : i32
      %dma_start3A_653 = tpu.memref_slice %arg12[%run_scoped3A_576, %run_scoped3A_577, %dma_start3A_652] : memref<2x8x128xi32, #tpu.memory_space<vmem>> -> memref<1x1x128xi32, #tpu.memory_space<vmem>>
      %dma_start3A_654 = tpu.memref_squeeze %dma_start3A_653 : memref<1x1x128xi32, #tpu.memory_space<vmem>> -> memref<128xi32, #tpu.memory_space<vmem>>
      %dma_start3A_655 = arith.constant 0 : i32
      %dma_start3A_656 = arith.constant 0 : i32
      %dma_start3A_657 = tpu.memref_slice %arg9[%dma_start3A_655, %dma_start3A_656] : memref<10240x128xf32, #tpu.memory_space<vmem_shared>> -> memref<10240x128xf32, #tpu.memory_space<vmem_shared>>
      tpu.enqueue_indirect_dma source(%arg14 : memref<128x128xf32, #tpu.memory_space<vmem>>) target(%dma_start3A_657 : memref<10240x128xf32, #tpu.memory_space<vmem_shared>>) offsets(%dma_start3A_654 : memref<128xi32, #tpu.memory_space<vmem>>) semaphore(%run_scoped3A_651 : memref<!tpu.dma_semaphore, #tpu.memory_space<semaphore_mem>>) {add = true}
      %dma_wait3A_658 = arith.constant 0 : i32
      %dma_wait3A_659 = tpu.memref_slice %arg12[%run_scoped3A_576, %run_scoped3A_577, %dma_wait3A_658] : memref<2x8x128xi32, #tpu.memory_space<vmem>> -> memref<1x1x128xi32, #tpu.memory_space<vmem>>
      %dma_wait3A_660 = tpu.memref_squeeze %dma_wait3A_659 : memref<1x1x128xi32, #tpu.memory_space<vmem>> -> memref<128xi32, #tpu.memory_space<vmem>>
      %dma_wait3A_661 = arith.constant 0 : i32
      %dma_wait3A_662 = arith.constant 0 : i32
      %dma_wait3A_663 = tpu.memref_slice %arg9[%dma_wait3A_661, %dma_wait3A_662] : memref<10240x128xf32, #tpu.memory_space<vmem_shared>> -> memref<10240x128xf32, #tpu.memory_space<vmem_shared>>
      tpu.wait_indirect_dma semaphore(%run_scoped3A_651 : memref<!tpu.dma_semaphore, #tpu.memory_space<semaphore_mem>>) src(%arg14 : memref<128x128xf32, #tpu.memory_space<vmem>>) dst(%dma_wait3A_663 : memref<10240x128xf32, #tpu.memory_space<vmem_shared>>)
      tpu.yield
    }) : () -> ()
    %dma_start3A_578 = arith.constant 1 : i32
    %dma_start3A_579 = arith.constant 7 : i32
    %dma_start3A_580 = arith.constant 0 : i32
    %dma_start3A_581 = tpu.memref_slice %arg12[%dma_start3A_578, %dma_start3A_579, %dma_start3A_580] : memref<2x8x128xi32, #tpu.memory_space<vmem>> -> memref<1x1x128xi32, #tpu.memory_space<vmem>>
    %dma_start3A_582 = tpu.memref_squeeze %dma_start3A_581 : memref<1x1x128xi32, #tpu.memory_space<vmem>> -> memref<128xi32, #tpu.memory_space<vmem>>
    %dma_start3A_583 = arith.constant 0 : i32
    %dma_start3A_584 = tpu.memref_slice %arg10[%dma_start3A_583] : memref<10240xf32, #tpu.memory_space<vmem_shared>> -> memref<10240xf32, #tpu.memory_space<vmem_shared>>
    tpu.enqueue_indirect_dma source(%arg15 : memref<128xf32, #tpu.memory_space<vmem>>) target(%dma_start3A_584 : memref<10240xf32, #tpu.memory_space<vmem_shared>>) offsets(%dma_start3A_582 : memref<128xi32, #tpu.memory_space<vmem>>) semaphore(%arg19 : memref<!tpu.dma_semaphore, #tpu.memory_space<semaphore_mem>>) {add = true}
    %dma_wait3A_585 = arith.constant 0 : i32
    %dma_wait3A_586 = arith.constant 0 : i32
    %dma_wait3A_587 = arith.constant 0 : i32
    %dma_wait3A_588 = tpu.memref_slice %arg12[%dma_wait3A_585, %dma_wait3A_586, %dma_wait3A_587] : memref<2x8x128xi32, #tpu.memory_space<vmem>> -> memref<1x1x128xi32, #tpu.memory_space<vmem>>
    %dma_wait3A_589 = tpu.memref_squeeze %dma_wait3A_588 : memref<1x1x128xi32, #tpu.memory_space<vmem>> -> memref<128xi32, #tpu.memory_space<vmem>>
    %dma_wait3A_590 = arith.constant 0 : i32
    %dma_wait3A_591 = tpu.memref_slice %arg10[%dma_wait3A_590] : memref<10240xf32, #tpu.memory_space<vmem_shared>> -> memref<10240xf32, #tpu.memory_space<vmem_shared>>
    tpu.wait_indirect_dma semaphore(%arg19 : memref<!tpu.dma_semaphore, #tpu.memory_space<semaphore_mem>>) src(%arg15 : memref<128xf32, #tpu.memory_space<vmem>>) dst(%dma_wait3A_591 : memref<10240xf32, #tpu.memory_space<vmem_shared>>)
    %dma_wait3A_592 = arith.constant 0 : i32
    %dma_wait3A_593 = arith.constant 0 : i32
    %dma_wait3A_594 = arith.constant 0 : i32
    %dma_wait3A_595 = tpu.memref_slice %arg12[%dma_wait3A_592, %dma_wait3A_593, %dma_wait3A_594] : memref<2x8x128xi32, #tpu.memory_space<vmem>> -> memref<1x1x128xi32, #tpu.memory_space<vmem>>
    %dma_wait3A_596 = tpu.memref_squeeze %dma_wait3A_595 : memref<1x1x128xi32, #tpu.memory_space<vmem>> -> memref<128xi32, #tpu.memory_space<vmem>>
    %dma_wait3A_597 = arith.constant 0 : i32
    %dma_wait3A_598 = tpu.memref_slice %arg10[%dma_wait3A_597] : memref<10240xf32, #tpu.memory_space<vmem_shared>> -> memref<10240xf32, #tpu.memory_space<vmem_shared>>
    tpu.wait_indirect_dma semaphore(%arg19 : memref<!tpu.dma_semaphore, #tpu.memory_space<semaphore_mem>>) src(%arg15 : memref<128xf32, #tpu.memory_space<vmem>>) dst(%dma_wait3A_598 : memref<10240xf32, #tpu.memory_space<vmem_shared>>)
    %dma_wait3A_599 = arith.constant 0 : i32
    %dma_wait3A_600 = arith.constant 0 : i32
    %dma_wait3A_601 = arith.constant 0 : i32
    %dma_wait3A_602 = tpu.memref_slice %arg12[%dma_wait3A_599, %dma_wait3A_600, %dma_wait3A_601] : memref<2x8x128xi32, #tpu.memory_space<vmem>> -> memref<1x1x128xi32, #tpu.memory_space<vmem>>
    %dma_wait3A_603 = tpu.memref_squeeze %dma_wait3A_602 : memref<1x1x128xi32, #tpu.memory_space<vmem>> -> memref<128xi32, #tpu.memory_space<vmem>>
    %dma_wait3A_604 = arith.constant 0 : i32
    %dma_wait3A_605 = tpu.memref_slice %arg10[%dma_wait3A_604] : memref<10240xf32, #tpu.memory_space<vmem_shared>> -> memref<10240xf32, #tpu.memory_space<vmem_shared>>
    tpu.wait_indirect_dma semaphore(%arg19 : memref<!tpu.dma_semaphore, #tpu.memory_space<semaphore_mem>>) src(%arg15 : memref<128xf32, #tpu.memory_space<vmem>>) dst(%dma_wait3A_605 : memref<10240xf32, #tpu.memory_space<vmem_shared>>)
    %dma_wait3A_606 = arith.constant 0 : i32
    %dma_wait3A_607 = arith.constant 0 : i32
    %dma_wait3A_608 = arith.constant 0 : i32
    %dma_wait3A_609 = tpu.memref_slice %arg12[%dma_wait3A_606, %dma_wait3A_607, %dma_wait3A_608] : memref<2x8x128xi32, #tpu.memory_space<vmem>> -> memref<1x1x128xi32, #tpu.memory_space<vmem>>
    %dma_wait3A_610 = tpu.memref_squeeze %dma_wait3A_609 : memref<1x1x128xi32, #tpu.memory_space<vmem>> -> memref<128xi32, #tpu.memory_space<vmem>>
    %dma_wait3A_611 = arith.constant 0 : i32
    %dma_wait3A_612 = tpu.memref_slice %arg10[%dma_wait3A_611] : memref<10240xf32, #tpu.memory_space<vmem_shared>> -> memref<10240xf32, #tpu.memory_space<vmem_shared>>
    tpu.wait_indirect_dma semaphore(%arg19 : memref<!tpu.dma_semaphore, #tpu.memory_space<semaphore_mem>>) src(%arg15 : memref<128xf32, #tpu.memory_space<vmem>>) dst(%dma_wait3A_612 : memref<10240xf32, #tpu.memory_space<vmem_shared>>)
    %dma_wait3A_613 = arith.constant 0 : i32
    %dma_wait3A_614 = arith.constant 0 : i32
    %dma_wait3A_615 = arith.constant 0 : i32
    %dma_wait3A_616 = tpu.memref_slice %arg12[%dma_wait3A_613, %dma_wait3A_614, %dma_wait3A_615] : memref<2x8x128xi32, #tpu.memory_space<vmem>> -> memref<1x1x128xi32, #tpu.memory_space<vmem>>
    %dma_wait3A_617 = tpu.memref_squeeze %dma_wait3A_616 : memref<1x1x128xi32, #tpu.memory_space<vmem>> -> memref<128xi32, #tpu.memory_space<vmem>>
    %dma_wait3A_618 = arith.constant 0 : i32
    %dma_wait3A_619 = tpu.memref_slice %arg10[%dma_wait3A_618] : memref<10240xf32, #tpu.memory_space<vmem_shared>> -> memref<10240xf32, #tpu.memory_space<vmem_shared>>
    tpu.wait_indirect_dma semaphore(%arg19 : memref<!tpu.dma_semaphore, #tpu.memory_space<semaphore_mem>>) src(%arg15 : memref<128xf32, #tpu.memory_space<vmem>>) dst(%dma_wait3A_619 : memref<10240xf32, #tpu.memory_space<vmem_shared>>)
    %dma_wait3A_620 = arith.constant 0 : i32
    %dma_wait3A_621 = arith.constant 0 : i32
    %dma_wait3A_622 = arith.constant 0 : i32
    %dma_wait3A_623 = tpu.memref_slice %arg12[%dma_wait3A_620, %dma_wait3A_621, %dma_wait3A_622] : memref<2x8x128xi32, #tpu.memory_space<vmem>> -> memref<1x1x128xi32, #tpu.memory_space<vmem>>
    %dma_wait3A_624 = tpu.memref_squeeze %dma_wait3A_623 : memref<1x1x128xi32, #tpu.memory_space<vmem>> -> memref<128xi32, #tpu.memory_space<vmem>>
    %dma_wait3A_625 = arith.constant 0 : i32
    %dma_wait3A_626 = tpu.memref_slice %arg10[%dma_wait3A_625] : memref<10240xf32, #tpu.memory_space<vmem_shared>> -> memref<10240xf32, #tpu.memory_space<vmem_shared>>
    tpu.wait_indirect_dma semaphore(%arg19 : memref<!tpu.dma_semaphore, #tpu.memory_space<semaphore_mem>>) src(%arg15 : memref<128xf32, #tpu.memory_space<vmem>>) dst(%dma_wait3A_626 : memref<10240xf32, #tpu.memory_space<vmem_shared>>)
    %dma_wait3A_627 = arith.constant 0 : i32
    %dma_wait3A_628 = arith.constant 0 : i32
    %dma_wait3A_629 = arith.constant 0 : i32
    %dma_wait3A_630 = tpu.memref_slice %arg12[%dma_wait3A_627, %dma_wait3A_628, %dma_wait3A_629] : memref<2x8x128xi32, #tpu.memory_space<vmem>> -> memref<1x1x128xi32, #tpu.memory_space<vmem>>
    %dma_wait3A_631 = tpu.memref_squeeze %dma_wait3A_630 : memref<1x1x128xi32, #tpu.memory_space<vmem>> -> memref<128xi32, #tpu.memory_space<vmem>>
    %dma_wait3A_632 = arith.constant 0 : i32
    %dma_wait3A_633 = tpu.memref_slice %arg10[%dma_wait3A_632] : memref<10240xf32, #tpu.memory_space<vmem_shared>> -> memref<10240xf32, #tpu.memory_space<vmem_shared>>
    tpu.wait_indirect_dma semaphore(%arg19 : memref<!tpu.dma_semaphore, #tpu.memory_space<semaphore_mem>>) src(%arg15 : memref<128xf32, #tpu.memory_space<vmem>>) dst(%dma_wait3A_633 : memref<10240xf32, #tpu.memory_space<vmem_shared>>)
    %dma_wait3A_634 = arith.constant 0 : i32
    %dma_wait3A_635 = arith.constant 0 : i32
    %dma_wait3A_636 = arith.constant 0 : i32
    %dma_wait3A_637 = tpu.memref_slice %arg12[%dma_wait3A_634, %dma_wait3A_635, %dma_wait3A_636] : memref<2x8x128xi32, #tpu.memory_space<vmem>> -> memref<1x1x128xi32, #tpu.memory_space<vmem>>
    %dma_wait3A_638 = tpu.memref_squeeze %dma_wait3A_637 : memref<1x1x128xi32, #tpu.memory_space<vmem>> -> memref<128xi32, #tpu.memory_space<vmem>>
    %dma_wait3A_639 = arith.constant 0 : i32
    %dma_wait3A_640 = tpu.memref_slice %arg10[%dma_wait3A_639] : memref<10240xf32, #tpu.memory_space<vmem_shared>> -> memref<10240xf32, #tpu.memory_space<vmem_shared>>
    tpu.wait_indirect_dma semaphore(%arg19 : memref<!tpu.dma_semaphore, #tpu.memory_space<semaphore_mem>>) src(%arg15 : memref<128xf32, #tpu.memory_space<vmem>>) dst(%dma_wait3A_640 : memref<10240xf32, #tpu.memory_space<vmem_shared>>)
    %barrier3A_641 = arith.constant 0 : index
    tpu.barrier barrier_id(%barrier3A_641)
    %mul3A_642 = arith.constant 640 : i32
    %mul3A_643 = arith.muli %arg1, %mul3A_642 : i32
    %mul3A_644 = arith.constant 640 : i32
    %mul3A_645 = arith.muli %arg1, %mul3A_644 : i32
    "tpu.region"() ({
      %run_scoped3A_651 = tpu.sem_alloc : memref<!tpu.dma_semaphore, #tpu.memory_space<semaphore_mem>>
      %dma_start3A_652 = arith.constant 0 : i32
      %dma_start3A_653 = tpu.memref_slice %arg7[%arg0, %mul3A_645, %dma_start3A_652] : memref<2x10240x128xf32, #tpu.memory_space<hbm>> -> memref<1x640x128xf32, #tpu.memory_space<hbm>>
      %dma_start3A_654 = tpu.memref_squeeze %dma_start3A_653 : memref<1x640x128xf32, #tpu.memory_space<hbm>> -> memref<640x128xf32, #tpu.memory_space<hbm>>
      %dma_start3A_655 = arith.constant 0 : i32
      %dma_start3A_656 = tpu.memref_slice %arg9[%mul3A_643, %dma_start3A_655] : memref<10240x128xf32, #tpu.memory_space<vmem_shared>> -> memref<640x128xf32, #tpu.memory_space<vmem_shared>>
      tpu.enqueue_dma source(%dma_start3A_656 : memref<640x128xf32, #tpu.memory_space<vmem_shared>>) target(%dma_start3A_654 : memref<640x128xf32, #tpu.memory_space<hbm>>) target_semaphore(%run_scoped3A_651 : memref<!tpu.dma_semaphore, #tpu.memory_space<semaphore_mem>>)
      %dma_wait3A_657 = arith.constant 0 : i32
      %dma_wait3A_658 = tpu.memref_slice %arg7[%arg0, %mul3A_645, %dma_wait3A_657] : memref<2x10240x128xf32, #tpu.memory_space<hbm>> -> memref<1x640x128xf32, #tpu.memory_space<hbm>>
      %dma_wait3A_659 = tpu.memref_squeeze %dma_wait3A_658 : memref<1x640x128xf32, #tpu.memory_space<hbm>> -> memref<640x128xf32, #tpu.memory_space<hbm>>
      %dma_wait3A_660 = arith.constant 0 : i32
      %dma_wait3A_661 = tpu.memref_slice %arg9[%mul3A_643, %dma_wait3A_660] : memref<10240x128xf32, #tpu.memory_space<vmem_shared>> -> memref<640x128xf32, #tpu.memory_space<vmem_shared>>
      tpu.wait_dma2 semaphore(%run_scoped3A_651 : memref<!tpu.dma_semaphore, #tpu.memory_space<semaphore_mem>>) src(%dma_wait3A_661 : memref<640x128xf32, #tpu.memory_space<vmem_shared>>) dst(%dma_wait3A_659 : memref<640x128xf32, #tpu.memory_space<hbm>>)
      tpu.yield
    }) : () -> ()
    %eq3A_646 = arith.constant 0 : i32
    %eq3A_647 = arith.cmpi eq, %arg1, %eq3A_646 : i32
    %convert_element_type3A_648 = arith.extui %eq3A_647 : i1 to i32
    %cond3A_649 = arith.constant 0 : i32
    %cond3A_650 = arith.cmpi ne, %convert_element_type3A_648, %cond3A_649 : i32
    scf.if %cond3A_650 {
      "tpu.region"() ({
        %run_scoped3A_651 = tpu.sem_alloc : memref<!tpu.dma_semaphore, #tpu.memory_space<semaphore_mem>>
        %dma_start3A_652 = arith.constant 0 : i32
        %dma_start3A_653 = tpu.memref_slice %arg8[%arg0, %dma_start3A_652] : memref<2x10240xf32, #tpu.memory_space<hbm>> -> memref<1x10240xf32, #tpu.memory_space<hbm>>
        %dma_start3A_654 = tpu.memref_squeeze %dma_start3A_653 : memref<1x10240xf32, #tpu.memory_space<hbm>> -> memref<10240xf32, #tpu.memory_space<hbm>>
        tpu.enqueue_dma source(%arg10 : memref<10240xf32, #tpu.memory_space<vmem_shared>>) target(%dma_start3A_654 : memref<10240xf32, #tpu.memory_space<hbm>>) target_semaphore(%run_scoped3A_651 : memref<!tpu.dma_semaphore, #tpu.memory_space<semaphore_mem>>)
        %dma_wait3A_655 = arith.constant 0 : i32
        %dma_wait3A_656 = tpu.memref_slice %arg8[%arg0, %dma_wait3A_655] : memref<2x10240xf32, #tpu.memory_space<hbm>> -> memref<1x10240xf32, #tpu.memory_space<hbm>>
        %dma_wait3A_657 = tpu.memref_squeeze %dma_wait3A_656 : memref<1x10240xf32, #tpu.memory_space<hbm>> -> memref<10240xf32, #tpu.memory_space<hbm>>
        tpu.wait_dma2 semaphore(%run_scoped3A_651 : memref<!tpu.dma_semaphore, #tpu.memory_space<semaphore_mem>>) src(%arg10 : memref<10240xf32, #tpu.memory_space<vmem_shared>>) dst(%dma_wait3A_657 : memref<10240xf32, #tpu.memory_space<hbm>>)
        tpu.yield
      }) : () -> ()
    } else {
    }
    return
  }
}

module attributes {stable_mosaic.version = 14 : i64} {
  func.func @body(%arg0: i32, %arg1: memref<2x1280x128xf32, #tpu.memory_space<vmem>>, %arg2: memref<2x1280x1xf32, #tpu.memory_space<vmem>>, %arg3: memref<1280x128xf32, #tpu.memory_space<vmem>>, %arg4: memref<128x128xf32, #tpu.memory_space<vmem>>, %arg5: memref<128x128xf32, #tpu.memory_space<vmem>>, %arg6: memref<1x128xf32, #tpu.memory_space<vmem>>, %arg7: memref<1280x128xf32, #tpu.memory_space<vmem>>) attributes {dimension_semantics = [#tpu.dimension_semantics<arbitrary>], iteration_bounds = array<i64: 8>, scalar_prefetch = 0 : i64, scratch_operands = 0 : i64, tpu.core_type = #tpu.core_type<tc>, window_params = [{transform_indices = @transform_0, window_bounds = array<i64: 2, 1280, 128>}, {transform_indices = @transform_1, window_bounds = array<i64: 2, 1280, 1>}, {transform_indices = @transform_2, window_bounds = array<i64: 1280, 128>}, {pipeline_mode = #tpu.pipeline_mode<synchronous>, transform_indices = @transform_3, window_bounds = array<i64: 128, 128>}, {pipeline_mode = #tpu.pipeline_mode<synchronous>, transform_indices = @transform_4, window_bounds = array<i64: 128, 128>}, {pipeline_mode = #tpu.pipeline_mode<synchronous>, transform_indices = @transform_5, window_bounds = array<i64: 1, 128>}, {transform_indices = @transform_6, window_bounds = array<i64: 1280, 128>}]} {
    %get3A = arith.constant 0 : index
    %get3A_0 = arith.constant 0 : index
    %get3A_1 = arith.constant 0 : index
    %get3A_2 = vector.load %arg2[%get3A, %get3A_0, %get3A_1] : memref<2x1280x1xf32, #tpu.memory_space<vmem>>, vector<1x1280x1xf32>
    %get3A_3 = vector.shape_cast %get3A_2 : vector<1x1280x1xf32> to vector<1280x1xf32>
    %get3A_4 = arith.constant 1 : index
    %get3A_5 = arith.constant 0 : index
    %get3A_6 = arith.constant 0 : index
    %get3A_7 = vector.load %arg2[%get3A_4, %get3A_5, %get3A_6] : memref<2x1280x1xf32, #tpu.memory_space<vmem>>, vector<1x1280x1xf32>
    %get3A_8 = vector.shape_cast %get3A_7 : vector<1x1280x1xf32> to vector<1280x1xf32>
    %add3A = arith.addf %get3A_3, %get3A_8 : vector<1280x1xf32>
    %get3A_9 = arith.constant 0 : index
    %get3A_10 = arith.constant 0 : index
    %get3A_11 = arith.constant 0 : index
    %get3A_12 = vector.load %arg1[%get3A_9, %get3A_10, %get3A_11] : memref<2x1280x128xf32, #tpu.memory_space<vmem>>, vector<1x1280x128xf32>
    %get3A_13 = vector.shape_cast %get3A_12 : vector<1x1280x128xf32> to vector<1280x128xf32>
    %get3A_14 = arith.constant 1 : index
    %get3A_15 = arith.constant 0 : index
    %get3A_16 = arith.constant 0 : index
    %get3A_17 = vector.load %arg1[%get3A_14, %get3A_15, %get3A_16] : memref<2x1280x128xf32, #tpu.memory_space<vmem>>, vector<1x1280x128xf32>
    %get3A_18 = vector.shape_cast %get3A_17 : vector<1x1280x128xf32> to vector<1280x128xf32>
    %add3A_19 = arith.addf %get3A_13, %get3A_18 : vector<1280x128xf32>
    %jit3A = arith.constant 1.000000e+00 : f32
    %max3A = vector.broadcast %jit3A : f32 to vector<1280x1xf32>
    %max3A_20 = arith.maximumf %max3A, %add3A : vector<1280x1xf32>
    %div3A = vector.broadcast %max3A_20 : vector<1280x1xf32> to vector<1280x128xf32>
    %div3A_21 = arith.divf %add3A_19, %div3A : vector<1280x128xf32>
    %get3A_22 = arith.constant 0 : index
    %get3A_23 = arith.constant 0 : index
    %get3A_24 = vector.load %arg4[%get3A_22, %get3A_23] : memref<128x128xf32, #tpu.memory_space<vmem>>, vector<128x128xf32>
    %dot_general3A = arith.constant dense<0.000000e+00> : vector<1280x128xf32>
    %dot_general3A_25 = tpu.matmul %div3A_21, %get3A_24, %dot_general3A {dimension_numbers = #tpu.dot_dimension_numbers<[1], [0], [0], [1], [0, 0, 1, 1], [], []>, transpose_lhs_hint = false} : vector<1280x128xf32>, vector<128x128xf32>, vector<1280x128xf32> -> vector<1280x128xf32>
    %get3A_26 = arith.constant 0 : index
    %get3A_27 = arith.constant 0 : index
    %get3A_28 = vector.load %arg3[%get3A_26, %get3A_27] : memref<1280x128xf32, #tpu.memory_space<vmem>>, vector<1280x128xf32>
    %get3A_29 = arith.constant 0 : index
    %get3A_30 = arith.constant 0 : index
    %get3A_31 = vector.load %arg5[%get3A_29, %get3A_30] : memref<128x128xf32, #tpu.memory_space<vmem>>, vector<128x128xf32>
    %dot_general3A_32 = arith.constant dense<0.000000e+00> : vector<1280x128xf32>
    %dot_general3A_33 = tpu.matmul %get3A_28, %get3A_31, %dot_general3A_32 {dimension_numbers = #tpu.dot_dimension_numbers<[1], [0], [0], [1], [0, 0, 1, 1], [], []>, transpose_lhs_hint = false} : vector<1280x128xf32>, vector<128x128xf32>, vector<1280x128xf32> -> vector<1280x128xf32>
    %add3A_34 = arith.addf %dot_general3A_25, %dot_general3A_33 : vector<1280x128xf32>
    %get3A_35 = arith.constant 0 : index
    %get3A_36 = arith.constant 0 : index
    %get3A_37 = vector.load %arg6[%get3A_35, %get3A_36] : memref<1x128xf32, #tpu.memory_space<vmem>>, vector<1x128xf32>
    %add3A_38 = vector.broadcast %get3A_37 : vector<1x128xf32> to vector<1280x128xf32>
    %add3A_39 = arith.addf %add3A_34, %add3A_38 : vector<1280x128xf32>
    %max3A_40 = arith.constant 0.000000e+00 : f32
    %max3A_41 = vector.broadcast %max3A_40 : f32 to vector<1280x128xf32>
    %max3A_42 = arith.maximumf %add3A_39, %max3A_41 : vector<1280x128xf32>
    %swap3A = arith.constant 0 : index
    %swap3A_43 = arith.constant 0 : index
    %swap3A_44 = vector.load %arg7[%swap3A, %swap3A_43] : memref<1280x128xf32, #tpu.memory_space<vmem>>, vector<1280x128xf32>
    tpu.vector_store %arg7[%swap3A, %swap3A_43], %max3A_42 {strides = array<i32>} : memref<1280x128xf32, #tpu.memory_space<vmem>>, vector<1280x128xf32>,
    return
  }
  func.func @transform_0(%arg0: i32) -> (i32, i32, i32) {
    %c0_i32 = arith.constant 0 : i32
    %c0_i32_0 = arith.constant 0 : i32
    %c0_i32_1 = arith.constant 0 : i32
    return %c0_i32, %arg0, %c0_i32_0 : i32, i32, i32
  }
  func.func @transform_1(%arg0: i32) -> (i32, i32, i32) {
    %c0_i32 = arith.constant 0 : i32
    %c0_i32_0 = arith.constant 0 : i32
    %c0_i32_1 = arith.constant 0 : i32
    return %c0_i32, %arg0, %c0_i32_0 : i32, i32, i32
  }
  func.func @transform_2(%arg0: i32) -> (i32, i32) {
    %c0_i32 = arith.constant 0 : i32
    %c0_i32_0 = arith.constant 0 : i32
    return %arg0, %c0_i32 : i32, i32
  }
  func.func @transform_3(%arg0: i32) -> (i32, i32) {
    %c0_i32 = arith.constant 0 : i32
    %c0_i32_0 = arith.constant 0 : i32
    %c0_i32_1 = arith.constant 0 : i32
    return %c0_i32, %c0_i32_0 : i32, i32
  }
  func.func @transform_4(%arg0: i32) -> (i32, i32) {
    %c0_i32 = arith.constant 0 : i32
    %c0_i32_0 = arith.constant 0 : i32
    %c0_i32_1 = arith.constant 0 : i32
    return %c0_i32, %c0_i32_0 : i32, i32
  }
  func.func @transform_5(%arg0: i32) -> (i32, i32) {
    %c0_i32 = arith.constant 0 : i32
    %c0_i32_0 = arith.constant 0 : i32
    %c0_i32_1 = arith.constant 0 : i32
    return %c0_i32, %c0_i32_0 : i32, i32
  }
  func.func @transform_6(%arg0: i32) -> (i32, i32) {
    %c0_i32 = arith.constant 0 : i32
    %c0_i32_0 = arith.constant 0 : i32
    return %arg0, %c0_i32 : i32, i32
  }
}

module attributes {stable_mosaic.version = 14 : i64} {
  func.func @body(%arg0: i32, %arg1: memref<2x1280x128xf32, #tpu.memory_space<vmem>>, %arg2: memref<2x1280x1xf32, #tpu.memory_space<vmem>>, %arg3: memref<1280x128xf32, #tpu.memory_space<vmem>>, %arg4: memref<128x128xf32, #tpu.memory_space<vmem>>, %arg5: memref<128x128xf32, #tpu.memory_space<vmem>>, %arg6: memref<1x128xf32, #tpu.memory_space<vmem>>, %arg7: memref<1280x128xf32, #tpu.memory_space<vmem>>) attributes {dimension_semantics = [#tpu.dimension_semantics<arbitrary>], iteration_bounds = array<i64: 8>, scalar_prefetch = 0 : i64, scratch_operands = 0 : i64, tpu.core_type = #tpu.core_type<tc>, window_params = [{transform_indices = @transform_0, window_bounds = array<i64: 2, 1280, 128>}, {transform_indices = @transform_1, window_bounds = array<i64: 2, 1280, 1>}, {transform_indices = @transform_2, window_bounds = array<i64: 1280, 128>}, {pipeline_mode = #tpu.pipeline_mode<synchronous>, transform_indices = @transform_3, window_bounds = array<i64: 128, 128>}, {pipeline_mode = #tpu.pipeline_mode<synchronous>, transform_indices = @transform_4, window_bounds = array<i64: 128, 128>}, {pipeline_mode = #tpu.pipeline_mode<synchronous>, transform_indices = @transform_5, window_bounds = array<i64: 1, 128>}, {transform_indices = @transform_6, window_bounds = array<i64: 1280, 128>}]} {
    %get3A = arith.constant 0 : index
    %get3A_0 = arith.constant 0 : index
    %get3A_1 = arith.constant 0 : index
    %get3A_2 = vector.load %arg2[%get3A, %get3A_0, %get3A_1] : memref<2x1280x1xf32, #tpu.memory_space<vmem>>, vector<1x1280x1xf32>
    %get3A_3 = vector.shape_cast %get3A_2 : vector<1x1280x1xf32> to vector<1280x1xf32>
    %get3A_4 = arith.constant 1 : index
    %get3A_5 = arith.constant 0 : index
    %get3A_6 = arith.constant 0 : index
    %get3A_7 = vector.load %arg2[%get3A_4, %get3A_5, %get3A_6] : memref<2x1280x1xf32, #tpu.memory_space<vmem>>, vector<1x1280x1xf32>
    %get3A_8 = vector.shape_cast %get3A_7 : vector<1x1280x1xf32> to vector<1280x1xf32>
    %add3A = arith.addf %get3A_3, %get3A_8 : vector<1280x1xf32>
    %get3A_9 = arith.constant 0 : index
    %get3A_10 = arith.constant 0 : index
    %get3A_11 = arith.constant 0 : index
    %get3A_12 = vector.load %arg1[%get3A_9, %get3A_10, %get3A_11] : memref<2x1280x128xf32, #tpu.memory_space<vmem>>, vector<1x1280x128xf32>
    %get3A_13 = vector.shape_cast %get3A_12 : vector<1x1280x128xf32> to vector<1280x128xf32>
    %get3A_14 = arith.constant 1 : index
    %get3A_15 = arith.constant 0 : index
    %get3A_16 = arith.constant 0 : index
    %get3A_17 = vector.load %arg1[%get3A_14, %get3A_15, %get3A_16] : memref<2x1280x128xf32, #tpu.memory_space<vmem>>, vector<1x1280x128xf32>
    %get3A_18 = vector.shape_cast %get3A_17 : vector<1x1280x128xf32> to vector<1280x128xf32>
    %add3A_19 = arith.addf %get3A_13, %get3A_18 : vector<1280x128xf32>
    %jit3A = arith.constant 1.000000e+00 : f32
    %max3A = vector.broadcast %jit3A : f32 to vector<1280x1xf32>
    %max3A_20 = arith.maximumf %max3A, %add3A : vector<1280x1xf32>
    %div3A = vector.broadcast %max3A_20 : vector<1280x1xf32> to vector<1280x128xf32>
    %div3A_21 = arith.divf %add3A_19, %div3A : vector<1280x128xf32>
    %get3A_22 = arith.constant 0 : index
    %get3A_23 = arith.constant 0 : index
    %get3A_24 = vector.load %arg4[%get3A_22, %get3A_23] : memref<128x128xf32, #tpu.memory_space<vmem>>, vector<128x128xf32>
    %dot_general3A = arith.constant dense<0.000000e+00> : vector<1280x128xf32>
    %dot_general3A_25 = tpu.matmul %div3A_21, %get3A_24, %dot_general3A {dimension_numbers = #tpu.dot_dimension_numbers<[1], [0], [0], [1], [0, 0, 1, 1], [], []>, transpose_lhs_hint = false} : vector<1280x128xf32>, vector<128x128xf32>, vector<1280x128xf32> -> vector<1280x128xf32>
    %get3A_26 = arith.constant 0 : index
    %get3A_27 = arith.constant 0 : index
    %get3A_28 = vector.load %arg3[%get3A_26, %get3A_27] : memref<1280x128xf32, #tpu.memory_space<vmem>>, vector<1280x128xf32>
    %get3A_29 = arith.constant 0 : index
    %get3A_30 = arith.constant 0 : index
    %get3A_31 = vector.load %arg5[%get3A_29, %get3A_30] : memref<128x128xf32, #tpu.memory_space<vmem>>, vector<128x128xf32>
    %dot_general3A_32 = arith.constant dense<0.000000e+00> : vector<1280x128xf32>
    %dot_general3A_33 = tpu.matmul %get3A_28, %get3A_31, %dot_general3A_32 {dimension_numbers = #tpu.dot_dimension_numbers<[1], [0], [0], [1], [0, 0, 1, 1], [], []>, transpose_lhs_hint = false} : vector<1280x128xf32>, vector<128x128xf32>, vector<1280x128xf32> -> vector<1280x128xf32>
    %add3A_34 = arith.addf %dot_general3A_25, %dot_general3A_33 : vector<1280x128xf32>
    %get3A_35 = arith.constant 0 : index
    %get3A_36 = arith.constant 0 : index
    %get3A_37 = vector.load %arg6[%get3A_35, %get3A_36] : memref<1x128xf32, #tpu.memory_space<vmem>>, vector<1x128xf32>
    %add3A_38 = vector.broadcast %get3A_37 : vector<1x128xf32> to vector<1280x128xf32>
    %add3A_39 = arith.addf %add3A_34, %add3A_38 : vector<1280x128xf32>
    %swap3A = arith.constant 0 : index
    %swap3A_40 = arith.constant 0 : index
    %swap3A_41 = vector.load %arg7[%swap3A, %swap3A_40] : memref<1280x128xf32, #tpu.memory_space<vmem>>, vector<1280x128xf32>
    tpu.vector_store %arg7[%swap3A, %swap3A_40], %add3A_39 {strides = array<i32>} : memref<1280x128xf32, #tpu.memory_space<vmem>>, vector<1280x128xf32>,
    return
  }
  func.func @transform_0(%arg0: i32) -> (i32, i32, i32) {
    %c0_i32 = arith.constant 0 : i32
    %c0_i32_0 = arith.constant 0 : i32
    %c0_i32_1 = arith.constant 0 : i32
    return %c0_i32, %arg0, %c0_i32_0 : i32, i32, i32
  }
  func.func @transform_1(%arg0: i32) -> (i32, i32, i32) {
    %c0_i32 = arith.constant 0 : i32
    %c0_i32_0 = arith.constant 0 : i32
    %c0_i32_1 = arith.constant 0 : i32
    return %c0_i32, %arg0, %c0_i32_0 : i32, i32, i32
  }
  func.func @transform_2(%arg0: i32) -> (i32, i32) {
    %c0_i32 = arith.constant 0 : i32
    %c0_i32_0 = arith.constant 0 : i32
    return %arg0, %c0_i32 : i32, i32
  }
  func.func @transform_3(%arg0: i32) -> (i32, i32) {
    %c0_i32 = arith.constant 0 : i32
    %c0_i32_0 = arith.constant 0 : i32
    %c0_i32_1 = arith.constant 0 : i32
    return %c0_i32, %c0_i32_0 : i32, i32
  }
  func.func @transform_4(%arg0: i32) -> (i32, i32) {
    %c0_i32 = arith.constant 0 : i32
    %c0_i32_0 = arith.constant 0 : i32
    %c0_i32_1 = arith.constant 0 : i32
    return %c0_i32, %c0_i32_0 : i32, i32
  }
  func.func @transform_5(%arg0: i32) -> (i32, i32) {
    %c0_i32 = arith.constant 0 : i32
    %c0_i32_0 = arith.constant 0 : i32
    %c0_i32_1 = arith.constant 0 : i32
    return %c0_i32, %c0_i32_0 : i32, i32
  }
  func.func @transform_6(%arg0: i32) -> (i32, i32) {
    %c0_i32 = arith.constant 0 : i32
    %c0_i32_0 = arith.constant 0 : i32
    return %arg0, %c0_i32 : i32, i32
  }
}

</mosaic_0001>

<sc_bundles>
// kernel: kernel.6.cloned.1.call-start
scs
__scs_entry_jumppad:
0x0: {  	(pc) =	sbr.rel $0x88, $3  }
0x1: {  	(tag) =	ssettag $0x0;
	lr =	simm.s32 $0x1  }
0x2: {  	[smem:$0x3F99] =	sst lr;
	_ =	strace $0xD0000000  }
0x3: {  	_ = 	snop  }
0x4: {  	_ = 	snop  }
0x5: {  	_ = 	snop  }
0x6: {  	_ = 	snop  }
0x7: {  	_ = 	snop  }
__scs_overlays_trampoline_lowered:
0x8: {  	[smem:$0x3FA8] =	sst s0  }
0x9: {  	[smem:$0x3FA9] =	sst s1  }
0xa: {  	[smem:$0x3FAA] =	sst s2  }
0xb: {  	[smem:$0x3FAB] =	sst s3  }
0xc: {  	[smem:$0x3FAC] =	sst s4  }
0xd: {  	[smem:$0x3FAD] =	sst s5  }
0xe: {  	[smem:$0x3FAE] =	sst s6  }
0xf: {  	[smem:$0x3FAF] =	sst s7  }
0x10: {  	[smem:$0x3FB0] =	sst s8  }
0x11: {  	[smem:$0x3FB1] =	sst s9;
	s0 =	simm.s32 @!p0 $0x0  }
0x12: {  	s1 =	sld [smem:$0x3F97];
	s0 =	simm.s32 @p0 $0x1  }
0x13: {  	[smem:$0x3FB2] =	sst s0;
	s0 =	simm.s32 @!p1 $0x0  }
0x14: {  	s2 =	sld [smem:$0x3F96];
	s0 =	simm.s32 @p1 $0x1  }
0x15: {  	[smem:$0x3FB3] =	sst s0;
	s0 =	simm.s32 @!p2 $0x0  }
0x16: {  	s3 =	sld [smem:$0x3FDB];
	s0 =	simm.s32 @p2 $0x1  }
0x17: {  	s4 =	simm.s32 $0x1BF5;
	[smem:$0x3FB5] =	sst s0  }
0x18: {  	s0 =	sld [smem:$0x3F98];
	_ =	swait.ge [sflag:s4], $0x0  }
0x19: {  	s7 =	sld [smem:$0x3F99]  }
0x1a: {  	s8 =	sadd.s32 $0xFFFFE003, lr  }
0x1b: {  	s9 =	sadd.s32 $0xFFFFFEF7, lr;
	s5 =	simm.s32 $0xFFFFFFFF;
	p2 =	slt.u32 s8, $0xFFFFF086  }
0x1c: {  	p1 =	slt.u32 s9, $0xF7A;
	s5 =	simm.s32 @!p2 $0x0  }
0x1d: {  	s5 =	simm.s32 @p1 $0x1;
	p0 =	seq.s32 s7, s2  }
0x1e: {  	s7 =	smul.u32 @!p0 $0xF7A, s2;
	p2 =	seq.s32 @!p0 s5, $0x0  }
0x1f: {  	s9 =	smul.u32 $0xF7A, s1;
	s8 =	simm.s32 @!p0 $0x1BF5;
	p2 =	por !p2, p0  }
0x20: {  	[sflag:s8] =	ssyncset.s32 @!p0 $0xFFFFF086;
	s6 =	sadd.s32 @!p0 s3, s7;
	s7 =	simm.s32 @!p0 $0x108  }
0x21: {  	s3 =	sadd.s32 s3, s9;
	s6 =	sadd.s32 @!p0 $0x88, s6;
	s7 =	simm.s32 @p2 $0x1082  }
0x22: {  	[simem:s7], [sflag:s8] =	dma.local @!p0 [hbm:s6], $0xF7A  }
0x23: {  	s9 =	sor.u32 $0xD0000000, s2;
	s6 =	simm.s32 $0x108;
	_ =	swait.ge @!p0 [sflag:s8], $0x0  }
0x24: {  	s3 =	sadd.s32 $0x88, s3;
	s6 =	simm.s32 @!p1 $0x1082;
	[sflag:s4] =	ssyncset.s32 $0xFFFFF086  }
0x25: {  	[simem:s6], [sflag:s4] =	dma.local [hbm:s3], $0xF7A  }
0x26: {  	[smem:$0x3F99] =	sst s1;
	(tag) =	ssettag s2;
	_ =	strace s9  }
0x27: {  	s1 =	sld [smem:$0x3FA9]  }
0x28: {  	s2 =	sld [smem:$0x3FAA]  }
0x29: {  	s4 =	sld [smem:$0x3FAC]  }
0x2a: {  	p0 =	seq.s32 s5, $0x0;
	s5 =	sld [smem:$0x3FAD]  }
0x2b: {  	s6 =	sld [smem:$0x3FAE]  }
0x2c: {  	s7 =	sld [smem:$0x3FAF]  }
0x2d: {  	s3 =	simm.s32 $0x108;
	s8 =	sld [smem:$0x3FB0]  }
0x2e: {  	s3 =	simm.s32 @!p0 $0x1082;
	s9 =	sld [smem:$0x3FB1]  }
0x2f: {  	lr =	sadd.s32 s0, s3;
	s0 =	sld [smem:$0x3FA8]  }
0x30: {  	s3 =	sld [smem:$0x3FAB]  }
0x31: {  	[smem:$0x3FB4] =	sst s10  }
0x32: {  	s10 =	sld [smem:$0x3FB2];
	_ =	sdelay $0x3  }
0x33: {  	p0 =	seq.s32 s10, $0x1;
	s10 =	sld [smem:$0x3FB4];
	_ =	sdelay $0x3  }
0x34: {  	[smem:$0x3FB4] =	sst s10  }
0x35: {  	s10 =	sld [smem:$0x3FB3];
	_ =	sdelay $0x3  }
0x36: {  	p1 =	seq.s32 s10, $0x1;
	s10 =	sld [smem:$0x3FB4];
	_ =	sdelay $0x3  }
0x37: {  	[smem:$0x3FB4] =	sst s10  }
0x38: {  	s10 =	sld [smem:$0x3FB5]  }
0x39: {  	_ = 	snop;
	(pc) =	sbr.ind lr, $3  }
0x3a: {  	_ = 	snop  }
0x3b: {  	_ = 	snop  }
0x3c: {  	p2 =	seq.s32 s10, $0x1;
	s10 =	sld [smem:$0x3FB4]  }
0x3d: {  	_ =	shalt  }
0x3e: {  	_ =	shalt  }
0x3f: {  	_ =	shalt  }
0x40: {  	_ =	shalt  }
0x41: {  	_ =	shalt  }
0x42: {  	_ =	shalt  }
0x43: {  	_ =	shalt  }
0x44: {  	_ =	shalt  }
0x45: {  	_ =	shalt  }
0x46: {  	_ =	shalt  }
0x47: {  	_ =	shalt  }
0x48: {  	_ =	shalt  }
0x49: {  	_ =	shalt  }
0x4a: {  	_ =	shalt  }
0x4b: {  	_ =	shalt  }
0x4c: {  	_ =	shalt  }
0x4d: {  	_ =	shalt  }
0x4e: {  	_ =	shalt  }
0x4f: {  	_ =	shalt  }
0x50: {  	_ =	shalt  }
0x51: {  	_ =	shalt  }
0x52: {  	_ =	shalt  }
0x53: {  	_ =	shalt  }
0x54: {  	_ =	shalt  }
0x55: {  	_ =	shalt  }
0x56: {  	_ =	shalt  }
0x57: {  	_ =	shalt  }
0x58: {  	_ =	shalt  }
0x59: {  	_ =	shalt  }
0x5a: {  	_ =	shalt  }
0x5b: {  	_ =	shalt  }
0x5c: {  	_ =	shalt  }
0x5d: {  	_ =	shalt  }
0x5e: {  	_ =	shalt  }
0x5f: {  	_ =	shalt  }
0x60: {  	_ =	shalt  }
0x61: {  	_ =	shalt  }
0x62: {  	_ =	shalt  }
0x63: {  	_ =	shalt  }
0x64: {  	_ =	shalt  }
0x65: {  	_ =	shalt  }
0x66: {  	_ =	shalt  }
0x67: {  	_ =	shalt  }
0x68: {  	_ =	shalt  }
0x69: {  	_ =	shalt  }
0x6a: {  	_ =	shalt  }
0x6b: {  	_ =	shalt  }
0x6c: {  	_ =	shalt  }
0x6d: {  	_ =	shalt  }
0x6e: {  	_ =	shalt  }
0x6f: {  	_ =	shalt  }
0x70: {  	_ =	shalt  }
0x71: {  	_ =	shalt  }
0x72: {  	_ =	shalt  }
0x73: {  	_ =	shalt  }
0x74: {  	_ =	shalt  }
0x75: {  	_ =	shalt  }
0x76: {  	_ =	shalt  }
0x77: {  	_ =	shalt  }
0x78: {  	_ =	shalt  }
0x79: {  	_ =	shalt  }
0x7a: {  	_ =	shalt  }
0x7b: {  	_ =	shalt  }
0x7c: {  	_ =	shalt  }
0x7d: {  	_ =	shalt  }
0x7e: {  	_ =	shalt  }
0x7f: {  	_ =	shalt  }
0x80: {  	_ =	shalt  }
0x81: {  	_ =	shalt  }
0x82: {  	_ =	shalt  }
0x83: {  	_ =	shalt  }
0x84: {  	_ =	shalt  }
0x85: {  	_ =	shalt  }
0x86: {  	_ =	shalt  }
0x87: {  	_ =	shalt  }
.Lfunc_end0:
.L_simem_size_0:
called_computation_lowered:
.L_overlay_start_0:
0x88: {  	s2 =	sld [smem:$0x3FD9]  }
0x89: {  	s3 =	sld [smem:$0x3FFE];
	_ =	sdelay $0x1  }
0x8a: {  	s1 =	srdreg.scid  }
0x8b: {  	s0 =	sand.u32 $0x1, s1  }
0x8c: {  	s17 =	sshll.u32 s0, $0xA;
	s2 =	sadd.s32 s3, s2  }
0x8d: {  	s2 =	sadd.s32 s2, s17  }
0x8e: {  	[smem:$0x3FC0] =	sst s2  }
0x8f: {  	_ = 	snop  }
0x90: {  	s2 =	sld [smem:$0x3FD0];
	(tm) =	ssettm $0x1  }
0x91: {  	s18 =	sld [smem:$0x3FFB];
	_ =	sdelay $0x3  }
0x92: {  	_ =	strace s18  }
0x93: {  	s3 =	sld [smem:$0x3FFC];
	_ =	sdelay $0x3  }
0x94: {  	_ =	strace s3  }
0x95: {  	s3 =	sld [smem:$0x3FFD];
	_ =	sdelay $0x3  }
0x96: {  	_ =	strace s3  }
0x97: {  	_ =	strace $0x8FFFFFFF  }
0x98: {  	s19 =	sld [smem:$0x3FDB];
	_ =	sdelay $0x1  }
0x99: {  	s4 =	simm.s32 $_scs_section_size  }
0x9a: {  	s5 =	simm.s32 $_size__tile_overlayer_lowered;
	s6 =	simm.s32 $_tile_overlayer_lowered  }
0x9b: {  	s22 =	simm.s32 $0x1BFF;
	s21 =	sshll.u32 s6, $0x1;
	s3 =	sadd.s32 s4, s19  }
0x9c: {  	s7 =	simm.s32 $0x0;
	s20 =	sshll.u32 s5, $0x1;
	s5 =	sadd.s32 s21, s3  }
0x9d: {  	[timem:s7], [sflag:s22] =	dma.local [hbm:s5], s20  }
0x9e: {  	_ =	swait.ge [sflag:s22], s20  }
0x9f: {  	s4 =	ssub.s32 $0x0, s20;
	[sflag:s22] =	ssyncset.done $0x0  }
0xa0: {  	[sflag:s22] =	ssyncadd.s32 s4;
	_ =	sdelay $0x1  }
0xa1: {  	s23 =	simm.s32 $0x1B8B  }
0xa2: {  	_ =	swait.ge [sflag:s23], $0x1  }
0xa3: {  	[sflag:s23] =	ssyncset.done $0x0  }
0xa4: {  	s25 =	simm.s32 $0x1B8E;
	s24 =	sld [smem:$0x3FFE];
	[sflag:s23] =	ssyncadd.s32 $0xFFFFFFFF  }
0xa5: {  	s26 =	simm.s32 $execute0_lowered;
	[smem:$0x3FD2] =	sst s25  }
0xa6: {  	s5 =	sshll.u32 s26, $0x1;
	_ =	strace $0x80000046;
	[dreg:$0x1] =	wrdreg $0xFFFFFFFF  }
0xa7: {  	s28 =	simm.s32 $_size_execute0_lowered;
	s3 =	sadd.s32 s3, s5;
	[dreg:$0x0] =	wrdreg $0x0  }
0xa8: {  	s5 =	sshll.u32 s28, $0x1;
	[dreg:$0x2] =	wrdreg s3  }
0xa9: {  	[dreg:$0x3] =	wrdreg s5  }
0xaa: {  	[dreg:$0x4] =	wrdreg $0xC0  }
0xab: {  	_ =	task [dreg:s7], $0x5FFFF  }
0xac: {  	[dreg:$0x1] =	wrdreg $0xFFFFFFFF  }
0xad: {  	[dreg:$0x0] =	wrdreg $0x60  }
0xae: {  	[dreg:$0x2] =	wrdreg s24  }
0xaf: {  	[dreg:$0x3] =	wrdreg s2  }
0xb0: {  	[dreg:$0x4] =	wrdreg $0x0  }
0xb1: {  	[dreg:$0x5] =	wrdreg $0x140000  }
0xb2: {  	[dreg:$0x6] =	wrdreg $0x9  }
0xb3: {  	_ =	task.clear_ibuf [dreg:s7], $0x7FFFF;
	_ =	strace $0x90000046  }
0xb4: {  	s29 =	simm.s32 $0x9;
	_ =	strace $0x80000048  }
0xb5: {  	_ =	swait.ge [sflag:s29], $0x1  }
0xb6: {  	[sflag:s29] =	ssyncadd.s32 $0xFFFFFFFF  }
0xb7: {  	_ =	strace $0x90000048  }
0xb8: {  	_ =	sfence  }
0xb9: {  	s30 =	sld [smem:$0x0];
	_ =	sdelay $0x2  }
0xba: {  	s31 =	sshll.u32 s1, $0xD;
	s1 =	sshrl.u32 s1, $0x2  }
0xbb: {  	s3 =	sand.u32 $0x4000, s31;
	s1 =	sadd.s32 s1, s30  }
0xbc: {  	s0 =	sor.u32 s3, s0;
	s1 =	sshll.u32 s1, $0x11  }
0xbd: {  	s0 =	sor.u32 s1, s0  }
0xbe: {  	s0 =	sadd.s32 $0x8F2B, s0  }
0xbf: {  	[sflag:s0] =	ssyncadd.remote.s32 $0x1  }
0xc0: {  	_ =	sfence.sel $0xFFFF  }
0xc1: {  	[dreg:$0x0] =	wrdreg $0xFFFFFFFF;
	(pc) =	sbr.abs _section_cstart, $3  }
0xc2: {  	[dreg:$0x1] =	wrdreg $0xFFFFFFFF  }
0xc3: {  	_ =	task.clear_ibuf [dreg:s7], $0x2FFFF;
	_ =	strace $0x9FFFFFFF  }
0xc4: {  	(tm) =	ssettm $0x7FFFFFFF  }
0xc5: {  	_ =	shalt  }
tec
execute0_lowered:
.L_overlay_start_1:
0x0: {  	(tag) =	ssettag $0x1  }
0x1: {  	s0 =	rddreg [dreg:$0x0]  }
0x2: {  	s5 =	rddreg [dreg:$0x1]  }
0x3: {  	s1 =	rddreg [dreg:$0x2]  }
0x4: {  	s2 =	rddreg [dreg:$0x3];
	s6 =	stileid.u32  }
0x5: {  	s4 =	srdreg.scid;
	s3 =	simm.s32 $0x0;
	s29 =	simm.s32 $0x14E80  }
0x6: {  	s30 =	simm.s32 $0x5;
	s31 =	simm.s32 $0x1;
	s7 =	smul.u32 $0x14000, s6  }
0x7: {  	s8 =	sand.u32 $0x1, s4;
	[smem:$0x7FF] =	sst s3;
	s4 =	sadd.s32 $0x2800, s0  }
0x8: {  	s10 =	sadd.s32 $0x2A800, s0;
	s16 =	sadd.s32 $0x5C800, s0;
	s12 =	smul.u32 $0x50000, s6  }
0x9: {  	s20 =	sshll.u32 s6, $0x6;
	s21 =	smul.u32 $0xA, s6;
	p0 =	sne.s32 s6, $0x0  }
0xa: {  	s9 =	smul.u32 $0x140000, s8;
	_ =	strace $0x80000047;
	[dreg:$0x5] =	wrdreg s16  }
0xb: {  	s17 =	sshll.u32 s8, $0x4;
	s13 =	ssub.s32 $0x2, s8;
	s18 =	smul.u32 $0xA0, s8  }
0xc: {  	[dreg:$0x7] =	wrdreg s20;
	s8 =	sor.u32 $0x1C05, s20;
	s20 =	simm.s32 $0x3  }
0xd: {  	s11 =	sshrl.u32 s7, $0x3;
	s14 =	sshrl.u32 s13, $0x1;
	s12 =	sshrl.u32 s12, $0x2  }
0xe: {  	s7 =	sadd.s32 s7, s9;
	s15 =	sadd.s32 s11, s0;
	s11 =	sor.u32 s6, s17  }
0xf: {  	s13 =	ssub.s32 s13, s14;
	s12 =	sadd.s32 s12, s1;
	s9 =	sadd.s32 s21, s18  }
0x10: {  	s21 =	simm.s32 $0x6;
	s14 =	simm.s32 $0x4;
	s6 =	simm.s32 $0x15100  }
0x11: {  	s7 =	sshrl.u32 s7, $0x3;
	s11 =	smul.u32 $0x500, s11;
	s19 =	sadd.s32 $0x34800, s15  }
0x12: {  	s25 =	sshll.u32 s9, $0x7;
	s26 =	smax.u32 s13, $0x1;
	s18 =	sshrl.u32 s12, $0x3  }
0x13: {  	s9 =	simm.s32 $0x15180;
	s7 =	sadd.s32 s7, s0;
	[dreg:$0x6] =	wrdreg s19  }
0x14: {  	s0 =	sadd.s32 s17, s0;
	[dreg:$0xe] =	wrdreg s26;
	s28 =	sadd.s32 $0x100, s25  }
0x15: {  	s19 =	sshrl.u32 @!p0 s2, $0x3;
	s26 =	simm.s32 $0x19280;
	s15 =	sadd.s32 s10, s11  }
0x16: {  	s22 =	sor.u32 $0x80, s11;
	s11 =	sadd.s32 s5, s11;
	[dreg:$0x8] =	wrdreg s15  }
0x17: {  	s25 =	simm.s32 $0x2;
	s7 =	sadd.s32 $0x5D800, s7;
	[dreg:$0x9] =	wrdreg s11  }
0x18: {  	s0 =	sadd.s32 $0x5CE00, s0;
	s13 =	sadd.s32 s28, s10;
	[dreg:$0xc] =	wrdreg s7  }
0x19: {  	s23 =	sadd.s32 s10, s22;
	s24 =	sadd.s32 s5, s22;
	[dreg:$0xd] =	wrdreg s0  }
0x1a: {  	s15 =	sadd.s32 s28, s5;
	s22 =	simm.s32 $0x14A80;
	s0 =	simm.s32 $0x1D280  }
0x1b: {  	s10 =	simm.s32 $0x15200;
	s11 =	simm.s32 $0x0;
	[dreg:$0xa] =	wrdreg s23  }
0x1c: {  	v0 =	vimm.f32 $1.000000000e+00;
	[dreg:$0xb] =	wrdreg s24;
	s23 =	simm.s32 $0x80;
	s24 =	simm.s32 $0x15280  }
.LBB2_1:
0x1d: {  	s5 =	rddreg [dreg:$0x6]  }
0x1e: {  	[spmem:s18], [sflag:s8] =	dma.local [hbm:s5], $0x2800  }
0x1f: {  	s5 =	rddreg [dreg:$0x5]  }
0x20: {  	[spmem:s19], [sflag:s8] =	dma.local @!p0 [hbm:s5], $0x500;
	[tilespmem:$0x1D280] =	vst v0  }
0x21: {  	[tilespmem:$0x1D290] =	vst v0  }
0x22: {  	[tilespmem:$0x1D2A0] =	vst v0  }
0x23: {  	[tilespmem:$0x1D2B0] =	vst v0  }
0x24: {  	[tilespmem:$0x1D2C0] =	vst v0  }
0x25: {  	[tilespmem:$0x1D2D0] =	vst v0  }
0x26: {  	[tilespmem:$0x1D2E0] =	vst v0  }
0x27: {  	s7 =	simm.s32 $0x14280;
	[tilespmem:$0x1D2F0] =	vst v0;
	s5 =	rddreg [dreg:$0x8]  }
0x28: {  	[tilespmem:s7], [sflag:$0x6] =	stream.linear.gather [hbm4b:s5+s3], $0x400, $0x38;
	[tilespmem:$0x1D300] =	vst v63  }
0x29: {  	_ =	swait.ge [sflag:s21], $0x400  }
0x2a: {  	[sflag:s21] =	ssyncset.done $0x0  }
0x2b: {  	s16 =	rddreg [dreg:$0x9];
	[sflag:s21] =	ssyncadd.s32 $0xFFFFFC00  }
0x2c: {  	[tilespmem:s22], [sflag:$0x6] =	stream.linear.gather [hbm4b:s16+s3], $0x400, $0x38;
	[tilespmem:$0x1D300] =	vst v63  }
0x2d: {  	_ =	swait.ge [sflag:s21], $0x400  }
0x2e: {  	[sflag:s21] =	ssyncset.done $0x0  }
0x2f: {  	[sflag:s21] =	ssyncadd.s32 $0xFFFFFC00  }
0x30: {  	[tilespmem:s24], [sflag:$0x1] =	stream.indirect.gather [hbm4b:s4+s23], $0x80, s7, s23, $0xb8;
	[tilespmem:$0x1D300] =	vst v63  }
0x31: {  	s17 =	simm.s32 $0x14300  }
0x32: {  	[tilespmem:s26], [sflag:$0x2] =	stream.indirect.gather [hbm4b:s4+s23], $0x80, s17, s23, $0xb8;
	[tilespmem:$0x1D300] =	vst v63  }
0x33: {  	s12 =	simm.s32 $0x14680;
	s28 =	rddreg [dreg:$0xa]  }
0x34: {  	[tilespmem:s12], [sflag:$0x3] =	stream.linear.gather [hbm4b:s28+s3], $0x400, $0x38;
	[tilespmem:$0x1D300] =	vst v63  }
0x35: {  	s7 =	rddreg [dreg:$0xb]  }
0x36: {  	[tilespmem:s29], [sflag:$0x3] =	stream.linear.gather [hbm4b:s7+s3], $0x400, $0x38;
	[tilespmem:$0x1D300] =	vst v63  }
0x37: {  	_ =	swait.ge [sflag:s30], $0x2800  }
0x38: {  	[sflag:s30] =	ssyncset.done $0x0  }
0x39: {  	s7 =	simm.s32 @!p0 $0x5;
	[sflag:s30] =	ssyncadd.s32 $0xFFFFD800  }
0x3a: {  	_ =	swait.ge @!p0 [sflag:s7], $0x500  }
0x3b: {  	[sflag:s7] =	ssyncset.done @!p0 $0x0  }
0x3c: {  	[sflag:s7] =	ssyncadd.s32 @!p0 $0xFFFFFB00  }
0x3d: {  	[bflag:$0x0] =	sbarrier.arrive $0xFFFF  }
0x3e: {  	_ =	swait.ge [sflag:s31], $0x4000  }
0x3f: {  	[sflag:s31] =	ssyncset.done $0x0  }
0x40: {  	[sflag:s31] =	ssyncadd.s32 $0xFFFFC000  }
0x41: {  	[spmem:s1] =	stream.indirect.scatter.add.f32 [tilespmem:s24], [sflag:$0x6], $0x80, s22, s23, $0xb8;
	[tilespmem:$0x1D300] =	vst v63  }
0x42: {  	_ =	swait.ge [sflag:s21], $0x4000  }
0x43: {  	[sflag:s21] =	ssyncset.done $0x0  }
0x44: {  	[sflag:s21] =	ssyncadd.s32 $0xFFFFC000  }
0x45: {  	[spmem:s2] =	stream.indirect.scatter.add.f32 [tilespmem:s0], [sflag:$0x4], $0x1, s22, s23, $0xb8;
	[tilespmem:$0x1D300] =	vst v63  }
0x46: {  	s16 =	simm.s32 $0x14380  }
0x47: {  	[tilespmem:s24], [sflag:$0x1] =	stream.indirect.gather [hbm4b:s4+s23], $0x80, s16, s23, $0xb8;
	[tilespmem:$0x1D300] =	vst v63  }
0x48: {  	_ =	swait.ge [sflag:s25], $0x4000  }
0x49: {  	[sflag:s25] =	ssyncset.done $0x0  }
0x4a: {  	s17 =	simm.s32 $0x14B00;
	[sflag:s25] =	ssyncadd.s32 $0xFFFFC000  }
0x4b: {  	[spmem:s1] =	stream.indirect.scatter.add.f32 [tilespmem:s26], [sflag:$0x6], $0x80, s17, s23, $0xb8;
	[tilespmem:$0x1D300] =	vst v63  }
0x4c: {  	_ =	swait.ge [sflag:s21], $0x4000  }
0x4d: {  	[sflag:s21] =	ssyncset.done $0x0  }
0x4e: {  	[sflag:s21] =	ssyncadd.s32 $0xFFFFC000  }
0x4f: {  	[spmem:s2] =	stream.indirect.scatter.add.f32 [tilespmem:s0], [sflag:$0x4], $0x1, s17, s23, $0xb8;
	[tilespmem:$0x1D300] =	vst v63  }
0x50: {  	s28 =	simm.s32 $0x14400  }
0x51: {  	[tilespmem:s26], [sflag:$0x2] =	stream.indirect.gather [hbm4b:s4+s23], $0x80, s28, s23, $0xb8;
	[tilespmem:$0x1D300] =	vst v63  }
0x52: {  	_ =	swait.ge [sflag:s31], $0x4000  }
0x53: {  	[sflag:s31] =	ssyncset.done $0x0  }
0x54: {  	s7 =	simm.s32 $0x14B80;
	[sflag:s31] =	ssyncadd.s32 $0xFFFFC000  }
0x55: {  	[spmem:s1] =	stream.indirect.scatter.add.f32 [tilespmem:s24], [sflag:$0x6], $0x80, s7, s23, $0xb8;
	[tilespmem:$0x1D300] =	vst v63  }
0x56: {  	_ =	swait.ge [sflag:s21], $0x4000  }
0x57: {  	[sflag:s21] =	ssyncset.done $0x0  }
0x58: {  	[sflag:s21] =	ssyncadd.s32 $0xFFFFC000  }
0x59: {  	[spmem:s2] =	stream.indirect.scatter.add.f32 [tilespmem:s0], [sflag:$0x4], $0x1, s7, s23, $0xb8;
	[tilespmem:$0x1D300] =	vst v63  }
0x5a: {  	s16 =	simm.s32 $0x14480  }
0x5b: {  	[tilespmem:s24], [sflag:$0x1] =	stream.indirect.gather [hbm4b:s4+s23], $0x80, s16, s23, $0xb8;
	[tilespmem:$0x1D300] =	vst v63  }
0x5c: {  	_ =	swait.ge [sflag:s25], $0x4000  }
0x5d: {  	[sflag:s25] =	ssyncset.done $0x0  }
0x5e: {  	s17 =	simm.s32 $0x14C00;
	[sflag:s25] =	ssyncadd.s32 $0xFFFFC000  }
0x5f: {  	[spmem:s1] =	stream.indirect.scatter.add.f32 [tilespmem:s26], [sflag:$0x6], $0x80, s17, s23, $0xb8;
	[tilespmem:$0x1D300] =	vst v63  }
0x60: {  	_ =	swait.ge [sflag:s21], $0x4000  }
0x61: {  	[sflag:s21] =	ssyncset.done $0x0  }
0x62: {  	[sflag:s21] =	ssyncadd.s32 $0xFFFFC000  }
0x63: {  	[spmem:s2] =	stream.indirect.scatter.add.f32 [tilespmem:s0], [sflag:$0x4], $0x1, s17, s23, $0xb8;
	[tilespmem:$0x1D300] =	vst v63  }
0x64: {  	s28 =	simm.s32 $0x14500  }
0x65: {  	[tilespmem:s26], [sflag:$0x2] =	stream.indirect.gather [hbm4b:s4+s23], $0x80, s28, s23, $0xb8;
	[tilespmem:$0x1D300] =	vst v63  }
0x66: {  	_ =	swait.ge [sflag:s31], $0x4000  }
0x67: {  	[sflag:s31] =	ssyncset.done $0x0  }
0x68: {  	s7 =	simm.s32 $0x14C80;
	[sflag:s31] =	ssyncadd.s32 $0xFFFFC000  }
0x69: {  	[spmem:s1] =	stream.indirect.scatter.add.f32 [tilespmem:s24], [sflag:$0x6], $0x80, s7, s23, $0xb8;
	[tilespmem:$0x1D300] =	vst v63  }
0x6a: {  	_ =	swait.ge [sflag:s21], $0x4000  }
0x6b: {  	[sflag:s21] =	ssyncset.done $0x0  }
0x6c: {  	[sflag:s21] =	ssyncadd.s32 $0xFFFFC000  }
0x6d: {  	[spmem:s2] =	stream.indirect.scatter.add.f32 [tilespmem:s0], [sflag:$0x4], $0x1, s7, s23, $0xb8;
	[tilespmem:$0x1D300] =	vst v63  }
0x6e: {  	s16 =	simm.s32 $0x14580  }
0x6f: {  	[tilespmem:s24], [sflag:$0x1] =	stream.indirect.gather [hbm4b:s4+s23], $0x80, s16, s23, $0xb8;
	[tilespmem:$0x1D300] =	vst v63  }
0x70: {  	_ =	swait.ge [sflag:s25], $0x4000  }
0x71: {  	[sflag:s25] =	ssyncset.done $0x0  }
0x72: {  	s17 =	simm.s32 $0x14D00;
	[sflag:s25] =	ssyncadd.s32 $0xFFFFC000  }
0x73: {  	[spmem:s1] =	stream.indirect.scatter.add.f32 [tilespmem:s26], [sflag:$0x6], $0x80, s17, s23, $0xb8;
	[tilespmem:$0x1D300] =	vst v63  }
0x74: {  	_ =	swait.ge [sflag:s21], $0x4000  }
0x75: {  	[sflag:s21] =	ssyncset.done $0x0  }
0x76: {  	[sflag:s21] =	ssyncadd.s32 $0xFFFFC000  }
0x77: {  	[spmem:s2] =	stream.indirect.scatter.add.f32 [tilespmem:s0], [sflag:$0x4], $0x1, s17, s23, $0xb8;
	[tilespmem:$0x1D300] =	vst v63  }
0x78: {  	s28 =	simm.s32 $0x14600  }
0x79: {  	[tilespmem:s26], [sflag:$0x2] =	stream.indirect.gather [hbm4b:s4+s23], $0x80, s28, s23, $0xb8;
	[tilespmem:$0x1D300] =	vst v63  }
0x7a: {  	_ =	swait.ge [sflag:s31], $0x4000  }
0x7b: {  	[sflag:s31] =	ssyncset.done $0x0  }
0x7c: {  	s7 =	simm.s32 $0x14D80;
	[sflag:s31] =	ssyncadd.s32 $0xFFFFC000  }
0x7d: {  	[spmem:s1] =	stream.indirect.scatter.add.f32 [tilespmem:s24], [sflag:$0x6], $0x80, s7, s23, $0xb8;
	[tilespmem:$0x1D300] =	vst v63  }
0x7e: {  	_ =	swait.ge [sflag:s21], $0x4000  }
0x7f: {  	[sflag:s21] =	ssyncset.done $0x0  }
0x80: {  	[sflag:s21] =	ssyncadd.s32 $0xFFFFC000  }
0x81: {  	[spmem:s2] =	stream.indirect.scatter.add.f32 [tilespmem:s0], [sflag:$0x4], $0x1, s7, s23, $0xb8;
	[tilespmem:$0x1D300] =	vst v63  }
0x82: {  	_ =	swait.ge [sflag:s20], $0x400  }
0x83: {  	[sflag:s20] =	ssyncset.done $0x0  }
0x84: {  	[sflag:s20] =	ssyncadd.s32 $0xFFFFFC00  }
0x85: {  	_ =	swait.ge [sflag:s20], $0x400  }
0x86: {  	[sflag:s20] =	ssyncset.done $0x0  }
0x87: {  	[sflag:s20] =	ssyncadd.s32 $0xFFFFFC00  }
0x88: {  	[tilespmem:s24], [sflag:$0x1] =	stream.indirect.gather [hbm4b:s4+s23], $0x80, s12, s23, $0xb8;
	[tilespmem:$0x1D300] =	vst v63  }
0x89: {  	_ =	swait.ge [sflag:s25], $0x4000  }
0x8a: {  	[sflag:s25] =	ssyncset.done $0x0  }
0x8b: {  	s12 =	simm.s32 $0x14E00;
	[sflag:s25] =	ssyncadd.s32 $0xFFFFC000  }
0x8c: {  	[spmem:s1] =	stream.indirect.scatter.add.f32 [tilespmem:s26], [sflag:$0x6], $0x80, s12, s23, $0xb8;
	[tilespmem:$0x1D300] =	vst v63  }
0x8d: {  	_ =	swait.ge [sflag:s21], $0x4000  }
0x8e: {  	[sflag:s21] =	ssyncset.done $0x0  }
0x8f: {  	[sflag:s21] =	ssyncadd.s32 $0xFFFFC000  }
0x90: {  	[spmem:s2] =	stream.indirect.scatter.add.f32 [tilespmem:s0], [sflag:$0x4], $0x1, s12, s23, $0xb8;
	[tilespmem:$0x1D300] =	vst v63  }
0x91: {  	s16 =	simm.s32 $0x14700  }
0x92: {  	[tilespmem:s26], [sflag:$0x2] =	stream.indirect.gather [hbm4b:s4+s23], $0x80, s16, s23, $0xb8;
	[tilespmem:$0x1D300] =	vst v63  }
0x93: {  	_ =	swait.ge [sflag:s14], $0x80  }
0x94: {  	[sflag:s14] =	ssyncset.done $0x0  }
0x95: {  	[sflag:s14] =	ssyncadd.s32 $0xFFFFFF80  }
0x96: {  	_ =	swait.ge [sflag:s14], $0x80  }
0x97: {  	[sflag:s14] =	ssyncset.done $0x0  }
0x98: {  	[sflag:s14] =	ssyncadd.s32 $0xFFFFFF80  }
0x99: {  	_ =	swait.ge [sflag:s14], $0x80  }
0x9a: {  	[sflag:s14] =	ssyncset.done $0x0  }
0x9b: {  	[sflag:s14] =	ssyncadd.s32 $0xFFFFFF80  }
0x9c: {  	_ =	swait.ge [sflag:s14], $0x80  }
0x9d: {  	[sflag:s14] =	ssyncset.done $0x0  }
0x9e: {  	[sflag:s14] =	ssyncadd.s32 $0xFFFFFF80  }
0x9f: {  	_ =	swait.ge [sflag:s14], $0x80  }
0xa0: {  	[sflag:s14] =	ssyncset.done $0x0  }
0xa1: {  	[sflag:s14] =	ssyncadd.s32 $0xFFFFFF80  }
0xa2: {  	_ =	swait.ge [sflag:s14], $0x80  }
0xa3: {  	[sflag:s14] =	ssyncset.done $0x0  }
0xa4: {  	[sflag:s14] =	ssyncadd.s32 $0xFFFFFF80  }
0xa5: {  	_ =	swait.ge [sflag:s14], $0x80  }
0xa6: {  	[sflag:s14] =	ssyncset.done $0x0  }
0xa7: {  	[sflag:s14] =	ssyncadd.s32 $0xFFFFFF80  }
0xa8: {  	_ =	swait.ge [sflag:s14], $0x80  }
0xa9: {  	[sflag:s14] =	ssyncset.done $0x0  }
0xaa: {  	[sflag:s14] =	ssyncadd.s32 $0xFFFFFF80  }
0xab: {  	s17 =	simm.s32 $0x400;
	_ =	swait.ge [sflag:s31], $0x4000  }
0xac: {  	s7 =	sand.u32 $0x400, s17;
	[sflag:s31] =	ssyncset.done $0x0  }
0xad: {  	s28 =	sor.u32 $0x14A80, s7;
	[sflag:s31] =	ssyncadd.s32 $0xFFFFC000  }
0xae: {  	[spmem:s1] =	stream.indirect.scatter.add.f32 [tilespmem:s24], [sflag:$0x6], $0x80, s28, s23, $0xb8;
	[tilespmem:$0x1D300] =	vst v63  }
0xaf: {  	_ =	swait.ge [sflag:s21], $0x4000  }
0xb0: {  	[sflag:s21] =	ssyncset.done $0x0  }
0xb1: {  	[sflag:s21] =	ssyncadd.s32 $0xFFFFC000  }
0xb2: {  	[spmem:s2] =	stream.indirect.scatter.add.f32 [tilespmem:s0], [sflag:$0x4], $0x1, s28, s23, $0xb8;
	[tilespmem:$0x1D300] =	vst v63  }
0xb3: {  	s5 =	sor.u32 $0x14380, s7  }
0xb4: {  	[tilespmem:s24], [sflag:$0x1] =	stream.indirect.gather [hbm4b:s4+s23], $0x80, s5, s23, $0xb8;
	[tilespmem:$0x1D300] =	vst v63  }
0xb5: {  	_ =	swait.ge [sflag:s25], $0x4000  }
0xb6: {  	[sflag:s25] =	ssyncset.done $0x0  }
0xb7: {  	s16 =	sor.u32 $0x14B00, s7;
	[sflag:s25] =	ssyncadd.s32 $0xFFFFC000  }
0xb8: {  	[spmem:s1] =	stream.indirect.scatter.add.f32 [tilespmem:s26], [sflag:$0x6], $0x80, s16, s23, $0xb8;
	[tilespmem:$0x1D300] =	vst v63  }
0xb9: {  	_ =	swait.ge [sflag:s21], $0x4000  }
0xba: {  	[sflag:s21] =	ssyncset.done $0x0  }
0xbb: {  	[sflag:s21] =	ssyncadd.s32 $0xFFFFC000  }
0xbc: {  	[spmem:s2] =	stream.indirect.scatter.add.f32 [tilespmem:s0], [sflag:$0x4], $0x1, s16, s23, $0xb8;
	[tilespmem:$0x1D300] =	vst v63  }
0xbd: {  	s17 =	sadd.s32 $0x14400, s7  }
0xbe: {  	[tilespmem:s26], [sflag:$0x2] =	stream.indirect.gather [hbm4b:s4+s23], $0x80, s17, s23, $0xb8;
	[tilespmem:$0x1D300] =	vst v63  }
0xbf: {  	_ =	swait.ge [sflag:s31], $0x4000  }
0xc0: {  	[sflag:s31] =	ssyncset.done $0x0  }
0xc1: {  	s28 =	sor.u32 $0x14B80, s7;
	[sflag:s31] =	ssyncadd.s32 $0xFFFFC000  }
0xc2: {  	[spmem:s1] =	stream.indirect.scatter.add.f32 [tilespmem:s24], [sflag:$0x6], $0x80, s28, s23, $0xb8;
	[tilespmem:$0x1D300] =	vst v63  }
0xc3: {  	_ =	swait.ge [sflag:s21], $0x4000  }
0xc4: {  	[sflag:s21] =	ssyncset.done $0x0  }
0xc5: {  	[sflag:s21] =	ssyncadd.s32 $0xFFFFC000  }
0xc6: {  	[spmem:s2] =	stream.indirect.scatter.add.f32 [tilespmem:s0], [sflag:$0x4], $0x1, s28, s23, $0xb8;
	[tilespmem:$0x1D300] =	vst v63  }
0xc7: {  	s12 =	sxor.u32 $0x14680, s7  }
0xc8: {  	[tilespmem:s12], [sflag:$0x3] =	stream.linear.gather [hbm4b:s13+s3], $0x400, $0x38;
	[tilespmem:$0x1D300] =	vst v63  }
0xc9: {  	s16 =	sxor.u32 $0x14E80, s7  }
0xca: {  	[tilespmem:s16], [sflag:$0x3] =	stream.linear.gather [hbm4b:s15+s3], $0x400, $0x38;
	[tilespmem:$0x1D300] =	vst v63  }
0xcb: {  	s5 =	sadd.s32 $0x14480, s7  }
0xcc: {  	[tilespmem:s24], [sflag:$0x1] =	stream.indirect.gather [hbm4b:s4+s23], $0x80, s5, s23, $0xb8;
	[tilespmem:$0x1D300] =	vst v63  }
0xcd: {  	_ =	swait.ge [sflag:s25], $0x4000  }
0xce: {  	[sflag:s25] =	ssyncset.done $0x0  }
0xcf: {  	s17 =	sadd.s32 $0x14C00, s7;
	[sflag:s25] =	ssyncadd.s32 $0xFFFFC000  }
0xd0: {  	[spmem:s1] =	stream.indirect.scatter.add.f32 [tilespmem:s26], [sflag:$0x6], $0x80, s17, s23, $0xb8;
	[tilespmem:$0x1D300] =	vst v63  }
0xd1: {  	_ =	swait.ge [sflag:s21], $0x4000  }
0xd2: {  	[sflag:s21] =	ssyncset.done $0x0  }
0xd3: {  	[sflag:s21] =	ssyncadd.s32 $0xFFFFC000  }
0xd4: {  	[spmem:s2] =	stream.indirect.scatter.add.f32 [tilespmem:s0], [sflag:$0x4], $0x1, s17, s23, $0xb8;
	[tilespmem:$0x1D300] =	vst v63  }
0xd5: {  	s28 =	sadd.s32 $0x14500, s7  }
0xd6: {  	[tilespmem:s26], [sflag:$0x2] =	stream.indirect.gather [hbm4b:s4+s23], $0x80, s28, s23, $0xb8;
	[tilespmem:$0x1D300] =	vst v63  }
0xd7: {  	_ =	swait.ge [sflag:s31], $0x4000  }
0xd8: {  	[sflag:s31] =	ssyncset.done $0x0  }
0xd9: {  	s5 =	sadd.s32 $0x14C80, s7;
	[sflag:s31] =	ssyncadd.s32 $0xFFFFC000  }
0xda: {  	[spmem:s1] =	stream.indirect.scatter.add.f32 [tilespmem:s24], [sflag:$0x6], $0x80, s5, s23, $0xb8;
	[tilespmem:$0x1D300] =	vst v63  }
0xdb: {  	_ =	swait.ge [sflag:s21], $0x4000  }
0xdc: {  	[sflag:s21] =	ssyncset.done $0x0  }
0xdd: {  	[sflag:s21] =	ssyncadd.s32 $0xFFFFC000  }
0xde: {  	[spmem:s2] =	stream.indirect.scatter.add.f32 [tilespmem:s0], [sflag:$0x4], $0x1, s5, s23, $0xb8;
	[tilespmem:$0x1D300] =	vst v63  }
0xdf: {  	s17 =	sadd.s32 $0x14580, s7  }
0xe0: {  	[tilespmem:s24], [sflag:$0x1] =	stream.indirect.gather [hbm4b:s4+s23], $0x80, s17, s23, $0xb8;
	[tilespmem:$0x1D300] =	vst v63  }
0xe1: {  	_ =	swait.ge [sflag:s25], $0x4000  }
0xe2: {  	[sflag:s25] =	ssyncset.done $0x0  }
0xe3: {  	s28 =	sadd.s32 $0x14D00, s7;
	[sflag:s25] =	ssyncadd.s32 $0xFFFFC000  }
0xe4: {  	[spmem:s1] =	stream.indirect.scatter.add.f32 [tilespmem:s26], [sflag:$0x6], $0x80, s28, s23, $0xb8;
	[tilespmem:$0x1D300] =	vst v63  }
0xe5: {  	_ =	swait.ge [sflag:s21], $0x4000  }
0xe6: {  	[sflag:s21] =	ssyncset.done $0x0  }
0xe7: {  	[sflag:s21] =	ssyncadd.s32 $0xFFFFC000  }
0xe8: {  	[spmem:s2] =	stream.indirect.scatter.add.f32 [tilespmem:s0], [sflag:$0x4], $0x1, s28, s23, $0xb8;
	[tilespmem:$0x1D300] =	vst v63  }
0xe9: {  	s5 =	sadd.s32 $0x14600, s7  }
0xea: {  	[tilespmem:s26], [sflag:$0x2] =	stream.indirect.gather [hbm4b:s4+s23], $0x80, s5, s23, $0xb8;
	[tilespmem:$0x1D300] =	vst v63  }
0xeb: {  	_ =	swait.ge [sflag:s31], $0x4000  }
0xec: {  	[sflag:s31] =	ssyncset.done $0x0  }
0xed: {  	s17 =	sadd.s32 $0x14D80, s7;
	[sflag:s31] =	ssyncadd.s32 $0xFFFFC000  }
0xee: {  	[spmem:s1] =	stream.indirect.scatter.add.f32 [tilespmem:s24], [sflag:$0x6], $0x80, s17, s23, $0xb8;
	[tilespmem:$0x1D300] =	vst v63  }
0xef: {  	_ =	swait.ge [sflag:s21], $0x4000  }
0xf0: {  	[sflag:s21] =	ssyncset.done $0x0  }
0xf1: {  	[sflag:s21] =	ssyncadd.s32 $0xFFFFC000  }
0xf2: {  	[spmem:s2] =	stream.indirect.scatter.add.f32 [tilespmem:s0], [sflag:$0x4], $0x1, s17, s23, $0xb8;
	[tilespmem:$0x1D300] =	vst v63  }
0xf3: {  	_ =	swait.ge [sflag:s20], $0x400  }
0xf4: {  	[sflag:s20] =	ssyncset.done $0x0  }
0xf5: {  	[sflag:s20] =	ssyncadd.s32 $0xFFFFFC00  }
0xf6: {  	_ =	swait.ge [sflag:s20], $0x400  }
0xf7: {  	[sflag:s20] =	ssyncset.done $0x0  }
0xf8: {  	[sflag:s20] =	ssyncadd.s32 $0xFFFFFC00  }
0xf9: {  	[tilespmem:s24], [sflag:$0x1] =	stream.indirect.gather [hbm4b:s4+s23], $0x80, s12, s23, $0xb8;
	[tilespmem:$0x1D300] =	vst v63  }
0xfa: {  	_ =	swait.ge [sflag:s25], $0x4000  }
0xfb: {  	[sflag:s25] =	ssyncset.done $0x0  }
0xfc: {  	s28 =	sadd.s32 $0x14E00, s7;
	[sflag:s25] =	ssyncadd.s32 $0xFFFFC000  }
0xfd: {  	[spmem:s1] =	stream.indirect.scatter.add.f32 [tilespmem:s26], [sflag:$0x6], $0x80, s28, s23, $0xb8;
	[tilespmem:$0x1D300] =	vst v63  }
0xfe: {  	_ =	swait.ge [sflag:s21], $0x4000  }
0xff: {  	[sflag:s21] =	ssyncset.done $0x0  }
0x100: {  	[sflag:s21] =	ssyncadd.s32 $0xFFFFC000  }
0x101: {  	[spmem:s2] =	stream.indirect.scatter.add.f32 [tilespmem:s0], [sflag:$0x4], $0x1, s28, s23, $0xb8;
	[tilespmem:$0x1D300] =	vst v63  }
0x102: {  	s7 =	sxor.u32 $0x14700, s7  }
0x103: {  	[tilespmem:s26], [sflag:$0x2] =	stream.indirect.gather [hbm4b:s4+s23], $0x80, s7, s23, $0xb8;
	[tilespmem:$0x1D300] =	vst v63  }
0x104: {  	_ =	swait.ge [sflag:s14], $0x80  }
0x105: {  	[sflag:s14] =	ssyncset.done $0x0  }
0x106: {  	[sflag:s14] =	ssyncadd.s32 $0xFFFFFF80  }
0x107: {  	_ =	swait.ge [sflag:s14], $0x80  }
0x108: {  	[sflag:s14] =	ssyncset.done $0x0  }
0x109: {  	[sflag:s14] =	ssyncadd.s32 $0xFFFFFF80  }
0x10a: {  	_ =	swait.ge [sflag:s14], $0x80  }
0x10b: {  	[sflag:s14] =	ssyncset.done $0x0  }
0x10c: {  	[sflag:s14] =	ssyncadd.s32 $0xFFFFFF80  }
0x10d: {  	_ =	swait.ge [sflag:s14], $0x80  }
0x10e: {  	[sflag:s14] =	ssyncset.done $0x0  }
0x10f: {  	[sflag:s14] =	ssyncadd.s32 $0xFFFFFF80  }
0x110: {  	_ =	swait.ge [sflag:s14], $0x80  }
0x111: {  	[sflag:s14] =	ssyncset.done $0x0  }
0x112: {  	[sflag:s14] =	ssyncadd.s32 $0xFFFFFF80  }
0x113: {  	_ =	swait.ge [sflag:s14], $0x80  }
0x114: {  	[sflag:s14] =	ssyncset.done $0x0  }
0x115: {  	[sflag:s14] =	ssyncadd.s32 $0xFFFFFF80  }
0x116: {  	_ =	swait.ge [sflag:s14], $0x80  }
0x117: {  	[sflag:s14] =	ssyncset.done $0x0  }
0x118: {  	[sflag:s14] =	ssyncadd.s32 $0xFFFFFF80  }
0x119: {  	s16 =	smov.u32 s13;
	_ =	swait.ge [sflag:s14], $0x80  }
0x11a: {  	s17 =	smov.u32 s15;
	s12 =	simm.s32 $0x800;
	[sflag:s14] =	ssyncset.done $0x0  }
.LBB2_2:
0x11b: {  	[sflag:s14] =	ssyncadd.s32 $0xFFFFFF80  }
0x11c: {  	s16 =	sadd.s32 $0x80, s16;
	s17 =	sadd.s32 $0x80, s17;
	s7 =	smov.u32 s12  }
0x11d: {  	p1 =	sne.s32 s12, $0x2000;
	s12 =	sadd.s32 $0x400, s12;
	_ =	swait.ge [sflag:s31], $0x4000  }
0x11e: {  	s28 =	sand.u32 $0x400, s7;
	[sflag:s31] =	ssyncset.done $0x0  }
0x11f: {  	s7 =	sor.u32 $0x14A80, s28;
	[sflag:s31] =	ssyncadd.s32 $0xFFFFC000  }
0x120: {  	[spmem:s1] =	stream.indirect.scatter.add.f32 [tilespmem:s24], [sflag:$0x6], $0x80, s7, s23, $0xb8;
	[tilespmem:$0x1D300] =	vst v63  }
0x121: {  	_ =	swait.ge [sflag:s21], $0x4000  }
0x122: {  	[sflag:s21] =	ssyncset.done $0x0  }
0x123: {  	[sflag:s21] =	ssyncadd.s32 $0xFFFFC000  }
0x124: {  	[spmem:s2] =	stream.indirect.scatter.add.f32 [tilespmem:s0], [sflag:$0x4], $0x1, s7, s23, $0xb8;
	[tilespmem:$0x1D300] =	vst v63  }
0x125: {  	s7 =	sor.u32 $0x14380, s28  }
0x126: {  	[tilespmem:s24], [sflag:$0x1] =	stream.indirect.gather [hbm4b:s4+s23], $0x80, s7, s23, $0xb8;
	[tilespmem:$0x1D300] =	vst v63  }
0x127: {  	_ =	swait.ge [sflag:s25], $0x4000  }
0x128: {  	[sflag:s25] =	ssyncset.done $0x0  }
0x129: {  	s7 =	sor.u32 $0x14B00, s28;
	[sflag:s25] =	ssyncadd.s32 $0xFFFFC000  }
0x12a: {  	[spmem:s1] =	stream.indirect.scatter.add.f32 [tilespmem:s26], [sflag:$0x6], $0x80, s7, s23, $0xb8;
	[tilespmem:$0x1D300] =	vst v63  }
0x12b: {  	_ =	swait.ge [sflag:s21], $0x4000  }
0x12c: {  	[sflag:s21] =	ssyncset.done $0x0  }
0x12d: {  	[sflag:s21] =	ssyncadd.s32 $0xFFFFC000  }
0x12e: {  	[spmem:s2] =	stream.indirect.scatter.add.f32 [tilespmem:s0], [sflag:$0x4], $0x1, s7, s23, $0xb8;
	[tilespmem:$0x1D300] =	vst v63  }
0x12f: {  	s7 =	sadd.s32 $0x14400, s28  }
0x130: {  	[tilespmem:s26], [sflag:$0x2] =	stream.indirect.gather [hbm4b:s4+s23], $0x80, s7, s23, $0xb8;
	[tilespmem:$0x1D300] =	vst v63  }
0x131: {  	_ =	swait.ge [sflag:s31], $0x4000  }
0x132: {  	[sflag:s31] =	ssyncset.done $0x0  }
0x133: {  	s7 =	sor.u32 $0x14B80, s28;
	[sflag:s31] =	ssyncadd.s32 $0xFFFFC000  }
0x134: {  	[spmem:s1] =	stream.indirect.scatter.add.f32 [tilespmem:s24], [sflag:$0x6], $0x80, s7, s23, $0xb8;
	[tilespmem:$0x1D300] =	vst v63  }
0x135: {  	_ =	swait.ge [sflag:s21], $0x4000  }
0x136: {  	[sflag:s21] =	ssyncset.done $0x0  }
0x137: {  	[sflag:s21] =	ssyncadd.s32 $0xFFFFC000  }
0x138: {  	[spmem:s2] =	stream.indirect.scatter.add.f32 [tilespmem:s0], [sflag:$0x4], $0x1, s7, s23, $0xb8;
	[tilespmem:$0x1D300] =	vst v63  }
0x139: {  	s7 =	sxor.u32 $0x14680, s28  }
0x13a: {  	[tilespmem:s7], [sflag:$0x3] =	stream.linear.gather [hbm4b:s16+s3], $0x400, $0x38;
	[tilespmem:$0x1D300] =	vst v63  }
0x13b: {  	s5 =	sxor.u32 $0x14E80, s28  }
0x13c: {  	[tilespmem:s5], [sflag:$0x3] =	stream.linear.gather [hbm4b:s17+s3], $0x400, $0x38;
	[tilespmem:$0x1D300] =	vst v63  }
0x13d: {  	s5 =	sadd.s32 $0x14480, s28  }
0x13e: {  	[tilespmem:s24], [sflag:$0x1] =	stream.indirect.gather [hbm4b:s4+s23], $0x80, s5, s23, $0xb8;
	[tilespmem:$0x1D300] =	vst v63  }
0x13f: {  	_ =	swait.ge [sflag:s25], $0x4000  }
0x140: {  	[sflag:s25] =	ssyncset.done $0x0  }
0x141: {  	s5 =	sadd.s32 $0x14C00, s28;
	[sflag:s25] =	ssyncadd.s32 $0xFFFFC000  }
0x142: {  	[spmem:s1] =	stream.indirect.scatter.add.f32 [tilespmem:s26], [sflag:$0x6], $0x80, s5, s23, $0xb8;
	[tilespmem:$0x1D300] =	vst v63  }
0x143: {  	_ =	swait.ge [sflag:s21], $0x4000  }
0x144: {  	[sflag:s21] =	ssyncset.done $0x0  }
0x145: {  	[sflag:s21] =	ssyncadd.s32 $0xFFFFC000  }
0x146: {  	[spmem:s2] =	stream.indirect.scatter.add.f32 [tilespmem:s0], [sflag:$0x4], $0x1, s5, s23, $0xb8;
	[tilespmem:$0x1D300] =	vst v63  }
0x147: {  	s5 =	sadd.s32 $0x14500, s28  }
0x148: {  	[tilespmem:s26], [sflag:$0x2] =	stream.indirect.gather [hbm4b:s4+s23], $0x80, s5, s23, $0xb8;
	[tilespmem:$0x1D300] =	vst v63  }
0x149: {  	_ =	swait.ge [sflag:s31], $0x4000  }
0x14a: {  	[sflag:s31] =	ssyncset.done $0x0  }
0x14b: {  	s5 =	sadd.s32 $0x14C80, s28;
	[sflag:s31] =	ssyncadd.s32 $0xFFFFC000  }
0x14c: {  	[spmem:s1] =	stream.indirect.scatter.add.f32 [tilespmem:s24], [sflag:$0x6], $0x80, s5, s23, $0xb8;
	[tilespmem:$0x1D300] =	vst v63  }
0x14d: {  	_ =	swait.ge [sflag:s21], $0x4000  }
0x14e: {  	[sflag:s21] =	ssyncset.done $0x0  }
0x14f: {  	[sflag:s21] =	ssyncadd.s32 $0xFFFFC000  }
0x150: {  	[spmem:s2] =	stream.indirect.scatter.add.f32 [tilespmem:s0], [sflag:$0x4], $0x1, s5, s23, $0xb8;
	[tilespmem:$0x1D300] =	vst v63  }
0x151: {  	s5 =	sadd.s32 $0x14580, s28  }
0x152: {  	[tilespmem:s24], [sflag:$0x1] =	stream.indirect.gather [hbm4b:s4+s23], $0x80, s5, s23, $0xb8;
	[tilespmem:$0x1D300] =	vst v63  }
0x153: {  	_ =	swait.ge [sflag:s25], $0x4000  }
0x154: {  	[sflag:s25] =	ssyncset.done $0x0  }
0x155: {  	s5 =	sadd.s32 $0x14D00, s28;
	[sflag:s25] =	ssyncadd.s32 $0xFFFFC000  }
0x156: {  	[spmem:s1] =	stream.indirect.scatter.add.f32 [tilespmem:s26], [sflag:$0x6], $0x80, s5, s23, $0xb8;
	[tilespmem:$0x1D300] =	vst v63  }
0x157: {  	_ =	swait.ge [sflag:s21], $0x4000  }
0x158: {  	[sflag:s21] =	ssyncset.done $0x0  }
0x159: {  	[sflag:s21] =	ssyncadd.s32 $0xFFFFC000  }
0x15a: {  	[spmem:s2] =	stream.indirect.scatter.add.f32 [tilespmem:s0], [sflag:$0x4], $0x1, s5, s23, $0xb8;
	[tilespmem:$0x1D300] =	vst v63  }
0x15b: {  	s5 =	sadd.s32 $0x14600, s28  }
0x15c: {  	[tilespmem:s26], [sflag:$0x2] =	stream.indirect.gather [hbm4b:s4+s23], $0x80, s5, s23, $0xb8;
	[tilespmem:$0x1D300] =	vst v63  }
0x15d: {  	_ =	swait.ge [sflag:s31], $0x4000  }
0x15e: {  	[sflag:s31] =	ssyncset.done $0x0  }
0x15f: {  	s5 =	sadd.s32 $0x14D80, s28;
	[sflag:s31] =	ssyncadd.s32 $0xFFFFC000  }
0x160: {  	[spmem:s1] =	stream.indirect.scatter.add.f32 [tilespmem:s24], [sflag:$0x6], $0x80, s5, s23, $0xb8;
	[tilespmem:$0x1D300] =	vst v63  }
0x161: {  	_ =	swait.ge [sflag:s21], $0x4000  }
0x162: {  	[sflag:s21] =	ssyncset.done $0x0  }
0x163: {  	[sflag:s21] =	ssyncadd.s32 $0xFFFFC000  }
0x164: {  	[spmem:s2] =	stream.indirect.scatter.add.f32 [tilespmem:s0], [sflag:$0x4], $0x1, s5, s23, $0xb8;
	[tilespmem:$0x1D300] =	vst v63  }
0x165: {  	_ =	swait.ge [sflag:s20], $0x400  }
0x166: {  	[sflag:s20] =	ssyncset.done $0x0  }
0x167: {  	[sflag:s20] =	ssyncadd.s32 $0xFFFFFC00  }
0x168: {  	_ =	swait.ge [sflag:s20], $0x400  }
0x169: {  	[sflag:s20] =	ssyncset.done $0x0  }
0x16a: {  	[sflag:s20] =	ssyncadd.s32 $0xFFFFFC00  }
0x16b: {  	[tilespmem:s24], [sflag:$0x1] =	stream.indirect.gather [hbm4b:s4+s23], $0x80, s7, s23, $0xb8;
	[tilespmem:$0x1D300] =	vst v63  }
0x16c: {  	_ =	swait.ge [sflag:s25], $0x4000  }
0x16d: {  	[sflag:s25] =	ssyncset.done $0x0  }
0x16e: {  	s5 =	sadd.s32 $0x14E00, s28;
	[sflag:s25] =	ssyncadd.s32 $0xFFFFC000  }
0x16f: {  	[spmem:s1] =	stream.indirect.scatter.add.f32 [tilespmem:s26], [sflag:$0x6], $0x80, s5, s23, $0xb8;
	[tilespmem:$0x1D300] =	vst v63  }
0x170: {  	_ =	swait.ge [sflag:s21], $0x4000  }
0x171: {  	[sflag:s21] =	ssyncset.done $0x0  }
0x172: {  	[sflag:s21] =	ssyncadd.s32 $0xFFFFC000  }
0x173: {  	[spmem:s2] =	stream.indirect.scatter.add.f32 [tilespmem:s0], [sflag:$0x4], $0x1, s5, s23, $0xb8;
	[tilespmem:$0x1D300] =	vst v63  }
0x174: {  	s5 =	sxor.u32 $0x14700, s28  }
0x175: {  	[tilespmem:s26], [sflag:$0x2] =	stream.indirect.gather [hbm4b:s4+s23], $0x80, s5, s23, $0xb8;
	[tilespmem:$0x1D300] =	vst v63  }
0x176: {  	_ =	swait.ge [sflag:s14], $0x80  }
0x177: {  	[sflag:s14] =	ssyncset.done $0x0  }
0x178: {  	[sflag:s14] =	ssyncadd.s32 $0xFFFFFF80  }
0x179: {  	_ =	swait.ge [sflag:s14], $0x80  }
0x17a: {  	[sflag:s14] =	ssyncset.done $0x0  }
0x17b: {  	[sflag:s14] =	ssyncadd.s32 $0xFFFFFF80  }
0x17c: {  	_ =	swait.ge [sflag:s14], $0x80  }
0x17d: {  	[sflag:s14] =	ssyncset.done $0x0  }
0x17e: {  	[sflag:s14] =	ssyncadd.s32 $0xFFFFFF80  }
0x17f: {  	_ =	swait.ge [sflag:s14], $0x80  }
0x180: {  	[sflag:s14] =	ssyncset.done $0x0  }
0x181: {  	[sflag:s14] =	ssyncadd.s32 $0xFFFFFF80  }
0x182: {  	_ =	swait.ge [sflag:s14], $0x80  }
0x183: {  	[sflag:s14] =	ssyncset.done $0x0  }
0x184: {  	[sflag:s14] =	ssyncadd.s32 $0xFFFFFF80  }
0x185: {  	_ =	swait.ge [sflag:s14], $0x80  }
0x186: {  	[sflag:s14] =	ssyncset.done $0x0  }
0x187: {  	[sflag:s14] =	ssyncadd.s32 $0xFFFFFF80  }
.Ltmp0:
0x188: {  	_ =	swait.ge [sflag:s14], $0x80;
	(pc) =	sbr.rel @p1 .LBB2_2-.Ltmp0, $4  }
0x189: {  	[sflag:s14] =	ssyncset.done $0x0  }
0x18a: {  	[sflag:s14] =	ssyncadd.s32 $0xFFFFFF80  }
0x18b: {  	_ =	swait.ge [sflag:s14], $0x80  }
0x18c: {  	[sflag:s14] =	ssyncset.done $0x0  }
0x18d: {  	[sflag:s14] =	ssyncadd.s32 $0xFFFFFF80  }
0x18e: {  	_ =	swait.ge [sflag:s31], $0x4000  }
0x18f: {  	[sflag:s31] =	ssyncset.done $0x0  }
0x190: {  	[sflag:s31] =	ssyncadd.s32 $0xFFFFC000  }
0x191: {  	[spmem:s1] =	stream.indirect.scatter.add.f32 [tilespmem:s24], [sflag:$0x6], $0x80, s29, s23, $0xb8;
	[tilespmem:$0x1D300] =	vst v63  }
0x192: {  	_ =	swait.ge [sflag:s21], $0x4000  }
0x193: {  	[sflag:s21] =	ssyncset.done $0x0  }
0x194: {  	[sflag:s21] =	ssyncadd.s32 $0xFFFFC000  }
0x195: {  	[spmem:s2] =	stream.indirect.scatter.add.f32 [tilespmem:s0], [sflag:$0x4], $0x1, s29, s23, $0xb8;
	[tilespmem:$0x1D300] =	vst v63  }
0x196: {  	s5 =	simm.s32 $0x14780  }
0x197: {  	[tilespmem:s24], [sflag:$0x1] =	stream.indirect.gather [hbm4b:s4+s23], $0x80, s5, s23, $0xb8;
	[tilespmem:$0x1D300] =	vst v63  }
0x198: {  	_ =	swait.ge [sflag:s25], $0x4000  }
0x199: {  	[sflag:s25] =	ssyncset.done $0x0  }
0x19a: {  	s28 =	simm.s32 $0x14F00;
	[sflag:s25] =	ssyncadd.s32 $0xFFFFC000  }
0x19b: {  	[spmem:s1] =	stream.indirect.scatter.add.f32 [tilespmem:s26], [sflag:$0x6], $0x80, s28, s23, $0xb8;
	[tilespmem:$0x1D300] =	vst v63  }
0x19c: {  	_ =	swait.ge [sflag:s21], $0x4000  }
0x19d: {  	[sflag:s21] =	ssyncset.done $0x0  }
0x19e: {  	[sflag:s21] =	ssyncadd.s32 $0xFFFFC000  }
0x19f: {  	[spmem:s2] =	stream.indirect.scatter.add.f32 [tilespmem:s0], [sflag:$0x4], $0x1, s28, s23, $0xb8;
	[tilespmem:$0x1D300] =	vst v63  }
0x1a0: {  	s7 =	simm.s32 $0x14800  }
0x1a1: {  	[tilespmem:s26], [sflag:$0x2] =	stream.indirect.gather [hbm4b:s4+s23], $0x80, s7, s23, $0xb8;
	[tilespmem:$0x1D300] =	vst v63  }
0x1a2: {  	_ =	swait.ge [sflag:s31], $0x4000  }
0x1a3: {  	[sflag:s31] =	ssyncset.done $0x0  }
0x1a4: {  	s12 =	simm.s32 $0x14F80;
	[sflag:s31] =	ssyncadd.s32 $0xFFFFC000  }
0x1a5: {  	[spmem:s1] =	stream.indirect.scatter.add.f32 [tilespmem:s24], [sflag:$0x6], $0x80, s12, s23, $0xb8;
	[tilespmem:$0x1D300] =	vst v63  }
0x1a6: {  	_ =	swait.ge [sflag:s21], $0x4000  }
0x1a7: {  	[sflag:s21] =	ssyncset.done $0x0  }
0x1a8: {  	[sflag:s21] =	ssyncadd.s32 $0xFFFFC000  }
0x1a9: {  	[spmem:s2] =	stream.indirect.scatter.add.f32 [tilespmem:s0], [sflag:$0x4], $0x1, s12, s23, $0xb8;
	[tilespmem:$0x1D300] =	vst v63  }
0x1aa: {  	s16 =	simm.s32 $0x14880  }
0x1ab: {  	[tilespmem:s24], [sflag:$0x1] =	stream.indirect.gather [hbm4b:s4+s23], $0x80, s16, s23, $0xb8;
	[tilespmem:$0x1D300] =	vst v63  }
0x1ac: {  	_ =	swait.ge [sflag:s25], $0x4000  }
0x1ad: {  	[sflag:s25] =	ssyncset.done $0x0  }
0x1ae: {  	s17 =	simm.s32 $0x15000;
	[sflag:s25] =	ssyncadd.s32 $0xFFFFC000  }
0x1af: {  	[spmem:s1] =	stream.indirect.scatter.add.f32 [tilespmem:s26], [sflag:$0x6], $0x80, s17, s23, $0xb8;
	[tilespmem:$0x1D300] =	vst v63  }
0x1b0: {  	_ =	swait.ge [sflag:s21], $0x4000  }
0x1b1: {  	[sflag:s21] =	ssyncset.done $0x0  }
0x1b2: {  	[sflag:s21] =	ssyncadd.s32 $0xFFFFC000  }
0x1b3: {  	[spmem:s2] =	stream.indirect.scatter.add.f32 [tilespmem:s0], [sflag:$0x4], $0x1, s17, s23, $0xb8;
	[tilespmem:$0x1D300] =	vst v63  }
0x1b4: {  	s28 =	simm.s32 $0x14900  }
0x1b5: {  	[tilespmem:s26], [sflag:$0x2] =	stream.indirect.gather [hbm4b:s4+s23], $0x80, s28, s23, $0xb8;
	[tilespmem:$0x1D300] =	vst v63  }
0x1b6: {  	_ =	swait.ge [sflag:s31], $0x4000  }
0x1b7: {  	[sflag:s31] =	ssyncset.done $0x0  }
0x1b8: {  	s7 =	simm.s32 $0x15080;
	[sflag:s31] =	ssyncadd.s32 $0xFFFFC000  }
0x1b9: {  	[spmem:s1] =	stream.indirect.scatter.add.f32 [tilespmem:s24], [sflag:$0x6], $0x80, s7, s23, $0xb8;
	[tilespmem:$0x1D300] =	vst v63  }
0x1ba: {  	_ =	swait.ge [sflag:s21], $0x4000  }
0x1bb: {  	[sflag:s21] =	ssyncset.done $0x0  }
0x1bc: {  	[sflag:s21] =	ssyncadd.s32 $0xFFFFC000  }
0x1bd: {  	[spmem:s2] =	stream.indirect.scatter.add.f32 [tilespmem:s0], [sflag:$0x4], $0x1, s7, s23, $0xb8;
	[tilespmem:$0x1D300] =	vst v63  }
0x1be: {  	s12 =	simm.s32 $0x14980  }
0x1bf: {  	[tilespmem:s24], [sflag:$0x1] =	stream.indirect.gather [hbm4b:s4+s23], $0x80, s12, s23, $0xb8;
	[tilespmem:$0x1D300] =	vst v63  }
0x1c0: {  	_ =	swait.ge [sflag:s25], $0x4000  }
0x1c1: {  	[sflag:s25] =	ssyncset.done $0x0  }
0x1c2: {  	[sflag:s25] =	ssyncadd.s32 $0xFFFFC000  }
0x1c3: {  	[spmem:s1] =	stream.indirect.scatter.add.f32 [tilespmem:s26], [sflag:$0x6], $0x80, s6, s23, $0xb8;
	[tilespmem:$0x1D300] =	vst v63  }
0x1c4: {  	_ =	swait.ge [sflag:s21], $0x4000  }
0x1c5: {  	[sflag:s21] =	ssyncset.done $0x0  }
0x1c6: {  	[sflag:s21] =	ssyncadd.s32 $0xFFFFC000  }
0x1c7: {  	[spmem:s2] =	stream.indirect.scatter.add.f32 [tilespmem:s0], [sflag:$0x4], $0x1, s6, s23, $0xb8;
	[tilespmem:$0x1D300] =	vst v63  }
0x1c8: {  	s16 =	simm.s32 $0x14A00  }
0x1c9: {  	[tilespmem:s26], [sflag:$0x2] =	stream.indirect.gather [hbm4b:s4+s23], $0x80, s16, s23, $0xb8;
	[tilespmem:$0x1D300] =	vst v63  }
0x1ca: {  	_ =	swait.ge [sflag:s31], $0x4000  }
0x1cb: {  	[sflag:s31] =	ssyncset.done $0x0  }
0x1cc: {  	[sflag:s31] =	ssyncadd.s32 $0xFFFFC000  }
0x1cd: {  	[spmem:s1] =	stream.indirect.scatter.add.f32 [tilespmem:s24], [sflag:$0x6], $0x80, s9, s23, $0xb8;
	[tilespmem:$0x1D300] =	vst v63  }
0x1ce: {  	_ =	swait.ge [sflag:s21], $0x4000  }
0x1cf: {  	[sflag:s21] =	ssyncset.done $0x0  }
0x1d0: {  	[sflag:s21] =	ssyncadd.s32 $0xFFFFC000  }
0x1d1: {  	[spmem:s2] =	stream.indirect.scatter.add.f32 [tilespmem:s0], [sflag:$0x4], $0x1, s9, s23, $0xb8;
	[tilespmem:$0x1D300] =	vst v63  }
0x1d2: {  	_ =	swait.ge [sflag:s25], $0x4000  }
0x1d3: {  	[sflag:s25] =	ssyncset.done $0x0  }
0x1d4: {  	[sflag:s25] =	ssyncadd.s32 $0xFFFFC000  }
0x1d5: {  	[spmem:s1] =	stream.indirect.scatter.add.f32 [tilespmem:s26], [sflag:$0x6], $0x80, s10, s23, $0xb8;
	[tilespmem:$0x1D300] =	vst v63  }
0x1d6: {  	_ =	swait.ge [sflag:s21], $0x4000  }
0x1d7: {  	[sflag:s21] =	ssyncset.done $0x0  }
0x1d8: {  	[sflag:s21] =	ssyncadd.s32 $0xFFFFC000  }
0x1d9: {  	[spmem:s2] =	stream.indirect.scatter.add.f32 [tilespmem:s0], [sflag:$0x4], $0x1, s10, s23, $0xb8;
	[tilespmem:$0x1D300] =	vst v63  }
0x1da: {  	_ =	swait.ge [sflag:s14], $0x80  }
0x1db: {  	[sflag:s14] =	ssyncset.done $0x0  }
0x1dc: {  	[sflag:s14] =	ssyncadd.s32 $0xFFFFFF80  }
0x1dd: {  	_ =	swait.ge [sflag:s14], $0x80  }
0x1de: {  	[sflag:s14] =	ssyncset.done $0x0  }
0x1df: {  	[sflag:s14] =	ssyncadd.s32 $0xFFFFFF80  }
0x1e0: {  	_ =	swait.ge [sflag:s14], $0x80  }
0x1e1: {  	[sflag:s14] =	ssyncset.done $0x0  }
0x1e2: {  	[sflag:s14] =	ssyncadd.s32 $0xFFFFFF80  }
0x1e3: {  	_ =	swait.ge [sflag:s14], $0x80  }
0x1e4: {  	[sflag:s14] =	ssyncset.done $0x0  }
0x1e5: {  	[sflag:s14] =	ssyncadd.s32 $0xFFFFFF80  }
0x1e6: {  	_ =	swait.ge [sflag:s14], $0x80  }
0x1e7: {  	[sflag:s14] =	ssyncset.done $0x0  }
0x1e8: {  	[sflag:s14] =	ssyncadd.s32 $0xFFFFFF80  }
0x1e9: {  	_ =	swait.ge [sflag:s14], $0x80  }
0x1ea: {  	[sflag:s14] =	ssyncset.done $0x0  }
0x1eb: {  	[sflag:s14] =	ssyncadd.s32 $0xFFFFFF80  }
0x1ec: {  	_ =	swait.ge [sflag:s14], $0x80  }
0x1ed: {  	[sflag:s14] =	ssyncset.done $0x0  }
0x1ee: {  	[sflag:s14] =	ssyncadd.s32 $0xFFFFFF80  }
0x1ef: {  	_ =	swait.ge [sflag:s14], $0x80  }
0x1f0: {  	[sflag:s14] =	ssyncset.done $0x0  }
0x1f1: {  	[sflag:s14] =	ssyncadd.s32 $0xFFFFFF80  }
0x1f2: {  	[bflag:$0x0] =	sbarrier.arrive $0xFFFF  }
0x1f3: {  	s17 =	rddreg [dreg:$0x7]  }
0x1f4: {  	s7 =	rddreg [dreg:$0xc];
	s5 =	sor.u32 $0x1C06, s17  }
0x1f5: {  	[hbm:s7], [sflag:s5] =	dma.local [spmem:s18], $0x2800  }
0x1f6: {  	_ =	swait.ge [sflag:s21], $0x2800  }
0x1f7: {  	s12 =	simm.s32 @!p0 $0x20;
	s16 =	simm.s32 @!p0 $0x10;
	[sflag:s21] =	ssyncset.done $0x0  }
0x1f8: {  	s7 =	simm.s32 @!p0 $0x1;
	s17 =	rddreg [dreg:$0xd];
	[sflag:s21] =	ssyncadd.s32 $0xFFFFD800  }
0x1f9: {  	[hbm:s17@s12], [sflag:s5] =	dma.strided @!p0 [spmem:s19@s16], $0x500, s7, $0x10   }
0x1fa: {  	s5 =	simm.s32 @!p0 $0x6  }
0x1fb: {  	_ =	swait.ge @!p0 [sflag:s5], $0x500  }
0x1fc: {  	s11 =	sadd.s32 $0x1, s11;
	s28 =	rddreg [dreg:$0xe]  }
0x1fd: {  	p1 =	sne.s32 s11, s28  }
.Ltmp1:
0x1fe: {  	_ = 	snop;
	(pc) =	sbr.rel @p1 .LBB2_1-.Ltmp1, $3  }
0x1ff: {  	_ =	sdelay $0x1  }
0x200: {  	[sflag:s5] =	ssyncset.done @!p0 $0x0  }
0x201: {  	[sflag:s5] =	ssyncadd.s32 @!p0 $0xFFFFFB00  }
0x202: {  	_ =	sfence.sel $0x180000  }
0x203: {  	[bflag:$0x0] =	sbarrier.arrive $0xFFFF  }
0x204: {  	_ =	strace $0x90000047  }
0x205: {  	[bflag:$0x2] =	sbarrier.arrive $0xFFFF  }
0x206: {  	s0 =	rddreg [dreg:$0x4]  }
0x207: {  	s0 =	sadd.s32 @!p0 $0x100000, s0  }
0x208: {  	[sflag:s0] =	ssyncadd.tile.s32 @!p0 $0x1;
	_ =	shalt  }
.Lfunc_end2:
_tile_overlayer_lowered:
.L_overlay_start_2:
0x209: {  	(tag) =	ssettag $0x2  }
0x20a: {  	s0 =	rddreg [dreg:$0x0];
	s2 =	stileid.u32  }
0x20b: {  	s1 =	rddreg [dreg:$0x1];
	p0 =	sne.s32 s2, $0x0  }
0x20c: {  	s3 =	rddreg [dreg:$0x2];
	[bflag:$0x3] =	sbarrier.arrive $0xFFFF;
	s2 =	simm.s32 @!p0 $0x1C06  }
0x20d: {  	[timem:s3], [sflag:s2] =	dma.local @!p0 [hbm:s0], s1  }
0x20e: {  	s0 =	simm.s32 @!p0 $0x6  }
0x20f: {  	_ =	swait.ge @!p0 [sflag:s0], s1  }
0x210: {  	s1 =	ssub.s32 @!p0 $0x0, s1;
	[sflag:s0] =	ssyncset.done @!p0 $0x0  }
0x211: {  	[sflag:s0] =	ssyncadd.s32 @!p0 s1  }
0x212: {  	[bflag:$0x3] =	sbarrier.arrive $0xFFFF  }
0x213: {  	_ =	shalt  }

// kernel: kernel.9.cloned.1.call-start
scs
__scs_entry_jumppad:
0x0: {  	(pc) =	sbr.rel $0x88, $3  }
0x1: {  	(tag) =	ssettag $0x0;
	lr =	simm.s32 $0x1  }
0x2: {  	[smem:$0x3F99] =	sst lr;
	_ =	strace $0xD0000000  }
0x3: {  	_ = 	snop  }
0x4: {  	_ = 	snop  }
0x5: {  	_ = 	snop  }
0x6: {  	_ = 	snop  }
0x7: {  	_ = 	snop  }
__scs_overlays_trampoline_lowered:
0x8: {  	[smem:$0x3FA8] =	sst s0  }
0x9: {  	[smem:$0x3FA9] =	sst s1  }
0xa: {  	[smem:$0x3FAA] =	sst s2  }
0xb: {  	[smem:$0x3FAB] =	sst s3  }
0xc: {  	[smem:$0x3FAC] =	sst s4  }
0xd: {  	[smem:$0x3FAD] =	sst s5  }
0xe: {  	[smem:$0x3FAE] =	sst s6  }
0xf: {  	[smem:$0x3FAF] =	sst s7  }
0x10: {  	[smem:$0x3FB0] =	sst s8  }
0x11: {  	[smem:$0x3FB1] =	sst s9;
	s0 =	simm.s32 @!p0 $0x0  }
0x12: {  	s1 =	sld [smem:$0x3F97];
	s0 =	simm.s32 @p0 $0x1  }
0x13: {  	[smem:$0x3FB2] =	sst s0;
	s0 =	simm.s32 @!p1 $0x0  }
0x14: {  	s2 =	sld [smem:$0x3F96];
	s0 =	simm.s32 @p1 $0x1  }
0x15: {  	[smem:$0x3FB3] =	sst s0;
	s0 =	simm.s32 @!p2 $0x0  }
0x16: {  	s3 =	sld [smem:$0x3FDB];
	s0 =	simm.s32 @p2 $0x1  }
0x17: {  	s4 =	simm.s32 $0x1BF5;
	[smem:$0x3FB5] =	sst s0  }
0x18: {  	s0 =	sld [smem:$0x3F98];
	_ =	swait.ge [sflag:s4], $0x0  }
0x19: {  	s7 =	sld [smem:$0x3F99]  }
0x1a: {  	s8 =	sadd.s32 $0xFFFFE003, lr  }
0x1b: {  	s9 =	sadd.s32 $0xFFFFFEF7, lr;
	s5 =	simm.s32 $0xFFFFFFFF;
	p2 =	slt.u32 s8, $0xFFFFF086  }
0x1c: {  	p1 =	slt.u32 s9, $0xF7A;
	s5 =	simm.s32 @!p2 $0x0  }
0x1d: {  	s5 =	simm.s32 @p1 $0x1;
	p0 =	seq.s32 s7, s2  }
0x1e: {  	s7 =	smul.u32 @!p0 $0xF7A, s2;
	p2 =	seq.s32 @!p0 s5, $0x0  }
0x1f: {  	s9 =	smul.u32 $0xF7A, s1;
	s8 =	simm.s32 @!p0 $0x1BF5;
	p2 =	por !p2, p0  }
0x20: {  	[sflag:s8] =	ssyncset.s32 @!p0 $0xFFFFF086;
	s6 =	sadd.s32 @!p0 s3, s7;
	s7 =	simm.s32 @!p0 $0x108  }
0x21: {  	s3 =	sadd.s32 s3, s9;
	s6 =	sadd.s32 @!p0 $0x88, s6;
	s7 =	simm.s32 @p2 $0x1082  }
0x22: {  	[simem:s7], [sflag:s8] =	dma.local @!p0 [hbm:s6], $0xF7A  }
0x23: {  	s9 =	sor.u32 $0xD0000000, s2;
	s6 =	simm.s32 $0x108;
	_ =	swait.ge @!p0 [sflag:s8], $0x0  }
0x24: {  	s3 =	sadd.s32 $0x88, s3;
	s6 =	simm.s32 @!p1 $0x1082;
	[sflag:s4] =	ssyncset.s32 $0xFFFFF086  }
0x25: {  	[simem:s6], [sflag:s4] =	dma.local [hbm:s3], $0xF7A  }
0x26: {  	[smem:$0x3F99] =	sst s1;
	(tag) =	ssettag s2;
	_ =	strace s9  }
0x27: {  	s1 =	sld [smem:$0x3FA9]  }
0x28: {  	s2 =	sld [smem:$0x3FAA]  }
0x29: {  	s4 =	sld [smem:$0x3FAC]  }
0x2a: {  	p0 =	seq.s32 s5, $0x0;
	s5 =	sld [smem:$0x3FAD]  }
0x2b: {  	s6 =	sld [smem:$0x3FAE]  }
0x2c: {  	s7 =	sld [smem:$0x3FAF]  }
0x2d: {  	s3 =	simm.s32 $0x108;
	s8 =	sld [smem:$0x3FB0]  }
0x2e: {  	s3 =	simm.s32 @!p0 $0x1082;
	s9 =	sld [smem:$0x3FB1]  }
0x2f: {  	lr =	sadd.s32 s0, s3;
	s0 =	sld [smem:$0x3FA8]  }
0x30: {  	s3 =	sld [smem:$0x3FAB]  }
0x31: {  	[smem:$0x3FB4] =	sst s10  }
0x32: {  	s10 =	sld [smem:$0x3FB2];
	_ =	sdelay $0x3  }
0x33: {  	p0 =	seq.s32 s10, $0x1;
	s10 =	sld [smem:$0x3FB4];
	_ =	sdelay $0x3  }
0x34: {  	[smem:$0x3FB4] =	sst s10  }
0x35: {  	s10 =	sld [smem:$0x3FB3];
	_ =	sdelay $0x3  }
0x36: {  	p1 =	seq.s32 s10, $0x1;
	s10 =	sld [smem:$0x3FB4];
	_ =	sdelay $0x3  }
0x37: {  	[smem:$0x3FB4] =	sst s10  }
0x38: {  	s10 =	sld [smem:$0x3FB5]  }
0x39: {  	_ = 	snop;
	(pc) =	sbr.ind lr, $3  }
0x3a: {  	_ = 	snop  }
0x3b: {  	_ = 	snop  }
0x3c: {  	p2 =	seq.s32 s10, $0x1;
	s10 =	sld [smem:$0x3FB4]  }
0x3d: {  	_ =	shalt  }
0x3e: {  	_ =	shalt  }
0x3f: {  	_ =	shalt  }
0x40: {  	_ =	shalt  }
0x41: {  	_ =	shalt  }
0x42: {  	_ =	shalt  }
0x43: {  	_ =	shalt  }
0x44: {  	_ =	shalt  }
0x45: {  	_ =	shalt  }
0x46: {  	_ =	shalt  }
0x47: {  	_ =	shalt  }
0x48: {  	_ =	shalt  }
0x49: {  	_ =	shalt  }
0x4a: {  	_ =	shalt  }
0x4b: {  	_ =	shalt  }
0x4c: {  	_ =	shalt  }
0x4d: {  	_ =	shalt  }
0x4e: {  	_ =	shalt  }
0x4f: {  	_ =	shalt  }
0x50: {  	_ =	shalt  }
0x51: {  	_ =	shalt  }
0x52: {  	_ =	shalt  }
0x53: {  	_ =	shalt  }
0x54: {  	_ =	shalt  }
0x55: {  	_ =	shalt  }
0x56: {  	_ =	shalt  }
0x57: {  	_ =	shalt  }
0x58: {  	_ =	shalt  }
0x59: {  	_ =	shalt  }
0x5a: {  	_ =	shalt  }
0x5b: {  	_ =	shalt  }
0x5c: {  	_ =	shalt  }
0x5d: {  	_ =	shalt  }
0x5e: {  	_ =	shalt  }
0x5f: {  	_ =	shalt  }
0x60: {  	_ =	shalt  }
0x61: {  	_ =	shalt  }
0x62: {  	_ =	shalt  }
0x63: {  	_ =	shalt  }
0x64: {  	_ =	shalt  }
0x65: {  	_ =	shalt  }
0x66: {  	_ =	shalt  }
0x67: {  	_ =	shalt  }
0x68: {  	_ =	shalt  }
0x69: {  	_ =	shalt  }
0x6a: {  	_ =	shalt  }
0x6b: {  	_ =	shalt  }
0x6c: {  	_ =	shalt  }
0x6d: {  	_ =	shalt  }
0x6e: {  	_ =	shalt  }
0x6f: {  	_ =	shalt  }
0x70: {  	_ =	shalt  }
0x71: {  	_ =	shalt  }
0x72: {  	_ =	shalt  }
0x73: {  	_ =	shalt  }
0x74: {  	_ =	shalt  }
0x75: {  	_ =	shalt  }
0x76: {  	_ =	shalt  }
0x77: {  	_ =	shalt  }
0x78: {  	_ =	shalt  }
0x79: {  	_ =	shalt  }
0x7a: {  	_ =	shalt  }
0x7b: {  	_ =	shalt  }
0x7c: {  	_ =	shalt  }
0x7d: {  	_ =	shalt  }
0x7e: {  	_ =	shalt  }
0x7f: {  	_ =	shalt  }
0x80: {  	_ =	shalt  }
0x81: {  	_ =	shalt  }
0x82: {  	_ =	shalt  }
0x83: {  	_ =	shalt  }
0x84: {  	_ =	shalt  }
0x85: {  	_ =	shalt  }
0x86: {  	_ =	shalt  }
0x87: {  	_ =	shalt  }
.Lfunc_end0:
.L_simem_size_0:
called_computation.1_lowered:
.L_overlay_start_0:
0x88: {  	s2 =	sld [smem:$0x3FD9]  }
0x89: {  	s3 =	sld [smem:$0x3FFE];
	_ =	sdelay $0x1  }
0x8a: {  	s1 =	srdreg.scid  }
0x8b: {  	s0 =	sand.u32 $0x1, s1  }
0x8c: {  	s17 =	sshll.u32 s0, $0xA;
	s2 =	sadd.s32 s3, s2  }
0x8d: {  	s2 =	sadd.s32 s2, s17  }
0x8e: {  	[smem:$0x3FC0] =	sst s2  }
0x8f: {  	_ = 	snop  }
0x90: {  	s2 =	sld [smem:$0x3FD0];
	(tm) =	ssettm $0x1  }
0x91: {  	s18 =	sld [smem:$0x3FFB];
	_ =	sdelay $0x3  }
0x92: {  	_ =	strace s18  }
0x93: {  	s3 =	sld [smem:$0x3FFC];
	_ =	sdelay $0x3  }
0x94: {  	_ =	strace s3  }
0x95: {  	s3 =	sld [smem:$0x3FFD];
	_ =	sdelay $0x3  }
0x96: {  	_ =	strace s3  }
0x97: {  	_ =	strace $0x8FFFFFFF  }
0x98: {  	s19 =	sld [smem:$0x3FDB];
	_ =	sdelay $0x1  }
0x99: {  	s4 =	simm.s32 $_scs_section_size  }
0x9a: {  	s5 =	simm.s32 $_size__tile_overlayer_lowered;
	s6 =	simm.s32 $_tile_overlayer_lowered  }
0x9b: {  	s22 =	simm.s32 $0x1BFF;
	s21 =	sshll.u32 s6, $0x1;
	s3 =	sadd.s32 s4, s19  }
0x9c: {  	s7 =	simm.s32 $0x0;
	s20 =	sshll.u32 s5, $0x1;
	s5 =	sadd.s32 s21, s3  }
0x9d: {  	[timem:s7], [sflag:s22] =	dma.local [hbm:s5], s20  }
0x9e: {  	_ =	swait.ge [sflag:s22], s20  }
0x9f: {  	s4 =	ssub.s32 $0x0, s20;
	[sflag:s22] =	ssyncset.done $0x0  }
0xa0: {  	[sflag:s22] =	ssyncadd.s32 s4;
	_ =	sdelay $0x1  }
0xa1: {  	s23 =	simm.s32 $0x1B8B  }
0xa2: {  	_ =	swait.ge [sflag:s23], $0x1  }
0xa3: {  	[sflag:s23] =	ssyncset.done $0x0  }
0xa4: {  	s25 =	simm.s32 $0x1B8E;
	s24 =	sld [smem:$0x3FFE];
	[sflag:s23] =	ssyncadd.s32 $0xFFFFFFFF  }
0xa5: {  	s26 =	simm.s32 $execute0_lowered;
	[smem:$0x3FD2] =	sst s25  }
0xa6: {  	s5 =	sshll.u32 s26, $0x1;
	_ =	strace $0x80000049;
	[dreg:$0x1] =	wrdreg $0xFFFFFFFF  }
0xa7: {  	s28 =	simm.s32 $_size_execute0_lowered;
	s3 =	sadd.s32 s3, s5;
	[dreg:$0x0] =	wrdreg $0x0  }
0xa8: {  	s5 =	sshll.u32 s28, $0x1;
	[dreg:$0x2] =	wrdreg s3  }
0xa9: {  	[dreg:$0x3] =	wrdreg s5  }
0xaa: {  	[dreg:$0x4] =	wrdreg $0xC0  }
0xab: {  	_ =	task [dreg:s7], $0x5FFFF  }
0xac: {  	[dreg:$0x1] =	wrdreg $0xFFFFFFFF  }
0xad: {  	[dreg:$0x0] =	wrdreg $0x60  }
0xae: {  	[dreg:$0x2] =	wrdreg s24  }
0xaf: {  	[dreg:$0x3] =	wrdreg s2  }
0xb0: {  	[dreg:$0x4] =	wrdreg $0x0  }
0xb1: {  	[dreg:$0x5] =	wrdreg $0x140000  }
0xb2: {  	[dreg:$0x6] =	wrdreg $0x9  }
0xb3: {  	_ =	task.clear_ibuf [dreg:s7], $0x7FFFF;
	_ =	strace $0x90000049  }
0xb4: {  	s29 =	simm.s32 $0x9;
	_ =	strace $0x8000004B  }
0xb5: {  	_ =	swait.ge [sflag:s29], $0x1  }
0xb6: {  	[sflag:s29] =	ssyncadd.s32 $0xFFFFFFFF  }
0xb7: {  	_ =	strace $0x9000004B  }
0xb8: {  	_ =	sfence  }
0xb9: {  	s30 =	sld [smem:$0x0];
	_ =	sdelay $0x2  }
0xba: {  	s31 =	sshll.u32 s1, $0xD;
	s1 =	sshrl.u32 s1, $0x2  }
0xbb: {  	s3 =	sand.u32 $0x4000, s31;
	s1 =	sadd.s32 s1, s30  }
0xbc: {  	s0 =	sor.u32 s3, s0;
	s1 =	sshll.u32 s1, $0x11  }
0xbd: {  	s0 =	sor.u32 s1, s0  }
0xbe: {  	s0 =	sadd.s32 $0x8F2B, s0  }
0xbf: {  	[sflag:s0] =	ssyncadd.remote.s32 $0x1  }
0xc0: {  	_ =	sfence.sel $0xFFFF  }
0xc1: {  	[dreg:$0x0] =	wrdreg $0xFFFFFFFF;
	(pc) =	sbr.abs _section_cstart, $3  }
0xc2: {  	[dreg:$0x1] =	wrdreg $0xFFFFFFFF  }
0xc3: {  	_ =	task.clear_ibuf [dreg:s7], $0x2FFFF;
	_ =	strace $0x9FFFFFFF  }
0xc4: {  	(tm) =	ssettm $0x7FFFFFFF  }
0xc5: {  	_ =	shalt  }
tec
execute0_lowered:
.L_overlay_start_1:
0x0: {  	(tag) =	ssettag $0x1  }
0x1: {  	s0 =	rddreg [dreg:$0x0]  }
0x2: {  	s5 =	rddreg [dreg:$0x1]  }
0x3: {  	s1 =	rddreg [dreg:$0x2]  }
0x4: {  	s2 =	rddreg [dreg:$0x3];
	s6 =	stileid.u32  }
0x5: {  	s4 =	srdreg.scid;
	s3 =	simm.s32 $0x0;
	s29 =	simm.s32 $0x14E80  }
0x6: {  	s30 =	simm.s32 $0x5;
	s31 =	simm.s32 $0x1;
	s7 =	smul.u32 $0x14000, s6  }
0x7: {  	s8 =	sand.u32 $0x1, s4;
	[smem:$0x7FF] =	sst s3;
	s4 =	sadd.s32 $0x2800, s0  }
0x8: {  	s10 =	sadd.s32 $0x2A800, s0;
	s16 =	sadd.s32 $0x5C800, s0;
	s12 =	smul.u32 $0x50000, s6  }
0x9: {  	s20 =	sshll.u32 s6, $0x6;
	s21 =	smul.u32 $0xA, s6;
	p0 =	sne.s32 s6, $0x0  }
0xa: {  	s9 =	smul.u32 $0x140000, s8;
	_ =	strace $0x8000004A;
	[dreg:$0x5] =	wrdreg s16  }
0xb: {  	s17 =	sshll.u32 s8, $0x4;
	s13 =	ssub.s32 $0x2, s8;
	s18 =	smul.u32 $0xA0, s8  }
0xc: {  	[dreg:$0x7] =	wrdreg s20;
	s8 =	sor.u32 $0x1C05, s20;
	s20 =	simm.s32 $0x3  }
0xd: {  	s11 =	sshrl.u32 s7, $0x3;
	s14 =	sshrl.u32 s13, $0x1;
	s12 =	sshrl.u32 s12, $0x2  }
0xe: {  	s7 =	sadd.s32 s7, s9;
	s15 =	sadd.s32 s11, s0;
	s11 =	sor.u32 s6, s17  }
0xf: {  	s13 =	ssub.s32 s13, s14;
	s12 =	sadd.s32 s12, s1;
	s9 =	sadd.s32 s21, s18  }
0x10: {  	s21 =	simm.s32 $0x6;
	s14 =	simm.s32 $0x4;
	s6 =	simm.s32 $0x15100  }
0x11: {  	s7 =	sshrl.u32 s7, $0x3;
	s11 =	smul.u32 $0x500, s11;
	s19 =	sadd.s32 $0x34800, s15  }
0x12: {  	s25 =	sshll.u32 s9, $0x7;
	s26 =	smax.u32 s13, $0x1;
	s18 =	sshrl.u32 s12, $0x3  }
0x13: {  	s9 =	simm.s32 $0x15180;
	s7 =	sadd.s32 s7, s0;
	[dreg:$0x6] =	wrdreg s19  }
0x14: {  	s0 =	sadd.s32 s17, s0;
	[dreg:$0xe] =	wrdreg s26;
	s28 =	sadd.s32 $0x100, s25  }
0x15: {  	s19 =	sshrl.u32 @!p0 s2, $0x3;
	s26 =	simm.s32 $0x19280;
	s15 =	sadd.s32 s10, s11  }
0x16: {  	s22 =	sor.u32 $0x80, s11;
	s11 =	sadd.s32 s5, s11;
	[dreg:$0x8] =	wrdreg s15  }
0x17: {  	s25 =	simm.s32 $0x2;
	s7 =	sadd.s32 $0x5D800, s7;
	[dreg:$0x9] =	wrdreg s11  }
0x18: {  	s0 =	sadd.s32 $0x5CE00, s0;
	s13 =	sadd.s32 s28, s10;
	[dreg:$0xc] =	wrdreg s7  }
0x19: {  	s23 =	sadd.s32 s10, s22;
	s24 =	sadd.s32 s5, s22;
	[dreg:$0xd] =	wrdreg s0  }
0x1a: {  	s15 =	sadd.s32 s28, s5;
	s22 =	simm.s32 $0x14A80;
	s0 =	simm.s32 $0x1D280  }
0x1b: {  	s10 =	simm.s32 $0x15200;
	s11 =	simm.s32 $0x0;
	[dreg:$0xa] =	wrdreg s23  }
0x1c: {  	v0 =	vimm.f32 $1.000000000e+00;
	[dreg:$0xb] =	wrdreg s24;
	s23 =	simm.s32 $0x80;
	s24 =	simm.s32 $0x15280  }
.LBB2_1:
0x1d: {  	s5 =	rddreg [dreg:$0x6]  }
0x1e: {  	[spmem:s18], [sflag:s8] =	dma.local [hbm:s5], $0x2800  }
0x1f: {  	s5 =	rddreg [dreg:$0x5]  }
0x20: {  	[spmem:s19], [sflag:s8] =	dma.local @!p0 [hbm:s5], $0x500;
	[tilespmem:$0x1D280] =	vst v0  }
0x21: {  	[tilespmem:$0x1D290] =	vst v0  }
0x22: {  	[tilespmem:$0x1D2A0] =	vst v0  }
0x23: {  	[tilespmem:$0x1D2B0] =	vst v0  }
0x24: {  	[tilespmem:$0x1D2C0] =	vst v0  }
0x25: {  	[tilespmem:$0x1D2D0] =	vst v0  }
0x26: {  	[tilespmem:$0x1D2E0] =	vst v0  }
0x27: {  	s7 =	simm.s32 $0x14280;
	[tilespmem:$0x1D2F0] =	vst v0;
	s5 =	rddreg [dreg:$0x8]  }
0x28: {  	[tilespmem:s7], [sflag:$0x6] =	stream.linear.gather [hbm4b:s5+s3], $0x400, $0x38;
	[tilespmem:$0x1D300] =	vst v63  }
0x29: {  	_ =	swait.ge [sflag:s21], $0x400  }
0x2a: {  	[sflag:s21] =	ssyncset.done $0x0  }
0x2b: {  	s16 =	rddreg [dreg:$0x9];
	[sflag:s21] =	ssyncadd.s32 $0xFFFFFC00  }
0x2c: {  	[tilespmem:s22], [sflag:$0x6] =	stream.linear.gather [hbm4b:s16+s3], $0x400, $0x38;
	[tilespmem:$0x1D300] =	vst v63  }
0x2d: {  	_ =	swait.ge [sflag:s21], $0x400  }
0x2e: {  	[sflag:s21] =	ssyncset.done $0x0  }
0x2f: {  	[sflag:s21] =	ssyncadd.s32 $0xFFFFFC00  }
0x30: {  	[tilespmem:s24], [sflag:$0x1] =	stream.indirect.gather [hbm4b:s4+s23], $0x80, s7, s23, $0xb8;
	[tilespmem:$0x1D300] =	vst v63  }
0x31: {  	s17 =	simm.s32 $0x14300  }
0x32: {  	[tilespmem:s26], [sflag:$0x2] =	stream.indirect.gather [hbm4b:s4+s23], $0x80, s17, s23, $0xb8;
	[tilespmem:$0x1D300] =	vst v63  }
0x33: {  	s12 =	simm.s32 $0x14680;
	s28 =	rddreg [dreg:$0xa]  }
0x34: {  	[tilespmem:s12], [sflag:$0x3] =	stream.linear.gather [hbm4b:s28+s3], $0x400, $0x38;
	[tilespmem:$0x1D300] =	vst v63  }
0x35: {  	s7 =	rddreg [dreg:$0xb]  }
0x36: {  	[tilespmem:s29], [sflag:$0x3] =	stream.linear.gather [hbm4b:s7+s3], $0x400, $0x38;
	[tilespmem:$0x1D300] =	vst v63  }
0x37: {  	_ =	swait.ge [sflag:s30], $0x2800  }
0x38: {  	[sflag:s30] =	ssyncset.done $0x0  }
0x39: {  	s7 =	simm.s32 @!p0 $0x5;
	[sflag:s30] =	ssyncadd.s32 $0xFFFFD800  }
0x3a: {  	_ =	swait.ge @!p0 [sflag:s7], $0x500  }
0x3b: {  	[sflag:s7] =	ssyncset.done @!p0 $0x0  }
0x3c: {  	[sflag:s7] =	ssyncadd.s32 @!p0 $0xFFFFFB00  }
0x3d: {  	[bflag:$0x0] =	sbarrier.arrive $0xFFFF  }
0x3e: {  	_ =	swait.ge [sflag:s31], $0x4000  }
0x3f: {  	[sflag:s31] =	ssyncset.done $0x0  }
0x40: {  	[sflag:s31] =	ssyncadd.s32 $0xFFFFC000  }
0x41: {  	[spmem:s1] =	stream.indirect.scatter.add.f32 [tilespmem:s24], [sflag:$0x6], $0x80, s22, s23, $0xb8;
	[tilespmem:$0x1D300] =	vst v63  }
0x42: {  	_ =	swait.ge [sflag:s21], $0x4000  }
0x43: {  	[sflag:s21] =	ssyncset.done $0x0  }
0x44: {  	[sflag:s21] =	ssyncadd.s32 $0xFFFFC000  }
0x45: {  	[spmem:s2] =	stream.indirect.scatter.add.f32 [tilespmem:s0], [sflag:$0x4], $0x1, s22, s23, $0xb8;
	[tilespmem:$0x1D300] =	vst v63  }
0x46: {  	s16 =	simm.s32 $0x14380  }
0x47: {  	[tilespmem:s24], [sflag:$0x1] =	stream.indirect.gather [hbm4b:s4+s23], $0x80, s16, s23, $0xb8;
	[tilespmem:$0x1D300] =	vst v63  }
0x48: {  	_ =	swait.ge [sflag:s25], $0x4000  }
0x49: {  	[sflag:s25] =	ssyncset.done $0x0  }
0x4a: {  	s17 =	simm.s32 $0x14B00;
	[sflag:s25] =	ssyncadd.s32 $0xFFFFC000  }
0x4b: {  	[spmem:s1] =	stream.indirect.scatter.add.f32 [tilespmem:s26], [sflag:$0x6], $0x80, s17, s23, $0xb8;
	[tilespmem:$0x1D300] =	vst v63  }
0x4c: {  	_ =	swait.ge [sflag:s21], $0x4000  }
0x4d: {  	[sflag:s21] =	ssyncset.done $0x0  }
0x4e: {  	[sflag:s21] =	ssyncadd.s32 $0xFFFFC000  }
0x4f: {  	[spmem:s2] =	stream.indirect.scatter.add.f32 [tilespmem:s0], [sflag:$0x4], $0x1, s17, s23, $0xb8;
	[tilespmem:$0x1D300] =	vst v63  }
0x50: {  	s28 =	simm.s32 $0x14400  }
0x51: {  	[tilespmem:s26], [sflag:$0x2] =	stream.indirect.gather [hbm4b:s4+s23], $0x80, s28, s23, $0xb8;
	[tilespmem:$0x1D300] =	vst v63  }
0x52: {  	_ =	swait.ge [sflag:s31], $0x4000  }
0x53: {  	[sflag:s31] =	ssyncset.done $0x0  }
0x54: {  	s7 =	simm.s32 $0x14B80;
	[sflag:s31] =	ssyncadd.s32 $0xFFFFC000  }
0x55: {  	[spmem:s1] =	stream.indirect.scatter.add.f32 [tilespmem:s24], [sflag:$0x6], $0x80, s7, s23, $0xb8;
	[tilespmem:$0x1D300] =	vst v63  }
0x56: {  	_ =	swait.ge [sflag:s21], $0x4000  }
0x57: {  	[sflag:s21] =	ssyncset.done $0x0  }
0x58: {  	[sflag:s21] =	ssyncadd.s32 $0xFFFFC000  }
0x59: {  	[spmem:s2] =	stream.indirect.scatter.add.f32 [tilespmem:s0], [sflag:$0x4], $0x1, s7, s23, $0xb8;
	[tilespmem:$0x1D300] =	vst v63  }
0x5a: {  	s16 =	simm.s32 $0x14480  }
0x5b: {  	[tilespmem:s24], [sflag:$0x1] =	stream.indirect.gather [hbm4b:s4+s23], $0x80, s16, s23, $0xb8;
	[tilespmem:$0x1D300] =	vst v63  }
0x5c: {  	_ =	swait.ge [sflag:s25], $0x4000  }
0x5d: {  	[sflag:s25] =	ssyncset.done $0x0  }
0x5e: {  	s17 =	simm.s32 $0x14C00;
	[sflag:s25] =	ssyncadd.s32 $0xFFFFC000  }
0x5f: {  	[spmem:s1] =	stream.indirect.scatter.add.f32 [tilespmem:s26], [sflag:$0x6], $0x80, s17, s23, $0xb8;
	[tilespmem:$0x1D300] =	vst v63  }
0x60: {  	_ =	swait.ge [sflag:s21], $0x4000  }
0x61: {  	[sflag:s21] =	ssyncset.done $0x0  }
0x62: {  	[sflag:s21] =	ssyncadd.s32 $0xFFFFC000  }
0x63: {  	[spmem:s2] =	stream.indirect.scatter.add.f32 [tilespmem:s0], [sflag:$0x4], $0x1, s17, s23, $0xb8;
	[tilespmem:$0x1D300] =	vst v63  }
0x64: {  	s28 =	simm.s32 $0x14500  }
0x65: {  	[tilespmem:s26], [sflag:$0x2] =	stream.indirect.gather [hbm4b:s4+s23], $0x80, s28, s23, $0xb8;
	[tilespmem:$0x1D300] =	vst v63  }
0x66: {  	_ =	swait.ge [sflag:s31], $0x4000  }
0x67: {  	[sflag:s31] =	ssyncset.done $0x0  }
0x68: {  	s7 =	simm.s32 $0x14C80;
	[sflag:s31] =	ssyncadd.s32 $0xFFFFC000  }
0x69: {  	[spmem:s1] =	stream.indirect.scatter.add.f32 [tilespmem:s24], [sflag:$0x6], $0x80, s7, s23, $0xb8;
	[tilespmem:$0x1D300] =	vst v63  }
0x6a: {  	_ =	swait.ge [sflag:s21], $0x4000  }
0x6b: {  	[sflag:s21] =	ssyncset.done $0x0  }
0x6c: {  	[sflag:s21] =	ssyncadd.s32 $0xFFFFC000  }
0x6d: {  	[spmem:s2] =	stream.indirect.scatter.add.f32 [tilespmem:s0], [sflag:$0x4], $0x1, s7, s23, $0xb8;
	[tilespmem:$0x1D300] =	vst v63  }
0x6e: {  	s16 =	simm.s32 $0x14580  }
0x6f: {  	[tilespmem:s24], [sflag:$0x1] =	stream.indirect.gather [hbm4b:s4+s23], $0x80, s16, s23, $0xb8;
	[tilespmem:$0x1D300] =	vst v63  }
0x70: {  	_ =	swait.ge [sflag:s25], $0x4000  }
0x71: {  	[sflag:s25] =	ssyncset.done $0x0  }
0x72: {  	s17 =	simm.s32 $0x14D00;
	[sflag:s25] =	ssyncadd.s32 $0xFFFFC000  }
0x73: {  	[spmem:s1] =	stream.indirect.scatter.add.f32 [tilespmem:s26], [sflag:$0x6], $0x80, s17, s23, $0xb8;
	[tilespmem:$0x1D300] =	vst v63  }
0x74: {  	_ =	swait.ge [sflag:s21], $0x4000  }
0x75: {  	[sflag:s21] =	ssyncset.done $0x0  }
0x76: {  	[sflag:s21] =	ssyncadd.s32 $0xFFFFC000  }
0x77: {  	[spmem:s2] =	stream.indirect.scatter.add.f32 [tilespmem:s0], [sflag:$0x4], $0x1, s17, s23, $0xb8;
	[tilespmem:$0x1D300] =	vst v63  }
0x78: {  	s28 =	simm.s32 $0x14600  }
0x79: {  	[tilespmem:s26], [sflag:$0x2] =	stream.indirect.gather [hbm4b:s4+s23], $0x80, s28, s23, $0xb8;
	[tilespmem:$0x1D300] =	vst v63  }
0x7a: {  	_ =	swait.ge [sflag:s31], $0x4000  }
0x7b: {  	[sflag:s31] =	ssyncset.done $0x0  }
0x7c: {  	s7 =	simm.s32 $0x14D80;
	[sflag:s31] =	ssyncadd.s32 $0xFFFFC000  }
0x7d: {  	[spmem:s1] =	stream.indirect.scatter.add.f32 [tilespmem:s24], [sflag:$0x6], $0x80, s7, s23, $0xb8;
	[tilespmem:$0x1D300] =	vst v63  }
0x7e: {  	_ =	swait.ge [sflag:s21], $0x4000  }
0x7f: {  	[sflag:s21] =	ssyncset.done $0x0  }
0x80: {  	[sflag:s21] =	ssyncadd.s32 $0xFFFFC000  }
0x81: {  	[spmem:s2] =	stream.indirect.scatter.add.f32 [tilespmem:s0], [sflag:$0x4], $0x1, s7, s23, $0xb8;
	[tilespmem:$0x1D300] =	vst v63  }
0x82: {  	_ =	swait.ge [sflag:s20], $0x400  }
0x83: {  	[sflag:s20] =	ssyncset.done $0x0  }
0x84: {  	[sflag:s20] =	ssyncadd.s32 $0xFFFFFC00  }
0x85: {  	_ =	swait.ge [sflag:s20], $0x400  }
0x86: {  	[sflag:s20] =	ssyncset.done $0x0  }
0x87: {  	[sflag:s20] =	ssyncadd.s32 $0xFFFFFC00  }
0x88: {  	[tilespmem:s24], [sflag:$0x1] =	stream.indirect.gather [hbm4b:s4+s23], $0x80, s12, s23, $0xb8;
	[tilespmem:$0x1D300] =	vst v63  }
0x89: {  	_ =	swait.ge [sflag:s25], $0x4000  }
0x8a: {  	[sflag:s25] =	ssyncset.done $0x0  }
0x8b: {  	s12 =	simm.s32 $0x14E00;
	[sflag:s25] =	ssyncadd.s32 $0xFFFFC000  }
0x8c: {  	[spmem:s1] =	stream.indirect.scatter.add.f32 [tilespmem:s26], [sflag:$0x6], $0x80, s12, s23, $0xb8;
	[tilespmem:$0x1D300] =	vst v63  }
0x8d: {  	_ =	swait.ge [sflag:s21], $0x4000  }
0x8e: {  	[sflag:s21] =	ssyncset.done $0x0  }
0x8f: {  	[sflag:s21] =	ssyncadd.s32 $0xFFFFC000  }
0x90: {  	[spmem:s2] =	stream.indirect.scatter.add.f32 [tilespmem:s0], [sflag:$0x4], $0x1, s12, s23, $0xb8;
	[tilespmem:$0x1D300] =	vst v63  }
0x91: {  	s16 =	simm.s32 $0x14700  }
0x92: {  	[tilespmem:s26], [sflag:$0x2] =	stream.indirect.gather [hbm4b:s4+s23], $0x80, s16, s23, $0xb8;
	[tilespmem:$0x1D300] =	vst v63  }
0x93: {  	_ =	swait.ge [sflag:s14], $0x80  }
0x94: {  	[sflag:s14] =	ssyncset.done $0x0  }
0x95: {  	[sflag:s14] =	ssyncadd.s32 $0xFFFFFF80  }
0x96: {  	_ =	swait.ge [sflag:s14], $0x80  }
0x97: {  	[sflag:s14] =	ssyncset.done $0x0  }
0x98: {  	[sflag:s14] =	ssyncadd.s32 $0xFFFFFF80  }
0x99: {  	_ =	swait.ge [sflag:s14], $0x80  }
0x9a: {  	[sflag:s14] =	ssyncset.done $0x0  }
0x9b: {  	[sflag:s14] =	ssyncadd.s32 $0xFFFFFF80  }
0x9c: {  	_ =	swait.ge [sflag:s14], $0x80  }
0x9d: {  	[sflag:s14] =	ssyncset.done $0x0  }
0x9e: {  	[sflag:s14] =	ssyncadd.s32 $0xFFFFFF80  }
0x9f: {  	_ =	swait.ge [sflag:s14], $0x80  }
0xa0: {  	[sflag:s14] =	ssyncset.done $0x0  }
0xa1: {  	[sflag:s14] =	ssyncadd.s32 $0xFFFFFF80  }
0xa2: {  	_ =	swait.ge [sflag:s14], $0x80  }
0xa3: {  	[sflag:s14] =	ssyncset.done $0x0  }
0xa4: {  	[sflag:s14] =	ssyncadd.s32 $0xFFFFFF80  }
0xa5: {  	_ =	swait.ge [sflag:s14], $0x80  }
0xa6: {  	[sflag:s14] =	ssyncset.done $0x0  }
0xa7: {  	[sflag:s14] =	ssyncadd.s32 $0xFFFFFF80  }
0xa8: {  	_ =	swait.ge [sflag:s14], $0x80  }
0xa9: {  	[sflag:s14] =	ssyncset.done $0x0  }
0xaa: {  	[sflag:s14] =	ssyncadd.s32 $0xFFFFFF80  }
0xab: {  	s17 =	simm.s32 $0x400;
	_ =	swait.ge [sflag:s31], $0x4000  }
0xac: {  	s7 =	sand.u32 $0x400, s17;
	[sflag:s31] =	ssyncset.done $0x0  }
0xad: {  	s28 =	sor.u32 $0x14A80, s7;
	[sflag:s31] =	ssyncadd.s32 $0xFFFFC000  }
0xae: {  	[spmem:s1] =	stream.indirect.scatter.add.f32 [tilespmem:s24], [sflag:$0x6], $0x80, s28, s23, $0xb8;
	[tilespmem:$0x1D300] =	vst v63  }
0xaf: {  	_ =	swait.ge [sflag:s21], $0x4000  }
0xb0: {  	[sflag:s21] =	ssyncset.done $0x0  }
0xb1: {  	[sflag:s21] =	ssyncadd.s32 $0xFFFFC000  }
0xb2: {  	[spmem:s2] =	stream.indirect.scatter.add.f32 [tilespmem:s0], [sflag:$0x4], $0x1, s28, s23, $0xb8;
	[tilespmem:$0x1D300] =	vst v63  }
0xb3: {  	s5 =	sor.u32 $0x14380, s7  }
0xb4: {  	[tilespmem:s24], [sflag:$0x1] =	stream.indirect.gather [hbm4b:s4+s23], $0x80, s5, s23, $0xb8;
	[tilespmem:$0x1D300] =	vst v63  }
0xb5: {  	_ =	swait.ge [sflag:s25], $0x4000  }
0xb6: {  	[sflag:s25] =	ssyncset.done $0x0  }
0xb7: {  	s16 =	sor.u32 $0x14B00, s7;
	[sflag:s25] =	ssyncadd.s32 $0xFFFFC000  }
0xb8: {  	[spmem:s1] =	stream.indirect.scatter.add.f32 [tilespmem:s26], [sflag:$0x6], $0x80, s16, s23, $0xb8;
	[tilespmem:$0x1D300] =	vst v63  }
0xb9: {  	_ =	swait.ge [sflag:s21], $0x4000  }
0xba: {  	[sflag:s21] =	ssyncset.done $0x0  }
0xbb: {  	[sflag:s21] =	ssyncadd.s32 $0xFFFFC000  }
0xbc: {  	[spmem:s2] =	stream.indirect.scatter.add.f32 [tilespmem:s0], [sflag:$0x4], $0x1, s16, s23, $0xb8;
	[tilespmem:$0x1D300] =	vst v63  }
0xbd: {  	s17 =	sadd.s32 $0x14400, s7  }
0xbe: {  	[tilespmem:s26], [sflag:$0x2] =	stream.indirect.gather [hbm4b:s4+s23], $0x80, s17, s23, $0xb8;
	[tilespmem:$0x1D300] =	vst v63  }
0xbf: {  	_ =	swait.ge [sflag:s31], $0x4000  }
0xc0: {  	[sflag:s31] =	ssyncset.done $0x0  }
0xc1: {  	s28 =	sor.u32 $0x14B80, s7;
	[sflag:s31] =	ssyncadd.s32 $0xFFFFC000  }
0xc2: {  	[spmem:s1] =	stream.indirect.scatter.add.f32 [tilespmem:s24], [sflag:$0x6], $0x80, s28, s23, $0xb8;
	[tilespmem:$0x1D300] =	vst v63  }
0xc3: {  	_ =	swait.ge [sflag:s21], $0x4000  }
0xc4: {  	[sflag:s21] =	ssyncset.done $0x0  }
0xc5: {  	[sflag:s21] =	ssyncadd.s32 $0xFFFFC000  }
0xc6: {  	[spmem:s2] =	stream.indirect.scatter.add.f32 [tilespmem:s0], [sflag:$0x4], $0x1, s28, s23, $0xb8;
	[tilespmem:$0x1D300] =	vst v63  }
0xc7: {  	s12 =	sxor.u32 $0x14680, s7  }
0xc8: {  	[tilespmem:s12], [sflag:$0x3] =	stream.linear.gather [hbm4b:s13+s3], $0x400, $0x38;
	[tilespmem:$0x1D300] =	vst v63  }
0xc9: {  	s16 =	sxor.u32 $0x14E80, s7  }
0xca: {  	[tilespmem:s16], [sflag:$0x3] =	stream.linear.gather [hbm4b:s15+s3], $0x400, $0x38;
	[tilespmem:$0x1D300] =	vst v63  }
0xcb: {  	s5 =	sadd.s32 $0x14480, s7  }
0xcc: {  	[tilespmem:s24], [sflag:$0x1] =	stream.indirect.gather [hbm4b:s4+s23], $0x80, s5, s23, $0xb8;
	[tilespmem:$0x1D300] =	vst v63  }
0xcd: {  	_ =	swait.ge [sflag:s25], $0x4000  }
0xce: {  	[sflag:s25] =	ssyncset.done $0x0  }
0xcf: {  	s17 =	sadd.s32 $0x14C00, s7;
	[sflag:s25] =	ssyncadd.s32 $0xFFFFC000  }
0xd0: {  	[spmem:s1] =	stream.indirect.scatter.add.f32 [tilespmem:s26], [sflag:$0x6], $0x80, s17, s23, $0xb8;
	[tilespmem:$0x1D300] =	vst v63  }
0xd1: {  	_ =	swait.ge [sflag:s21], $0x4000  }
0xd2: {  	[sflag:s21] =	ssyncset.done $0x0  }
0xd3: {  	[sflag:s21] =	ssyncadd.s32 $0xFFFFC000  }
0xd4: {  	[spmem:s2] =	stream.indirect.scatter.add.f32 [tilespmem:s0], [sflag:$0x4], $0x1, s17, s23, $0xb8;
	[tilespmem:$0x1D300] =	vst v63  }
0xd5: {  	s28 =	sadd.s32 $0x14500, s7  }
0xd6: {  	[tilespmem:s26], [sflag:$0x2] =	stream.indirect.gather [hbm4b:s4+s23], $0x80, s28, s23, $0xb8;
	[tilespmem:$0x1D300] =	vst v63  }
0xd7: {  	_ =	swait.ge [sflag:s31], $0x4000  }
0xd8: {  	[sflag:s31] =	ssyncset.done $0x0  }
0xd9: {  	s5 =	sadd.s32 $0x14C80, s7;
	[sflag:s31] =	ssyncadd.s32 $0xFFFFC000  }
0xda: {  	[spmem:s1] =	stream.indirect.scatter.add.f32 [tilespmem:s24], [sflag:$0x6], $0x80, s5, s23, $0xb8;
	[tilespmem:$0x1D300] =	vst v63  }
0xdb: {  	_ =	swait.ge [sflag:s21], $0x4000  }
0xdc: {  	[sflag:s21] =	ssyncset.done $0x0  }
0xdd: {  	[sflag:s21] =	ssyncadd.s32 $0xFFFFC000  }
0xde: {  	[spmem:s2] =	stream.indirect.scatter.add.f32 [tilespmem:s0], [sflag:$0x4], $0x1, s5, s23, $0xb8;
	[tilespmem:$0x1D300] =	vst v63  }
0xdf: {  	s17 =	sadd.s32 $0x14580, s7  }
0xe0: {  	[tilespmem:s24], [sflag:$0x1] =	stream.indirect.gather [hbm4b:s4+s23], $0x80, s17, s23, $0xb8;
	[tilespmem:$0x1D300] =	vst v63  }
0xe1: {  	_ =	swait.ge [sflag:s25], $0x4000  }
0xe2: {  	[sflag:s25] =	ssyncset.done $0x0  }
0xe3: {  	s28 =	sadd.s32 $0x14D00, s7;
	[sflag:s25] =	ssyncadd.s32 $0xFFFFC000  }
0xe4: {  	[spmem:s1] =	stream.indirect.scatter.add.f32 [tilespmem:s26], [sflag:$0x6], $0x80, s28, s23, $0xb8;
	[tilespmem:$0x1D300] =	vst v63  }
0xe5: {  	_ =	swait.ge [sflag:s21], $0x4000  }
0xe6: {  	[sflag:s21] =	ssyncset.done $0x0  }
0xe7: {  	[sflag:s21] =	ssyncadd.s32 $0xFFFFC000  }
0xe8: {  	[spmem:s2] =	stream.indirect.scatter.add.f32 [tilespmem:s0], [sflag:$0x4], $0x1, s28, s23, $0xb8;
	[tilespmem:$0x1D300] =	vst v63  }
0xe9: {  	s5 =	sadd.s32 $0x14600, s7  }
0xea: {  	[tilespmem:s26], [sflag:$0x2] =	stream.indirect.gather [hbm4b:s4+s23], $0x80, s5, s23, $0xb8;
	[tilespmem:$0x1D300] =	vst v63  }
0xeb: {  	_ =	swait.ge [sflag:s31], $0x4000  }
0xec: {  	[sflag:s31] =	ssyncset.done $0x0  }
0xed: {  	s17 =	sadd.s32 $0x14D80, s7;
	[sflag:s31] =	ssyncadd.s32 $0xFFFFC000  }
0xee: {  	[spmem:s1] =	stream.indirect.scatter.add.f32 [tilespmem:s24], [sflag:$0x6], $0x80, s17, s23, $0xb8;
	[tilespmem:$0x1D300] =	vst v63  }
0xef: {  	_ =	swait.ge [sflag:s21], $0x4000  }
0xf0: {  	[sflag:s21] =	ssyncset.done $0x0  }
0xf1: {  	[sflag:s21] =	ssyncadd.s32 $0xFFFFC000  }
0xf2: {  	[spmem:s2] =	stream.indirect.scatter.add.f32 [tilespmem:s0], [sflag:$0x4], $0x1, s17, s23, $0xb8;
	[tilespmem:$0x1D300] =	vst v63  }
0xf3: {  	_ =	swait.ge [sflag:s20], $0x400  }
0xf4: {  	[sflag:s20] =	ssyncset.done $0x0  }
0xf5: {  	[sflag:s20] =	ssyncadd.s32 $0xFFFFFC00  }
0xf6: {  	_ =	swait.ge [sflag:s20], $0x400  }
0xf7: {  	[sflag:s20] =	ssyncset.done $0x0  }
0xf8: {  	[sflag:s20] =	ssyncadd.s32 $0xFFFFFC00  }
0xf9: {  	[tilespmem:s24], [sflag:$0x1] =	stream.indirect.gather [hbm4b:s4+s23], $0x80, s12, s23, $0xb8;
	[tilespmem:$0x1D300] =	vst v63  }
0xfa: {  	_ =	swait.ge [sflag:s25], $0x4000  }
0xfb: {  	[sflag:s25] =	ssyncset.done $0x0  }
0xfc: {  	s28 =	sadd.s32 $0x14E00, s7;
	[sflag:s25] =	ssyncadd.s32 $0xFFFFC000  }
0xfd: {  	[spmem:s1] =	stream.indirect.scatter.add.f32 [tilespmem:s26], [sflag:$0x6], $0x80, s28, s23, $0xb8;
	[tilespmem:$0x1D300] =	vst v63  }
0xfe: {  	_ =	swait.ge [sflag:s21], $0x4000  }
0xff: {  	[sflag:s21] =	ssyncset.done $0x0  }
0x100: {  	[sflag:s21] =	ssyncadd.s32 $0xFFFFC000  }
0x101: {  	[spmem:s2] =	stream.indirect.scatter.add.f32 [tilespmem:s0], [sflag:$0x4], $0x1, s28, s23, $0xb8;
	[tilespmem:$0x1D300] =	vst v63  }
0x102: {  	s7 =	sxor.u32 $0x14700, s7  }
0x103: {  	[tilespmem:s26], [sflag:$0x2] =	stream.indirect.gather [hbm4b:s4+s23], $0x80, s7, s23, $0xb8;
	[tilespmem:$0x1D300] =	vst v63  }
0x104: {  	_ =	swait.ge [sflag:s14], $0x80  }
0x105: {  	[sflag:s14] =	ssyncset.done $0x0  }
0x106: {  	[sflag:s14] =	ssyncadd.s32 $0xFFFFFF80  }
0x107: {  	_ =	swait.ge [sflag:s14], $0x80  }
0x108: {  	[sflag:s14] =	ssyncset.done $0x0  }
0x109: {  	[sflag:s14] =	ssyncadd.s32 $0xFFFFFF80  }
0x10a: {  	_ =	swait.ge [sflag:s14], $0x80  }
0x10b: {  	[sflag:s14] =	ssyncset.done $0x0  }
0x10c: {  	[sflag:s14] =	ssyncadd.s32 $0xFFFFFF80  }
0x10d: {  	_ =	swait.ge [sflag:s14], $0x80  }
0x10e: {  	[sflag:s14] =	ssyncset.done $0x0  }
0x10f: {  	[sflag:s14] =	ssyncadd.s32 $0xFFFFFF80  }
0x110: {  	_ =	swait.ge [sflag:s14], $0x80  }
0x111: {  	[sflag:s14] =	ssyncset.done $0x0  }
0x112: {  	[sflag:s14] =	ssyncadd.s32 $0xFFFFFF80  }
0x113: {  	_ =	swait.ge [sflag:s14], $0x80  }
0x114: {  	[sflag:s14] =	ssyncset.done $0x0  }
0x115: {  	[sflag:s14] =	ssyncadd.s32 $0xFFFFFF80  }
0x116: {  	_ =	swait.ge [sflag:s14], $0x80  }
0x117: {  	[sflag:s14] =	ssyncset.done $0x0  }
0x118: {  	[sflag:s14] =	ssyncadd.s32 $0xFFFFFF80  }
0x119: {  	s16 =	smov.u32 s13;
	_ =	swait.ge [sflag:s14], $0x80  }
0x11a: {  	s17 =	smov.u32 s15;
	s12 =	simm.s32 $0x800;
	[sflag:s14] =	ssyncset.done $0x0  }
.LBB2_2:
0x11b: {  	[sflag:s14] =	ssyncadd.s32 $0xFFFFFF80  }
0x11c: {  	s16 =	sadd.s32 $0x80, s16;
	s17 =	sadd.s32 $0x80, s17;
	s7 =	smov.u32 s12  }
0x11d: {  	p1 =	sne.s32 s12, $0x2000;
	s12 =	sadd.s32 $0x400, s12;
	_ =	swait.ge [sflag:s31], $0x4000  }
0x11e: {  	s28 =	sand.u32 $0x400, s7;
	[sflag:s31] =	ssyncset.done $0x0  }
0x11f: {  	s7 =	sor.u32 $0x14A80, s28;
	[sflag:s31] =	ssyncadd.s32 $0xFFFFC000  }
0x120: {  	[spmem:s1] =	stream.indirect.scatter.add.f32 [tilespmem:s24], [sflag:$0x6], $0x80, s7, s23, $0xb8;
	[tilespmem:$0x1D300] =	vst v63  }
0x121: {  	_ =	swait.ge [sflag:s21], $0x4000  }
0x122: {  	[sflag:s21] =	ssyncset.done $0x0  }
0x123: {  	[sflag:s21] =	ssyncadd.s32 $0xFFFFC000  }
0x124: {  	[spmem:s2] =	stream.indirect.scatter.add.f32 [tilespmem:s0], [sflag:$0x4], $0x1, s7, s23, $0xb8;
	[tilespmem:$0x1D300] =	vst v63  }
0x125: {  	s7 =	sor.u32 $0x14380, s28  }
0x126: {  	[tilespmem:s24], [sflag:$0x1] =	stream.indirect.gather [hbm4b:s4+s23], $0x80, s7, s23, $0xb8;
	[tilespmem:$0x1D300] =	vst v63  }
0x127: {  	_ =	swait.ge [sflag:s25], $0x4000  }
0x128: {  	[sflag:s25] =	ssyncset.done $0x0  }
0x129: {  	s7 =	sor.u32 $0x14B00, s28;
	[sflag:s25] =	ssyncadd.s32 $0xFFFFC000  }
0x12a: {  	[spmem:s1] =	stream.indirect.scatter.add.f32 [tilespmem:s26], [sflag:$0x6], $0x80, s7, s23, $0xb8;
	[tilespmem:$0x1D300] =	vst v63  }
0x12b: {  	_ =	swait.ge [sflag:s21], $0x4000  }
0x12c: {  	[sflag:s21] =	ssyncset.done $0x0  }
0x12d: {  	[sflag:s21] =	ssyncadd.s32 $0xFFFFC000  }
0x12e: {  	[spmem:s2] =	stream.indirect.scatter.add.f32 [tilespmem:s0], [sflag:$0x4], $0x1, s7, s23, $0xb8;
	[tilespmem:$0x1D300] =	vst v63  }
0x12f: {  	s7 =	sadd.s32 $0x14400, s28  }
0x130: {  	[tilespmem:s26], [sflag:$0x2] =	stream.indirect.gather [hbm4b:s4+s23], $0x80, s7, s23, $0xb8;
	[tilespmem:$0x1D300] =	vst v63  }
0x131: {  	_ =	swait.ge [sflag:s31], $0x4000  }
0x132: {  	[sflag:s31] =	ssyncset.done $0x0  }
0x133: {  	s7 =	sor.u32 $0x14B80, s28;
	[sflag:s31] =	ssyncadd.s32 $0xFFFFC000  }
0x134: {  	[spmem:s1] =	stream.indirect.scatter.add.f32 [tilespmem:s24], [sflag:$0x6], $0x80, s7, s23, $0xb8;
	[tilespmem:$0x1D300] =	vst v63  }
0x135: {  	_ =	swait.ge [sflag:s21], $0x4000  }
0x136: {  	[sflag:s21] =	ssyncset.done $0x0  }
0x137: {  	[sflag:s21] =	ssyncadd.s32 $0xFFFFC000  }
0x138: {  	[spmem:s2] =	stream.indirect.scatter.add.f32 [tilespmem:s0], [sflag:$0x4], $0x1, s7, s23, $0xb8;
	[tilespmem:$0x1D300] =	vst v63  }
0x139: {  	s7 =	sxor.u32 $0x14680, s28  }
0x13a: {  	[tilespmem:s7], [sflag:$0x3] =	stream.linear.gather [hbm4b:s16+s3], $0x400, $0x38;
	[tilespmem:$0x1D300] =	vst v63  }
0x13b: {  	s5 =	sxor.u32 $0x14E80, s28  }
0x13c: {  	[tilespmem:s5], [sflag:$0x3] =	stream.linear.gather [hbm4b:s17+s3], $0x400, $0x38;
	[tilespmem:$0x1D300] =	vst v63  }
0x13d: {  	s5 =	sadd.s32 $0x14480, s28  }
0x13e: {  	[tilespmem:s24], [sflag:$0x1] =	stream.indirect.gather [hbm4b:s4+s23], $0x80, s5, s23, $0xb8;
	[tilespmem:$0x1D300] =	vst v63  }
0x13f: {  	_ =	swait.ge [sflag:s25], $0x4000  }
0x140: {  	[sflag:s25] =	ssyncset.done $0x0  }
0x141: {  	s5 =	sadd.s32 $0x14C00, s28;
	[sflag:s25] =	ssyncadd.s32 $0xFFFFC000  }
0x142: {  	[spmem:s1] =	stream.indirect.scatter.add.f32 [tilespmem:s26], [sflag:$0x6], $0x80, s5, s23, $0xb8;
	[tilespmem:$0x1D300] =	vst v63  }
0x143: {  	_ =	swait.ge [sflag:s21], $0x4000  }
0x144: {  	[sflag:s21] =	ssyncset.done $0x0  }
0x145: {  	[sflag:s21] =	ssyncadd.s32 $0xFFFFC000  }
0x146: {  	[spmem:s2] =	stream.indirect.scatter.add.f32 [tilespmem:s0], [sflag:$0x4], $0x1, s5, s23, $0xb8;
	[tilespmem:$0x1D300] =	vst v63  }
0x147: {  	s5 =	sadd.s32 $0x14500, s28  }
0x148: {  	[tilespmem:s26], [sflag:$0x2] =	stream.indirect.gather [hbm4b:s4+s23], $0x80, s5, s23, $0xb8;
	[tilespmem:$0x1D300] =	vst v63  }
0x149: {  	_ =	swait.ge [sflag:s31], $0x4000  }
0x14a: {  	[sflag:s31] =	ssyncset.done $0x0  }
0x14b: {  	s5 =	sadd.s32 $0x14C80, s28;
	[sflag:s31] =	ssyncadd.s32 $0xFFFFC000  }
0x14c: {  	[spmem:s1] =	stream.indirect.scatter.add.f32 [tilespmem:s24], [sflag:$0x6], $0x80, s5, s23, $0xb8;
	[tilespmem:$0x1D300] =	vst v63  }
0x14d: {  	_ =	swait.ge [sflag:s21], $0x4000  }
0x14e: {  	[sflag:s21] =	ssyncset.done $0x0  }
0x14f: {  	[sflag:s21] =	ssyncadd.s32 $0xFFFFC000  }
0x150: {  	[spmem:s2] =	stream.indirect.scatter.add.f32 [tilespmem:s0], [sflag:$0x4], $0x1, s5, s23, $0xb8;
	[tilespmem:$0x1D300] =	vst v63  }
0x151: {  	s5 =	sadd.s32 $0x14580, s28  }
0x152: {  	[tilespmem:s24], [sflag:$0x1] =	stream.indirect.gather [hbm4b:s4+s23], $0x80, s5, s23, $0xb8;
	[tilespmem:$0x1D300] =	vst v63  }
0x153: {  	_ =	swait.ge [sflag:s25], $0x4000  }
0x154: {  	[sflag:s25] =	ssyncset.done $0x0  }
0x155: {  	s5 =	sadd.s32 $0x14D00, s28;
	[sflag:s25] =	ssyncadd.s32 $0xFFFFC000  }
0x156: {  	[spmem:s1] =	stream.indirect.scatter.add.f32 [tilespmem:s26], [sflag:$0x6], $0x80, s5, s23, $0xb8;
	[tilespmem:$0x1D300] =	vst v63  }
0x157: {  	_ =	swait.ge [sflag:s21], $0x4000  }
0x158: {  	[sflag:s21] =	ssyncset.done $0x0  }
0x159: {  	[sflag:s21] =	ssyncadd.s32 $0xFFFFC000  }
0x15a: {  	[spmem:s2] =	stream.indirect.scatter.add.f32 [tilespmem:s0], [sflag:$0x4], $0x1, s5, s23, $0xb8;
	[tilespmem:$0x1D300] =	vst v63  }
0x15b: {  	s5 =	sadd.s32 $0x14600, s28  }
0x15c: {  	[tilespmem:s26], [sflag:$0x2] =	stream.indirect.gather [hbm4b:s4+s23], $0x80, s5, s23, $0xb8;
	[tilespmem:$0x1D300] =	vst v63  }
0x15d: {  	_ =	swait.ge [sflag:s31], $0x4000  }
0x15e: {  	[sflag:s31] =	ssyncset.done $0x0  }
0x15f: {  	s5 =	sadd.s32 $0x14D80, s28;
	[sflag:s31] =	ssyncadd.s32 $0xFFFFC000  }
0x160: {  	[spmem:s1] =	stream.indirect.scatter.add.f32 [tilespmem:s24], [sflag:$0x6], $0x80, s5, s23, $0xb8;
	[tilespmem:$0x1D300] =	vst v63  }
0x161: {  	_ =	swait.ge [sflag:s21], $0x4000  }
0x162: {  	[sflag:s21] =	ssyncset.done $0x0  }
0x163: {  	[sflag:s21] =	ssyncadd.s32 $0xFFFFC000  }
0x164: {  	[spmem:s2] =	stream.indirect.scatter.add.f32 [tilespmem:s0], [sflag:$0x4], $0x1, s5, s23, $0xb8;
	[tilespmem:$0x1D300] =	vst v63  }
0x165: {  	_ =	swait.ge [sflag:s20], $0x400  }
0x166: {  	[sflag:s20] =	ssyncset.done $0x0  }
0x167: {  	[sflag:s20] =	ssyncadd.s32 $0xFFFFFC00  }
0x168: {  	_ =	swait.ge [sflag:s20], $0x400  }
0x169: {  	[sflag:s20] =	ssyncset.done $0x0  }
0x16a: {  	[sflag:s20] =	ssyncadd.s32 $0xFFFFFC00  }
0x16b: {  	[tilespmem:s24], [sflag:$0x1] =	stream.indirect.gather [hbm4b:s4+s23], $0x80, s7, s23, $0xb8;
	[tilespmem:$0x1D300] =	vst v63  }
0x16c: {  	_ =	swait.ge [sflag:s25], $0x4000  }
0x16d: {  	[sflag:s25] =	ssyncset.done $0x0  }
0x16e: {  	s5 =	sadd.s32 $0x14E00, s28;
	[sflag:s25] =	ssyncadd.s32 $0xFFFFC000  }
0x16f: {  	[spmem:s1] =	stream.indirect.scatter.add.f32 [tilespmem:s26], [sflag:$0x6], $0x80, s5, s23, $0xb8;
	[tilespmem:$0x1D300] =	vst v63  }
0x170: {  	_ =	swait.ge [sflag:s21], $0x4000  }
0x171: {  	[sflag:s21] =	ssyncset.done $0x0  }
0x172: {  	[sflag:s21] =	ssyncadd.s32 $0xFFFFC000  }
0x173: {  	[spmem:s2] =	stream.indirect.scatter.add.f32 [tilespmem:s0], [sflag:$0x4], $0x1, s5, s23, $0xb8;
	[tilespmem:$0x1D300] =	vst v63  }
0x174: {  	s5 =	sxor.u32 $0x14700, s28  }
0x175: {  	[tilespmem:s26], [sflag:$0x2] =	stream.indirect.gather [hbm4b:s4+s23], $0x80, s5, s23, $0xb8;
	[tilespmem:$0x1D300] =	vst v63  }
0x176: {  	_ =	swait.ge [sflag:s14], $0x80  }
0x177: {  	[sflag:s14] =	ssyncset.done $0x0  }
0x178: {  	[sflag:s14] =	ssyncadd.s32 $0xFFFFFF80  }
0x179: {  	_ =	swait.ge [sflag:s14], $0x80  }
0x17a: {  	[sflag:s14] =	ssyncset.done $0x0  }
0x17b: {  	[sflag:s14] =	ssyncadd.s32 $0xFFFFFF80  }
0x17c: {  	_ =	swait.ge [sflag:s14], $0x80  }
0x17d: {  	[sflag:s14] =	ssyncset.done $0x0  }
0x17e: {  	[sflag:s14] =	ssyncadd.s32 $0xFFFFFF80  }
0x17f: {  	_ =	swait.ge [sflag:s14], $0x80  }
0x180: {  	[sflag:s14] =	ssyncset.done $0x0  }
0x181: {  	[sflag:s14] =	ssyncadd.s32 $0xFFFFFF80  }
0x182: {  	_ =	swait.ge [sflag:s14], $0x80  }
0x183: {  	[sflag:s14] =	ssyncset.done $0x0  }
0x184: {  	[sflag:s14] =	ssyncadd.s32 $0xFFFFFF80  }
0x185: {  	_ =	swait.ge [sflag:s14], $0x80  }
0x186: {  	[sflag:s14] =	ssyncset.done $0x0  }
0x187: {  	[sflag:s14] =	ssyncadd.s32 $0xFFFFFF80  }
.Ltmp0:
0x188: {  	_ =	swait.ge [sflag:s14], $0x80;
	(pc) =	sbr.rel @p1 .LBB2_2-.Ltmp0, $4  }
0x189: {  	[sflag:s14] =	ssyncset.done $0x0  }
0x18a: {  	[sflag:s14] =	ssyncadd.s32 $0xFFFFFF80  }
0x18b: {  	_ =	swait.ge [sflag:s14], $0x80  }
0x18c: {  	[sflag:s14] =	ssyncset.done $0x0  }
0x18d: {  	[sflag:s14] =	ssyncadd.s32 $0xFFFFFF80  }
0x18e: {  	_ =	swait.ge [sflag:s31], $0x4000  }
0x18f: {  	[sflag:s31] =	ssyncset.done $0x0  }
0x190: {  	[sflag:s31] =	ssyncadd.s32 $0xFFFFC000  }
0x191: {  	[spmem:s1] =	stream.indirect.scatter.add.f32 [tilespmem:s24], [sflag:$0x6], $0x80, s29, s23, $0xb8;
	[tilespmem:$0x1D300] =	vst v63  }
0x192: {  	_ =	swait.ge [sflag:s21], $0x4000  }
0x193: {  	[sflag:s21] =	ssyncset.done $0x0  }
0x194: {  	[sflag:s21] =	ssyncadd.s32 $0xFFFFC000  }
0x195: {  	[spmem:s2] =	stream.indirect.scatter.add.f32 [tilespmem:s0], [sflag:$0x4], $0x1, s29, s23, $0xb8;
	[tilespmem:$0x1D300] =	vst v63  }
0x196: {  	s5 =	simm.s32 $0x14780  }
0x197: {  	[tilespmem:s24], [sflag:$0x1] =	stream.indirect.gather [hbm4b:s4+s23], $0x80, s5, s23, $0xb8;
	[tilespmem:$0x1D300] =	vst v63  }
0x198: {  	_ =	swait.ge [sflag:s25], $0x4000  }
0x199: {  	[sflag:s25] =	ssyncset.done $0x0  }
0x19a: {  	s28 =	simm.s32 $0x14F00;
	[sflag:s25] =	ssyncadd.s32 $0xFFFFC000  }
0x19b: {  	[spmem:s1] =	stream.indirect.scatter.add.f32 [tilespmem:s26], [sflag:$0x6], $0x80, s28, s23, $0xb8;
	[tilespmem:$0x1D300] =	vst v63  }
0x19c: {  	_ =	swait.ge [sflag:s21], $0x4000  }
0x19d: {  	[sflag:s21] =	ssyncset.done $0x0  }
0x19e: {  	[sflag:s21] =	ssyncadd.s32 $0xFFFFC000  }
0x19f: {  	[spmem:s2] =	stream.indirect.scatter.add.f32 [tilespmem:s0], [sflag:$0x4], $0x1, s28, s23, $0xb8;
	[tilespmem:$0x1D300] =	vst v63  }
0x1a0: {  	s7 =	simm.s32 $0x14800  }
0x1a1: {  	[tilespmem:s26], [sflag:$0x2] =	stream.indirect.gather [hbm4b:s4+s23], $0x80, s7, s23, $0xb8;
	[tilespmem:$0x1D300] =	vst v63  }
0x1a2: {  	_ =	swait.ge [sflag:s31], $0x4000  }
0x1a3: {  	[sflag:s31] =	ssyncset.done $0x0  }
0x1a4: {  	s12 =	simm.s32 $0x14F80;
	[sflag:s31] =	ssyncadd.s32 $0xFFFFC000  }
0x1a5: {  	[spmem:s1] =	stream.indirect.scatter.add.f32 [tilespmem:s24], [sflag:$0x6], $0x80, s12, s23, $0xb8;
	[tilespmem:$0x1D300] =	vst v63  }
0x1a6: {  	_ =	swait.ge [sflag:s21], $0x4000  }
0x1a7: {  	[sflag:s21] =	ssyncset.done $0x0  }
0x1a8: {  	[sflag:s21] =	ssyncadd.s32 $0xFFFFC000  }
0x1a9: {  	[spmem:s2] =	stream.indirect.scatter.add.f32 [tilespmem:s0], [sflag:$0x4], $0x1, s12, s23, $0xb8;
	[tilespmem:$0x1D300] =	vst v63  }
0x1aa: {  	s16 =	simm.s32 $0x14880  }
0x1ab: {  	[tilespmem:s24], [sflag:$0x1] =	stream.indirect.gather [hbm4b:s4+s23], $0x80, s16, s23, $0xb8;
	[tilespmem:$0x1D300] =	vst v63  }
0x1ac: {  	_ =	swait.ge [sflag:s25], $0x4000  }
0x1ad: {  	[sflag:s25] =	ssyncset.done $0x0  }
0x1ae: {  	s17 =	simm.s32 $0x15000;
	[sflag:s25] =	ssyncadd.s32 $0xFFFFC000  }
0x1af: {  	[spmem:s1] =	stream.indirect.scatter.add.f32 [tilespmem:s26], [sflag:$0x6], $0x80, s17, s23, $0xb8;
	[tilespmem:$0x1D300] =	vst v63  }
0x1b0: {  	_ =	swait.ge [sflag:s21], $0x4000  }
0x1b1: {  	[sflag:s21] =	ssyncset.done $0x0  }
0x1b2: {  	[sflag:s21] =	ssyncadd.s32 $0xFFFFC000  }
0x1b3: {  	[spmem:s2] =	stream.indirect.scatter.add.f32 [tilespmem:s0], [sflag:$0x4], $0x1, s17, s23, $0xb8;
	[tilespmem:$0x1D300] =	vst v63  }
0x1b4: {  	s28 =	simm.s32 $0x14900  }
0x1b5: {  	[tilespmem:s26], [sflag:$0x2] =	stream.indirect.gather [hbm4b:s4+s23], $0x80, s28, s23, $0xb8;
	[tilespmem:$0x1D300] =	vst v63  }
0x1b6: {  	_ =	swait.ge [sflag:s31], $0x4000  }
0x1b7: {  	[sflag:s31] =	ssyncset.done $0x0  }
0x1b8: {  	s7 =	simm.s32 $0x15080;
	[sflag:s31] =	ssyncadd.s32 $0xFFFFC000  }
0x1b9: {  	[spmem:s1] =	stream.indirect.scatter.add.f32 [tilespmem:s24], [sflag:$0x6], $0x80, s7, s23, $0xb8;
	[tilespmem:$0x1D300] =	vst v63  }
0x1ba: {  	_ =	swait.ge [sflag:s21], $0x4000  }
0x1bb: {  	[sflag:s21] =	ssyncset.done $0x0  }
0x1bc: {  	[sflag:s21] =	ssyncadd.s32 $0xFFFFC000  }
0x1bd: {  	[spmem:s2] =	stream.indirect.scatter.add.f32 [tilespmem:s0], [sflag:$0x4], $0x1, s7, s23, $0xb8;
	[tilespmem:$0x1D300] =	vst v63  }
0x1be: {  	s12 =	simm.s32 $0x14980  }
0x1bf: {  	[tilespmem:s24], [sflag:$0x1] =	stream.indirect.gather [hbm4b:s4+s23], $0x80, s12, s23, $0xb8;
	[tilespmem:$0x1D300] =	vst v63  }
0x1c0: {  	_ =	swait.ge [sflag:s25], $0x4000  }
0x1c1: {  	[sflag:s25] =	ssyncset.done $0x0  }
0x1c2: {  	[sflag:s25] =	ssyncadd.s32 $0xFFFFC000  }
0x1c3: {  	[spmem:s1] =	stream.indirect.scatter.add.f32 [tilespmem:s26], [sflag:$0x6], $0x80, s6, s23, $0xb8;
	[tilespmem:$0x1D300] =	vst v63  }
0x1c4: {  	_ =	swait.ge [sflag:s21], $0x4000  }
0x1c5: {  	[sflag:s21] =	ssyncset.done $0x0  }
0x1c6: {  	[sflag:s21] =	ssyncadd.s32 $0xFFFFC000  }
0x1c7: {  	[spmem:s2] =	stream.indirect.scatter.add.f32 [tilespmem:s0], [sflag:$0x4], $0x1, s6, s23, $0xb8;
	[tilespmem:$0x1D300] =	vst v63  }
0x1c8: {  	s16 =	simm.s32 $0x14A00  }
0x1c9: {  	[tilespmem:s26], [sflag:$0x2] =	stream.indirect.gather [hbm4b:s4+s23], $0x80, s16, s23, $0xb8;
	[tilespmem:$0x1D300] =	vst v63  }
0x1ca: {  	_ =	swait.ge [sflag:s31], $0x4000  }
0x1cb: {  	[sflag:s31] =	ssyncset.done $0x0  }
0x1cc: {  	[sflag:s31] =	ssyncadd.s32 $0xFFFFC000  }
0x1cd: {  	[spmem:s1] =	stream.indirect.scatter.add.f32 [tilespmem:s24], [sflag:$0x6], $0x80, s9, s23, $0xb8;
	[tilespmem:$0x1D300] =	vst v63  }
0x1ce: {  	_ =	swait.ge [sflag:s21], $0x4000  }
0x1cf: {  	[sflag:s21] =	ssyncset.done $0x0  }
0x1d0: {  	[sflag:s21] =	ssyncadd.s32 $0xFFFFC000  }
0x1d1: {  	[spmem:s2] =	stream.indirect.scatter.add.f32 [tilespmem:s0], [sflag:$0x4], $0x1, s9, s23, $0xb8;
	[tilespmem:$0x1D300] =	vst v63  }
0x1d2: {  	_ =	swait.ge [sflag:s25], $0x4000  }
0x1d3: {  	[sflag:s25] =	ssyncset.done $0x0  }
0x1d4: {  	[sflag:s25] =	ssyncadd.s32 $0xFFFFC000  }
0x1d5: {  	[spmem:s1] =	stream.indirect.scatter.add.f32 [tilespmem:s26], [sflag:$0x6], $0x80, s10, s23, $0xb8;
	[tilespmem:$0x1D300] =	vst v63  }
0x1d6: {  	_ =	swait.ge [sflag:s21], $0x4000  }
0x1d7: {  	[sflag:s21] =	ssyncset.done $0x0  }
0x1d8: {  	[sflag:s21] =	ssyncadd.s32 $0xFFFFC000  }
0x1d9: {  	[spmem:s2] =	stream.indirect.scatter.add.f32 [tilespmem:s0], [sflag:$0x4], $0x1, s10, s23, $0xb8;
	[tilespmem:$0x1D300] =	vst v63  }
0x1da: {  	_ =	swait.ge [sflag:s14], $0x80  }
0x1db: {  	[sflag:s14] =	ssyncset.done $0x0  }
0x1dc: {  	[sflag:s14] =	ssyncadd.s32 $0xFFFFFF80  }
0x1dd: {  	_ =	swait.ge [sflag:s14], $0x80  }
0x1de: {  	[sflag:s14] =	ssyncset.done $0x0  }
0x1df: {  	[sflag:s14] =	ssyncadd.s32 $0xFFFFFF80  }
0x1e0: {  	_ =	swait.ge [sflag:s14], $0x80  }
0x1e1: {  	[sflag:s14] =	ssyncset.done $0x0  }
0x1e2: {  	[sflag:s14] =	ssyncadd.s32 $0xFFFFFF80  }
0x1e3: {  	_ =	swait.ge [sflag:s14], $0x80  }
0x1e4: {  	[sflag:s14] =	ssyncset.done $0x0  }
0x1e5: {  	[sflag:s14] =	ssyncadd.s32 $0xFFFFFF80  }
0x1e6: {  	_ =	swait.ge [sflag:s14], $0x80  }
0x1e7: {  	[sflag:s14] =	ssyncset.done $0x0  }
0x1e8: {  	[sflag:s14] =	ssyncadd.s32 $0xFFFFFF80  }
0x1e9: {  	_ =	swait.ge [sflag:s14], $0x80  }
0x1ea: {  	[sflag:s14] =	ssyncset.done $0x0  }
0x1eb: {  	[sflag:s14] =	ssyncadd.s32 $0xFFFFFF80  }
0x1ec: {  	_ =	swait.ge [sflag:s14], $0x80  }
0x1ed: {  	[sflag:s14] =	ssyncset.done $0x0  }
0x1ee: {  	[sflag:s14] =	ssyncadd.s32 $0xFFFFFF80  }
0x1ef: {  	_ =	swait.ge [sflag:s14], $0x80  }
0x1f0: {  	[sflag:s14] =	ssyncset.done $0x0  }
0x1f1: {  	[sflag:s14] =	ssyncadd.s32 $0xFFFFFF80  }
0x1f2: {  	[bflag:$0x0] =	sbarrier.arrive $0xFFFF  }
0x1f3: {  	s17 =	rddreg [dreg:$0x7]  }
0x1f4: {  	s7 =	rddreg [dreg:$0xc];
	s5 =	sor.u32 $0x1C06, s17  }
0x1f5: {  	[hbm:s7], [sflag:s5] =	dma.local [spmem:s18], $0x2800  }
0x1f6: {  	_ =	swait.ge [sflag:s21], $0x2800  }
0x1f7: {  	s12 =	simm.s32 @!p0 $0x20;
	s16 =	simm.s32 @!p0 $0x10;
	[sflag:s21] =	ssyncset.done $0x0  }
0x1f8: {  	s7 =	simm.s32 @!p0 $0x1;
	s17 =	rddreg [dreg:$0xd];
	[sflag:s21] =	ssyncadd.s32 $0xFFFFD800  }
0x1f9: {  	[hbm:s17@s12], [sflag:s5] =	dma.strided @!p0 [spmem:s19@s16], $0x500, s7, $0x10   }
0x1fa: {  	s5 =	simm.s32 @!p0 $0x6  }
0x1fb: {  	_ =	swait.ge @!p0 [sflag:s5], $0x500  }
0x1fc: {  	s11 =	sadd.s32 $0x1, s11;
	s28 =	rddreg [dreg:$0xe]  }
0x1fd: {  	p1 =	sne.s32 s11, s28  }
.Ltmp1:
0x1fe: {  	_ = 	snop;
	(pc) =	sbr.rel @p1 .LBB2_1-.Ltmp1, $3  }
0x1ff: {  	_ =	sdelay $0x1  }
0x200: {  	[sflag:s5] =	ssyncset.done @!p0 $0x0  }
0x201: {  	[sflag:s5] =	ssyncadd.s32 @!p0 $0xFFFFFB00  }
0x202: {  	_ =	sfence.sel $0x180000  }
0x203: {  	[bflag:$0x0] =	sbarrier.arrive $0xFFFF  }
0x204: {  	_ =	strace $0x9000004A  }
0x205: {  	[bflag:$0x2] =	sbarrier.arrive $0xFFFF  }
0x206: {  	s0 =	rddreg [dreg:$0x4]  }
0x207: {  	s0 =	sadd.s32 @!p0 $0x100000, s0  }
0x208: {  	[sflag:s0] =	ssyncadd.tile.s32 @!p0 $0x1;
	_ =	shalt  }
.Lfunc_end2:
_tile_overlayer_lowered:
.L_overlay_start_2:
0x209: {  	(tag) =	ssettag $0x2  }
0x20a: {  	s0 =	rddreg [dreg:$0x0];
	s2 =	stileid.u32  }
0x20b: {  	s1 =	rddreg [dreg:$0x1];
	p0 =	sne.s32 s2, $0x0  }
0x20c: {  	s3 =	rddreg [dreg:$0x2];
	[bflag:$0x3] =	sbarrier.arrive $0xFFFF;
	s2 =	simm.s32 @!p0 $0x1C06  }
0x20d: {  	[timem:s3], [sflag:s2] =	dma.local @!p0 [hbm:s0], s1  }
0x20e: {  	s0 =	simm.s32 @!p0 $0x6  }
0x20f: {  	_ =	swait.ge @!p0 [sflag:s0], s1  }
0x210: {  	s1 =	ssub.s32 @!p0 $0x0, s1;
	[sflag:s0] =	ssyncset.done @!p0 $0x0  }
0x211: {  	[sflag:s0] =	ssyncadd.s32 @!p0 s1  }
0x212: {  	[bflag:$0x3] =	sbarrier.arrive $0xFFFF  }
0x213: {  	_ =	shalt  }

</sc_bundles>
